<compile_context>
chip_gen: v7x
topology: tpu7x:2x2x1
jax: 0.10.2.dev20260603
libtpu: 0.0.44.dev20260713+nightly
codegen_flags: <defaults>
</compile_context>

<pallas_src>
import functools

import jax
import jax.numpy as jnp
from jax import lax
from jax.experimental import pallas as pl
from jax.experimental.pallas import tpu as pltpu
from jax.experimental.pallas import tpu_sc as plsc

N = 10000
E = 320000
D = 128
G = 64
OUT = 64

NC = 2
NS = 16
NW = NC * NS
E_PER_TILE = E // NW
CHUNK = 80
NCHUNK = E_PER_TILE // CHUNK
RBLK = 80
NRBLK = N // RBLK

NBUF = 4
IBUF = 2 * NBUF
K = 4
L = IBUF - NBUF + K
ZROWS = 40
GROUPS = NCHUNK // IBUF
TAIL = NCHUNK - GROUPS * IBUF


@functools.cache
def _make_sc_aggregate():
    mesh = plsc.VectorSubcoreMesh(core_axis_name="c", subcore_axis_name="s",
                                  num_cores=NC, num_subcores=NS)
    return pl.kernel(
        _sc_aggregate_body,
        out_type=jax.ShapeDtypeStruct((2 * N, D), jnp.float32),
        mesh=mesh,
        scratch_types=[
            pltpu.VMEM((ZROWS, D), jnp.float32),
            pltpu.VMEM_SHARED((N, D), jnp.float32),
        ]
        + [pltpu.VMEM((CHUNK, D), jnp.float32) for _ in range(NBUF)]
        + [pltpu.VMEM((CHUNK,), jnp.int32) for _ in range(IBUF)]
        + [pltpu.VMEM((CHUNK,), jnp.int32) for _ in range(IBUF)]
        + [pltpu.SemaphoreType.DMA for _ in range(2 * NBUF + IBUF + 1)],
    )


def _sc_aggregate_body(h_hbm, ei_hbm, out_hbm, zbuf, acc, *rest):
    rows = rest[:NBUF]
    isl_s = rest[NBUF:NBUF + IBUF]
    isl_d = rest[NBUF + IBUF:NBUF + 2 * IBUF]
    sem_g = rest[NBUF + 2 * IBUF:2 * NBUF + 2 * IBUF]
    sem_s = rest[2 * NBUF + 2 * IBUF:3 * NBUF + 2 * IBUF]
    sem_i = rest[3 * NBUF + 2 * IBUF:3 * NBUF + 3 * IBUF]
    sem_o = rest[3 * NBUF + 3 * IBUF]
    cid = lax.axis_index("c")
    sid = lax.axis_index("s")
    wid = sid * NC + cid
    base = wid * E_PER_TILE

    def load_idx(j, q):
        pltpu.async_copy(ei_hbm.at[pl.ds(base + j * CHUNK, CHUNK)],
                         isl_s[q], sem_i[q])
        pltpu.async_copy(ei_hbm.at[pl.ds(E + base + j * CHUNK, CHUNK)],
                         isl_d[q], sem_i[q])

    def wait_idx(j, q):
        pltpu.make_async_copy(ei_hbm.at[pl.ds(base + j * CHUNK, CHUNK)],
                              isl_s[q], sem_i[q]).wait()
        pltpu.make_async_copy(ei_hbm.at[pl.ds(E + base + j * CHUNK, CHUNK)],
                              isl_d[q], sem_i[q]).wait()

    def gather(b, q):
        pltpu.async_copy(h_hbm.at[isl_s[q]], rows[b], sem_g[b])

    def wait_gather(b, q):
        pltpu.make_async_copy(h_hbm.at[isl_s[q]], rows[b], sem_g[b]).wait()

    def scatter(b, q):
        pltpu.async_copy(rows[b], acc.at[isl_d[q]], sem_s[b], add=True)

    def wait_scatter(b, q):
        pltpu.make_async_copy(rows[b], acc.at[isl_d[q]], sem_s[b]).wait()

    for q in range(L):
        load_idx(q, q)

    z16 = jnp.zeros((16,), jnp.float32)

    def _zrow(i, carry):
        for j in range(D // 16):
            zbuf[i, pl.ds(j * 16, 16)] = z16
        return carry

    lax.fori_loop(0, ZROWS, _zrow, 0)

    for c in range(K):
        wait_idx(c, c)
        gather(c % NBUF, c)

    nzblk = N // ZROWS

    def _zblk(k, carry):
        blk = sid + k * NS

        @pl.when(blk < nzblk)
        def _():
            pltpu.async_copy(zbuf, acc.at[pl.ds(blk * ZROWS, ZROWS)], sem_o)
        return carry

    lax.fori_loop(0, pl.cdiv(nzblk, NS), _zblk, 0)

    def _zdrain(k, carry):
        blk = sid + k * NS

        @pl.when(blk < nzblk)
        def _():
            pltpu.make_async_copy(zbuf, acc.at[pl.ds(blk * ZROWS, ZROWS)],
                                  sem_o).wait()
        return carry

    lax.fori_loop(0, pl.cdiv(nzblk, NS), _zdrain, 0)
    plsc.subcore_barrier()

    def _step(j, u, static):
        b = u % NBUF
        wait_gather(b, u)
        scatter(b, u)
        b2 = (u + K) % NBUF
        u2 = (u + K) % IBUF
        ud = (u + K - NBUF) % IBUF

        def _drain_prev():
            wait_scatter(b2, ud)

        def _prefetch():
            wait_idx(j + K, u2)
            gather(b2, u2)

        def _load():
            load_idx(j + L, (u + L) % IBUF)

        if static:
            if j + K < NCHUNK:
                if j >= NBUF - K:
                    _drain_prev()
                _prefetch()
            if j + L < NCHUNK:
                _load()
        else:
            def _both():
                pl.when(j >= NBUF - K)(_drain_prev)
                _prefetch()

            pl.when(j + K < NCHUNK)(_both)
            pl.when(j + L < NCHUNK)(_load)

    def _group(g, carry):
        for u in range(IBUF):
            _step(g * IBUF + u, u, False)
        return carry

    lax.fori_loop(0, GROUPS, _group, 0)

    for t in range(TAIL):
        j = GROUPS * IBUF + t
        _step(j, j % IBUF, True)

    for c in range(NCHUNK - NBUF, NCHUNK):
        wait_scatter(c % NBUF, c % IBUF)
    plsc.subcore_barrier()

    def _oblk(k, carry):
        blk = sid + k * NS

        @pl.when(blk < NRBLK)
        def _():
            pltpu.async_copy(acc.at[pl.ds(blk * RBLK, RBLK)],
                             out_hbm.at[pl.ds(cid * N + blk * RBLK, RBLK)],
                             sem_o)
        return carry

    lax.fori_loop(0, pl.cdiv(NRBLK, NS), _oblk, 0)

    def _odrain(k, carry):
        blk = sid + k * NS

        @pl.when(blk < NRBLK)
        def _():
            pltpu.make_async_copy(
                acc.at[pl.ds(blk * RBLK, RBLK)],
                out_hbm.at[pl.ds(cid * N + blk * RBLK, RBLK)],
                sem_o).wait()
        return carry

    lax.fori_loop(0, pl.cdiv(NRBLK, NS), _odrain, 0)


BR = 2000
NB = N // BR


_PREC = lax.Precision.DEFAULT


def _tc_weights_body(batchf_ref, w_ref):
    onehot = (batchf_ref[...] ==
              lax.broadcasted_iota(jnp.int32, (N, G), 1).astype(jnp.float32)
              ).astype(jnp.float32)
    cnt = jnp.sum(onehot, axis=0, keepdims=True)
    inv = 1.0 / jnp.maximum(cnt, 1.0)
    w_ref[...] = lax.dot_general(onehot, inv, (((1,), (1,)), ((), ())),
                                 preferred_element_type=jnp.float32,
                                 precision=_PREC)


_tc_weights = pl.pallas_call(
    _tc_weights_body,
    out_shape=jax.ShapeDtypeStruct((N, 1), jnp.float32),
)


def _mlp(h, agg0, agg1, scale, w1, b1, w2, b2):
    u = h * scale + agg0 + agg1
    t = jnp.maximum(jnp.dot(u, w1, preferred_element_type=jnp.float32,
                            precision=_PREC) + b1, 0.0)
    return jnp.dot(t, w2, preferred_element_type=jnp.float32,
                   precision=_PREC) + b2


def _tc_layer_body(scale_ref, h_ref, agg_ref, w_ref,
                   w1_ref, b1_ref, w2_ref, b2_ref, out_h_ref, out_p_ref):
    i = pl.program_id(0)
    v = _mlp(h_ref[...], agg_ref[0], agg_ref[1], scale_ref[0, 0],
             w1_ref[...], b1_ref[...], w2_ref[...], b2_ref[...])
    out_h_ref[...] = v
    part = lax.dot_general(w_ref[...], v, (((0,), (0,)), ((), ())),
                           preferred_element_type=jnp.float32,
                           precision=_PREC)

    @pl.when(i == 0)
    def _():
        out_p_ref[...] = part

    @pl.when(i != 0)
    def _():
        out_p_ref[...] += part


_layer_in_specs = [
    pl.BlockSpec((1, 1), lambda i: (0, 0)),
    pl.BlockSpec((BR, D), lambda i: (i, 0)),
    pl.BlockSpec((2, BR, D), lambda i: (0, i, 0)),
    pl.BlockSpec((BR, 1), lambda i: (i, 0)),
    pl.BlockSpec((D, D), lambda i: (0, 0)),
    pl.BlockSpec((1, D), lambda i: (0, 0)),
    pl.BlockSpec((D, D), lambda i: (0, 0)),
    pl.BlockSpec((1, D), lambda i: (0, 0)),
]

_tc_layer = pl.pallas_call(
    _tc_layer_body,
    grid=(NB,),
    in_specs=_layer_in_specs,
    out_shape=[jax.ShapeDtypeStruct((N, D), jnp.float32),
               jax.ShapeDtypeStruct((1, D), jnp.float32)],
    out_specs=[pl.BlockSpec((BR, D), lambda i: (i, 0)),
               pl.BlockSpec((1, D), lambda i: (0, 0))],
)


def _tc_last_body(scale_ref, h_ref, agg_ref, w_ref,
                  w1_ref, b1_ref, w2_ref, b2_ref,
                  p1_ref, p2_ref, l1w_ref, l1b_ref, l2w_ref, l2b_ref,
                  out_ref, pacc_ref):
    i = pl.program_id(0)
    v = _mlp(h_ref[...], agg_ref[0], agg_ref[1], scale_ref[0, 0],
             w1_ref[...], b1_ref[...], w2_ref[...], b2_ref[...])
    part = lax.dot_general(w_ref[...], v, (((0,), (0,)), ((), ())),
                           preferred_element_type=jnp.float32,
                           precision=_PREC)

    @pl.when(i == 0)
    def _():
        pacc_ref[...] = part

    @pl.when(i != 0)
    def _():
        pacc_ref[...] += part

    @pl.when(i == NB - 1)
    def _():
        p = jnp.concatenate([p1_ref[...], p2_ref[...], pacc_ref[...]], axis=1)
        o = jnp.maximum(jnp.dot(p, l1w_ref[...],
                                preferred_element_type=jnp.float32,
                                precision=_PREC) + l1b_ref[...], 0.0)
        o = jnp.maximum(jnp.dot(o, l2w_ref[...],
                                preferred_element_type=jnp.float32,
                                precision=_PREC) + l2b_ref[...], 0.0)
        out_ref[...] = o


_tc_last = pl.pallas_call(
    _tc_last_body,
    grid=(NB,),
    in_specs=_layer_in_specs + [
        pl.BlockSpec((1, D), lambda i: (0, 0)),
        pl.BlockSpec((1, D), lambda i: (0, 0)),
        pl.BlockSpec((3 * D, D), lambda i: (0, 0)),
        pl.BlockSpec((1, D), lambda i: (0, 0)),
        pl.BlockSpec((D, OUT), lambda i: (0, 0)),
        pl.BlockSpec((1, OUT), lambda i: (0, 0)),
    ],
    out_shape=jax.ShapeDtypeStruct((1, OUT), jnp.float32),
    out_specs=pl.BlockSpec((1, OUT), lambda i: (0, 0)),
    scratch_shapes=[pltpu.VMEM((1, D), jnp.float32)],
)


def kernel(x, edge_index, edge_attr, batch, edge_batch,
           w1_0, b1_0, w2_0, b2_0, eps_0,
           w1_1, b1_1, w2_1, b2_1, eps_1,
           w1_2, b1_2, w2_2, b2_2, eps_2,
           lin1_w, lin1_b, lin2_w, lin2_b):
    ei = edge_index.reshape(2 * E)
    batchf = batch.astype(jnp.float32).reshape(N, 1)
    w = _tc_weights(batchf)

    layers = [(w1_0, b1_0, w2_0, b2_0, eps_0),
              (w1_1, b1_1, w2_1, b2_1, eps_1),
              (w1_2, b1_2, w2_2, b2_2, eps_2)]

    h = x
    pooled = []
    for l, (w1, b1, w2, b2, eps) in enumerate(layers[:2]):
        agg = _make_sc_aggregate()(h, ei).reshape(2, N, D)
        scale = (1.0 + eps).reshape(1, 1)
        h, p = _tc_layer(scale, h, agg, w,
                         w1, b1.reshape(1, D), w2, b2.reshape(1, D))
        pooled.append(p)

    (w1, b1, w2, b2, eps) = layers[2]
    agg = _make_sc_aggregate()(h, ei).reshape(2, N, D)
    scale = (1.0 + eps).reshape(1, 1)
    return _tc_last(scale, h, agg, w,
                    w1, b1.reshape(1, D), w2, b2.reshape(1, D),
                    pooled[0], pooled[1],
                    lin1_w, lin1_b.reshape(1, D),
                    lin2_w, lin2_b.reshape(1, OUT))

# --- scband reference (transcript-rebuilt; emitter-appended) ---
"""Pipeline reference for scband-nested-gnn-32409823216461 (READ-ONLY COPY).

The authoritative reference and input builder live on the scoring server;
editing this copy changes nothing except your own understanding.
"""

import jax, jax.numpy as jnp
import numpy as np

N = 10000
E = 320000
D = 128
H = 128
OUT = 64
G = 64

def _glorot(k, shape):
    lim = float(np.sqrt(6.0 / (shape[0] + shape[1])))
    return jax.random.uniform(k, shape, jnp.float32, -lim, lim)

def setup_inputs(seed: int = 0):
    key = jax.random.key(seed)
    ks = jax.random.split(key, 40)
    inp = {}
    inp['x'] = jax.random.normal(ks[0], (N, D), jnp.float32)
    inp['edge_index'] = jax.random.randint(ks[1], (2, E), 0, N).astype(jnp.int32)
    inp['edge_attr'] = jax.random.normal(ks[2], (E, 4), jnp.float32)
    inp['batch'] = jnp.sort(jax.random.randint(ks[3], (N,), 0, G)).astype(jnp.int32)
    inp['edge_batch'] = jnp.sort(jax.random.randint(ks[4], (E,), 0, G)).astype(jnp.int32)
    i = 5
    for l in range(3):
        ind = D if l == 0 else H
        inp['w1_%d' % l] = _glorot(ks[i], (ind, H)); i += 1
        inp['b1_%d' % l] = jnp.zeros((H,), jnp.float32)
        inp['w2_%d' % l] = _glorot(ks[i], (H, H)); i += 1
        inp['b2_%d' % l] = jnp.zeros((H,), jnp.float32)
        inp['eps_%d' % l] = jnp.zeros((), jnp.float32)
    inp['lin1_w'] = _glorot(ks[i], (H * 3, H)); i += 1
    inp['lin1_b'] = jnp.zeros((H,), jnp.float32)
    inp['lin2_w'] = _glorot(ks[i], (H, OUT)); i += 1
    inp['lin2_b'] = jnp.zeros((OUT,), jnp.float32)
    return inp

def reference(x, edge_index, edge_attr, batch, edge_batch,
              w1_0, b1_0, w2_0, b2_0, eps_0,
              w1_1, b1_1, w2_1, b2_1, eps_1,
              w1_2, b1_2, w2_2, b2_2, eps_2,
              lin1_w, lin1_b, lin2_w, lin2_b):
    # gsl=False path of NestedGNN with GIN convs, eval mode (dropout = identity)
    src, dst = edge_index[0], edge_index[1]
    # edge_attr is sliced/expanded in torch but unused by GINConv
    _ = edge_attr[:, 0]
    layers = [(w1_0, b1_0, w2_0, b2_0, eps_0),
              (w1_1, b1_1, w2_1, b2_1, eps_1),
              (w1_2, b1_2, w2_2, b2_2, eps_2)]
    h = x
    xs = []
    for (w1, b1, w2, b2, eps) in layers:
        # GINConv: nn((1+eps)*x + sum_{j->i} x_j)
        agg = jnp.zeros_like(h).at[dst].add(h[src])
        h = (1.0 + eps) * h + agg
        h = jnp.maximum(h @ w1 + b1, 0.0)
        h = h @ w2 + b2
        xs.append(h)
    hcat = jnp.concatenate(xs, axis=1)
    # global_mean_pool over node->graph batch
    sums = jax.ops.segment_sum(hcat, batch, num_segments=G)
    counts = jnp.maximum(jax.ops.segment_sum(jnp.ones((hcat.shape[0],), hcat.dtype), batch, num_segments=G), 1.0)
    mean = sums / counts[:, None]
    # global_add_pool with all-zero batch -> sum over graphs
    pooled = jnp.sum(mean, axis=0, keepdims=True)
    out = jnp.maximum(pooled @ lin1_w + lin1_b, 0.0)
    out = jnp.maximum(out @ lin2_w + lin2_b, 0.0)
    return out

if __name__ == "__main__":
    import jax
    _d = setup_inputs()
    print(jax.jit(kernel)(*tuple(_d.values())))

</pallas_src>

<mosaic_0001>
#map = affine_map<(d0, d1) -> (0, 0)>
#map1 = affine_map<(d0, d1) -> (0)>
module attributes {stable_mosaic.version = 14 : i64} {
  func.func @_sc_aggregate_body(%arg0: i32, %arg1: i32, %arg2: memref<10000x128xf32, #tpu.memory_space<hbm>>, %arg3: memref<640000xi32, #tpu.memory_space<hbm>>, %arg4: memref<20000x128xf32, #tpu.memory_space<hbm>>, %arg5: memref<40x128xf32, #tpu.memory_space<vmem>>, %arg6: memref<10000x128xf32, #tpu.memory_space<vmem_shared>>, %arg7: memref<80x128xf32, #tpu.memory_space<vmem>>, %arg8: memref<80x128xf32, #tpu.memory_space<vmem>>, %arg9: memref<80x128xf32, #tpu.memory_space<vmem>>, %arg10: memref<80x128xf32, #tpu.memory_space<vmem>>, %arg11: memref<80xi32, #tpu.memory_space<vmem>>, %arg12: memref<80xi32, #tpu.memory_space<vmem>>, %arg13: memref<80xi32, #tpu.memory_space<vmem>>, %arg14: memref<80xi32, #tpu.memory_space<vmem>>, %arg15: memref<80xi32, #tpu.memory_space<vmem>>, %arg16: memref<80xi32, #tpu.memory_space<vmem>>, %arg17: memref<80xi32, #tpu.memory_space<vmem>>, %arg18: memref<80xi32, #tpu.memory_space<vmem>>, %arg19: memref<80xi32, #tpu.memory_space<vmem>>, %arg20: memref<80xi32, #tpu.memory_space<vmem>>, %arg21: memref<80xi32, #tpu.memory_space<vmem>>, %arg22: memref<80xi32, #tpu.memory_space<vmem>>, %arg23: memref<80xi32, #tpu.memory_space<vmem>>, %arg24: memref<80xi32, #tpu.memory_space<vmem>>, %arg25: memref<80xi32, #tpu.memory_space<vmem>>, %arg26: memref<80xi32, #tpu.memory_space<vmem>>, %arg27: memref<!tpu.dma_semaphore, #tpu.memory_space<semaphore_mem>>, %arg28: memref<!tpu.dma_semaphore, #tpu.memory_space<semaphore_mem>>, %arg29: memref<!tpu.dma_semaphore, #tpu.memory_space<semaphore_mem>>, %arg30: memref<!tpu.dma_semaphore, #tpu.memory_space<semaphore_mem>>, %arg31: memref<!tpu.dma_semaphore, #tpu.memory_space<semaphore_mem>>, %arg32: memref<!tpu.dma_semaphore, #tpu.memory_space<semaphore_mem>>, %arg33: memref<!tpu.dma_semaphore, #tpu.memory_space<semaphore_mem>>, %arg34: memref<!tpu.dma_semaphore, #tpu.memory_space<semaphore_mem>>, %arg35: memref<!tpu.dma_semaphore, #tpu.memory_space<semaphore_mem>>, %arg36: memref<!tpu.dma_semaphore, #tpu.memory_space<semaphore_mem>>, %arg37: memref<!tpu.dma_semaphore, #tpu.memory_space<semaphore_mem>>, %arg38: memref<!tpu.dma_semaphore, #tpu.memory_space<semaphore_mem>>, %arg39: memref<!tpu.dma_semaphore, #tpu.memory_space<semaphore_mem>>, %arg40: memref<!tpu.dma_semaphore, #tpu.memory_space<semaphore_mem>>, %arg41: memref<!tpu.dma_semaphore, #tpu.memory_space<semaphore_mem>>, %arg42: memref<!tpu.dma_semaphore, #tpu.memory_space<semaphore_mem>>, %arg43: memref<!tpu.dma_semaphore, #tpu.memory_space<semaphore_mem>>) attributes {dimension_semantics = [#tpu.dimension_semantics<core_parallel>, #tpu.dimension_semantics<subcore_parallel>], iteration_bounds = array<i64: 2, 16>, scalar_prefetch = 0 : i64, scratch_operands = 39 : i64, tpu.core_type = #tpu.core_type<sc_vector_subcore>, window_params = [{transform_indices = #map}, {transform_indices = #map1}, {transform_indices = #map}]} {
    %mul3A = arith.constant 2 : i32
    %mul3A_0 = arith.muli %arg1, %mul3A : i32
    %add3A = arith.addi %mul3A_0, %arg0 : i32
    %mul3A_1 = arith.constant 10000 : i32
    %mul3A_2 = arith.muli %add3A, %mul3A_1 : i32
    %add3A_3 = arith.constant 0 : i32
    %add3A_4 = arith.addi %mul3A_2, %add3A_3 : i32
    %dma_start3A = tpu.memref_slice %arg3[%add3A_4] : memref<640000xi32, #tpu.memory_space<hbm>> -> memref<80xi32, #tpu.memory_space<hbm>>
    %dma_start3A_5 = tpu.memref_slice %arg3[%add3A_4] : memref<640000xi32, #tpu.memory_space<hbm>> -> memref<80xi32, #tpu.memory_space<hbm>>
    tpu.enqueue_dma source(%dma_start3A_5 : memref<80xi32, #tpu.memory_space<hbm>>) target(%arg11 : memref<80xi32, #tpu.memory_space<vmem>>) target_semaphore(%arg35 : memref<!tpu.dma_semaphore, #tpu.memory_space<semaphore_mem>>)
    %add3A_6 = arith.constant 320000 : i32
    %add3A_7 = arith.addi %add3A_6, %mul3A_2 : i32
    %add3A_8 = arith.constant 0 : i32
    %add3A_9 = arith.addi %add3A_7, %add3A_8 : i32
    %dma_start3A_10 = tpu.memref_slice %arg3[%add3A_9] : memref<640000xi32, #tpu.memory_space<hbm>> -> memref<80xi32, #tpu.memory_space<hbm>>
    %dma_start3A_11 = tpu.memref_slice %arg3[%add3A_9] : memref<640000xi32, #tpu.memory_space<hbm>> -> memref<80xi32, #tpu.memory_space<hbm>>
    tpu.enqueue_dma source(%dma_start3A_11 : memref<80xi32, #tpu.memory_space<hbm>>) target(%arg19 : memref<80xi32, #tpu.memory_space<vmem>>) target_semaphore(%arg35 : memref<!tpu.dma_semaphore, #tpu.memory_space<semaphore_mem>>)
    %add3A_12 = arith.constant 80 : i32
    %add3A_13 = arith.addi %mul3A_2, %add3A_12 : i32
    %dma_start3A_14 = tpu.memref_slice %arg3[%add3A_13] : memref<640000xi32, #tpu.memory_space<hbm>> -> memref<80xi32, #tpu.memory_space<hbm>>
    %dma_start3A_15 = tpu.memref_slice %arg3[%add3A_13] : memref<640000xi32, #tpu.memory_space<hbm>> -> memref<80xi32, #tpu.memory_space<hbm>>
    tpu.enqueue_dma source(%dma_start3A_15 : memref<80xi32, #tpu.memory_space<hbm>>) target(%arg12 : memref<80xi32, #tpu.memory_space<vmem>>) target_semaphore(%arg36 : memref<!tpu.dma_semaphore, #tpu.memory_space<semaphore_mem>>)
    %add3A_16 = arith.constant 320000 : i32
    %add3A_17 = arith.addi %add3A_16, %mul3A_2 : i32
    %add3A_18 = arith.constant 80 : i32
    %add3A_19 = arith.addi %add3A_17, %add3A_18 : i32
    %dma_start3A_20 = tpu.memref_slice %arg3[%add3A_19] : memref<640000xi32, #tpu.memory_space<hbm>> -> memref<80xi32, #tpu.memory_space<hbm>>
    %dma_start3A_21 = tpu.memref_slice %arg3[%add3A_19] : memref<640000xi32, #tpu.memory_space<hbm>> -> memref<80xi32, #tpu.memory_space<hbm>>
    tpu.enqueue_dma source(%dma_start3A_21 : memref<80xi32, #tpu.memory_space<hbm>>) target(%arg20 : memref<80xi32, #tpu.memory_space<vmem>>) target_semaphore(%arg36 : memref<!tpu.dma_semaphore, #tpu.memory_space<semaphore_mem>>)
    %add3A_22 = arith.constant 160 : i32
    %add3A_23 = arith.addi %mul3A_2, %add3A_22 : i32
    %dma_start3A_24 = tpu.memref_slice %arg3[%add3A_23] : memref<640000xi32, #tpu.memory_space<hbm>> -> memref<80xi32, #tpu.memory_space<hbm>>
    %dma_start3A_25 = tpu.memref_slice %arg3[%add3A_23] : memref<640000xi32, #tpu.memory_space<hbm>> -> memref<80xi32, #tpu.memory_space<hbm>>
    tpu.enqueue_dma source(%dma_start3A_25 : memref<80xi32, #tpu.memory_space<hbm>>) target(%arg13 : memref<80xi32, #tpu.memory_space<vmem>>) target_semaphore(%arg37 : memref<!tpu.dma_semaphore, #tpu.memory_space<semaphore_mem>>)
    %add3A_26 = arith.constant 320000 : i32
    %add3A_27 = arith.addi %add3A_26, %mul3A_2 : i32
    %add3A_28 = arith.constant 160 : i32
    %add3A_29 = arith.addi %add3A_27, %add3A_28 : i32
    %dma_start3A_30 = tpu.memref_slice %arg3[%add3A_29] : memref<640000xi32, #tpu.memory_space<hbm>> -> memref<80xi32, #tpu.memory_space<hbm>>
    %dma_start3A_31 = tpu.memref_slice %arg3[%add3A_29] : memref<640000xi32, #tpu.memory_space<hbm>> -> memref<80xi32, #tpu.memory_space<hbm>>
    tpu.enqueue_dma source(%dma_start3A_31 : memref<80xi32, #tpu.memory_space<hbm>>) target(%arg21 : memref<80xi32, #tpu.memory_space<vmem>>) target_semaphore(%arg37 : memref<!tpu.dma_semaphore, #tpu.memory_space<semaphore_mem>>)
    %add3A_32 = arith.constant 240 : i32
    %add3A_33 = arith.addi %mul3A_2, %add3A_32 : i32
    %dma_start3A_34 = tpu.memref_slice %arg3[%add3A_33] : memref<640000xi32, #tpu.memory_space<hbm>> -> memref<80xi32, #tpu.memory_space<hbm>>
    %dma_start3A_35 = tpu.memref_slice %arg3[%add3A_33] : memref<640000xi32, #tpu.memory_space<hbm>> -> memref<80xi32, #tpu.memory_space<hbm>>
    tpu.enqueue_dma source(%dma_start3A_35 : memref<80xi32, #tpu.memory_space<hbm>>) target(%arg14 : memref<80xi32, #tpu.memory_space<vmem>>) target_semaphore(%arg38 : memref<!tpu.dma_semaphore, #tpu.memory_space<semaphore_mem>>)
    %add3A_36 = arith.constant 320000 : i32
    %add3A_37 = arith.addi %add3A_36, %mul3A_2 : i32
    %add3A_38 = arith.constant 240 : i32
    %add3A_39 = arith.addi %add3A_37, %add3A_38 : i32
    %dma_start3A_40 = tpu.memref_slice %arg3[%add3A_39] : memref<640000xi32, #tpu.memory_space<hbm>> -> memref<80xi32, #tpu.memory_space<hbm>>
    %dma_start3A_41 = tpu.memref_slice %arg3[%add3A_39] : memref<640000xi32, #tpu.memory_space<hbm>> -> memref<80xi32, #tpu.memory_space<hbm>>
    tpu.enqueue_dma source(%dma_start3A_41 : memref<80xi32, #tpu.memory_space<hbm>>) target(%arg22 : memref<80xi32, #tpu.memory_space<vmem>>) target_semaphore(%arg38 : memref<!tpu.dma_semaphore, #tpu.memory_space<semaphore_mem>>)
    %add3A_42 = arith.constant 320 : i32
    %add3A_43 = arith.addi %mul3A_2, %add3A_42 : i32
    %dma_start3A_44 = tpu.memref_slice %arg3[%add3A_43] : memref<640000xi32, #tpu.memory_space<hbm>> -> memref<80xi32, #tpu.memory_space<hbm>>
    %dma_start3A_45 = tpu.memref_slice %arg3[%add3A_43] : memref<640000xi32, #tpu.memory_space<hbm>> -> memref<80xi32, #tpu.memory_space<hbm>>
    tpu.enqueue_dma source(%dma_start3A_45 : memref<80xi32, #tpu.memory_space<hbm>>) target(%arg15 : memref<80xi32, #tpu.memory_space<vmem>>) target_semaphore(%arg39 : memref<!tpu.dma_semaphore, #tpu.memory_space<semaphore_mem>>)
    %add3A_46 = arith.constant 320000 : i32
    %add3A_47 = arith.addi %add3A_46, %mul3A_2 : i32
    %add3A_48 = arith.constant 320 : i32
    %add3A_49 = arith.addi %add3A_47, %add3A_48 : i32
    %dma_start3A_50 = tpu.memref_slice %arg3[%add3A_49] : memref<640000xi32, #tpu.memory_space<hbm>> -> memref<80xi32, #tpu.memory_space<hbm>>
    %dma_start3A_51 = tpu.memref_slice %arg3[%add3A_49] : memref<640000xi32, #tpu.memory_space<hbm>> -> memref<80xi32, #tpu.memory_space<hbm>>
    tpu.enqueue_dma source(%dma_start3A_51 : memref<80xi32, #tpu.memory_space<hbm>>) target(%arg23 : memref<80xi32, #tpu.memory_space<vmem>>) target_semaphore(%arg39 : memref<!tpu.dma_semaphore, #tpu.memory_space<semaphore_mem>>)
    %add3A_52 = arith.constant 400 : i32
    %add3A_53 = arith.addi %mul3A_2, %add3A_52 : i32
    %dma_start3A_54 = tpu.memref_slice %arg3[%add3A_53] : memref<640000xi32, #tpu.memory_space<hbm>> -> memref<80xi32, #tpu.memory_space<hbm>>
    %dma_start3A_55 = tpu.memref_slice %arg3[%add3A_53] : memref<640000xi32, #tpu.memory_space<hbm>> -> memref<80xi32, #tpu.memory_space<hbm>>
    tpu.enqueue_dma source(%dma_start3A_55 : memref<80xi32, #tpu.memory_space<hbm>>) target(%arg16 : memref<80xi32, #tpu.memory_space<vmem>>) target_semaphore(%arg40 : memref<!tpu.dma_semaphore, #tpu.memory_space<semaphore_mem>>)
    %add3A_56 = arith.constant 320000 : i32
    %add3A_57 = arith.addi %add3A_56, %mul3A_2 : i32
    %add3A_58 = arith.constant 400 : i32
    %add3A_59 = arith.addi %add3A_57, %add3A_58 : i32
    %dma_start3A_60 = tpu.memref_slice %arg3[%add3A_59] : memref<640000xi32, #tpu.memory_space<hbm>> -> memref<80xi32, #tpu.memory_space<hbm>>
    %dma_start3A_61 = tpu.memref_slice %arg3[%add3A_59] : memref<640000xi32, #tpu.memory_space<hbm>> -> memref<80xi32, #tpu.memory_space<hbm>>
    tpu.enqueue_dma source(%dma_start3A_61 : memref<80xi32, #tpu.memory_space<hbm>>) target(%arg24 : memref<80xi32, #tpu.memory_space<vmem>>) target_semaphore(%arg40 : memref<!tpu.dma_semaphore, #tpu.memory_space<semaphore_mem>>)
    %add3A_62 = arith.constant 480 : i32
    %add3A_63 = arith.addi %mul3A_2, %add3A_62 : i32
    %dma_start3A_64 = tpu.memref_slice %arg3[%add3A_63] : memref<640000xi32, #tpu.memory_space<hbm>> -> memref<80xi32, #tpu.memory_space<hbm>>
    %dma_start3A_65 = tpu.memref_slice %arg3[%add3A_63] : memref<640000xi32, #tpu.memory_space<hbm>> -> memref<80xi32, #tpu.memory_space<hbm>>
    tpu.enqueue_dma source(%dma_start3A_65 : memref<80xi32, #tpu.memory_space<hbm>>) target(%arg17 : memref<80xi32, #tpu.memory_space<vmem>>) target_semaphore(%arg41 : memref<!tpu.dma_semaphore, #tpu.memory_space<semaphore_mem>>)
    %add3A_66 = arith.constant 320000 : i32
    %add3A_67 = arith.addi %add3A_66, %mul3A_2 : i32
    %add3A_68 = arith.constant 480 : i32
    %add3A_69 = arith.addi %add3A_67, %add3A_68 : i32
    %dma_start3A_70 = tpu.memref_slice %arg3[%add3A_69] : memref<640000xi32, #tpu.memory_space<hbm>> -> memref<80xi32, #tpu.memory_space<hbm>>
    %dma_start3A_71 = tpu.memref_slice %arg3[%add3A_69] : memref<640000xi32, #tpu.memory_space<hbm>> -> memref<80xi32, #tpu.memory_space<hbm>>
    tpu.enqueue_dma source(%dma_start3A_71 : memref<80xi32, #tpu.memory_space<hbm>>) target(%arg25 : memref<80xi32, #tpu.memory_space<vmem>>) target_semaphore(%arg41 : memref<!tpu.dma_semaphore, #tpu.memory_space<semaphore_mem>>)
    %add3A_72 = arith.constant 560 : i32
    %add3A_73 = arith.addi %mul3A_2, %add3A_72 : i32
    %dma_start3A_74 = tpu.memref_slice %arg3[%add3A_73] : memref<640000xi32, #tpu.memory_space<hbm>> -> memref<80xi32, #tpu.memory_space<hbm>>
    %dma_start3A_75 = tpu.memref_slice %arg3[%add3A_73] : memref<640000xi32, #tpu.memory_space<hbm>> -> memref<80xi32, #tpu.memory_space<hbm>>
    tpu.enqueue_dma source(%dma_start3A_75 : memref<80xi32, #tpu.memory_space<hbm>>) target(%arg18 : memref<80xi32, #tpu.memory_space<vmem>>) target_semaphore(%arg42 : memref<!tpu.dma_semaphore, #tpu.memory_space<semaphore_mem>>)
    %add3A_76 = arith.constant 320000 : i32
    %add3A_77 = arith.addi %add3A_76, %mul3A_2 : i32
    %add3A_78 = arith.constant 560 : i32
    %add3A_79 = arith.addi %add3A_77, %add3A_78 : i32
    %dma_start3A_80 = tpu.memref_slice %arg3[%add3A_79] : memref<640000xi32, #tpu.memory_space<hbm>> -> memref<80xi32, #tpu.memory_space<hbm>>
    %dma_start3A_81 = tpu.memref_slice %arg3[%add3A_79] : memref<640000xi32, #tpu.memory_space<hbm>> -> memref<80xi32, #tpu.memory_space<hbm>>
    tpu.enqueue_dma source(%dma_start3A_81 : memref<80xi32, #tpu.memory_space<hbm>>) target(%arg26 : memref<80xi32, #tpu.memory_space<vmem>>) target_semaphore(%arg42 : memref<!tpu.dma_semaphore, #tpu.memory_space<semaphore_mem>>)
    %broadcast_in_dim3A = arith.constant 0.000000e+00 : f32
    %broadcast_in_dim3A_82 = vector.broadcast %broadcast_in_dim3A : f32 to vector<16xf32>
    %scan3A = arith.constant 0 : i32
    %scan3A_83 = arith.constant 0 : i32
    %scan3A_84 = arith.constant 40 : i32
    %scan3A_85 = arith.addi %scan3A_83, %scan3A_84 : i32
    %scan3A_86 = arith.constant 1 : i32
    scf.for %scan3A_228 = %scan3A_83 to %scan3A_85 step %scan3A_86  : i32 {
      %swap3A = arith.index_cast %scan3A_228 : i32 to index
      %swap3A_229 = arith.constant 0 : index
      %swap3A_230 = tpu.vector_load %arg5[%swap3A, %swap3A_229] {strides = array<i32>} : memref<40x128xf32, #tpu.memory_space<vmem>>, vector<1x16xf32>,
      %swap3A_231 = vector.shape_cast %swap3A_230 : vector<1x16xf32> to vector<16xf32>
      %swap3A_232 = vector.shape_cast %broadcast_in_dim3A_82 : vector<16xf32> to vector<1x16xf32>
      tpu.vector_store %arg5[%swap3A, %swap3A_229], %swap3A_232 {strides = array<i32>} : memref<40x128xf32, #tpu.memory_space<vmem>>, vector<1x16xf32>,
      %swap3A_233 = arith.index_cast %scan3A_228 : i32 to index
      %swap3A_234 = arith.constant 16 : index
      %swap3A_235 = tpu.vector_load %arg5[%swap3A_233, %swap3A_234] {strides = array<i32>} : memref<40x128xf32, #tpu.memory_space<vmem>>, vector<1x16xf32>,
      %swap3A_236 = vector.shape_cast %swap3A_235 : vector<1x16xf32> to vector<16xf32>
      %swap3A_237 = vector.shape_cast %broadcast_in_dim3A_82 : vector<16xf32> to vector<1x16xf32>
      tpu.vector_store %arg5[%swap3A_233, %swap3A_234], %swap3A_237 {strides = array<i32>} : memref<40x128xf32, #tpu.memory_space<vmem>>, vector<1x16xf32>,
      %swap3A_238 = arith.index_cast %scan3A_228 : i32 to index
      %swap3A_239 = arith.constant 32 : index
      %swap3A_240 = tpu.vector_load %arg5[%swap3A_238, %swap3A_239] {strides = array<i32>} : memref<40x128xf32, #tpu.memory_space<vmem>>, vector<1x16xf32>,
      %swap3A_241 = vector.shape_cast %swap3A_240 : vector<1x16xf32> to vector<16xf32>
      %swap3A_242 = vector.shape_cast %broadcast_in_dim3A_82 : vector<16xf32> to vector<1x16xf32>
      tpu.vector_store %arg5[%swap3A_238, %swap3A_239], %swap3A_242 {strides = array<i32>} : memref<40x128xf32, #tpu.memory_space<vmem>>, vector<1x16xf32>,
      %swap3A_243 = arith.index_cast %scan3A_228 : i32 to index
      %swap3A_244 = arith.constant 48 : index
      %swap3A_245 = tpu.vector_load %arg5[%swap3A_243, %swap3A_244] {strides = array<i32>} : memref<40x128xf32, #tpu.memory_space<vmem>>, vector<1x16xf32>,
      %swap3A_246 = vector.shape_cast %swap3A_245 : vector<1x16xf32> to vector<16xf32>
      %swap3A_247 = vector.shape_cast %broadcast_in_dim3A_82 : vector<16xf32> to vector<1x16xf32>
      tpu.vector_store %arg5[%swap3A_243, %swap3A_244], %swap3A_247 {strides = array<i32>} : memref<40x128xf32, #tpu.memory_space<vmem>>, vector<1x16xf32>,
      %swap3A_248 = arith.index_cast %scan3A_228 : i32 to index
      %swap3A_249 = arith.constant 64 : index
      %swap3A_250 = tpu.vector_load %arg5[%swap3A_248, %swap3A_249] {strides = array<i32>} : memref<40x128xf32, #tpu.memory_space<vmem>>, vector<1x16xf32>,
      %swap3A_251 = vector.shape_cast %swap3A_250 : vector<1x16xf32> to vector<16xf32>
      %swap3A_252 = vector.shape_cast %broadcast_in_dim3A_82 : vector<16xf32> to vector<1x16xf32>
      tpu.vector_store %arg5[%swap3A_248, %swap3A_249], %swap3A_252 {strides = array<i32>} : memref<40x128xf32, #tpu.memory_space<vmem>>, vector<1x16xf32>,
      %swap3A_253 = arith.index_cast %scan3A_228 : i32 to index
      %swap3A_254 = arith.constant 80 : index
      %swap3A_255 = tpu.vector_load %arg5[%swap3A_253, %swap3A_254] {strides = array<i32>} : memref<40x128xf32, #tpu.memory_space<vmem>>, vector<1x16xf32>,
      %swap3A_256 = vector.shape_cast %swap3A_255 : vector<1x16xf32> to vector<16xf32>
      %swap3A_257 = vector.shape_cast %broadcast_in_dim3A_82 : vector<16xf32> to vector<1x16xf32>
      tpu.vector_store %arg5[%swap3A_253, %swap3A_254], %swap3A_257 {strides = array<i32>} : memref<40x128xf32, #tpu.memory_space<vmem>>, vector<1x16xf32>,
      %swap3A_258 = arith.index_cast %scan3A_228 : i32 to index
      %swap3A_259 = arith.constant 96 : index
      %swap3A_260 = tpu.vector_load %arg5[%swap3A_258, %swap3A_259] {strides = array<i32>} : memref<40x128xf32, #tpu.memory_space<vmem>>, vector<1x16xf32>,
      %swap3A_261 = vector.shape_cast %swap3A_260 : vector<1x16xf32> to vector<16xf32>
      %swap3A_262 = vector.shape_cast %broadcast_in_dim3A_82 : vector<16xf32> to vector<1x16xf32>
      tpu.vector_store %arg5[%swap3A_258, %swap3A_259], %swap3A_262 {strides = array<i32>} : memref<40x128xf32, #tpu.memory_space<vmem>>, vector<1x16xf32>,
      %swap3A_263 = arith.index_cast %scan3A_228 : i32 to index
      %swap3A_264 = arith.constant 112 : index
      %swap3A_265 = tpu.vector_load %arg5[%swap3A_263, %swap3A_264] {strides = array<i32>} : memref<40x128xf32, #tpu.memory_space<vmem>>, vector<1x16xf32>,
      %swap3A_266 = vector.shape_cast %swap3A_265 : vector<1x16xf32> to vector<16xf32>
      %swap3A_267 = vector.shape_cast %broadcast_in_dim3A_82 : vector<16xf32> to vector<1x16xf32>
      tpu.vector_store %arg5[%swap3A_263, %swap3A_264], %swap3A_267 {strides = array<i32>} : memref<40x128xf32, #tpu.memory_space<vmem>>, vector<1x16xf32>,
    }
    %scan3A_87 = arith.constant 40 : i32
    %add3A_88 = arith.constant 0 : i32
    %add3A_89 = arith.addi %mul3A_2, %add3A_88 : i32
    %dma_wait3A = tpu.memref_slice %arg3[%add3A_89] : memref<640000xi32, #tpu.memory_space<hbm>> -> memref<80xi32, #tpu.memory_space<hbm>>
    %dma_wait3A_90 = tpu.memref_slice %arg3[%add3A_89] : memref<640000xi32, #tpu.memory_space<hbm>> -> memref<80xi32, #tpu.memory_space<hbm>>
    tpu.wait_dma2 semaphore(%arg35 : memref<!tpu.dma_semaphore, #tpu.memory_space<semaphore_mem>>) src(%dma_wait3A_90 : memref<80xi32, #tpu.memory_space<hbm>>) dst(%arg11 : memref<80xi32, #tpu.memory_space<vmem>>)
    %add3A_91 = arith.constant 320000 : i32
    %add3A_92 = arith.addi %add3A_91, %mul3A_2 : i32
    %add3A_93 = arith.constant 0 : i32
    %add3A_94 = arith.addi %add3A_92, %add3A_93 : i32
    %dma_wait3A_95 = tpu.memref_slice %arg3[%add3A_94] : memref<640000xi32, #tpu.memory_space<hbm>> -> memref<80xi32, #tpu.memory_space<hbm>>
    %dma_wait3A_96 = tpu.memref_slice %arg3[%add3A_94] : memref<640000xi32, #tpu.memory_space<hbm>> -> memref<80xi32, #tpu.memory_space<hbm>>
    tpu.wait_dma2 semaphore(%arg35 : memref<!tpu.dma_semaphore, #tpu.memory_space<semaphore_mem>>) src(%dma_wait3A_96 : memref<80xi32, #tpu.memory_space<hbm>>) dst(%arg19 : memref<80xi32, #tpu.memory_space<vmem>>)
    %dma_start3A_97 = arith.constant 0 : i32
    %dma_start3A_98 = arith.constant 0 : i32
    %dma_start3A_99 = tpu.memref_slice %arg2[%dma_start3A_97, %dma_start3A_98] : memref<10000x128xf32, #tpu.memory_space<hbm>> -> memref<10000x128xf32, #tpu.memory_space<hbm>>
    tpu.enqueue_indirect_dma source(%dma_start3A_99 : memref<10000x128xf32, #tpu.memory_space<hbm>>) target(%arg7 : memref<80x128xf32, #tpu.memory_space<vmem>>) offsets(%arg11 : memref<80xi32, #tpu.memory_space<vmem>>) semaphore(%arg27 : memref<!tpu.dma_semaphore, #tpu.memory_space<semaphore_mem>>)
    %add3A_100 = arith.constant 80 : i32
    %add3A_101 = arith.addi %mul3A_2, %add3A_100 : i32
    %dma_wait3A_102 = tpu.memref_slice %arg3[%add3A_101] : memref<640000xi32, #tpu.memory_space<hbm>> -> memref<80xi32, #tpu.memory_space<hbm>>
    %dma_wait3A_103 = tpu.memref_slice %arg3[%add3A_101] : memref<640000xi32, #tpu.memory_space<hbm>> -> memref<80xi32, #tpu.memory_space<hbm>>
    tpu.wait_dma2 semaphore(%arg36 : memref<!tpu.dma_semaphore, #tpu.memory_space<semaphore_mem>>) src(%dma_wait3A_103 : memref<80xi32, #tpu.memory_space<hbm>>) dst(%arg12 : memref<80xi32, #tpu.memory_space<vmem>>)
    %add3A_104 = arith.constant 320000 : i32
    %add3A_105 = arith.addi %add3A_104, %mul3A_2 : i32
    %add3A_106 = arith.constant 80 : i32
    %add3A_107 = arith.addi %add3A_105, %add3A_106 : i32
    %dma_wait3A_108 = tpu.memref_slice %arg3[%add3A_107] : memref<640000xi32, #tpu.memory_space<hbm>> -> memref<80xi32, #tpu.memory_space<hbm>>
    %dma_wait3A_109 = tpu.memref_slice %arg3[%add3A_107] : memref<640000xi32, #tpu.memory_space<hbm>> -> memref<80xi32, #tpu.memory_space<hbm>>
    tpu.wait_dma2 semaphore(%arg36 : memref<!tpu.dma_semaphore, #tpu.memory_space<semaphore_mem>>) src(%dma_wait3A_109 : memref<80xi32, #tpu.memory_space<hbm>>) dst(%arg20 : memref<80xi32, #tpu.memory_space<vmem>>)
    %dma_start3A_110 = arith.constant 0 : i32
    %dma_start3A_111 = arith.constant 0 : i32
    %dma_start3A_112 = tpu.memref_slice %arg2[%dma_start3A_110, %dma_start3A_111] : memref<10000x128xf32, #tpu.memory_space<hbm>> -> memref<10000x128xf32, #tpu.memory_space<hbm>>
    tpu.enqueue_indirect_dma source(%dma_start3A_112 : memref<10000x128xf32, #tpu.memory_space<hbm>>) target(%arg8 : memref<80x128xf32, #tpu.memory_space<vmem>>) offsets(%arg12 : memref<80xi32, #tpu.memory_space<vmem>>) semaphore(%arg28 : memref<!tpu.dma_semaphore, #tpu.memory_space<semaphore_mem>>)
    %add3A_113 = arith.constant 160 : i32
    %add3A_114 = arith.addi %mul3A_2, %add3A_113 : i32
    %dma_wait3A_115 = tpu.memref_slice %arg3[%add3A_114] : memref<640000xi32, #tpu.memory_space<hbm>> -> memref<80xi32, #tpu.memory_space<hbm>>
    %dma_wait3A_116 = tpu.memref_slice %arg3[%add3A_114] : memref<640000xi32, #tpu.memory_space<hbm>> -> memref<80xi32, #tpu.memory_space<hbm>>
    tpu.wait_dma2 semaphore(%arg37 : memref<!tpu.dma_semaphore, #tpu.memory_space<semaphore_mem>>) src(%dma_wait3A_116 : memref<80xi32, #tpu.memory_space<hbm>>) dst(%arg13 : memref<80xi32, #tpu.memory_space<vmem>>)
    %add3A_117 = arith.constant 320000 : i32
    %add3A_118 = arith.addi %add3A_117, %mul3A_2 : i32
    %add3A_119 = arith.constant 160 : i32
    %add3A_120 = arith.addi %add3A_118, %add3A_119 : i32
    %dma_wait3A_121 = tpu.memref_slice %arg3[%add3A_120] : memref<640000xi32, #tpu.memory_space<hbm>> -> memref<80xi32, #tpu.memory_space<hbm>>
    %dma_wait3A_122 = tpu.memref_slice %arg3[%add3A_120] : memref<640000xi32, #tpu.memory_space<hbm>> -> memref<80xi32, #tpu.memory_space<hbm>>
    tpu.wait_dma2 semaphore(%arg37 : memref<!tpu.dma_semaphore, #tpu.memory_space<semaphore_mem>>) src(%dma_wait3A_122 : memref<80xi32, #tpu.memory_space<hbm>>) dst(%arg21 : memref<80xi32, #tpu.memory_space<vmem>>)
    %dma_start3A_123 = arith.constant 0 : i32
    %dma_start3A_124 = arith.constant 0 : i32
    %dma_start3A_125 = tpu.memref_slice %arg2[%dma_start3A_123, %dma_start3A_124] : memref<10000x128xf32, #tpu.memory_space<hbm>> -> memref<10000x128xf32, #tpu.memory_space<hbm>>
    tpu.enqueue_indirect_dma source(%dma_start3A_125 : memref<10000x128xf32, #tpu.memory_space<hbm>>) target(%arg9 : memref<80x128xf32, #tpu.memory_space<vmem>>) offsets(%arg13 : memref<80xi32, #tpu.memory_space<vmem>>) semaphore(%arg29 : memref<!tpu.dma_semaphore, #tpu.memory_space<semaphore_mem>>)
    %add3A_126 = arith.constant 240 : i32
    %add3A_127 = arith.addi %mul3A_2, %add3A_126 : i32
    %dma_wait3A_128 = tpu.memref_slice %arg3[%add3A_127] : memref<640000xi32, #tpu.memory_space<hbm>> -> memref<80xi32, #tpu.memory_space<hbm>>
    %dma_wait3A_129 = tpu.memref_slice %arg3[%add3A_127] : memref<640000xi32, #tpu.memory_space<hbm>> -> memref<80xi32, #tpu.memory_space<hbm>>
    tpu.wait_dma2 semaphore(%arg38 : memref<!tpu.dma_semaphore, #tpu.memory_space<semaphore_mem>>) src(%dma_wait3A_129 : memref<80xi32, #tpu.memory_space<hbm>>) dst(%arg14 : memref<80xi32, #tpu.memory_space<vmem>>)
    %add3A_130 = arith.constant 320000 : i32
    %add3A_131 = arith.addi %add3A_130, %mul3A_2 : i32
    %add3A_132 = arith.constant 240 : i32
    %add3A_133 = arith.addi %add3A_131, %add3A_132 : i32
    %dma_wait3A_134 = tpu.memref_slice %arg3[%add3A_133] : memref<640000xi32, #tpu.memory_space<hbm>> -> memref<80xi32, #tpu.memory_space<hbm>>
    %dma_wait3A_135 = tpu.memref_slice %arg3[%add3A_133] : memref<640000xi32, #tpu.memory_space<hbm>> -> memref<80xi32, #tpu.memory_space<hbm>>
    tpu.wait_dma2 semaphore(%arg38 : memref<!tpu.dma_semaphore, #tpu.memory_space<semaphore_mem>>) src(%dma_wait3A_135 : memref<80xi32, #tpu.memory_space<hbm>>) dst(%arg22 : memref<80xi32, #tpu.memory_space<vmem>>)
    %dma_start3A_136 = arith.constant 0 : i32
    %dma_start3A_137 = arith.constant 0 : i32
    %dma_start3A_138 = tpu.memref_slice %arg2[%dma_start3A_136, %dma_start3A_137] : memref<10000x128xf32, #tpu.memory_space<hbm>> -> memref<10000x128xf32, #tpu.memory_space<hbm>>
    tpu.enqueue_indirect_dma source(%dma_start3A_138 : memref<10000x128xf32, #tpu.memory_space<hbm>>) target(%arg10 : memref<80x128xf32, #tpu.memory_space<vmem>>) offsets(%arg14 : memref<80xi32, #tpu.memory_space<vmem>>) semaphore(%arg30 : memref<!tpu.dma_semaphore, #tpu.memory_space<semaphore_mem>>)
    %scan3A_139 = arith.constant 0 : i32
    %scan3A_140 = arith.constant 0 : i32
    %scan3A_141 = arith.constant 16 : i32
    %scan3A_142 = arith.addi %scan3A_140, %scan3A_141 : i32
    %scan3A_143 = arith.constant 1 : i32
    scf.for %scan3A_228 = %scan3A_140 to %scan3A_142 step %scan3A_143  : i32 {
      %mul3A_229 = arith.constant 16 : i32
      %mul3A_230 = arith.muli %scan3A_228, %mul3A_229 : i32
      %add3A_231 = arith.addi %arg1, %mul3A_230 : i32
      %lt3A = arith.constant 250 : i32
      %lt3A_232 = arith.cmpi slt, %add3A_231, %lt3A : i32
      %convert_element_type3A = arith.extui %lt3A_232 : i1 to i32
      %cond3A = arith.constant 0 : i32
      %cond3A_233 = arith.cmpi ne, %convert_element_type3A, %cond3A : i32
      scf.if %cond3A_233 {
        %mul3A_234 = arith.constant 40 : i32
        %mul3A_235 = arith.muli %add3A_231, %mul3A_234 : i32
        %dma_start3A_236 = arith.constant 0 : i32
        %dma_start3A_237 = tpu.memref_slice %arg6[%mul3A_235, %dma_start3A_236] : memref<10000x128xf32, #tpu.memory_space<vmem_shared>> -> memref<40x128xf32, #tpu.memory_space<vmem_shared>>
        %dma_start3A_238 = arith.constant 0 : i32
        %dma_start3A_239 = tpu.memref_slice %arg6[%mul3A_235, %dma_start3A_238] : memref<10000x128xf32, #tpu.memory_space<vmem_shared>> -> memref<40x128xf32, #tpu.memory_space<vmem_shared>>
        tpu.enqueue_dma source(%arg5 : memref<40x128xf32, #tpu.memory_space<vmem>>) target(%dma_start3A_239 : memref<40x128xf32, #tpu.memory_space<vmem_shared>>) target_semaphore(%arg43 : memref<!tpu.dma_semaphore, #tpu.memory_space<semaphore_mem>>)
      } else {
      }
    }
    %scan3A_144 = arith.constant 16 : i32
    %scan3A_145 = arith.constant 0 : i32
    %scan3A_146 = arith.constant 0 : i32
    %scan3A_147 = arith.constant 16 : i32
    %scan3A_148 = arith.addi %scan3A_146, %scan3A_147 : i32
    %scan3A_149 = arith.constant 1 : i32
    scf.for %scan3A_228 = %scan3A_146 to %scan3A_148 step %scan3A_149  : i32 {
      %mul3A_229 = arith.constant 16 : i32
      %mul3A_230 = arith.muli %scan3A_228, %mul3A_229 : i32
      %add3A_231 = arith.addi %arg1, %mul3A_230 : i32
      %lt3A = arith.constant 250 : i32
      %lt3A_232 = arith.cmpi slt, %add3A_231, %lt3A : i32
      %convert_element_type3A = arith.extui %lt3A_232 : i1 to i32
      %cond3A = arith.constant 0 : i32
      %cond3A_233 = arith.cmpi ne, %convert_element_type3A, %cond3A : i32
      scf.if %cond3A_233 {
        %mul3A_234 = arith.constant 40 : i32
        %mul3A_235 = arith.muli %add3A_231, %mul3A_234 : i32
        %dma_wait3A_236 = arith.constant 0 : i32
        %dma_wait3A_237 = tpu.memref_slice %arg6[%mul3A_235, %dma_wait3A_236] : memref<10000x128xf32, #tpu.memory_space<vmem_shared>> -> memref<40x128xf32, #tpu.memory_space<vmem_shared>>
        %dma_wait3A_238 = arith.constant 0 : i32
        %dma_wait3A_239 = tpu.memref_slice %arg6[%mul3A_235, %dma_wait3A_238] : memref<10000x128xf32, #tpu.memory_space<vmem_shared>> -> memref<40x128xf32, #tpu.memory_space<vmem_shared>>
        tpu.wait_dma2 semaphore(%arg43 : memref<!tpu.dma_semaphore, #tpu.memory_space<semaphore_mem>>) src(%arg5 : memref<40x128xf32, #tpu.memory_space<vmem>>) dst(%dma_wait3A_239 : memref<40x128xf32, #tpu.memory_space<vmem_shared>>)
      } else {
      }
    }
    %scan3A_150 = arith.constant 16 : i32
    %barrier3A = arith.constant 0 : index
    tpu.barrier barrier_id(%barrier3A)
    %scan3A_151 = arith.constant 0 : i32
    %scan3A_152 = arith.constant 0 : i32
    %scan3A_153 = arith.constant 15 : i32
    %scan3A_154 = arith.addi %scan3A_152, %scan3A_153 : i32
    %scan3A_155 = arith.constant 1 : i32
    scf.for %scan3A_228 = %scan3A_152 to %scan3A_154 step %scan3A_155  : i32 {
      %mul3A_229 = arith.constant 8 : i32
      %mul3A_230 = arith.muli %scan3A_228, %mul3A_229 : i32
      %add3A_231 = arith.constant 0 : i32
      %add3A_232 = arith.addi %mul3A_230, %add3A_231 : i32
      %dma_wait3A_233 = arith.constant 0 : i32
      %dma_wait3A_234 = arith.constant 0 : i32
      %dma_wait3A_235 = tpu.memref_slice %arg2[%dma_wait3A_233, %dma_wait3A_234] : memref<10000x128xf32, #tpu.memory_space<hbm>> -> memref<10000x128xf32, #tpu.memory_space<hbm>>
      tpu.wait_indirect_dma semaphore(%arg27 : memref<!tpu.dma_semaphore, #tpu.memory_space<semaphore_mem>>) src(%dma_wait3A_235 : memref<10000x128xf32, #tpu.memory_space<hbm>>) dst(%arg7 : memref<80x128xf32, #tpu.memory_space<vmem>>)
      %dma_start3A_236 = arith.constant 0 : i32
      %dma_start3A_237 = arith.constant 0 : i32
      %dma_start3A_238 = tpu.memref_slice %arg6[%dma_start3A_236, %dma_start3A_237] : memref<10000x128xf32, #tpu.memory_space<vmem_shared>> -> memref<10000x128xf32, #tpu.memory_space<vmem_shared>>
      tpu.enqueue_indirect_dma source(%arg7 : memref<80x128xf32, #tpu.memory_space<vmem>>) target(%dma_start3A_238 : memref<10000x128xf32, #tpu.memory_space<vmem_shared>>) offsets(%arg19 : memref<80xi32, #tpu.memory_space<vmem>>) semaphore(%arg31 : memref<!tpu.dma_semaphore, #tpu.memory_space<semaphore_mem>>) {add = true}
      %add3A_239 = arith.constant 4 : i32
      %add3A_240 = arith.addi %add3A_232, %add3A_239 : i32
      %lt3A = arith.constant 125 : i32
      %lt3A_241 = arith.cmpi slt, %add3A_240, %lt3A : i32
      %convert_element_type3A = arith.extui %lt3A_241 : i1 to i32
      %cond3A = arith.constant 0 : i32
      %cond3A_242 = arith.cmpi ne, %convert_element_type3A, %cond3A : i32
      scf.if %cond3A_242 {
        %ge3A = arith.constant 0 : i32
        %ge3A_418 = arith.cmpi sge, %add3A_232, %ge3A : i32
        %convert_element_type3A_419 = arith.extui %ge3A_418 : i1 to i32
        %cond3A_420 = arith.constant 0 : i32
        %cond3A_421 = arith.cmpi ne, %convert_element_type3A_419, %cond3A_420 : i32
        scf.if %cond3A_421 {
          %dma_wait3A_439 = arith.constant 0 : i32
          %dma_wait3A_440 = arith.constant 0 : i32
          %dma_wait3A_441 = tpu.memref_slice %arg6[%dma_wait3A_439, %dma_wait3A_440] : memref<10000x128xf32, #tpu.memory_space<vmem_shared>> -> memref<10000x128xf32, #tpu.memory_space<vmem_shared>>
          tpu.wait_indirect_dma semaphore(%arg31 : memref<!tpu.dma_semaphore, #tpu.memory_space<semaphore_mem>>) src(%arg7 : memref<80x128xf32, #tpu.memory_space<vmem>>) dst(%dma_wait3A_441 : memref<10000x128xf32, #tpu.memory_space<vmem_shared>>)
        } else {
        }
        %add3A_422 = arith.constant 4 : i32
        %add3A_423 = arith.addi %add3A_232, %add3A_422 : i32
        %mul3A_424 = arith.constant 80 : i32
        %mul3A_425 = arith.muli %add3A_423, %mul3A_424 : i32
        %add3A_426 = arith.addi %mul3A_2, %mul3A_425 : i32
        %dma_wait3A_427 = tpu.memref_slice %arg3[%add3A_426] : memref<640000xi32, #tpu.memory_space<hbm>> -> memref<80xi32, #tpu.memory_space<hbm>>
        %dma_wait3A_428 = tpu.memref_slice %arg3[%add3A_426] : memref<640000xi32, #tpu.memory_space<hbm>> -> memref<80xi32, #tpu.memory_space<hbm>>
        tpu.wait_dma2 semaphore(%arg39 : memref<!tpu.dma_semaphore, #tpu.memory_space<semaphore_mem>>) src(%dma_wait3A_428 : memref<80xi32, #tpu.memory_space<hbm>>) dst(%arg15 : memref<80xi32, #tpu.memory_space<vmem>>)
        %add3A_429 = arith.constant 320000 : i32
        %add3A_430 = arith.addi %add3A_429, %mul3A_2 : i32
        %mul3A_431 = arith.constant 80 : i32
        %mul3A_432 = arith.muli %add3A_423, %mul3A_431 : i32
        %add3A_433 = arith.addi %add3A_430, %mul3A_432 : i32
        %dma_wait3A_434 = tpu.memref_slice %arg3[%add3A_433] : memref<640000xi32, #tpu.memory_space<hbm>> -> memref<80xi32, #tpu.memory_space<hbm>>
        %dma_wait3A_435 = tpu.memref_slice %arg3[%add3A_433] : memref<640000xi32, #tpu.memory_space<hbm>> -> memref<80xi32, #tpu.memory_space<hbm>>
        tpu.wait_dma2 semaphore(%arg39 : memref<!tpu.dma_semaphore, #tpu.memory_space<semaphore_mem>>) src(%dma_wait3A_435 : memref<80xi32, #tpu.memory_space<hbm>>) dst(%arg23 : memref<80xi32, #tpu.memory_space<vmem>>)
        %dma_start3A_436 = arith.constant 0 : i32
        %dma_start3A_437 = arith.constant 0 : i32
        %dma_start3A_438 = tpu.memref_slice %arg2[%dma_start3A_436, %dma_start3A_437] : memref<10000x128xf32, #tpu.memory_space<hbm>> -> memref<10000x128xf32, #tpu.memory_space<hbm>>
        tpu.enqueue_indirect_dma source(%dma_start3A_438 : memref<10000x128xf32, #tpu.memory_space<hbm>>) target(%arg7 : memref<80x128xf32, #tpu.memory_space<vmem>>) offsets(%arg15 : memref<80xi32, #tpu.memory_space<vmem>>) semaphore(%arg27 : memref<!tpu.dma_semaphore, #tpu.memory_space<semaphore_mem>>)
      } else {
      }
      %add3A_243 = arith.constant 8 : i32
      %add3A_244 = arith.addi %add3A_232, %add3A_243 : i32
      %lt3A_245 = arith.constant 125 : i32
      %lt3A_246 = arith.cmpi slt, %add3A_244, %lt3A_245 : i32
      %convert_element_type3A_247 = arith.extui %lt3A_246 : i1 to i32
      %cond3A_248 = arith.constant 0 : i32
      %cond3A_249 = arith.cmpi ne, %convert_element_type3A_247, %cond3A_248 : i32
      scf.if %cond3A_249 {
        %add3A_418 = arith.constant 8 : i32
        %add3A_419 = arith.addi %add3A_232, %add3A_418 : i32
        %mul3A_420 = arith.constant 80 : i32
        %mul3A_421 = arith.muli %add3A_419, %mul3A_420 : i32
        %add3A_422 = arith.addi %mul3A_2, %mul3A_421 : i32
        %dma_start3A_423 = tpu.memref_slice %arg3[%add3A_422] : memref<640000xi32, #tpu.memory_space<hbm>> -> memref<80xi32, #tpu.memory_space<hbm>>
        %dma_start3A_424 = tpu.memref_slice %arg3[%add3A_422] : memref<640000xi32, #tpu.memory_space<hbm>> -> memref<80xi32, #tpu.memory_space<hbm>>
        tpu.enqueue_dma source(%dma_start3A_424 : memref<80xi32, #tpu.memory_space<hbm>>) target(%arg11 : memref<80xi32, #tpu.memory_space<vmem>>) target_semaphore(%arg35 : memref<!tpu.dma_semaphore, #tpu.memory_space<semaphore_mem>>)
        %add3A_425 = arith.constant 320000 : i32
        %add3A_426 = arith.addi %add3A_425, %mul3A_2 : i32
        %mul3A_427 = arith.constant 80 : i32
        %mul3A_428 = arith.muli %add3A_419, %mul3A_427 : i32
        %add3A_429 = arith.addi %add3A_426, %mul3A_428 : i32
        %dma_start3A_430 = tpu.memref_slice %arg3[%add3A_429] : memref<640000xi32, #tpu.memory_space<hbm>> -> memref<80xi32, #tpu.memory_space<hbm>>
        %dma_start3A_431 = tpu.memref_slice %arg3[%add3A_429] : memref<640000xi32, #tpu.memory_space<hbm>> -> memref<80xi32, #tpu.memory_space<hbm>>
        tpu.enqueue_dma source(%dma_start3A_431 : memref<80xi32, #tpu.memory_space<hbm>>) target(%arg19 : memref<80xi32, #tpu.memory_space<vmem>>) target_semaphore(%arg35 : memref<!tpu.dma_semaphore, #tpu.memory_space<semaphore_mem>>)
      } else {
      }
      %mul3A_250 = arith.constant 8 : i32
      %mul3A_251 = arith.muli %scan3A_228, %mul3A_250 : i32
      %add3A_252 = arith.constant 1 : i32
      %add3A_253 = arith.addi %mul3A_251, %add3A_252 : i32
      %dma_wait3A_254 = arith.constant 0 : i32
      %dma_wait3A_255 = arith.constant 0 : i32
      %dma_wait3A_256 = tpu.memref_slice %arg2[%dma_wait3A_254, %dma_wait3A_255] : memref<10000x128xf32, #tpu.memory_space<hbm>> -> memref<10000x128xf32, #tpu.memory_space<hbm>>
      tpu.wait_indirect_dma semaphore(%arg28 : memref<!tpu.dma_semaphore, #tpu.memory_space<semaphore_mem>>) src(%dma_wait3A_256 : memref<10000x128xf32, #tpu.memory_space<hbm>>) dst(%arg8 : memref<80x128xf32, #tpu.memory_space<vmem>>)
      %dma_start3A_257 = arith.constant 0 : i32
      %dma_start3A_258 = arith.constant 0 : i32
      %dma_start3A_259 = tpu.memref_slice %arg6[%dma_start3A_257, %dma_start3A_258] : memref<10000x128xf32, #tpu.memory_space<vmem_shared>> -> memref<10000x128xf32, #tpu.memory_space<vmem_shared>>
      tpu.enqueue_indirect_dma source(%arg8 : memref<80x128xf32, #tpu.memory_space<vmem>>) target(%dma_start3A_259 : memref<10000x128xf32, #tpu.memory_space<vmem_shared>>) offsets(%arg20 : memref<80xi32, #tpu.memory_space<vmem>>) semaphore(%arg32 : memref<!tpu.dma_semaphore, #tpu.memory_space<semaphore_mem>>) {add = true}
      %add3A_260 = arith.constant 4 : i32
      %add3A_261 = arith.addi %add3A_253, %add3A_260 : i32
      %lt3A_262 = arith.constant 125 : i32
      %lt3A_263 = arith.cmpi slt, %add3A_261, %lt3A_262 : i32
      %convert_element_type3A_264 = arith.extui %lt3A_263 : i1 to i32
      %cond3A_265 = arith.constant 0 : i32
      %cond3A_266 = arith.cmpi ne, %convert_element_type3A_264, %cond3A_265 : i32
      scf.if %cond3A_266 {
        %ge3A = arith.constant 0 : i32
        %ge3A_418 = arith.cmpi sge, %add3A_253, %ge3A : i32
        %convert_element_type3A_419 = arith.extui %ge3A_418 : i1 to i32
        %cond3A_420 = arith.constant 0 : i32
        %cond3A_421 = arith.cmpi ne, %convert_element_type3A_419, %cond3A_420 : i32
        scf.if %cond3A_421 {
          %dma_wait3A_439 = arith.constant 0 : i32
          %dma_wait3A_440 = arith.constant 0 : i32
          %dma_wait3A_441 = tpu.memref_slice %arg6[%dma_wait3A_439, %dma_wait3A_440] : memref<10000x128xf32, #tpu.memory_space<vmem_shared>> -> memref<10000x128xf32, #tpu.memory_space<vmem_shared>>
          tpu.wait_indirect_dma semaphore(%arg32 : memref<!tpu.dma_semaphore, #tpu.memory_space<semaphore_mem>>) src(%arg8 : memref<80x128xf32, #tpu.memory_space<vmem>>) dst(%dma_wait3A_441 : memref<10000x128xf32, #tpu.memory_space<vmem_shared>>)
        } else {
        }
        %add3A_422 = arith.constant 4 : i32
        %add3A_423 = arith.addi %add3A_253, %add3A_422 : i32
        %mul3A_424 = arith.constant 80 : i32
        %mul3A_425 = arith.muli %add3A_423, %mul3A_424 : i32
        %add3A_426 = arith.addi %mul3A_2, %mul3A_425 : i32
        %dma_wait3A_427 = tpu.memref_slice %arg3[%add3A_426] : memref<640000xi32, #tpu.memory_space<hbm>> -> memref<80xi32, #tpu.memory_space<hbm>>
        %dma_wait3A_428 = tpu.memref_slice %arg3[%add3A_426] : memref<640000xi32, #tpu.memory_space<hbm>> -> memref<80xi32, #tpu.memory_space<hbm>>
        tpu.wait_dma2 semaphore(%arg40 : memref<!tpu.dma_semaphore, #tpu.memory_space<semaphore_mem>>) src(%dma_wait3A_428 : memref<80xi32, #tpu.memory_space<hbm>>) dst(%arg16 : memref<80xi32, #tpu.memory_space<vmem>>)
        %add3A_429 = arith.constant 320000 : i32
        %add3A_430 = arith.addi %add3A_429, %mul3A_2 : i32
        %mul3A_431 = arith.constant 80 : i32
        %mul3A_432 = arith.muli %add3A_423, %mul3A_431 : i32
        %add3A_433 = arith.addi %add3A_430, %mul3A_432 : i32
        %dma_wait3A_434 = tpu.memref_slice %arg3[%add3A_433] : memref<640000xi32, #tpu.memory_space<hbm>> -> memref<80xi32, #tpu.memory_space<hbm>>
        %dma_wait3A_435 = tpu.memref_slice %arg3[%add3A_433] : memref<640000xi32, #tpu.memory_space<hbm>> -> memref<80xi32, #tpu.memory_space<hbm>>
        tpu.wait_dma2 semaphore(%arg40 : memref<!tpu.dma_semaphore, #tpu.memory_space<semaphore_mem>>) src(%dma_wait3A_435 : memref<80xi32, #tpu.memory_space<hbm>>) dst(%arg24 : memref<80xi32, #tpu.memory_space<vmem>>)
        %dma_start3A_436 = arith.constant 0 : i32
        %dma_start3A_437 = arith.constant 0 : i32
        %dma_start3A_438 = tpu.memref_slice %arg2[%dma_start3A_436, %dma_start3A_437] : memref<10000x128xf32, #tpu.memory_space<hbm>> -> memref<10000x128xf32, #tpu.memory_space<hbm>>
        tpu.enqueue_indirect_dma source(%dma_start3A_438 : memref<10000x128xf32, #tpu.memory_space<hbm>>) target(%arg8 : memref<80x128xf32, #tpu.memory_space<vmem>>) offsets(%arg16 : memref<80xi32, #tpu.memory_space<vmem>>) semaphore(%arg28 : memref<!tpu.dma_semaphore, #tpu.memory_space<semaphore_mem>>)
      } else {
      }
      %add3A_267 = arith.constant 8 : i32
      %add3A_268 = arith.addi %add3A_253, %add3A_267 : i32
      %lt3A_269 = arith.constant 125 : i32
      %lt3A_270 = arith.cmpi slt, %add3A_268, %lt3A_269 : i32
      %convert_element_type3A_271 = arith.extui %lt3A_270 : i1 to i32
      %cond3A_272 = arith.constant 0 : i32
      %cond3A_273 = arith.cmpi ne, %convert_element_type3A_271, %cond3A_272 : i32
      scf.if %cond3A_273 {
        %add3A_418 = arith.constant 8 : i32
        %add3A_419 = arith.addi %add3A_253, %add3A_418 : i32
        %mul3A_420 = arith.constant 80 : i32
        %mul3A_421 = arith.muli %add3A_419, %mul3A_420 : i32
        %add3A_422 = arith.addi %mul3A_2, %mul3A_421 : i32
        %dma_start3A_423 = tpu.memref_slice %arg3[%add3A_422] : memref<640000xi32, #tpu.memory_space<hbm>> -> memref<80xi32, #tpu.memory_space<hbm>>
        %dma_start3A_424 = tpu.memref_slice %arg3[%add3A_422] : memref<640000xi32, #tpu.memory_space<hbm>> -> memref<80xi32, #tpu.memory_space<hbm>>
        tpu.enqueue_dma source(%dma_start3A_424 : memref<80xi32, #tpu.memory_space<hbm>>) target(%arg12 : memref<80xi32, #tpu.memory_space<vmem>>) target_semaphore(%arg36 : memref<!tpu.dma_semaphore, #tpu.memory_space<semaphore_mem>>)
        %add3A_425 = arith.constant 320000 : i32
        %add3A_426 = arith.addi %add3A_425, %mul3A_2 : i32
        %mul3A_427 = arith.constant 80 : i32
        %mul3A_428 = arith.muli %add3A_419, %mul3A_427 : i32
        %add3A_429 = arith.addi %add3A_426, %mul3A_428 : i32
        %dma_start3A_430 = tpu.memref_slice %arg3[%add3A_429] : memref<640000xi32, #tpu.memory_space<hbm>> -> memref<80xi32, #tpu.memory_space<hbm>>
        %dma_start3A_431 = tpu.memref_slice %arg3[%add3A_429] : memref<640000xi32, #tpu.memory_space<hbm>> -> memref<80xi32, #tpu.memory_space<hbm>>
        tpu.enqueue_dma source(%dma_start3A_431 : memref<80xi32, #tpu.memory_space<hbm>>) target(%arg20 : memref<80xi32, #tpu.memory_space<vmem>>) target_semaphore(%arg36 : memref<!tpu.dma_semaphore, #tpu.memory_space<semaphore_mem>>)
      } else {
      }
      %mul3A_274 = arith.constant 8 : i32
      %mul3A_275 = arith.muli %scan3A_228, %mul3A_274 : i32
      %add3A_276 = arith.constant 2 : i32
      %add3A_277 = arith.addi %mul3A_275, %add3A_276 : i32
      %dma_wait3A_278 = arith.constant 0 : i32
      %dma_wait3A_279 = arith.constant 0 : i32
      %dma_wait3A_280 = tpu.memref_slice %arg2[%dma_wait3A_278, %dma_wait3A_279] : memref<10000x128xf32, #tpu.memory_space<hbm>> -> memref<10000x128xf32, #tpu.memory_space<hbm>>
      tpu.wait_indirect_dma semaphore(%arg29 : memref<!tpu.dma_semaphore, #tpu.memory_space<semaphore_mem>>) src(%dma_wait3A_280 : memref<10000x128xf32, #tpu.memory_space<hbm>>) dst(%arg9 : memref<80x128xf32, #tpu.memory_space<vmem>>)
      %dma_start3A_281 = arith.constant 0 : i32
      %dma_start3A_282 = arith.constant 0 : i32
      %dma_start3A_283 = tpu.memref_slice %arg6[%dma_start3A_281, %dma_start3A_282] : memref<10000x128xf32, #tpu.memory_space<vmem_shared>> -> memref<10000x128xf32, #tpu.memory_space<vmem_shared>>
      tpu.enqueue_indirect_dma source(%arg9 : memref<80x128xf32, #tpu.memory_space<vmem>>) target(%dma_start3A_283 : memref<10000x128xf32, #tpu.memory_space<vmem_shared>>) offsets(%arg21 : memref<80xi32, #tpu.memory_space<vmem>>) semaphore(%arg33 : memref<!tpu.dma_semaphore, #tpu.memory_space<semaphore_mem>>) {add = true}
      %add3A_284 = arith.constant 4 : i32
      %add3A_285 = arith.addi %add3A_277, %add3A_284 : i32
      %lt3A_286 = arith.constant 125 : i32
      %lt3A_287 = arith.cmpi slt, %add3A_285, %lt3A_286 : i32
      %convert_element_type3A_288 = arith.extui %lt3A_287 : i1 to i32
      %cond3A_289 = arith.constant 0 : i32
      %cond3A_290 = arith.cmpi ne, %convert_element_type3A_288, %cond3A_289 : i32
      scf.if %cond3A_290 {
        %ge3A = arith.constant 0 : i32
        %ge3A_418 = arith.cmpi sge, %add3A_277, %ge3A : i32
        %convert_element_type3A_419 = arith.extui %ge3A_418 : i1 to i32
        %cond3A_420 = arith.constant 0 : i32
        %cond3A_421 = arith.cmpi ne, %convert_element_type3A_419, %cond3A_420 : i32
        scf.if %cond3A_421 {
          %dma_wait3A_439 = arith.constant 0 : i32
          %dma_wait3A_440 = arith.constant 0 : i32
          %dma_wait3A_441 = tpu.memref_slice %arg6[%dma_wait3A_439, %dma_wait3A_440] : memref<10000x128xf32, #tpu.memory_space<vmem_shared>> -> memref<10000x128xf32, #tpu.memory_space<vmem_shared>>
          tpu.wait_indirect_dma semaphore(%arg33 : memref<!tpu.dma_semaphore, #tpu.memory_space<semaphore_mem>>) src(%arg9 : memref<80x128xf32, #tpu.memory_space<vmem>>) dst(%dma_wait3A_441 : memref<10000x128xf32, #tpu.memory_space<vmem_shared>>)
        } else {
        }
        %add3A_422 = arith.constant 4 : i32
        %add3A_423 = arith.addi %add3A_277, %add3A_422 : i32
        %mul3A_424 = arith.constant 80 : i32
        %mul3A_425 = arith.muli %add3A_423, %mul3A_424 : i32
        %add3A_426 = arith.addi %mul3A_2, %mul3A_425 : i32
        %dma_wait3A_427 = tpu.memref_slice %arg3[%add3A_426] : memref<640000xi32, #tpu.memory_space<hbm>> -> memref<80xi32, #tpu.memory_space<hbm>>
        %dma_wait3A_428 = tpu.memref_slice %arg3[%add3A_426] : memref<640000xi32, #tpu.memory_space<hbm>> -> memref<80xi32, #tpu.memory_space<hbm>>
        tpu.wait_dma2 semaphore(%arg41 : memref<!tpu.dma_semaphore, #tpu.memory_space<semaphore_mem>>) src(%dma_wait3A_428 : memref<80xi32, #tpu.memory_space<hbm>>) dst(%arg17 : memref<80xi32, #tpu.memory_space<vmem>>)
        %add3A_429 = arith.constant 320000 : i32
        %add3A_430 = arith.addi %add3A_429, %mul3A_2 : i32
        %mul3A_431 = arith.constant 80 : i32
        %mul3A_432 = arith.muli %add3A_423, %mul3A_431 : i32
        %add3A_433 = arith.addi %add3A_430, %mul3A_432 : i32
        %dma_wait3A_434 = tpu.memref_slice %arg3[%add3A_433] : memref<640000xi32, #tpu.memory_space<hbm>> -> memref<80xi32, #tpu.memory_space<hbm>>
        %dma_wait3A_435 = tpu.memref_slice %arg3[%add3A_433] : memref<640000xi32, #tpu.memory_space<hbm>> -> memref<80xi32, #tpu.memory_space<hbm>>
        tpu.wait_dma2 semaphore(%arg41 : memref<!tpu.dma_semaphore, #tpu.memory_space<semaphore_mem>>) src(%dma_wait3A_435 : memref<80xi32, #tpu.memory_space<hbm>>) dst(%arg25 : memref<80xi32, #tpu.memory_space<vmem>>)
        %dma_start3A_436 = arith.constant 0 : i32
        %dma_start3A_437 = arith.constant 0 : i32
        %dma_start3A_438 = tpu.memref_slice %arg2[%dma_start3A_436, %dma_start3A_437] : memref<10000x128xf32, #tpu.memory_space<hbm>> -> memref<10000x128xf32, #tpu.memory_space<hbm>>
        tpu.enqueue_indirect_dma source(%dma_start3A_438 : memref<10000x128xf32, #tpu.memory_space<hbm>>) target(%arg9 : memref<80x128xf32, #tpu.memory_space<vmem>>) offsets(%arg17 : memref<80xi32, #tpu.memory_space<vmem>>) semaphore(%arg29 : memref<!tpu.dma_semaphore, #tpu.memory_space<semaphore_mem>>)
      } else {
      }
      %add3A_291 = arith.constant 8 : i32
      %add3A_292 = arith.addi %add3A_277, %add3A_291 : i32
      %lt3A_293 = arith.constant 125 : i32
      %lt3A_294 = arith.cmpi slt, %add3A_292, %lt3A_293 : i32
      %convert_element_type3A_295 = arith.extui %lt3A_294 : i1 to i32
      %cond3A_296 = arith.constant 0 : i32
      %cond3A_297 = arith.cmpi ne, %convert_element_type3A_295, %cond3A_296 : i32
      scf.if %cond3A_297 {
        %add3A_418 = arith.constant 8 : i32
        %add3A_419 = arith.addi %add3A_277, %add3A_418 : i32
        %mul3A_420 = arith.constant 80 : i32
        %mul3A_421 = arith.muli %add3A_419, %mul3A_420 : i32
        %add3A_422 = arith.addi %mul3A_2, %mul3A_421 : i32
        %dma_start3A_423 = tpu.memref_slice %arg3[%add3A_422] : memref<640000xi32, #tpu.memory_space<hbm>> -> memref<80xi32, #tpu.memory_space<hbm>>
        %dma_start3A_424 = tpu.memref_slice %arg3[%add3A_422] : memref<640000xi32, #tpu.memory_space<hbm>> -> memref<80xi32, #tpu.memory_space<hbm>>
        tpu.enqueue_dma source(%dma_start3A_424 : memref<80xi32, #tpu.memory_space<hbm>>) target(%arg13 : memref<80xi32, #tpu.memory_space<vmem>>) target_semaphore(%arg37 : memref<!tpu.dma_semaphore, #tpu.memory_space<semaphore_mem>>)
        %add3A_425 = arith.constant 320000 : i32
        %add3A_426 = arith.addi %add3A_425, %mul3A_2 : i32
        %mul3A_427 = arith.constant 80 : i32
        %mul3A_428 = arith.muli %add3A_419, %mul3A_427 : i32
        %add3A_429 = arith.addi %add3A_426, %mul3A_428 : i32
        %dma_start3A_430 = tpu.memref_slice %arg3[%add3A_429] : memref<640000xi32, #tpu.memory_space<hbm>> -> memref<80xi32, #tpu.memory_space<hbm>>
        %dma_start3A_431 = tpu.memref_slice %arg3[%add3A_429] : memref<640000xi32, #tpu.memory_space<hbm>> -> memref<80xi32, #tpu.memory_space<hbm>>
        tpu.enqueue_dma source(%dma_start3A_431 : memref<80xi32, #tpu.memory_space<hbm>>) target(%arg21 : memref<80xi32, #tpu.memory_space<vmem>>) target_semaphore(%arg37 : memref<!tpu.dma_semaphore, #tpu.memory_space<semaphore_mem>>)
      } else {
      }
      %mul3A_298 = arith.constant 8 : i32
      %mul3A_299 = arith.muli %scan3A_228, %mul3A_298 : i32
      %add3A_300 = arith.constant 3 : i32
      %add3A_301 = arith.addi %mul3A_299, %add3A_300 : i32
      %dma_wait3A_302 = arith.constant 0 : i32
      %dma_wait3A_303 = arith.constant 0 : i32
      %dma_wait3A_304 = tpu.memref_slice %arg2[%dma_wait3A_302, %dma_wait3A_303] : memref<10000x128xf32, #tpu.memory_space<hbm>> -> memref<10000x128xf32, #tpu.memory_space<hbm>>
      tpu.wait_indirect_dma semaphore(%arg30 : memref<!tpu.dma_semaphore, #tpu.memory_space<semaphore_mem>>) src(%dma_wait3A_304 : memref<10000x128xf32, #tpu.memory_space<hbm>>) dst(%arg10 : memref<80x128xf32, #tpu.memory_space<vmem>>)
      %dma_start3A_305 = arith.constant 0 : i32
      %dma_start3A_306 = arith.constant 0 : i32
      %dma_start3A_307 = tpu.memref_slice %arg6[%dma_start3A_305, %dma_start3A_306] : memref<10000x128xf32, #tpu.memory_space<vmem_shared>> -> memref<10000x128xf32, #tpu.memory_space<vmem_shared>>
      tpu.enqueue_indirect_dma source(%arg10 : memref<80x128xf32, #tpu.memory_space<vmem>>) target(%dma_start3A_307 : memref<10000x128xf32, #tpu.memory_space<vmem_shared>>) offsets(%arg22 : memref<80xi32, #tpu.memory_space<vmem>>) semaphore(%arg34 : memref<!tpu.dma_semaphore, #tpu.memory_space<semaphore_mem>>) {add = true}
      %add3A_308 = arith.constant 4 : i32
      %add3A_309 = arith.addi %add3A_301, %add3A_308 : i32
      %lt3A_310 = arith.constant 125 : i32
      %lt3A_311 = arith.cmpi slt, %add3A_309, %lt3A_310 : i32
      %convert_element_type3A_312 = arith.extui %lt3A_311 : i1 to i32
      %cond3A_313 = arith.constant 0 : i32
      %cond3A_314 = arith.cmpi ne, %convert_element_type3A_312, %cond3A_313 : i32
      scf.if %cond3A_314 {
        %ge3A = arith.constant 0 : i32
        %ge3A_418 = arith.cmpi sge, %add3A_301, %ge3A : i32
        %convert_element_type3A_419 = arith.extui %ge3A_418 : i1 to i32
        %cond3A_420 = arith.constant 0 : i32
        %cond3A_421 = arith.cmpi ne, %convert_element_type3A_419, %cond3A_420 : i32
        scf.if %cond3A_421 {
          %dma_wait3A_439 = arith.constant 0 : i32
          %dma_wait3A_440 = arith.constant 0 : i32
          %dma_wait3A_441 = tpu.memref_slice %arg6[%dma_wait3A_439, %dma_wait3A_440] : memref<10000x128xf32, #tpu.memory_space<vmem_shared>> -> memref<10000x128xf32, #tpu.memory_space<vmem_shared>>
          tpu.wait_indirect_dma semaphore(%arg34 : memref<!tpu.dma_semaphore, #tpu.memory_space<semaphore_mem>>) src(%arg10 : memref<80x128xf32, #tpu.memory_space<vmem>>) dst(%dma_wait3A_441 : memref<10000x128xf32, #tpu.memory_space<vmem_shared>>)
        } else {
        }
        %add3A_422 = arith.constant 4 : i32
        %add3A_423 = arith.addi %add3A_301, %add3A_422 : i32
        %mul3A_424 = arith.constant 80 : i32
        %mul3A_425 = arith.muli %add3A_423, %mul3A_424 : i32
        %add3A_426 = arith.addi %mul3A_2, %mul3A_425 : i32
        %dma_wait3A_427 = tpu.memref_slice %arg3[%add3A_426] : memref<640000xi32, #tpu.memory_space<hbm>> -> memref<80xi32, #tpu.memory_space<hbm>>
        %dma_wait3A_428 = tpu.memref_slice %arg3[%add3A_426] : memref<640000xi32, #tpu.memory_space<hbm>> -> memref<80xi32, #tpu.memory_space<hbm>>
        tpu.wait_dma2 semaphore(%arg42 : memref<!tpu.dma_semaphore, #tpu.memory_space<semaphore_mem>>) src(%dma_wait3A_428 : memref<80xi32, #tpu.memory_space<hbm>>) dst(%arg18 : memref<80xi32, #tpu.memory_space<vmem>>)
        %add3A_429 = arith.constant 320000 : i32
        %add3A_430 = arith.addi %add3A_429, %mul3A_2 : i32
        %mul3A_431 = arith.constant 80 : i32
        %mul3A_432 = arith.muli %add3A_423, %mul3A_431 : i32
        %add3A_433 = arith.addi %add3A_430, %mul3A_432 : i32
        %dma_wait3A_434 = tpu.memref_slice %arg3[%add3A_433] : memref<640000xi32, #tpu.memory_space<hbm>> -> memref<80xi32, #tpu.memory_space<hbm>>
        %dma_wait3A_435 = tpu.memref_slice %arg3[%add3A_433] : memref<640000xi32, #tpu.memory_space<hbm>> -> memref<80xi32, #tpu.memory_space<hbm>>
        tpu.wait_dma2 semaphore(%arg42 : memref<!tpu.dma_semaphore, #tpu.memory_space<semaphore_mem>>) src(%dma_wait3A_435 : memref<80xi32, #tpu.memory_space<hbm>>) dst(%arg26 : memref<80xi32, #tpu.memory_space<vmem>>)
        %dma_start3A_436 = arith.constant 0 : i32
        %dma_start3A_437 = arith.constant 0 : i32
        %dma_start3A_438 = tpu.memref_slice %arg2[%dma_start3A_436, %dma_start3A_437] : memref<10000x128xf32, #tpu.memory_space<hbm>> -> memref<10000x128xf32, #tpu.memory_space<hbm>>
        tpu.enqueue_indirect_dma source(%dma_start3A_438 : memref<10000x128xf32, #tpu.memory_space<hbm>>) target(%arg10 : memref<80x128xf32, #tpu.memory_space<vmem>>) offsets(%arg18 : memref<80xi32, #tpu.memory_space<vmem>>) semaphore(%arg30 : memref<!tpu.dma_semaphore, #tpu.memory_space<semaphore_mem>>)
      } else {
      }
      %add3A_315 = arith.constant 8 : i32
      %add3A_316 = arith.addi %add3A_301, %add3A_315 : i32
      %lt3A_317 = arith.constant 125 : i32
      %lt3A_318 = arith.cmpi slt, %add3A_316, %lt3A_317 : i32
      %convert_element_type3A_319 = arith.extui %lt3A_318 : i1 to i32
      %cond3A_320 = arith.constant 0 : i32
      %cond3A_321 = arith.cmpi ne, %convert_element_type3A_319, %cond3A_320 : i32
      scf.if %cond3A_321 {
        %add3A_418 = arith.constant 8 : i32
        %add3A_419 = arith.addi %add3A_301, %add3A_418 : i32
        %mul3A_420 = arith.constant 80 : i32
        %mul3A_421 = arith.muli %add3A_419, %mul3A_420 : i32
        %add3A_422 = arith.addi %mul3A_2, %mul3A_421 : i32
        %dma_start3A_423 = tpu.memref_slice %arg3[%add3A_422] : memref<640000xi32, #tpu.memory_space<hbm>> -> memref<80xi32, #tpu.memory_space<hbm>>
        %dma_start3A_424 = tpu.memref_slice %arg3[%add3A_422] : memref<640000xi32, #tpu.memory_space<hbm>> -> memref<80xi32, #tpu.memory_space<hbm>>
        tpu.enqueue_dma source(%dma_start3A_424 : memref<80xi32, #tpu.memory_space<hbm>>) target(%arg14 : memref<80xi32, #tpu.memory_space<vmem>>) target_semaphore(%arg38 : memref<!tpu.dma_semaphore, #tpu.memory_space<semaphore_mem>>)
        %add3A_425 = arith.constant 320000 : i32
        %add3A_426 = arith.addi %add3A_425, %mul3A_2 : i32
        %mul3A_427 = arith.constant 80 : i32
        %mul3A_428 = arith.muli %add3A_419, %mul3A_427 : i32
        %add3A_429 = arith.addi %add3A_426, %mul3A_428 : i32
        %dma_start3A_430 = tpu.memref_slice %arg3[%add3A_429] : memref<640000xi32, #tpu.memory_space<hbm>> -> memref<80xi32, #tpu.memory_space<hbm>>
        %dma_start3A_431 = tpu.memref_slice %arg3[%add3A_429] : memref<640000xi32, #tpu.memory_space<hbm>> -> memref<80xi32, #tpu.memory_space<hbm>>
        tpu.enqueue_dma source(%dma_start3A_431 : memref<80xi32, #tpu.memory_space<hbm>>) target(%arg22 : memref<80xi32, #tpu.memory_space<vmem>>) target_semaphore(%arg38 : memref<!tpu.dma_semaphore, #tpu.memory_space<semaphore_mem>>)
      } else {
      }
      %mul3A_322 = arith.constant 8 : i32
      %mul3A_323 = arith.muli %scan3A_228, %mul3A_322 : i32
      %add3A_324 = arith.constant 4 : i32
      %add3A_325 = arith.addi %mul3A_323, %add3A_324 : i32
      %dma_wait3A_326 = arith.constant 0 : i32
      %dma_wait3A_327 = arith.constant 0 : i32
      %dma_wait3A_328 = tpu.memref_slice %arg2[%dma_wait3A_326, %dma_wait3A_327] : memref<10000x128xf32, #tpu.memory_space<hbm>> -> memref<10000x128xf32, #tpu.memory_space<hbm>>
      tpu.wait_indirect_dma semaphore(%arg27 : memref<!tpu.dma_semaphore, #tpu.memory_space<semaphore_mem>>) src(%dma_wait3A_328 : memref<10000x128xf32, #tpu.memory_space<hbm>>) dst(%arg7 : memref<80x128xf32, #tpu.memory_space<vmem>>)
      %dma_start3A_329 = arith.constant 0 : i32
      %dma_start3A_330 = arith.constant 0 : i32
      %dma_start3A_331 = tpu.memref_slice %arg6[%dma_start3A_329, %dma_start3A_330] : memref<10000x128xf32, #tpu.memory_space<vmem_shared>> -> memref<10000x128xf32, #tpu.memory_space<vmem_shared>>
      tpu.enqueue_indirect_dma source(%arg7 : memref<80x128xf32, #tpu.memory_space<vmem>>) target(%dma_start3A_331 : memref<10000x128xf32, #tpu.memory_space<vmem_shared>>) offsets(%arg23 : memref<80xi32, #tpu.memory_space<vmem>>) semaphore(%arg31 : memref<!tpu.dma_semaphore, #tpu.memory_space<semaphore_mem>>) {add = true}
      %add3A_332 = arith.constant 4 : i32
      %add3A_333 = arith.addi %add3A_325, %add3A_332 : i32
      %lt3A_334 = arith.constant 125 : i32
      %lt3A_335 = arith.cmpi slt, %add3A_333, %lt3A_334 : i32
      %convert_element_type3A_336 = arith.extui %lt3A_335 : i1 to i32
      %cond3A_337 = arith.constant 0 : i32
      %cond3A_338 = arith.cmpi ne, %convert_element_type3A_336, %cond3A_337 : i32
      scf.if %cond3A_338 {
        %ge3A = arith.constant 0 : i32
        %ge3A_418 = arith.cmpi sge, %add3A_325, %ge3A : i32
        %convert_element_type3A_419 = arith.extui %ge3A_418 : i1 to i32
        %cond3A_420 = arith.constant 0 : i32
        %cond3A_421 = arith.cmpi ne, %convert_element_type3A_419, %cond3A_420 : i32
        scf.if %cond3A_421 {
          %dma_wait3A_439 = arith.constant 0 : i32
          %dma_wait3A_440 = arith.constant 0 : i32
          %dma_wait3A_441 = tpu.memref_slice %arg6[%dma_wait3A_439, %dma_wait3A_440] : memref<10000x128xf32, #tpu.memory_space<vmem_shared>> -> memref<10000x128xf32, #tpu.memory_space<vmem_shared>>
          tpu.wait_indirect_dma semaphore(%arg31 : memref<!tpu.dma_semaphore, #tpu.memory_space<semaphore_mem>>) src(%arg7 : memref<80x128xf32, #tpu.memory_space<vmem>>) dst(%dma_wait3A_441 : memref<10000x128xf32, #tpu.memory_space<vmem_shared>>)
        } else {
        }
        %add3A_422 = arith.constant 4 : i32
        %add3A_423 = arith.addi %add3A_325, %add3A_422 : i32
        %mul3A_424 = arith.constant 80 : i32
        %mul3A_425 = arith.muli %add3A_423, %mul3A_424 : i32
        %add3A_426 = arith.addi %mul3A_2, %mul3A_425 : i32
        %dma_wait3A_427 = tpu.memref_slice %arg3[%add3A_426] : memref<640000xi32, #tpu.memory_space<hbm>> -> memref<80xi32, #tpu.memory_space<hbm>>
        %dma_wait3A_428 = tpu.memref_slice %arg3[%add3A_426] : memref<640000xi32, #tpu.memory_space<hbm>> -> memref<80xi32, #tpu.memory_space<hbm>>
        tpu.wait_dma2 semaphore(%arg35 : memref<!tpu.dma_semaphore, #tpu.memory_space<semaphore_mem>>) src(%dma_wait3A_428 : memref<80xi32, #tpu.memory_space<hbm>>) dst(%arg11 : memref<80xi32, #tpu.memory_space<vmem>>)
        %add3A_429 = arith.constant 320000 : i32
        %add3A_430 = arith.addi %add3A_429, %mul3A_2 : i32
        %mul3A_431 = arith.constant 80 : i32
        %mul3A_432 = arith.muli %add3A_423, %mul3A_431 : i32
        %add3A_433 = arith.addi %add3A_430, %mul3A_432 : i32
        %dma_wait3A_434 = tpu.memref_slice %arg3[%add3A_433] : memref<640000xi32, #tpu.memory_space<hbm>> -> memref<80xi32, #tpu.memory_space<hbm>>
        %dma_wait3A_435 = tpu.memref_slice %arg3[%add3A_433] : memref<640000xi32, #tpu.memory_space<hbm>> -> memref<80xi32, #tpu.memory_space<hbm>>
        tpu.wait_dma2 semaphore(%arg35 : memref<!tpu.dma_semaphore, #tpu.memory_space<semaphore_mem>>) src(%dma_wait3A_435 : memref<80xi32, #tpu.memory_space<hbm>>) dst(%arg19 : memref<80xi32, #tpu.memory_space<vmem>>)
        %dma_start3A_436 = arith.constant 0 : i32
        %dma_start3A_437 = arith.constant 0 : i32
        %dma_start3A_438 = tpu.memref_slice %arg2[%dma_start3A_436, %dma_start3A_437] : memref<10000x128xf32, #tpu.memory_space<hbm>> -> memref<10000x128xf32, #tpu.memory_space<hbm>>
        tpu.enqueue_indirect_dma source(%dma_start3A_438 : memref<10000x128xf32, #tpu.memory_space<hbm>>) target(%arg7 : memref<80x128xf32, #tpu.memory_space<vmem>>) offsets(%arg11 : memref<80xi32, #tpu.memory_space<vmem>>) semaphore(%arg27 : memref<!tpu.dma_semaphore, #tpu.memory_space<semaphore_mem>>)
      } else {
      }
      %add3A_339 = arith.constant 8 : i32
      %add3A_340 = arith.addi %add3A_325, %add3A_339 : i32
      %lt3A_341 = arith.constant 125 : i32
      %lt3A_342 = arith.cmpi slt, %add3A_340, %lt3A_341 : i32
      %convert_element_type3A_343 = arith.extui %lt3A_342 : i1 to i32
      %cond3A_344 = arith.constant 0 : i32
      %cond3A_345 = arith.cmpi ne, %convert_element_type3A_343, %cond3A_344 : i32
      scf.if %cond3A_345 {
        %add3A_418 = arith.constant 8 : i32
        %add3A_419 = arith.addi %add3A_325, %add3A_418 : i32
        %mul3A_420 = arith.constant 80 : i32
        %mul3A_421 = arith.muli %add3A_419, %mul3A_420 : i32
        %add3A_422 = arith.addi %mul3A_2, %mul3A_421 : i32
        %dma_start3A_423 = tpu.memref_slice %arg3[%add3A_422] : memref<640000xi32, #tpu.memory_space<hbm>> -> memref<80xi32, #tpu.memory_space<hbm>>
        %dma_start3A_424 = tpu.memref_slice %arg3[%add3A_422] : memref<640000xi32, #tpu.memory_space<hbm>> -> memref<80xi32, #tpu.memory_space<hbm>>
        tpu.enqueue_dma source(%dma_start3A_424 : memref<80xi32, #tpu.memory_space<hbm>>) target(%arg15 : memref<80xi32, #tpu.memory_space<vmem>>) target_semaphore(%arg39 : memref<!tpu.dma_semaphore, #tpu.memory_space<semaphore_mem>>)
        %add3A_425 = arith.constant 320000 : i32
        %add3A_426 = arith.addi %add3A_425, %mul3A_2 : i32
        %mul3A_427 = arith.constant 80 : i32
        %mul3A_428 = arith.muli %add3A_419, %mul3A_427 : i32
        %add3A_429 = arith.addi %add3A_426, %mul3A_428 : i32
        %dma_start3A_430 = tpu.memref_slice %arg3[%add3A_429] : memref<640000xi32, #tpu.memory_space<hbm>> -> memref<80xi32, #tpu.memory_space<hbm>>
        %dma_start3A_431 = tpu.memref_slice %arg3[%add3A_429] : memref<640000xi32, #tpu.memory_space<hbm>> -> memref<80xi32, #tpu.memory_space<hbm>>
        tpu.enqueue_dma source(%dma_start3A_431 : memref<80xi32, #tpu.memory_space<hbm>>) target(%arg23 : memref<80xi32, #tpu.memory_space<vmem>>) target_semaphore(%arg39 : memref<!tpu.dma_semaphore, #tpu.memory_space<semaphore_mem>>)
      } else {
      }
      %mul3A_346 = arith.constant 8 : i32
      %mul3A_347 = arith.muli %scan3A_228, %mul3A_346 : i32
      %add3A_348 = arith.constant 5 : i32
      %add3A_349 = arith.addi %mul3A_347, %add3A_348 : i32
      %dma_wait3A_350 = arith.constant 0 : i32
      %dma_wait3A_351 = arith.constant 0 : i32
      %dma_wait3A_352 = tpu.memref_slice %arg2[%dma_wait3A_350, %dma_wait3A_351] : memref<10000x128xf32, #tpu.memory_space<hbm>> -> memref<10000x128xf32, #tpu.memory_space<hbm>>
      tpu.wait_indirect_dma semaphore(%arg28 : memref<!tpu.dma_semaphore, #tpu.memory_space<semaphore_mem>>) src(%dma_wait3A_352 : memref<10000x128xf32, #tpu.memory_space<hbm>>) dst(%arg8 : memref<80x128xf32, #tpu.memory_space<vmem>>)
      %dma_start3A_353 = arith.constant 0 : i32
      %dma_start3A_354 = arith.constant 0 : i32
      %dma_start3A_355 = tpu.memref_slice %arg6[%dma_start3A_353, %dma_start3A_354] : memref<10000x128xf32, #tpu.memory_space<vmem_shared>> -> memref<10000x128xf32, #tpu.memory_space<vmem_shared>>
      tpu.enqueue_indirect_dma source(%arg8 : memref<80x128xf32, #tpu.memory_space<vmem>>) target(%dma_start3A_355 : memref<10000x128xf32, #tpu.memory_space<vmem_shared>>) offsets(%arg24 : memref<80xi32, #tpu.memory_space<vmem>>) semaphore(%arg32 : memref<!tpu.dma_semaphore, #tpu.memory_space<semaphore_mem>>) {add = true}
      %add3A_356 = arith.constant 4 : i32
      %add3A_357 = arith.addi %add3A_349, %add3A_356 : i32
      %lt3A_358 = arith.constant 125 : i32
      %lt3A_359 = arith.cmpi slt, %add3A_357, %lt3A_358 : i32
      %convert_element_type3A_360 = arith.extui %lt3A_359 : i1 to i32
      %cond3A_361 = arith.constant 0 : i32
      %cond3A_362 = arith.cmpi ne, %convert_element_type3A_360, %cond3A_361 : i32
      scf.if %cond3A_362 {
        %ge3A = arith.constant 0 : i32
        %ge3A_418 = arith.cmpi sge, %add3A_349, %ge3A : i32
        %convert_element_type3A_419 = arith.extui %ge3A_418 : i1 to i32
        %cond3A_420 = arith.constant 0 : i32
        %cond3A_421 = arith.cmpi ne, %convert_element_type3A_419, %cond3A_420 : i32
        scf.if %cond3A_421 {
          %dma_wait3A_439 = arith.constant 0 : i32
          %dma_wait3A_440 = arith.constant 0 : i32
          %dma_wait3A_441 = tpu.memref_slice %arg6[%dma_wait3A_439, %dma_wait3A_440] : memref<10000x128xf32, #tpu.memory_space<vmem_shared>> -> memref<10000x128xf32, #tpu.memory_space<vmem_shared>>
          tpu.wait_indirect_dma semaphore(%arg32 : memref<!tpu.dma_semaphore, #tpu.memory_space<semaphore_mem>>) src(%arg8 : memref<80x128xf32, #tpu.memory_space<vmem>>) dst(%dma_wait3A_441 : memref<10000x128xf32, #tpu.memory_space<vmem_shared>>)
        } else {
        }
        %add3A_422 = arith.constant 4 : i32
        %add3A_423 = arith.addi %add3A_349, %add3A_422 : i32
        %mul3A_424 = arith.constant 80 : i32
        %mul3A_425 = arith.muli %add3A_423, %mul3A_424 : i32
        %add3A_426 = arith.addi %mul3A_2, %mul3A_425 : i32
        %dma_wait3A_427 = tpu.memref_slice %arg3[%add3A_426] : memref<640000xi32, #tpu.memory_space<hbm>> -> memref<80xi32, #tpu.memory_space<hbm>>
        %dma_wait3A_428 = tpu.memref_slice %arg3[%add3A_426] : memref<640000xi32, #tpu.memory_space<hbm>> -> memref<80xi32, #tpu.memory_space<hbm>>
        tpu.wait_dma2 semaphore(%arg36 : memref<!tpu.dma_semaphore, #tpu.memory_space<semaphore_mem>>) src(%dma_wait3A_428 : memref<80xi32, #tpu.memory_space<hbm>>) dst(%arg12 : memref<80xi32, #tpu.memory_space<vmem>>)
        %add3A_429 = arith.constant 320000 : i32
        %add3A_430 = arith.addi %add3A_429, %mul3A_2 : i32
        %mul3A_431 = arith.constant 80 : i32
        %mul3A_432 = arith.muli %add3A_423, %mul3A_431 : i32
        %add3A_433 = arith.addi %add3A_430, %mul3A_432 : i32
        %dma_wait3A_434 = tpu.memref_slice %arg3[%add3A_433] : memref<640000xi32, #tpu.memory_space<hbm>> -> memref<80xi32, #tpu.memory_space<hbm>>
        %dma_wait3A_435 = tpu.memref_slice %arg3[%add3A_433] : memref<640000xi32, #tpu.memory_space<hbm>> -> memref<80xi32, #tpu.memory_space<hbm>>
        tpu.wait_dma2 semaphore(%arg36 : memref<!tpu.dma_semaphore, #tpu.memory_space<semaphore_mem>>) src(%dma_wait3A_435 : memref<80xi32, #tpu.memory_space<hbm>>) dst(%arg20 : memref<80xi32, #tpu.memory_space<vmem>>)
        %dma_start3A_436 = arith.constant 0 : i32
        %dma_start3A_437 = arith.constant 0 : i32
        %dma_start3A_438 = tpu.memref_slice %arg2[%dma_start3A_436, %dma_start3A_437] : memref<10000x128xf32, #tpu.memory_space<hbm>> -> memref<10000x128xf32, #tpu.memory_space<hbm>>
        tpu.enqueue_indirect_dma source(%dma_start3A_438 : memref<10000x128xf32, #tpu.memory_space<hbm>>) target(%arg8 : memref<80x128xf32, #tpu.memory_space<vmem>>) offsets(%arg12 : memref<80xi32, #tpu.memory_space<vmem>>) semaphore(%arg28 : memref<!tpu.dma_semaphore, #tpu.memory_space<semaphore_mem>>)
      } else {
      }
      %add3A_363 = arith.constant 8 : i32
      %add3A_364 = arith.addi %add3A_349, %add3A_363 : i32
      %lt3A_365 = arith.constant 125 : i32
      %lt3A_366 = arith.cmpi slt, %add3A_364, %lt3A_365 : i32
      %convert_element_type3A_367 = arith.extui %lt3A_366 : i1 to i32
      %cond3A_368 = arith.constant 0 : i32
      %cond3A_369 = arith.cmpi ne, %convert_element_type3A_367, %cond3A_368 : i32
      scf.if %cond3A_369 {
        %add3A_418 = arith.constant 8 : i32
        %add3A_419 = arith.addi %add3A_349, %add3A_418 : i32
        %mul3A_420 = arith.constant 80 : i32
        %mul3A_421 = arith.muli %add3A_419, %mul3A_420 : i32
        %add3A_422 = arith.addi %mul3A_2, %mul3A_421 : i32
        %dma_start3A_423 = tpu.memref_slice %arg3[%add3A_422] : memref<640000xi32, #tpu.memory_space<hbm>> -> memref<80xi32, #tpu.memory_space<hbm>>
        %dma_start3A_424 = tpu.memref_slice %arg3[%add3A_422] : memref<640000xi32, #tpu.memory_space<hbm>> -> memref<80xi32, #tpu.memory_space<hbm>>
        tpu.enqueue_dma source(%dma_start3A_424 : memref<80xi32, #tpu.memory_space<hbm>>) target(%arg16 : memref<80xi32, #tpu.memory_space<vmem>>) target_semaphore(%arg40 : memref<!tpu.dma_semaphore, #tpu.memory_space<semaphore_mem>>)
        %add3A_425 = arith.constant 320000 : i32
        %add3A_426 = arith.addi %add3A_425, %mul3A_2 : i32
        %mul3A_427 = arith.constant 80 : i32
        %mul3A_428 = arith.muli %add3A_419, %mul3A_427 : i32
        %add3A_429 = arith.addi %add3A_426, %mul3A_428 : i32
        %dma_start3A_430 = tpu.memref_slice %arg3[%add3A_429] : memref<640000xi32, #tpu.memory_space<hbm>> -> memref<80xi32, #tpu.memory_space<hbm>>
        %dma_start3A_431 = tpu.memref_slice %arg3[%add3A_429] : memref<640000xi32, #tpu.memory_space<hbm>> -> memref<80xi32, #tpu.memory_space<hbm>>
        tpu.enqueue_dma source(%dma_start3A_431 : memref<80xi32, #tpu.memory_space<hbm>>) target(%arg24 : memref<80xi32, #tpu.memory_space<vmem>>) target_semaphore(%arg40 : memref<!tpu.dma_semaphore, #tpu.memory_space<semaphore_mem>>)
      } else {
      }
      %mul3A_370 = arith.constant 8 : i32
      %mul3A_371 = arith.muli %scan3A_228, %mul3A_370 : i32
      %add3A_372 = arith.constant 6 : i32
      %add3A_373 = arith.addi %mul3A_371, %add3A_372 : i32
      %dma_wait3A_374 = arith.constant 0 : i32
      %dma_wait3A_375 = arith.constant 0 : i32
      %dma_wait3A_376 = tpu.memref_slice %arg2[%dma_wait3A_374, %dma_wait3A_375] : memref<10000x128xf32, #tpu.memory_space<hbm>> -> memref<10000x128xf32, #tpu.memory_space<hbm>>
      tpu.wait_indirect_dma semaphore(%arg29 : memref<!tpu.dma_semaphore, #tpu.memory_space<semaphore_mem>>) src(%dma_wait3A_376 : memref<10000x128xf32, #tpu.memory_space<hbm>>) dst(%arg9 : memref<80x128xf32, #tpu.memory_space<vmem>>)
      %dma_start3A_377 = arith.constant 0 : i32
      %dma_start3A_378 = arith.constant 0 : i32
      %dma_start3A_379 = tpu.memref_slice %arg6[%dma_start3A_377, %dma_start3A_378] : memref<10000x128xf32, #tpu.memory_space<vmem_shared>> -> memref<10000x128xf32, #tpu.memory_space<vmem_shared>>
      tpu.enqueue_indirect_dma source(%arg9 : memref<80x128xf32, #tpu.memory_space<vmem>>) target(%dma_start3A_379 : memref<10000x128xf32, #tpu.memory_space<vmem_shared>>) offsets(%arg25 : memref<80xi32, #tpu.memory_space<vmem>>) semaphore(%arg33 : memref<!tpu.dma_semaphore, #tpu.memory_space<semaphore_mem>>) {add = true}
      %add3A_380 = arith.constant 4 : i32
      %add3A_381 = arith.addi %add3A_373, %add3A_380 : i32
      %lt3A_382 = arith.constant 125 : i32
      %lt3A_383 = arith.cmpi slt, %add3A_381, %lt3A_382 : i32
      %convert_element_type3A_384 = arith.extui %lt3A_383 : i1 to i32
      %cond3A_385 = arith.constant 0 : i32
      %cond3A_386 = arith.cmpi ne, %convert_element_type3A_384, %cond3A_385 : i32
      scf.if %cond3A_386 {
        %ge3A = arith.constant 0 : i32
        %ge3A_418 = arith.cmpi sge, %add3A_373, %ge3A : i32
        %convert_element_type3A_419 = arith.extui %ge3A_418 : i1 to i32
        %cond3A_420 = arith.constant 0 : i32
        %cond3A_421 = arith.cmpi ne, %convert_element_type3A_419, %cond3A_420 : i32
        scf.if %cond3A_421 {
          %dma_wait3A_439 = arith.constant 0 : i32
          %dma_wait3A_440 = arith.constant 0 : i32
          %dma_wait3A_441 = tpu.memref_slice %arg6[%dma_wait3A_439, %dma_wait3A_440] : memref<10000x128xf32, #tpu.memory_space<vmem_shared>> -> memref<10000x128xf32, #tpu.memory_space<vmem_shared>>
          tpu.wait_indirect_dma semaphore(%arg33 : memref<!tpu.dma_semaphore, #tpu.memory_space<semaphore_mem>>) src(%arg9 : memref<80x128xf32, #tpu.memory_space<vmem>>) dst(%dma_wait3A_441 : memref<10000x128xf32, #tpu.memory_space<vmem_shared>>)
        } else {
        }
        %add3A_422 = arith.constant 4 : i32
        %add3A_423 = arith.addi %add3A_373, %add3A_422 : i32
        %mul3A_424 = arith.constant 80 : i32
        %mul3A_425 = arith.muli %add3A_423, %mul3A_424 : i32
        %add3A_426 = arith.addi %mul3A_2, %mul3A_425 : i32
        %dma_wait3A_427 = tpu.memref_slice %arg3[%add3A_426] : memref<640000xi32, #tpu.memory_space<hbm>> -> memref<80xi32, #tpu.memory_space<hbm>>
        %dma_wait3A_428 = tpu.memref_slice %arg3[%add3A_426] : memref<640000xi32, #tpu.memory_space<hbm>> -> memref<80xi32, #tpu.memory_space<hbm>>
        tpu.wait_dma2 semaphore(%arg37 : memref<!tpu.dma_semaphore, #tpu.memory_space<semaphore_mem>>) src(%dma_wait3A_428 : memref<80xi32, #tpu.memory_space<hbm>>) dst(%arg13 : memref<80xi32, #tpu.memory_space<vmem>>)
        %add3A_429 = arith.constant 320000 : i32
        %add3A_430 = arith.addi %add3A_429, %mul3A_2 : i32
        %mul3A_431 = arith.constant 80 : i32
        %mul3A_432 = arith.muli %add3A_423, %mul3A_431 : i32
        %add3A_433 = arith.addi %add3A_430, %mul3A_432 : i32
        %dma_wait3A_434 = tpu.memref_slice %arg3[%add3A_433] : memref<640000xi32, #tpu.memory_space<hbm>> -> memref<80xi32, #tpu.memory_space<hbm>>
        %dma_wait3A_435 = tpu.memref_slice %arg3[%add3A_433] : memref<640000xi32, #tpu.memory_space<hbm>> -> memref<80xi32, #tpu.memory_space<hbm>>
        tpu.wait_dma2 semaphore(%arg37 : memref<!tpu.dma_semaphore, #tpu.memory_space<semaphore_mem>>) src(%dma_wait3A_435 : memref<80xi32, #tpu.memory_space<hbm>>) dst(%arg21 : memref<80xi32, #tpu.memory_space<vmem>>)
        %dma_start3A_436 = arith.constant 0 : i32
        %dma_start3A_437 = arith.constant 0 : i32
        %dma_start3A_438 = tpu.memref_slice %arg2[%dma_start3A_436, %dma_start3A_437] : memref<10000x128xf32, #tpu.memory_space<hbm>> -> memref<10000x128xf32, #tpu.memory_space<hbm>>
        tpu.enqueue_indirect_dma source(%dma_start3A_438 : memref<10000x128xf32, #tpu.memory_space<hbm>>) target(%arg9 : memref<80x128xf32, #tpu.memory_space<vmem>>) offsets(%arg13 : memref<80xi32, #tpu.memory_space<vmem>>) semaphore(%arg29 : memref<!tpu.dma_semaphore, #tpu.memory_space<semaphore_mem>>)
      } else {
      }
      %add3A_387 = arith.constant 8 : i32
      %add3A_388 = arith.addi %add3A_373, %add3A_387 : i32
      %lt3A_389 = arith.constant 125 : i32
      %lt3A_390 = arith.cmpi slt, %add3A_388, %lt3A_389 : i32
      %convert_element_type3A_391 = arith.extui %lt3A_390 : i1 to i32
      %cond3A_392 = arith.constant 0 : i32
      %cond3A_393 = arith.cmpi ne, %convert_element_type3A_391, %cond3A_392 : i32
      scf.if %cond3A_393 {
        %add3A_418 = arith.constant 8 : i32
        %add3A_419 = arith.addi %add3A_373, %add3A_418 : i32
        %mul3A_420 = arith.constant 80 : i32
        %mul3A_421 = arith.muli %add3A_419, %mul3A_420 : i32
        %add3A_422 = arith.addi %mul3A_2, %mul3A_421 : i32
        %dma_start3A_423 = tpu.memref_slice %arg3[%add3A_422] : memref<640000xi32, #tpu.memory_space<hbm>> -> memref<80xi32, #tpu.memory_space<hbm>>
        %dma_start3A_424 = tpu.memref_slice %arg3[%add3A_422] : memref<640000xi32, #tpu.memory_space<hbm>> -> memref<80xi32, #tpu.memory_space<hbm>>
        tpu.enqueue_dma source(%dma_start3A_424 : memref<80xi32, #tpu.memory_space<hbm>>) target(%arg17 : memref<80xi32, #tpu.memory_space<vmem>>) target_semaphore(%arg41 : memref<!tpu.dma_semaphore, #tpu.memory_space<semaphore_mem>>)
        %add3A_425 = arith.constant 320000 : i32
        %add3A_426 = arith.addi %add3A_425, %mul3A_2 : i32
        %mul3A_427 = arith.constant 80 : i32
        %mul3A_428 = arith.muli %add3A_419, %mul3A_427 : i32
        %add3A_429 = arith.addi %add3A_426, %mul3A_428 : i32
        %dma_start3A_430 = tpu.memref_slice %arg3[%add3A_429] : memref<640000xi32, #tpu.memory_space<hbm>> -> memref<80xi32, #tpu.memory_space<hbm>>
        %dma_start3A_431 = tpu.memref_slice %arg3[%add3A_429] : memref<640000xi32, #tpu.memory_space<hbm>> -> memref<80xi32, #tpu.memory_space<hbm>>
        tpu.enqueue_dma source(%dma_start3A_431 : memref<80xi32, #tpu.memory_space<hbm>>) target(%arg25 : memref<80xi32, #tpu.memory_space<vmem>>) target_semaphore(%arg41 : memref<!tpu.dma_semaphore, #tpu.memory_space<semaphore_mem>>)
      } else {
      }
      %mul3A_394 = arith.constant 8 : i32
      %mul3A_395 = arith.muli %scan3A_228, %mul3A_394 : i32
      %add3A_396 = arith.constant 7 : i32
      %add3A_397 = arith.addi %mul3A_395, %add3A_396 : i32
      %dma_wait3A_398 = arith.constant 0 : i32
      %dma_wait3A_399 = arith.constant 0 : i32
      %dma_wait3A_400 = tpu.memref_slice %arg2[%dma_wait3A_398, %dma_wait3A_399] : memref<10000x128xf32, #tpu.memory_space<hbm>> -> memref<10000x128xf32, #tpu.memory_space<hbm>>
      tpu.wait_indirect_dma semaphore(%arg30 : memref<!tpu.dma_semaphore, #tpu.memory_space<semaphore_mem>>) src(%dma_wait3A_400 : memref<10000x128xf32, #tpu.memory_space<hbm>>) dst(%arg10 : memref<80x128xf32, #tpu.memory_space<vmem>>)
      %dma_start3A_401 = arith.constant 0 : i32
      %dma_start3A_402 = arith.constant 0 : i32
      %dma_start3A_403 = tpu.memref_slice %arg6[%dma_start3A_401, %dma_start3A_402] : memref<10000x128xf32, #tpu.memory_space<vmem_shared>> -> memref<10000x128xf32, #tpu.memory_space<vmem_shared>>
      tpu.enqueue_indirect_dma source(%arg10 : memref<80x128xf32, #tpu.memory_space<vmem>>) target(%dma_start3A_403 : memref<10000x128xf32, #tpu.memory_space<vmem_shared>>) offsets(%arg26 : memref<80xi32, #tpu.memory_space<vmem>>) semaphore(%arg34 : memref<!tpu.dma_semaphore, #tpu.memory_space<semaphore_mem>>) {add = true}
      %add3A_404 = arith.constant 4 : i32
      %add3A_405 = arith.addi %add3A_397, %add3A_404 : i32
      %lt3A_406 = arith.constant 125 : i32
      %lt3A_407 = arith.cmpi slt, %add3A_405, %lt3A_406 : i32
      %convert_element_type3A_408 = arith.extui %lt3A_407 : i1 to i32
      %cond3A_409 = arith.constant 0 : i32
      %cond3A_410 = arith.cmpi ne, %convert_element_type3A_408, %cond3A_409 : i32
      scf.if %cond3A_410 {
        %ge3A = arith.constant 0 : i32
        %ge3A_418 = arith.cmpi sge, %add3A_397, %ge3A : i32
        %convert_element_type3A_419 = arith.extui %ge3A_418 : i1 to i32
        %cond3A_420 = arith.constant 0 : i32
        %cond3A_421 = arith.cmpi ne, %convert_element_type3A_419, %cond3A_420 : i32
        scf.if %cond3A_421 {
          %dma_wait3A_439 = arith.constant 0 : i32
          %dma_wait3A_440 = arith.constant 0 : i32
          %dma_wait3A_441 = tpu.memref_slice %arg6[%dma_wait3A_439, %dma_wait3A_440] : memref<10000x128xf32, #tpu.memory_space<vmem_shared>> -> memref<10000x128xf32, #tpu.memory_space<vmem_shared>>
          tpu.wait_indirect_dma semaphore(%arg34 : memref<!tpu.dma_semaphore, #tpu.memory_space<semaphore_mem>>) src(%arg10 : memref<80x128xf32, #tpu.memory_space<vmem>>) dst(%dma_wait3A_441 : memref<10000x128xf32, #tpu.memory_space<vmem_shared>>)
        } else {
        }
        %add3A_422 = arith.constant 4 : i32
        %add3A_423 = arith.addi %add3A_397, %add3A_422 : i32
        %mul3A_424 = arith.constant 80 : i32
        %mul3A_425 = arith.muli %add3A_423, %mul3A_424 : i32
        %add3A_426 = arith.addi %mul3A_2, %mul3A_425 : i32
        %dma_wait3A_427 = tpu.memref_slice %arg3[%add3A_426] : memref<640000xi32, #tpu.memory_space<hbm>> -> memref<80xi32, #tpu.memory_space<hbm>>
        %dma_wait3A_428 = tpu.memref_slice %arg3[%add3A_426] : memref<640000xi32, #tpu.memory_space<hbm>> -> memref<80xi32, #tpu.memory_space<hbm>>
        tpu.wait_dma2 semaphore(%arg38 : memref<!tpu.dma_semaphore, #tpu.memory_space<semaphore_mem>>) src(%dma_wait3A_428 : memref<80xi32, #tpu.memory_space<hbm>>) dst(%arg14 : memref<80xi32, #tpu.memory_space<vmem>>)
        %add3A_429 = arith.constant 320000 : i32
        %add3A_430 = arith.addi %add3A_429, %mul3A_2 : i32
        %mul3A_431 = arith.constant 80 : i32
        %mul3A_432 = arith.muli %add3A_423, %mul3A_431 : i32
        %add3A_433 = arith.addi %add3A_430, %mul3A_432 : i32
        %dma_wait3A_434 = tpu.memref_slice %arg3[%add3A_433] : memref<640000xi32, #tpu.memory_space<hbm>> -> memref<80xi32, #tpu.memory_space<hbm>>
        %dma_wait3A_435 = tpu.memref_slice %arg3[%add3A_433] : memref<640000xi32, #tpu.memory_space<hbm>> -> memref<80xi32, #tpu.memory_space<hbm>>
        tpu.wait_dma2 semaphore(%arg38 : memref<!tpu.dma_semaphore, #tpu.memory_space<semaphore_mem>>) src(%dma_wait3A_435 : memref<80xi32, #tpu.memory_space<hbm>>) dst(%arg22 : memref<80xi32, #tpu.memory_space<vmem>>)
        %dma_start3A_436 = arith.constant 0 : i32
        %dma_start3A_437 = arith.constant 0 : i32
        %dma_start3A_438 = tpu.memref_slice %arg2[%dma_start3A_436, %dma_start3A_437] : memref<10000x128xf32, #tpu.memory_space<hbm>> -> memref<10000x128xf32, #tpu.memory_space<hbm>>
        tpu.enqueue_indirect_dma source(%dma_start3A_438 : memref<10000x128xf32, #tpu.memory_space<hbm>>) target(%arg10 : memref<80x128xf32, #tpu.memory_space<vmem>>) offsets(%arg14 : memref<80xi32, #tpu.memory_space<vmem>>) semaphore(%arg30 : memref<!tpu.dma_semaphore, #tpu.memory_space<semaphore_mem>>)
      } else {
      }
      %add3A_411 = arith.constant 8 : i32
      %add3A_412 = arith.addi %add3A_397, %add3A_411 : i32
      %lt3A_413 = arith.constant 125 : i32
      %lt3A_414 = arith.cmpi slt, %add3A_412, %lt3A_413 : i32
      %convert_element_type3A_415 = arith.extui %lt3A_414 : i1 to i32
      %cond3A_416 = arith.constant 0 : i32
      %cond3A_417 = arith.cmpi ne, %convert_element_type3A_415, %cond3A_416 : i32
      scf.if %cond3A_417 {
        %add3A_418 = arith.constant 8 : i32
        %add3A_419 = arith.addi %add3A_397, %add3A_418 : i32
        %mul3A_420 = arith.constant 80 : i32
        %mul3A_421 = arith.muli %add3A_419, %mul3A_420 : i32
        %add3A_422 = arith.addi %mul3A_2, %mul3A_421 : i32
        %dma_start3A_423 = tpu.memref_slice %arg3[%add3A_422] : memref<640000xi32, #tpu.memory_space<hbm>> -> memref<80xi32, #tpu.memory_space<hbm>>
        %dma_start3A_424 = tpu.memref_slice %arg3[%add3A_422] : memref<640000xi32, #tpu.memory_space<hbm>> -> memref<80xi32, #tpu.memory_space<hbm>>
        tpu.enqueue_dma source(%dma_start3A_424 : memref<80xi32, #tpu.memory_space<hbm>>) target(%arg18 : memref<80xi32, #tpu.memory_space<vmem>>) target_semaphore(%arg42 : memref<!tpu.dma_semaphore, #tpu.memory_space<semaphore_mem>>)
        %add3A_425 = arith.constant 320000 : i32
        %add3A_426 = arith.addi %add3A_425, %mul3A_2 : i32
        %mul3A_427 = arith.constant 80 : i32
        %mul3A_428 = arith.muli %add3A_419, %mul3A_427 : i32
        %add3A_429 = arith.addi %add3A_426, %mul3A_428 : i32
        %dma_start3A_430 = tpu.memref_slice %arg3[%add3A_429] : memref<640000xi32, #tpu.memory_space<hbm>> -> memref<80xi32, #tpu.memory_space<hbm>>
        %dma_start3A_431 = tpu.memref_slice %arg3[%add3A_429] : memref<640000xi32, #tpu.memory_space<hbm>> -> memref<80xi32, #tpu.memory_space<hbm>>
        tpu.enqueue_dma source(%dma_start3A_431 : memref<80xi32, #tpu.memory_space<hbm>>) target(%arg26 : memref<80xi32, #tpu.memory_space<vmem>>) target_semaphore(%arg42 : memref<!tpu.dma_semaphore, #tpu.memory_space<semaphore_mem>>)
      } else {
      }
    }
    %scan3A_156 = arith.constant 15 : i32
    %dma_wait3A_157 = arith.constant 0 : i32
    %dma_wait3A_158 = arith.constant 0 : i32
    %dma_wait3A_159 = tpu.memref_slice %arg2[%dma_wait3A_157, %dma_wait3A_158] : memref<10000x128xf32, #tpu.memory_space<hbm>> -> memref<10000x128xf32, #tpu.memory_space<hbm>>
    tpu.wait_indirect_dma semaphore(%arg27 : memref<!tpu.dma_semaphore, #tpu.memory_space<semaphore_mem>>) src(%dma_wait3A_159 : memref<10000x128xf32, #tpu.memory_space<hbm>>) dst(%arg7 : memref<80x128xf32, #tpu.memory_space<vmem>>)
    %dma_start3A_160 = arith.constant 0 : i32
    %dma_start3A_161 = arith.constant 0 : i32
    %dma_start3A_162 = tpu.memref_slice %arg6[%dma_start3A_160, %dma_start3A_161] : memref<10000x128xf32, #tpu.memory_space<vmem_shared>> -> memref<10000x128xf32, #tpu.memory_space<vmem_shared>>
    tpu.enqueue_indirect_dma source(%arg7 : memref<80x128xf32, #tpu.memory_space<vmem>>) target(%dma_start3A_162 : memref<10000x128xf32, #tpu.memory_space<vmem_shared>>) offsets(%arg19 : memref<80xi32, #tpu.memory_space<vmem>>) semaphore(%arg31 : memref<!tpu.dma_semaphore, #tpu.memory_space<semaphore_mem>>) {add = true}
    %dma_wait3A_163 = arith.constant 0 : i32
    %dma_wait3A_164 = arith.constant 0 : i32
    %dma_wait3A_165 = tpu.memref_slice %arg6[%dma_wait3A_163, %dma_wait3A_164] : memref<10000x128xf32, #tpu.memory_space<vmem_shared>> -> memref<10000x128xf32, #tpu.memory_space<vmem_shared>>
    tpu.wait_indirect_dma semaphore(%arg31 : memref<!tpu.dma_semaphore, #tpu.memory_space<semaphore_mem>>) src(%arg7 : memref<80x128xf32, #tpu.memory_space<vmem>>) dst(%dma_wait3A_165 : memref<10000x128xf32, #tpu.memory_space<vmem_shared>>)
    %add3A_166 = arith.constant 9920 : i32
    %add3A_167 = arith.addi %mul3A_2, %add3A_166 : i32
    %dma_wait3A_168 = tpu.memref_slice %arg3[%add3A_167] : memref<640000xi32, #tpu.memory_space<hbm>> -> memref<80xi32, #tpu.memory_space<hbm>>
    %dma_wait3A_169 = tpu.memref_slice %arg3[%add3A_167] : memref<640000xi32, #tpu.memory_space<hbm>> -> memref<80xi32, #tpu.memory_space<hbm>>
    tpu.wait_dma2 semaphore(%arg39 : memref<!tpu.dma_semaphore, #tpu.memory_space<semaphore_mem>>) src(%dma_wait3A_169 : memref<80xi32, #tpu.memory_space<hbm>>) dst(%arg15 : memref<80xi32, #tpu.memory_space<vmem>>)
    %add3A_170 = arith.constant 320000 : i32
    %add3A_171 = arith.addi %add3A_170, %mul3A_2 : i32
    %add3A_172 = arith.constant 9920 : i32
    %add3A_173 = arith.addi %add3A_171, %add3A_172 : i32
    %dma_wait3A_174 = tpu.memref_slice %arg3[%add3A_173] : memref<640000xi32, #tpu.memory_space<hbm>> -> memref<80xi32, #tpu.memory_space<hbm>>
    %dma_wait3A_175 = tpu.memref_slice %arg3[%add3A_173] : memref<640000xi32, #tpu.memory_space<hbm>> -> memref<80xi32, #tpu.memory_space<hbm>>
    tpu.wait_dma2 semaphore(%arg39 : memref<!tpu.dma_semaphore, #tpu.memory_space<semaphore_mem>>) src(%dma_wait3A_175 : memref<80xi32, #tpu.memory_space<hbm>>) dst(%arg23 : memref<80xi32, #tpu.memory_space<vmem>>)
    %dma_start3A_176 = arith.constant 0 : i32
    %dma_start3A_177 = arith.constant 0 : i32
    %dma_start3A_178 = tpu.memref_slice %arg2[%dma_start3A_176, %dma_start3A_177] : memref<10000x128xf32, #tpu.memory_space<hbm>> -> memref<10000x128xf32, #tpu.memory_space<hbm>>
    tpu.enqueue_indirect_dma source(%dma_start3A_178 : memref<10000x128xf32, #tpu.memory_space<hbm>>) target(%arg7 : memref<80x128xf32, #tpu.memory_space<vmem>>) offsets(%arg15 : memref<80xi32, #tpu.memory_space<vmem>>) semaphore(%arg27 : memref<!tpu.dma_semaphore, #tpu.memory_space<semaphore_mem>>)
    %dma_wait3A_179 = arith.constant 0 : i32
    %dma_wait3A_180 = arith.constant 0 : i32
    %dma_wait3A_181 = tpu.memref_slice %arg2[%dma_wait3A_179, %dma_wait3A_180] : memref<10000x128xf32, #tpu.memory_space<hbm>> -> memref<10000x128xf32, #tpu.memory_space<hbm>>
    tpu.wait_indirect_dma semaphore(%arg28 : memref<!tpu.dma_semaphore, #tpu.memory_space<semaphore_mem>>) src(%dma_wait3A_181 : memref<10000x128xf32, #tpu.memory_space<hbm>>) dst(%arg8 : memref<80x128xf32, #tpu.memory_space<vmem>>)
    %dma_start3A_182 = arith.constant 0 : i32
    %dma_start3A_183 = arith.constant 0 : i32
    %dma_start3A_184 = tpu.memref_slice %arg6[%dma_start3A_182, %dma_start3A_183] : memref<10000x128xf32, #tpu.memory_space<vmem_shared>> -> memref<10000x128xf32, #tpu.memory_space<vmem_shared>>
    tpu.enqueue_indirect_dma source(%arg8 : memref<80x128xf32, #tpu.memory_space<vmem>>) target(%dma_start3A_184 : memref<10000x128xf32, #tpu.memory_space<vmem_shared>>) offsets(%arg20 : memref<80xi32, #tpu.memory_space<vmem>>) semaphore(%arg32 : memref<!tpu.dma_semaphore, #tpu.memory_space<semaphore_mem>>) {add = true}
    %dma_wait3A_185 = arith.constant 0 : i32
    %dma_wait3A_186 = arith.constant 0 : i32
    %dma_wait3A_187 = tpu.memref_slice %arg2[%dma_wait3A_185, %dma_wait3A_186] : memref<10000x128xf32, #tpu.memory_space<hbm>> -> memref<10000x128xf32, #tpu.memory_space<hbm>>
    tpu.wait_indirect_dma semaphore(%arg29 : memref<!tpu.dma_semaphore, #tpu.memory_space<semaphore_mem>>) src(%dma_wait3A_187 : memref<10000x128xf32, #tpu.memory_space<hbm>>) dst(%arg9 : memref<80x128xf32, #tpu.memory_space<vmem>>)
    %dma_start3A_188 = arith.constant 0 : i32
    %dma_start3A_189 = arith.constant 0 : i32
    %dma_start3A_190 = tpu.memref_slice %arg6[%dma_start3A_188, %dma_start3A_189] : memref<10000x128xf32, #tpu.memory_space<vmem_shared>> -> memref<10000x128xf32, #tpu.memory_space<vmem_shared>>
    tpu.enqueue_indirect_dma source(%arg9 : memref<80x128xf32, #tpu.memory_space<vmem>>) target(%dma_start3A_190 : memref<10000x128xf32, #tpu.memory_space<vmem_shared>>) offsets(%arg21 : memref<80xi32, #tpu.memory_space<vmem>>) semaphore(%arg33 : memref<!tpu.dma_semaphore, #tpu.memory_space<semaphore_mem>>) {add = true}
    %dma_wait3A_191 = arith.constant 0 : i32
    %dma_wait3A_192 = arith.constant 0 : i32
    %dma_wait3A_193 = tpu.memref_slice %arg2[%dma_wait3A_191, %dma_wait3A_192] : memref<10000x128xf32, #tpu.memory_space<hbm>> -> memref<10000x128xf32, #tpu.memory_space<hbm>>
    tpu.wait_indirect_dma semaphore(%arg30 : memref<!tpu.dma_semaphore, #tpu.memory_space<semaphore_mem>>) src(%dma_wait3A_193 : memref<10000x128xf32, #tpu.memory_space<hbm>>) dst(%arg10 : memref<80x128xf32, #tpu.memory_space<vmem>>)
    %dma_start3A_194 = arith.constant 0 : i32
    %dma_start3A_195 = arith.constant 0 : i32
    %dma_start3A_196 = tpu.memref_slice %arg6[%dma_start3A_194, %dma_start3A_195] : memref<10000x128xf32, #tpu.memory_space<vmem_shared>> -> memref<10000x128xf32, #tpu.memory_space<vmem_shared>>
    tpu.enqueue_indirect_dma source(%arg10 : memref<80x128xf32, #tpu.memory_space<vmem>>) target(%dma_start3A_196 : memref<10000x128xf32, #tpu.memory_space<vmem_shared>>) offsets(%arg22 : memref<80xi32, #tpu.memory_space<vmem>>) semaphore(%arg34 : memref<!tpu.dma_semaphore, #tpu.memory_space<semaphore_mem>>) {add = true}
    %dma_wait3A_197 = arith.constant 0 : i32
    %dma_wait3A_198 = arith.constant 0 : i32
    %dma_wait3A_199 = tpu.memref_slice %arg2[%dma_wait3A_197, %dma_wait3A_198] : memref<10000x128xf32, #tpu.memory_space<hbm>> -> memref<10000x128xf32, #tpu.memory_space<hbm>>
    tpu.wait_indirect_dma semaphore(%arg27 : memref<!tpu.dma_semaphore, #tpu.memory_space<semaphore_mem>>) src(%dma_wait3A_199 : memref<10000x128xf32, #tpu.memory_space<hbm>>) dst(%arg7 : memref<80x128xf32, #tpu.memory_space<vmem>>)
    %dma_start3A_200 = arith.constant 0 : i32
    %dma_start3A_201 = arith.constant 0 : i32
    %dma_start3A_202 = tpu.memref_slice %arg6[%dma_start3A_200, %dma_start3A_201] : memref<10000x128xf32, #tpu.memory_space<vmem_shared>> -> memref<10000x128xf32, #tpu.memory_space<vmem_shared>>
    tpu.enqueue_indirect_dma source(%arg7 : memref<80x128xf32, #tpu.memory_space<vmem>>) target(%dma_start3A_202 : memref<10000x128xf32, #tpu.memory_space<vmem_shared>>) offsets(%arg23 : memref<80xi32, #tpu.memory_space<vmem>>) semaphore(%arg31 : memref<!tpu.dma_semaphore, #tpu.memory_space<semaphore_mem>>) {add = true}
    %dma_wait3A_203 = arith.constant 0 : i32
    %dma_wait3A_204 = arith.constant 0 : i32
    %dma_wait3A_205 = tpu.memref_slice %arg6[%dma_wait3A_203, %dma_wait3A_204] : memref<10000x128xf32, #tpu.memory_space<vmem_shared>> -> memref<10000x128xf32, #tpu.memory_space<vmem_shared>>
    tpu.wait_indirect_dma semaphore(%arg32 : memref<!tpu.dma_semaphore, #tpu.memory_space<semaphore_mem>>) src(%arg8 : memref<80x128xf32, #tpu.memory_space<vmem>>) dst(%dma_wait3A_205 : memref<10000x128xf32, #tpu.memory_space<vmem_shared>>)
    %dma_wait3A_206 = arith.constant 0 : i32
    %dma_wait3A_207 = arith.constant 0 : i32
    %dma_wait3A_208 = tpu.memref_slice %arg6[%dma_wait3A_206, %dma_wait3A_207] : memref<10000x128xf32, #tpu.memory_space<vmem_shared>> -> memref<10000x128xf32, #tpu.memory_space<vmem_shared>>
    tpu.wait_indirect_dma semaphore(%arg33 : memref<!tpu.dma_semaphore, #tpu.memory_space<semaphore_mem>>) src(%arg9 : memref<80x128xf32, #tpu.memory_space<vmem>>) dst(%dma_wait3A_208 : memref<10000x128xf32, #tpu.memory_space<vmem_shared>>)
    %dma_wait3A_209 = arith.constant 0 : i32
    %dma_wait3A_210 = arith.constant 0 : i32
    %dma_wait3A_211 = tpu.memref_slice %arg6[%dma_wait3A_209, %dma_wait3A_210] : memref<10000x128xf32, #tpu.memory_space<vmem_shared>> -> memref<10000x128xf32, #tpu.memory_space<vmem_shared>>
    tpu.wait_indirect_dma semaphore(%arg34 : memref<!tpu.dma_semaphore, #tpu.memory_space<semaphore_mem>>) src(%arg10 : memref<80x128xf32, #tpu.memory_space<vmem>>) dst(%dma_wait3A_211 : memref<10000x128xf32, #tpu.memory_space<vmem_shared>>)
    %dma_wait3A_212 = arith.constant 0 : i32
    %dma_wait3A_213 = arith.constant 0 : i32
    %dma_wait3A_214 = tpu.memref_slice %arg6[%dma_wait3A_212, %dma_wait3A_213] : memref<10000x128xf32, #tpu.memory_space<vmem_shared>> -> memref<10000x128xf32, #tpu.memory_space<vmem_shared>>
    tpu.wait_indirect_dma semaphore(%arg31 : memref<!tpu.dma_semaphore, #tpu.memory_space<semaphore_mem>>) src(%arg7 : memref<80x128xf32, #tpu.memory_space<vmem>>) dst(%dma_wait3A_214 : memref<10000x128xf32, #tpu.memory_space<vmem_shared>>)
    %barrier3A_215 = arith.constant 0 : index
    tpu.barrier barrier_id(%barrier3A_215)
    %scan3A_216 = arith.constant 0 : i32
    %scan3A_217 = arith.constant 0 : i32
    %scan3A_218 = arith.constant 8 : i32
    %scan3A_219 = arith.addi %scan3A_217, %scan3A_218 : i32
    %scan3A_220 = arith.constant 1 : i32
    scf.for %scan3A_228 = %scan3A_217 to %scan3A_219 step %scan3A_220  : i32 {
      %mul3A_229 = arith.constant 16 : i32
      %mul3A_230 = arith.muli %scan3A_228, %mul3A_229 : i32
      %add3A_231 = arith.addi %arg1, %mul3A_230 : i32
      %lt3A = arith.constant 125 : i32
      %lt3A_232 = arith.cmpi slt, %add3A_231, %lt3A : i32
      %convert_element_type3A = arith.extui %lt3A_232 : i1 to i32
      %cond3A = arith.constant 0 : i32
      %cond3A_233 = arith.cmpi ne, %convert_element_type3A, %cond3A : i32
      scf.if %cond3A_233 {
        %mul3A_234 = arith.constant 80 : i32
        %mul3A_235 = arith.muli %add3A_231, %mul3A_234 : i32
        %mul3A_236 = arith.constant 10000 : i32
        %mul3A_237 = arith.muli %arg0, %mul3A_236 : i32
        %mul3A_238 = arith.constant 80 : i32
        %mul3A_239 = arith.muli %add3A_231, %mul3A_238 : i32
        %add3A_240 = arith.addi %mul3A_237, %mul3A_239 : i32
        %dma_start3A_241 = arith.constant 0 : i32
        %dma_start3A_242 = tpu.memref_slice %arg4[%add3A_240, %dma_start3A_241] : memref<20000x128xf32, #tpu.memory_space<hbm>> -> memref<80x128xf32, #tpu.memory_space<hbm>>
        %dma_start3A_243 = arith.constant 0 : i32
        %dma_start3A_244 = tpu.memref_slice %arg6[%mul3A_235, %dma_start3A_243] : memref<10000x128xf32, #tpu.memory_space<vmem_shared>> -> memref<80x128xf32, #tpu.memory_space<vmem_shared>>
        tpu.enqueue_dma source(%dma_start3A_244 : memref<80x128xf32, #tpu.memory_space<vmem_shared>>) target(%dma_start3A_242 : memref<80x128xf32, #tpu.memory_space<hbm>>) target_semaphore(%arg43 : memref<!tpu.dma_semaphore, #tpu.memory_space<semaphore_mem>>)
      } else {
      }
    }
    %scan3A_221 = arith.constant 8 : i32
    %scan3A_222 = arith.constant 0 : i32
    %scan3A_223 = arith.constant 0 : i32
    %scan3A_224 = arith.constant 8 : i32
    %scan3A_225 = arith.addi %scan3A_223, %scan3A_224 : i32
    %scan3A_226 = arith.constant 1 : i32
    scf.for %scan3A_228 = %scan3A_223 to %scan3A_225 step %scan3A_226  : i32 {
      %mul3A_229 = arith.constant 16 : i32
      %mul3A_230 = arith.muli %scan3A_228, %mul3A_229 : i32
      %add3A_231 = arith.addi %arg1, %mul3A_230 : i32
      %lt3A = arith.constant 125 : i32
      %lt3A_232 = arith.cmpi slt, %add3A_231, %lt3A : i32
      %convert_element_type3A = arith.extui %lt3A_232 : i1 to i32
      %cond3A = arith.constant 0 : i32
      %cond3A_233 = arith.cmpi ne, %convert_element_type3A, %cond3A : i32
      scf.if %cond3A_233 {
        %mul3A_234 = arith.constant 80 : i32
        %mul3A_235 = arith.muli %add3A_231, %mul3A_234 : i32
        %mul3A_236 = arith.constant 10000 : i32
        %mul3A_237 = arith.muli %arg0, %mul3A_236 : i32
        %mul3A_238 = arith.constant 80 : i32
        %mul3A_239 = arith.muli %add3A_231, %mul3A_238 : i32
        %add3A_240 = arith.addi %mul3A_237, %mul3A_239 : i32
        %dma_wait3A_241 = arith.constant 0 : i32
        %dma_wait3A_242 = tpu.memref_slice %arg4[%add3A_240, %dma_wait3A_241] : memref<20000x128xf32, #tpu.memory_space<hbm>> -> memref<80x128xf32, #tpu.memory_space<hbm>>
        %dma_wait3A_243 = arith.constant 0 : i32
        %dma_wait3A_244 = tpu.memref_slice %arg6[%mul3A_235, %dma_wait3A_243] : memref<10000x128xf32, #tpu.memory_space<vmem_shared>> -> memref<80x128xf32, #tpu.memory_space<vmem_shared>>
        tpu.wait_dma2 semaphore(%arg43 : memref<!tpu.dma_semaphore, #tpu.memory_space<semaphore_mem>>) src(%dma_wait3A_244 : memref<80x128xf32, #tpu.memory_space<vmem_shared>>) dst(%dma_wait3A_242 : memref<80x128xf32, #tpu.memory_space<hbm>>)
      } else {
      }
    }
    %scan3A_227 = arith.constant 8 : i32
    return
  }
}

#map = affine_map<(d0, d1) -> (0, 0)>
#map1 = affine_map<(d0, d1) -> (0)>
module attributes {stable_mosaic.version = 14 : i64} {
  func.func @_sc_aggregate_body(%arg0: i32, %arg1: i32, %arg2: memref<10000x128xf32, #tpu.memory_space<hbm>>, %arg3: memref<640000xi32, #tpu.memory_space<hbm>>, %arg4: memref<20000x128xf32, #tpu.memory_space<hbm>>, %arg5: memref<40x128xf32, #tpu.memory_space<vmem>>, %arg6: memref<10000x128xf32, #tpu.memory_space<vmem_shared>>, %arg7: memref<80x128xf32, #tpu.memory_space<vmem>>, %arg8: memref<80x128xf32, #tpu.memory_space<vmem>>, %arg9: memref<80x128xf32, #tpu.memory_space<vmem>>, %arg10: memref<80x128xf32, #tpu.memory_space<vmem>>, %arg11: memref<80xi32, #tpu.memory_space<vmem>>, %arg12: memref<80xi32, #tpu.memory_space<vmem>>, %arg13: memref<80xi32, #tpu.memory_space<vmem>>, %arg14: memref<80xi32, #tpu.memory_space<vmem>>, %arg15: memref<80xi32, #tpu.memory_space<vmem>>, %arg16: memref<80xi32, #tpu.memory_space<vmem>>, %arg17: memref<80xi32, #tpu.memory_space<vmem>>, %arg18: memref<80xi32, #tpu.memory_space<vmem>>, %arg19: memref<80xi32, #tpu.memory_space<vmem>>, %arg20: memref<80xi32, #tpu.memory_space<vmem>>, %arg21: memref<80xi32, #tpu.memory_space<vmem>>, %arg22: memref<80xi32, #tpu.memory_space<vmem>>, %arg23: memref<80xi32, #tpu.memory_space<vmem>>, %arg24: memref<80xi32, #tpu.memory_space<vmem>>, %arg25: memref<80xi32, #tpu.memory_space<vmem>>, %arg26: memref<80xi32, #tpu.memory_space<vmem>>, %arg27: memref<!tpu.dma_semaphore, #tpu.memory_space<semaphore_mem>>, %arg28: memref<!tpu.dma_semaphore, #tpu.memory_space<semaphore_mem>>, %arg29: memref<!tpu.dma_semaphore, #tpu.memory_space<semaphore_mem>>, %arg30: memref<!tpu.dma_semaphore, #tpu.memory_space<semaphore_mem>>, %arg31: memref<!tpu.dma_semaphore, #tpu.memory_space<semaphore_mem>>, %arg32: memref<!tpu.dma_semaphore, #tpu.memory_space<semaphore_mem>>, %arg33: memref<!tpu.dma_semaphore, #tpu.memory_space<semaphore_mem>>, %arg34: memref<!tpu.dma_semaphore, #tpu.memory_space<semaphore_mem>>, %arg35: memref<!tpu.dma_semaphore, #tpu.memory_space<semaphore_mem>>, %arg36: memref<!tpu.dma_semaphore, #tpu.memory_space<semaphore_mem>>, %arg37: memref<!tpu.dma_semaphore, #tpu.memory_space<semaphore_mem>>, %arg38: memref<!tpu.dma_semaphore, #tpu.memory_space<semaphore_mem>>, %arg39: memref<!tpu.dma_semaphore, #tpu.memory_space<semaphore_mem>>, %arg40: memref<!tpu.dma_semaphore, #tpu.memory_space<semaphore_mem>>, %arg41: memref<!tpu.dma_semaphore, #tpu.memory_space<semaphore_mem>>, %arg42: memref<!tpu.dma_semaphore, #tpu.memory_space<semaphore_mem>>, %arg43: memref<!tpu.dma_semaphore, #tpu.memory_space<semaphore_mem>>) attributes {dimension_semantics = [#tpu.dimension_semantics<core_parallel>, #tpu.dimension_semantics<subcore_parallel>], iteration_bounds = array<i64: 2, 16>, scalar_prefetch = 0 : i64, scratch_operands = 39 : i64, tpu.core_type = #tpu.core_type<sc_vector_subcore>, window_params = [{transform_indices = #map}, {transform_indices = #map1}, {transform_indices = #map}]} {
    %mul3A = arith.constant 2 : i32
    %mul3A_0 = arith.muli %arg1, %mul3A : i32
    %add3A = arith.addi %mul3A_0, %arg0 : i32
    %mul3A_1 = arith.constant 10000 : i32
    %mul3A_2 = arith.muli %add3A, %mul3A_1 : i32
    %add3A_3 = arith.constant 0 : i32
    %add3A_4 = arith.addi %mul3A_2, %add3A_3 : i32
    %dma_start3A = tpu.memref_slice %arg3[%add3A_4] : memref<640000xi32, #tpu.memory_space<hbm>> -> memref<80xi32, #tpu.memory_space<hbm>>
    %dma_start3A_5 = tpu.memref_slice %arg3[%add3A_4] : memref<640000xi32, #tpu.memory_space<hbm>> -> memref<80xi32, #tpu.memory_space<hbm>>
    tpu.enqueue_dma source(%dma_start3A_5 : memref<80xi32, #tpu.memory_space<hbm>>) target(%arg11 : memref<80xi32, #tpu.memory_space<vmem>>) target_semaphore(%arg35 : memref<!tpu.dma_semaphore, #tpu.memory_space<semaphore_mem>>)
    %add3A_6 = arith.constant 320000 : i32
    %add3A_7 = arith.addi %add3A_6, %mul3A_2 : i32
    %add3A_8 = arith.constant 0 : i32
    %add3A_9 = arith.addi %add3A_7, %add3A_8 : i32
    %dma_start3A_10 = tpu.memref_slice %arg3[%add3A_9] : memref<640000xi32, #tpu.memory_space<hbm>> -> memref<80xi32, #tpu.memory_space<hbm>>
    %dma_start3A_11 = tpu.memref_slice %arg3[%add3A_9] : memref<640000xi32, #tpu.memory_space<hbm>> -> memref<80xi32, #tpu.memory_space<hbm>>
    tpu.enqueue_dma source(%dma_start3A_11 : memref<80xi32, #tpu.memory_space<hbm>>) target(%arg19 : memref<80xi32, #tpu.memory_space<vmem>>) target_semaphore(%arg35 : memref<!tpu.dma_semaphore, #tpu.memory_space<semaphore_mem>>)
    %add3A_12 = arith.constant 80 : i32
    %add3A_13 = arith.addi %mul3A_2, %add3A_12 : i32
    %dma_start3A_14 = tpu.memref_slice %arg3[%add3A_13] : memref<640000xi32, #tpu.memory_space<hbm>> -> memref<80xi32, #tpu.memory_space<hbm>>
    %dma_start3A_15 = tpu.memref_slice %arg3[%add3A_13] : memref<640000xi32, #tpu.memory_space<hbm>> -> memref<80xi32, #tpu.memory_space<hbm>>
    tpu.enqueue_dma source(%dma_start3A_15 : memref<80xi32, #tpu.memory_space<hbm>>) target(%arg12 : memref<80xi32, #tpu.memory_space<vmem>>) target_semaphore(%arg36 : memref<!tpu.dma_semaphore, #tpu.memory_space<semaphore_mem>>)
    %add3A_16 = arith.constant 320000 : i32
    %add3A_17 = arith.addi %add3A_16, %mul3A_2 : i32
    %add3A_18 = arith.constant 80 : i32
    %add3A_19 = arith.addi %add3A_17, %add3A_18 : i32
    %dma_start3A_20 = tpu.memref_slice %arg3[%add3A_19] : memref<640000xi32, #tpu.memory_space<hbm>> -> memref<80xi32, #tpu.memory_space<hbm>>
    %dma_start3A_21 = tpu.memref_slice %arg3[%add3A_19] : memref<640000xi32, #tpu.memory_space<hbm>> -> memref<80xi32, #tpu.memory_space<hbm>>
    tpu.enqueue_dma source(%dma_start3A_21 : memref<80xi32, #tpu.memory_space<hbm>>) target(%arg20 : memref<80xi32, #tpu.memory_space<vmem>>) target_semaphore(%arg36 : memref<!tpu.dma_semaphore, #tpu.memory_space<semaphore_mem>>)
    %add3A_22 = arith.constant 160 : i32
    %add3A_23 = arith.addi %mul3A_2, %add3A_22 : i32
    %dma_start3A_24 = tpu.memref_slice %arg3[%add3A_23] : memref<640000xi32, #tpu.memory_space<hbm>> -> memref<80xi32, #tpu.memory_space<hbm>>
    %dma_start3A_25 = tpu.memref_slice %arg3[%add3A_23] : memref<640000xi32, #tpu.memory_space<hbm>> -> memref<80xi32, #tpu.memory_space<hbm>>
    tpu.enqueue_dma source(%dma_start3A_25 : memref<80xi32, #tpu.memory_space<hbm>>) target(%arg13 : memref<80xi32, #tpu.memory_space<vmem>>) target_semaphore(%arg37 : memref<!tpu.dma_semaphore, #tpu.memory_space<semaphore_mem>>)
    %add3A_26 = arith.constant 320000 : i32
    %add3A_27 = arith.addi %add3A_26, %mul3A_2 : i32
    %add3A_28 = arith.constant 160 : i32
    %add3A_29 = arith.addi %add3A_27, %add3A_28 : i32
    %dma_start3A_30 = tpu.memref_slice %arg3[%add3A_29] : memref<640000xi32, #tpu.memory_space<hbm>> -> memref<80xi32, #tpu.memory_space<hbm>>
    %dma_start3A_31 = tpu.memref_slice %arg3[%add3A_29] : memref<640000xi32, #tpu.memory_space<hbm>> -> memref<80xi32, #tpu.memory_space<hbm>>
    tpu.enqueue_dma source(%dma_start3A_31 : memref<80xi32, #tpu.memory_space<hbm>>) target(%arg21 : memref<80xi32, #tpu.memory_space<vmem>>) target_semaphore(%arg37 : memref<!tpu.dma_semaphore, #tpu.memory_space<semaphore_mem>>)
    %add3A_32 = arith.constant 240 : i32
    %add3A_33 = arith.addi %mul3A_2, %add3A_32 : i32
    %dma_start3A_34 = tpu.memref_slice %arg3[%add3A_33] : memref<640000xi32, #tpu.memory_space<hbm>> -> memref<80xi32, #tpu.memory_space<hbm>>
    %dma_start3A_35 = tpu.memref_slice %arg3[%add3A_33] : memref<640000xi32, #tpu.memory_space<hbm>> -> memref<80xi32, #tpu.memory_space<hbm>>
    tpu.enqueue_dma source(%dma_start3A_35 : memref<80xi32, #tpu.memory_space<hbm>>) target(%arg14 : memref<80xi32, #tpu.memory_space<vmem>>) target_semaphore(%arg38 : memref<!tpu.dma_semaphore, #tpu.memory_space<semaphore_mem>>)
    %add3A_36 = arith.constant 320000 : i32
    %add3A_37 = arith.addi %add3A_36, %mul3A_2 : i32
    %add3A_38 = arith.constant 240 : i32
    %add3A_39 = arith.addi %add3A_37, %add3A_38 : i32
    %dma_start3A_40 = tpu.memref_slice %arg3[%add3A_39] : memref<640000xi32, #tpu.memory_space<hbm>> -> memref<80xi32, #tpu.memory_space<hbm>>
    %dma_start3A_41 = tpu.memref_slice %arg3[%add3A_39] : memref<640000xi32, #tpu.memory_space<hbm>> -> memref<80xi32, #tpu.memory_space<hbm>>
    tpu.enqueue_dma source(%dma_start3A_41 : memref<80xi32, #tpu.memory_space<hbm>>) target(%arg22 : memref<80xi32, #tpu.memory_space<vmem>>) target_semaphore(%arg38 : memref<!tpu.dma_semaphore, #tpu.memory_space<semaphore_mem>>)
    %add3A_42 = arith.constant 320 : i32
    %add3A_43 = arith.addi %mul3A_2, %add3A_42 : i32
    %dma_start3A_44 = tpu.memref_slice %arg3[%add3A_43] : memref<640000xi32, #tpu.memory_space<hbm>> -> memref<80xi32, #tpu.memory_space<hbm>>
    %dma_start3A_45 = tpu.memref_slice %arg3[%add3A_43] : memref<640000xi32, #tpu.memory_space<hbm>> -> memref<80xi32, #tpu.memory_space<hbm>>
    tpu.enqueue_dma source(%dma_start3A_45 : memref<80xi32, #tpu.memory_space<hbm>>) target(%arg15 : memref<80xi32, #tpu.memory_space<vmem>>) target_semaphore(%arg39 : memref<!tpu.dma_semaphore, #tpu.memory_space<semaphore_mem>>)
    %add3A_46 = arith.constant 320000 : i32
    %add3A_47 = arith.addi %add3A_46, %mul3A_2 : i32
    %add3A_48 = arith.constant 320 : i32
    %add3A_49 = arith.addi %add3A_47, %add3A_48 : i32
    %dma_start3A_50 = tpu.memref_slice %arg3[%add3A_49] : memref<640000xi32, #tpu.memory_space<hbm>> -> memref<80xi32, #tpu.memory_space<hbm>>
    %dma_start3A_51 = tpu.memref_slice %arg3[%add3A_49] : memref<640000xi32, #tpu.memory_space<hbm>> -> memref<80xi32, #tpu.memory_space<hbm>>
    tpu.enqueue_dma source(%dma_start3A_51 : memref<80xi32, #tpu.memory_space<hbm>>) target(%arg23 : memref<80xi32, #tpu.memory_space<vmem>>) target_semaphore(%arg39 : memref<!tpu.dma_semaphore, #tpu.memory_space<semaphore_mem>>)
    %add3A_52 = arith.constant 400 : i32
    %add3A_53 = arith.addi %mul3A_2, %add3A_52 : i32
    %dma_start3A_54 = tpu.memref_slice %arg3[%add3A_53] : memref<640000xi32, #tpu.memory_space<hbm>> -> memref<80xi32, #tpu.memory_space<hbm>>
    %dma_start3A_55 = tpu.memref_slice %arg3[%add3A_53] : memref<640000xi32, #tpu.memory_space<hbm>> -> memref<80xi32, #tpu.memory_space<hbm>>
    tpu.enqueue_dma source(%dma_start3A_55 : memref<80xi32, #tpu.memory_space<hbm>>) target(%arg16 : memref<80xi32, #tpu.memory_space<vmem>>) target_semaphore(%arg40 : memref<!tpu.dma_semaphore, #tpu.memory_space<semaphore_mem>>)
    %add3A_56 = arith.constant 320000 : i32
    %add3A_57 = arith.addi %add3A_56, %mul3A_2 : i32
    %add3A_58 = arith.constant 400 : i32
    %add3A_59 = arith.addi %add3A_57, %add3A_58 : i32
    %dma_start3A_60 = tpu.memref_slice %arg3[%add3A_59] : memref<640000xi32, #tpu.memory_space<hbm>> -> memref<80xi32, #tpu.memory_space<hbm>>
    %dma_start3A_61 = tpu.memref_slice %arg3[%add3A_59] : memref<640000xi32, #tpu.memory_space<hbm>> -> memref<80xi32, #tpu.memory_space<hbm>>
    tpu.enqueue_dma source(%dma_start3A_61 : memref<80xi32, #tpu.memory_space<hbm>>) target(%arg24 : memref<80xi32, #tpu.memory_space<vmem>>) target_semaphore(%arg40 : memref<!tpu.dma_semaphore, #tpu.memory_space<semaphore_mem>>)
    %add3A_62 = arith.constant 480 : i32
    %add3A_63 = arith.addi %mul3A_2, %add3A_62 : i32
    %dma_start3A_64 = tpu.memref_slice %arg3[%add3A_63] : memref<640000xi32, #tpu.memory_space<hbm>> -> memref<80xi32, #tpu.memory_space<hbm>>
    %dma_start3A_65 = tpu.memref_slice %arg3[%add3A_63] : memref<640000xi32, #tpu.memory_space<hbm>> -> memref<80xi32, #tpu.memory_space<hbm>>
    tpu.enqueue_dma source(%dma_start3A_65 : memref<80xi32, #tpu.memory_space<hbm>>) target(%arg17 : memref<80xi32, #tpu.memory_space<vmem>>) target_semaphore(%arg41 : memref<!tpu.dma_semaphore, #tpu.memory_space<semaphore_mem>>)
    %add3A_66 = arith.constant 320000 : i32
    %add3A_67 = arith.addi %add3A_66, %mul3A_2 : i32
    %add3A_68 = arith.constant 480 : i32
    %add3A_69 = arith.addi %add3A_67, %add3A_68 : i32
    %dma_start3A_70 = tpu.memref_slice %arg3[%add3A_69] : memref<640000xi32, #tpu.memory_space<hbm>> -> memref<80xi32, #tpu.memory_space<hbm>>
    %dma_start3A_71 = tpu.memref_slice %arg3[%add3A_69] : memref<640000xi32, #tpu.memory_space<hbm>> -> memref<80xi32, #tpu.memory_space<hbm>>
    tpu.enqueue_dma source(%dma_start3A_71 : memref<80xi32, #tpu.memory_space<hbm>>) target(%arg25 : memref<80xi32, #tpu.memory_space<vmem>>) target_semaphore(%arg41 : memref<!tpu.dma_semaphore, #tpu.memory_space<semaphore_mem>>)
    %add3A_72 = arith.constant 560 : i32
    %add3A_73 = arith.addi %mul3A_2, %add3A_72 : i32
    %dma_start3A_74 = tpu.memref_slice %arg3[%add3A_73] : memref<640000xi32, #tpu.memory_space<hbm>> -> memref<80xi32, #tpu.memory_space<hbm>>
    %dma_start3A_75 = tpu.memref_slice %arg3[%add3A_73] : memref<640000xi32, #tpu.memory_space<hbm>> -> memref<80xi32, #tpu.memory_space<hbm>>
    tpu.enqueue_dma source(%dma_start3A_75 : memref<80xi32, #tpu.memory_space<hbm>>) target(%arg18 : memref<80xi32, #tpu.memory_space<vmem>>) target_semaphore(%arg42 : memref<!tpu.dma_semaphore, #tpu.memory_space<semaphore_mem>>)
    %add3A_76 = arith.constant 320000 : i32
    %add3A_77 = arith.addi %add3A_76, %mul3A_2 : i32
    %add3A_78 = arith.constant 560 : i32
    %add3A_79 = arith.addi %add3A_77, %add3A_78 : i32
    %dma_start3A_80 = tpu.memref_slice %arg3[%add3A_79] : memref<640000xi32, #tpu.memory_space<hbm>> -> memref<80xi32, #tpu.memory_space<hbm>>
    %dma_start3A_81 = tpu.memref_slice %arg3[%add3A_79] : memref<640000xi32, #tpu.memory_space<hbm>> -> memref<80xi32, #tpu.memory_space<hbm>>
    tpu.enqueue_dma source(%dma_start3A_81 : memref<80xi32, #tpu.memory_space<hbm>>) target(%arg26 : memref<80xi32, #tpu.memory_space<vmem>>) target_semaphore(%arg42 : memref<!tpu.dma_semaphore, #tpu.memory_space<semaphore_mem>>)
    %broadcast_in_dim3A = arith.constant 0.000000e+00 : f32
    %broadcast_in_dim3A_82 = vector.broadcast %broadcast_in_dim3A : f32 to vector<16xf32>
    %scan3A = arith.constant 0 : i32
    %scan3A_83 = arith.constant 0 : i32
    %scan3A_84 = arith.constant 40 : i32
    %scan3A_85 = arith.addi %scan3A_83, %scan3A_84 : i32
    %scan3A_86 = arith.constant 1 : i32
    scf.for %scan3A_228 = %scan3A_83 to %scan3A_85 step %scan3A_86  : i32 {
      %swap3A = arith.index_cast %scan3A_228 : i32 to index
      %swap3A_229 = arith.constant 0 : index
      %swap3A_230 = tpu.vector_load %arg5[%swap3A, %swap3A_229] {strides = array<i32>} : memref<40x128xf32, #tpu.memory_space<vmem>>, vector<1x16xf32>,
      %swap3A_231 = vector.shape_cast %swap3A_230 : vector<1x16xf32> to vector<16xf32>
      %swap3A_232 = vector.shape_cast %broadcast_in_dim3A_82 : vector<16xf32> to vector<1x16xf32>
      tpu.vector_store %arg5[%swap3A, %swap3A_229], %swap3A_232 {strides = array<i32>} : memref<40x128xf32, #tpu.memory_space<vmem>>, vector<1x16xf32>,
      %swap3A_233 = arith.index_cast %scan3A_228 : i32 to index
      %swap3A_234 = arith.constant 16 : index
      %swap3A_235 = tpu.vector_load %arg5[%swap3A_233, %swap3A_234] {strides = array<i32>} : memref<40x128xf32, #tpu.memory_space<vmem>>, vector<1x16xf32>,
      %swap3A_236 = vector.shape_cast %swap3A_235 : vector<1x16xf32> to vector<16xf32>
      %swap3A_237 = vector.shape_cast %broadcast_in_dim3A_82 : vector<16xf32> to vector<1x16xf32>
      tpu.vector_store %arg5[%swap3A_233, %swap3A_234], %swap3A_237 {strides = array<i32>} : memref<40x128xf32, #tpu.memory_space<vmem>>, vector<1x16xf32>,
      %swap3A_238 = arith.index_cast %scan3A_228 : i32 to index
      %swap3A_239 = arith.constant 32 : index
      %swap3A_240 = tpu.vector_load %arg5[%swap3A_238, %swap3A_239] {strides = array<i32>} : memref<40x128xf32, #tpu.memory_space<vmem>>, vector<1x16xf32>,
      %swap3A_241 = vector.shape_cast %swap3A_240 : vector<1x16xf32> to vector<16xf32>
      %swap3A_242 = vector.shape_cast %broadcast_in_dim3A_82 : vector<16xf32> to vector<1x16xf32>
      tpu.vector_store %arg5[%swap3A_238, %swap3A_239], %swap3A_242 {strides = array<i32>} : memref<40x128xf32, #tpu.memory_space<vmem>>, vector<1x16xf32>,
      %swap3A_243 = arith.index_cast %scan3A_228 : i32 to index
      %swap3A_244 = arith.constant 48 : index
      %swap3A_245 = tpu.vector_load %arg5[%swap3A_243, %swap3A_244] {strides = array<i32>} : memref<40x128xf32, #tpu.memory_space<vmem>>, vector<1x16xf32>,
      %swap3A_246 = vector.shape_cast %swap3A_245 : vector<1x16xf32> to vector<16xf32>
      %swap3A_247 = vector.shape_cast %broadcast_in_dim3A_82 : vector<16xf32> to vector<1x16xf32>
      tpu.vector_store %arg5[%swap3A_243, %swap3A_244], %swap3A_247 {strides = array<i32>} : memref<40x128xf32, #tpu.memory_space<vmem>>, vector<1x16xf32>,
      %swap3A_248 = arith.index_cast %scan3A_228 : i32 to index
      %swap3A_249 = arith.constant 64 : index
      %swap3A_250 = tpu.vector_load %arg5[%swap3A_248, %swap3A_249] {strides = array<i32>} : memref<40x128xf32, #tpu.memory_space<vmem>>, vector<1x16xf32>,
      %swap3A_251 = vector.shape_cast %swap3A_250 : vector<1x16xf32> to vector<16xf32>
      %swap3A_252 = vector.shape_cast %broadcast_in_dim3A_82 : vector<16xf32> to vector<1x16xf32>
      tpu.vector_store %arg5[%swap3A_248, %swap3A_249], %swap3A_252 {strides = array<i32>} : memref<40x128xf32, #tpu.memory_space<vmem>>, vector<1x16xf32>,
      %swap3A_253 = arith.index_cast %scan3A_228 : i32 to index
      %swap3A_254 = arith.constant 80 : index
      %swap3A_255 = tpu.vector_load %arg5[%swap3A_253, %swap3A_254] {strides = array<i32>} : memref<40x128xf32, #tpu.memory_space<vmem>>, vector<1x16xf32>,
      %swap3A_256 = vector.shape_cast %swap3A_255 : vector<1x16xf32> to vector<16xf32>
      %swap3A_257 = vector.shape_cast %broadcast_in_dim3A_82 : vector<16xf32> to vector<1x16xf32>
      tpu.vector_store %arg5[%swap3A_253, %swap3A_254], %swap3A_257 {strides = array<i32>} : memref<40x128xf32, #tpu.memory_space<vmem>>, vector<1x16xf32>,
      %swap3A_258 = arith.index_cast %scan3A_228 : i32 to index
      %swap3A_259 = arith.constant 96 : index
      %swap3A_260 = tpu.vector_load %arg5[%swap3A_258, %swap3A_259] {strides = array<i32>} : memref<40x128xf32, #tpu.memory_space<vmem>>, vector<1x16xf32>,
      %swap3A_261 = vector.shape_cast %swap3A_260 : vector<1x16xf32> to vector<16xf32>
      %swap3A_262 = vector.shape_cast %broadcast_in_dim3A_82 : vector<16xf32> to vector<1x16xf32>
      tpu.vector_store %arg5[%swap3A_258, %swap3A_259], %swap3A_262 {strides = array<i32>} : memref<40x128xf32, #tpu.memory_space<vmem>>, vector<1x16xf32>,
      %swap3A_263 = arith.index_cast %scan3A_228 : i32 to index
      %swap3A_264 = arith.constant 112 : index
      %swap3A_265 = tpu.vector_load %arg5[%swap3A_263, %swap3A_264] {strides = array<i32>} : memref<40x128xf32, #tpu.memory_space<vmem>>, vector<1x16xf32>,
      %swap3A_266 = vector.shape_cast %swap3A_265 : vector<1x16xf32> to vector<16xf32>
      %swap3A_267 = vector.shape_cast %broadcast_in_dim3A_82 : vector<16xf32> to vector<1x16xf32>
      tpu.vector_store %arg5[%swap3A_263, %swap3A_264], %swap3A_267 {strides = array<i32>} : memref<40x128xf32, #tpu.memory_space<vmem>>, vector<1x16xf32>,
    }
    %scan3A_87 = arith.constant 40 : i32
    %add3A_88 = arith.constant 0 : i32
    %add3A_89 = arith.addi %mul3A_2, %add3A_88 : i32
    %dma_wait3A = tpu.memref_slice %arg3[%add3A_89] : memref<640000xi32, #tpu.memory_space<hbm>> -> memref<80xi32, #tpu.memory_space<hbm>>
    %dma_wait3A_90 = tpu.memref_slice %arg3[%add3A_89] : memref<640000xi32, #tpu.memory_space<hbm>> -> memref<80xi32, #tpu.memory_space<hbm>>
    tpu.wait_dma2 semaphore(%arg35 : memref<!tpu.dma_semaphore, #tpu.memory_space<semaphore_mem>>) src(%dma_wait3A_90 : memref<80xi32, #tpu.memory_space<hbm>>) dst(%arg11 : memref<80xi32, #tpu.memory_space<vmem>>)
    %add3A_91 = arith.constant 320000 : i32
    %add3A_92 = arith.addi %add3A_91, %mul3A_2 : i32
    %add3A_93 = arith.constant 0 : i32
    %add3A_94 = arith.addi %add3A_92, %add3A_93 : i32
    %dma_wait3A_95 = tpu.memref_slice %arg3[%add3A_94] : memref<640000xi32, #tpu.memory_space<hbm>> -> memref<80xi32, #tpu.memory_space<hbm>>
    %dma_wait3A_96 = tpu.memref_slice %arg3[%add3A_94] : memref<640000xi32, #tpu.memory_space<hbm>> -> memref<80xi32, #tpu.memory_space<hbm>>
    tpu.wait_dma2 semaphore(%arg35 : memref<!tpu.dma_semaphore, #tpu.memory_space<semaphore_mem>>) src(%dma_wait3A_96 : memref<80xi32, #tpu.memory_space<hbm>>) dst(%arg19 : memref<80xi32, #tpu.memory_space<vmem>>)
    %dma_start3A_97 = arith.constant 0 : i32
    %dma_start3A_98 = arith.constant 0 : i32
    %dma_start3A_99 = tpu.memref_slice %arg2[%dma_start3A_97, %dma_start3A_98] : memref<10000x128xf32, #tpu.memory_space<hbm>> -> memref<10000x128xf32, #tpu.memory_space<hbm>>
    tpu.enqueue_indirect_dma source(%dma_start3A_99 : memref<10000x128xf32, #tpu.memory_space<hbm>>) target(%arg7 : memref<80x128xf32, #tpu.memory_space<vmem>>) offsets(%arg11 : memref<80xi32, #tpu.memory_space<vmem>>) semaphore(%arg27 : memref<!tpu.dma_semaphore, #tpu.memory_space<semaphore_mem>>)
    %add3A_100 = arith.constant 80 : i32
    %add3A_101 = arith.addi %mul3A_2, %add3A_100 : i32
    %dma_wait3A_102 = tpu.memref_slice %arg3[%add3A_101] : memref<640000xi32, #tpu.memory_space<hbm>> -> memref<80xi32, #tpu.memory_space<hbm>>
    %dma_wait3A_103 = tpu.memref_slice %arg3[%add3A_101] : memref<640000xi32, #tpu.memory_space<hbm>> -> memref<80xi32, #tpu.memory_space<hbm>>
    tpu.wait_dma2 semaphore(%arg36 : memref<!tpu.dma_semaphore, #tpu.memory_space<semaphore_mem>>) src(%dma_wait3A_103 : memref<80xi32, #tpu.memory_space<hbm>>) dst(%arg12 : memref<80xi32, #tpu.memory_space<vmem>>)
    %add3A_104 = arith.constant 320000 : i32
    %add3A_105 = arith.addi %add3A_104, %mul3A_2 : i32
    %add3A_106 = arith.constant 80 : i32
    %add3A_107 = arith.addi %add3A_105, %add3A_106 : i32
    %dma_wait3A_108 = tpu.memref_slice %arg3[%add3A_107] : memref<640000xi32, #tpu.memory_space<hbm>> -> memref<80xi32, #tpu.memory_space<hbm>>
    %dma_wait3A_109 = tpu.memref_slice %arg3[%add3A_107] : memref<640000xi32, #tpu.memory_space<hbm>> -> memref<80xi32, #tpu.memory_space<hbm>>
    tpu.wait_dma2 semaphore(%arg36 : memref<!tpu.dma_semaphore, #tpu.memory_space<semaphore_mem>>) src(%dma_wait3A_109 : memref<80xi32, #tpu.memory_space<hbm>>) dst(%arg20 : memref<80xi32, #tpu.memory_space<vmem>>)
    %dma_start3A_110 = arith.constant 0 : i32
    %dma_start3A_111 = arith.constant 0 : i32
    %dma_start3A_112 = tpu.memref_slice %arg2[%dma_start3A_110, %dma_start3A_111] : memref<10000x128xf32, #tpu.memory_space<hbm>> -> memref<10000x128xf32, #tpu.memory_space<hbm>>
    tpu.enqueue_indirect_dma source(%dma_start3A_112 : memref<10000x128xf32, #tpu.memory_space<hbm>>) target(%arg8 : memref<80x128xf32, #tpu.memory_space<vmem>>) offsets(%arg12 : memref<80xi32, #tpu.memory_space<vmem>>) semaphore(%arg28 : memref<!tpu.dma_semaphore, #tpu.memory_space<semaphore_mem>>)
    %add3A_113 = arith.constant 160 : i32
    %add3A_114 = arith.addi %mul3A_2, %add3A_113 : i32
    %dma_wait3A_115 = tpu.memref_slice %arg3[%add3A_114] : memref<640000xi32, #tpu.memory_space<hbm>> -> memref<80xi32, #tpu.memory_space<hbm>>
    %dma_wait3A_116 = tpu.memref_slice %arg3[%add3A_114] : memref<640000xi32, #tpu.memory_space<hbm>> -> memref<80xi32, #tpu.memory_space<hbm>>
    tpu.wait_dma2 semaphore(%arg37 : memref<!tpu.dma_semaphore, #tpu.memory_space<semaphore_mem>>) src(%dma_wait3A_116 : memref<80xi32, #tpu.memory_space<hbm>>) dst(%arg13 : memref<80xi32, #tpu.memory_space<vmem>>)
    %add3A_117 = arith.constant 320000 : i32
    %add3A_118 = arith.addi %add3A_117, %mul3A_2 : i32
    %add3A_119 = arith.constant 160 : i32
    %add3A_120 = arith.addi %add3A_118, %add3A_119 : i32
    %dma_wait3A_121 = tpu.memref_slice %arg3[%add3A_120] : memref<640000xi32, #tpu.memory_space<hbm>> -> memref<80xi32, #tpu.memory_space<hbm>>
    %dma_wait3A_122 = tpu.memref_slice %arg3[%add3A_120] : memref<640000xi32, #tpu.memory_space<hbm>> -> memref<80xi32, #tpu.memory_space<hbm>>
    tpu.wait_dma2 semaphore(%arg37 : memref<!tpu.dma_semaphore, #tpu.memory_space<semaphore_mem>>) src(%dma_wait3A_122 : memref<80xi32, #tpu.memory_space<hbm>>) dst(%arg21 : memref<80xi32, #tpu.memory_space<vmem>>)
    %dma_start3A_123 = arith.constant 0 : i32
    %dma_start3A_124 = arith.constant 0 : i32
    %dma_start3A_125 = tpu.memref_slice %arg2[%dma_start3A_123, %dma_start3A_124] : memref<10000x128xf32, #tpu.memory_space<hbm>> -> memref<10000x128xf32, #tpu.memory_space<hbm>>
    tpu.enqueue_indirect_dma source(%dma_start3A_125 : memref<10000x128xf32, #tpu.memory_space<hbm>>) target(%arg9 : memref<80x128xf32, #tpu.memory_space<vmem>>) offsets(%arg13 : memref<80xi32, #tpu.memory_space<vmem>>) semaphore(%arg29 : memref<!tpu.dma_semaphore, #tpu.memory_space<semaphore_mem>>)
    %add3A_126 = arith.constant 240 : i32
    %add3A_127 = arith.addi %mul3A_2, %add3A_126 : i32
    %dma_wait3A_128 = tpu.memref_slice %arg3[%add3A_127] : memref<640000xi32, #tpu.memory_space<hbm>> -> memref<80xi32, #tpu.memory_space<hbm>>
    %dma_wait3A_129 = tpu.memref_slice %arg3[%add3A_127] : memref<640000xi32, #tpu.memory_space<hbm>> -> memref<80xi32, #tpu.memory_space<hbm>>
    tpu.wait_dma2 semaphore(%arg38 : memref<!tpu.dma_semaphore, #tpu.memory_space<semaphore_mem>>) src(%dma_wait3A_129 : memref<80xi32, #tpu.memory_space<hbm>>) dst(%arg14 : memref<80xi32, #tpu.memory_space<vmem>>)
    %add3A_130 = arith.constant 320000 : i32
    %add3A_131 = arith.addi %add3A_130, %mul3A_2 : i32
    %add3A_132 = arith.constant 240 : i32
    %add3A_133 = arith.addi %add3A_131, %add3A_132 : i32
    %dma_wait3A_134 = tpu.memref_slice %arg3[%add3A_133] : memref<640000xi32, #tpu.memory_space<hbm>> -> memref<80xi32, #tpu.memory_space<hbm>>
    %dma_wait3A_135 = tpu.memref_slice %arg3[%add3A_133] : memref<640000xi32, #tpu.memory_space<hbm>> -> memref<80xi32, #tpu.memory_space<hbm>>
    tpu.wait_dma2 semaphore(%arg38 : memref<!tpu.dma_semaphore, #tpu.memory_space<semaphore_mem>>) src(%dma_wait3A_135 : memref<80xi32, #tpu.memory_space<hbm>>) dst(%arg22 : memref<80xi32, #tpu.memory_space<vmem>>)
    %dma_start3A_136 = arith.constant 0 : i32
    %dma_start3A_137 = arith.constant 0 : i32
    %dma_start3A_138 = tpu.memref_slice %arg2[%dma_start3A_136, %dma_start3A_137] : memref<10000x128xf32, #tpu.memory_space<hbm>> -> memref<10000x128xf32, #tpu.memory_space<hbm>>
    tpu.enqueue_indirect_dma source(%dma_start3A_138 : memref<10000x128xf32, #tpu.memory_space<hbm>>) target(%arg10 : memref<80x128xf32, #tpu.memory_space<vmem>>) offsets(%arg14 : memref<80xi32, #tpu.memory_space<vmem>>) semaphore(%arg30 : memref<!tpu.dma_semaphore, #tpu.memory_space<semaphore_mem>>)
    %scan3A_139 = arith.constant 0 : i32
    %scan3A_140 = arith.constant 0 : i32
    %scan3A_141 = arith.constant 16 : i32
    %scan3A_142 = arith.addi %scan3A_140, %scan3A_141 : i32
    %scan3A_143 = arith.constant 1 : i32
    scf.for %scan3A_228 = %scan3A_140 to %scan3A_142 step %scan3A_143  : i32 {
      %mul3A_229 = arith.constant 16 : i32
      %mul3A_230 = arith.muli %scan3A_228, %mul3A_229 : i32
      %add3A_231 = arith.addi %arg1, %mul3A_230 : i32
      %lt3A = arith.constant 250 : i32
      %lt3A_232 = arith.cmpi slt, %add3A_231, %lt3A : i32
      %convert_element_type3A = arith.extui %lt3A_232 : i1 to i32
      %cond3A = arith.constant 0 : i32
      %cond3A_233 = arith.cmpi ne, %convert_element_type3A, %cond3A : i32
      scf.if %cond3A_233 {
        %mul3A_234 = arith.constant 40 : i32
        %mul3A_235 = arith.muli %add3A_231, %mul3A_234 : i32
        %dma_start3A_236 = arith.constant 0 : i32
        %dma_start3A_237 = tpu.memref_slice %arg6[%mul3A_235, %dma_start3A_236] : memref<10000x128xf32, #tpu.memory_space<vmem_shared>> -> memref<40x128xf32, #tpu.memory_space<vmem_shared>>
        %dma_start3A_238 = arith.constant 0 : i32
        %dma_start3A_239 = tpu.memref_slice %arg6[%mul3A_235, %dma_start3A_238] : memref<10000x128xf32, #tpu.memory_space<vmem_shared>> -> memref<40x128xf32, #tpu.memory_space<vmem_shared>>
        tpu.enqueue_dma source(%arg5 : memref<40x128xf32, #tpu.memory_space<vmem>>) target(%dma_start3A_239 : memref<40x128xf32, #tpu.memory_space<vmem_shared>>) target_semaphore(%arg43 : memref<!tpu.dma_semaphore, #tpu.memory_space<semaphore_mem>>)
      } else {
      }
    }
    %scan3A_144 = arith.constant 16 : i32
    %scan3A_145 = arith.constant 0 : i32
    %scan3A_146 = arith.constant 0 : i32
    %scan3A_147 = arith.constant 16 : i32
    %scan3A_148 = arith.addi %scan3A_146, %scan3A_147 : i32
    %scan3A_149 = arith.constant 1 : i32
    scf.for %scan3A_228 = %scan3A_146 to %scan3A_148 step %scan3A_149  : i32 {
      %mul3A_229 = arith.constant 16 : i32
      %mul3A_230 = arith.muli %scan3A_228, %mul3A_229 : i32
      %add3A_231 = arith.addi %arg1, %mul3A_230 : i32
      %lt3A = arith.constant 250 : i32
      %lt3A_232 = arith.cmpi slt, %add3A_231, %lt3A : i32
      %convert_element_type3A = arith.extui %lt3A_232 : i1 to i32
      %cond3A = arith.constant 0 : i32
      %cond3A_233 = arith.cmpi ne, %convert_element_type3A, %cond3A : i32
      scf.if %cond3A_233 {
        %mul3A_234 = arith.constant 40 : i32
        %mul3A_235 = arith.muli %add3A_231, %mul3A_234 : i32
        %dma_wait3A_236 = arith.constant 0 : i32
        %dma_wait3A_237 = tpu.memref_slice %arg6[%mul3A_235, %dma_wait3A_236] : memref<10000x128xf32, #tpu.memory_space<vmem_shared>> -> memref<40x128xf32, #tpu.memory_space<vmem_shared>>
        %dma_wait3A_238 = arith.constant 0 : i32
        %dma_wait3A_239 = tpu.memref_slice %arg6[%mul3A_235, %dma_wait3A_238] : memref<10000x128xf32, #tpu.memory_space<vmem_shared>> -> memref<40x128xf32, #tpu.memory_space<vmem_shared>>
        tpu.wait_dma2 semaphore(%arg43 : memref<!tpu.dma_semaphore, #tpu.memory_space<semaphore_mem>>) src(%arg5 : memref<40x128xf32, #tpu.memory_space<vmem>>) dst(%dma_wait3A_239 : memref<40x128xf32, #tpu.memory_space<vmem_shared>>)
      } else {
      }
    }
    %scan3A_150 = arith.constant 16 : i32
    %barrier3A = arith.constant 0 : index
    tpu.barrier barrier_id(%barrier3A)
    %scan3A_151 = arith.constant 0 : i32
    %scan3A_152 = arith.constant 0 : i32
    %scan3A_153 = arith.constant 15 : i32
    %scan3A_154 = arith.addi %scan3A_152, %scan3A_153 : i32
    %scan3A_155 = arith.constant 1 : i32
    scf.for %scan3A_228 = %scan3A_152 to %scan3A_154 step %scan3A_155  : i32 {
      %mul3A_229 = arith.constant 8 : i32
      %mul3A_230 = arith.muli %scan3A_228, %mul3A_229 : i32
      %add3A_231 = arith.constant 0 : i32
      %add3A_232 = arith.addi %mul3A_230, %add3A_231 : i32
      %dma_wait3A_233 = arith.constant 0 : i32
      %dma_wait3A_234 = arith.constant 0 : i32
      %dma_wait3A_235 = tpu.memref_slice %arg2[%dma_wait3A_233, %dma_wait3A_234] : memref<10000x128xf32, #tpu.memory_space<hbm>> -> memref<10000x128xf32, #tpu.memory_space<hbm>>
      tpu.wait_indirect_dma semaphore(%arg27 : memref<!tpu.dma_semaphore, #tpu.memory_space<semaphore_mem>>) src(%dma_wait3A_235 : memref<10000x128xf32, #tpu.memory_space<hbm>>) dst(%arg7 : memref<80x128xf32, #tpu.memory_space<vmem>>)
      %dma_start3A_236 = arith.constant 0 : i32
      %dma_start3A_237 = arith.constant 0 : i32
      %dma_start3A_238 = tpu.memref_slice %arg6[%dma_start3A_236, %dma_start3A_237] : memref<10000x128xf32, #tpu.memory_space<vmem_shared>> -> memref<10000x128xf32, #tpu.memory_space<vmem_shared>>
      tpu.enqueue_indirect_dma source(%arg7 : memref<80x128xf32, #tpu.memory_space<vmem>>) target(%dma_start3A_238 : memref<10000x128xf32, #tpu.memory_space<vmem_shared>>) offsets(%arg19 : memref<80xi32, #tpu.memory_space<vmem>>) semaphore(%arg31 : memref<!tpu.dma_semaphore, #tpu.memory_space<semaphore_mem>>) {add = true}
      %add3A_239 = arith.constant 4 : i32
      %add3A_240 = arith.addi %add3A_232, %add3A_239 : i32
      %lt3A = arith.constant 125 : i32
      %lt3A_241 = arith.cmpi slt, %add3A_240, %lt3A : i32
      %convert_element_type3A = arith.extui %lt3A_241 : i1 to i32
      %cond3A = arith.constant 0 : i32
      %cond3A_242 = arith.cmpi ne, %convert_element_type3A, %cond3A : i32
      scf.if %cond3A_242 {
        %ge3A = arith.constant 0 : i32
        %ge3A_418 = arith.cmpi sge, %add3A_232, %ge3A : i32
        %convert_element_type3A_419 = arith.extui %ge3A_418 : i1 to i32
        %cond3A_420 = arith.constant 0 : i32
        %cond3A_421 = arith.cmpi ne, %convert_element_type3A_419, %cond3A_420 : i32
        scf.if %cond3A_421 {
          %dma_wait3A_439 = arith.constant 0 : i32
          %dma_wait3A_440 = arith.constant 0 : i32
          %dma_wait3A_441 = tpu.memref_slice %arg6[%dma_wait3A_439, %dma_wait3A_440] : memref<10000x128xf32, #tpu.memory_space<vmem_shared>> -> memref<10000x128xf32, #tpu.memory_space<vmem_shared>>
          tpu.wait_indirect_dma semaphore(%arg31 : memref<!tpu.dma_semaphore, #tpu.memory_space<semaphore_mem>>) src(%arg7 : memref<80x128xf32, #tpu.memory_space<vmem>>) dst(%dma_wait3A_441 : memref<10000x128xf32, #tpu.memory_space<vmem_shared>>)
        } else {
        }
        %add3A_422 = arith.constant 4 : i32
        %add3A_423 = arith.addi %add3A_232, %add3A_422 : i32
        %mul3A_424 = arith.constant 80 : i32
        %mul3A_425 = arith.muli %add3A_423, %mul3A_424 : i32
        %add3A_426 = arith.addi %mul3A_2, %mul3A_425 : i32
        %dma_wait3A_427 = tpu.memref_slice %arg3[%add3A_426] : memref<640000xi32, #tpu.memory_space<hbm>> -> memref<80xi32, #tpu.memory_space<hbm>>
        %dma_wait3A_428 = tpu.memref_slice %arg3[%add3A_426] : memref<640000xi32, #tpu.memory_space<hbm>> -> memref<80xi32, #tpu.memory_space<hbm>>
        tpu.wait_dma2 semaphore(%arg39 : memref<!tpu.dma_semaphore, #tpu.memory_space<semaphore_mem>>) src(%dma_wait3A_428 : memref<80xi32, #tpu.memory_space<hbm>>) dst(%arg15 : memref<80xi32, #tpu.memory_space<vmem>>)
        %add3A_429 = arith.constant 320000 : i32
        %add3A_430 = arith.addi %add3A_429, %mul3A_2 : i32
        %mul3A_431 = arith.constant 80 : i32
        %mul3A_432 = arith.muli %add3A_423, %mul3A_431 : i32
        %add3A_433 = arith.addi %add3A_430, %mul3A_432 : i32
        %dma_wait3A_434 = tpu.memref_slice %arg3[%add3A_433] : memref<640000xi32, #tpu.memory_space<hbm>> -> memref<80xi32, #tpu.memory_space<hbm>>
        %dma_wait3A_435 = tpu.memref_slice %arg3[%add3A_433] : memref<640000xi32, #tpu.memory_space<hbm>> -> memref<80xi32, #tpu.memory_space<hbm>>
        tpu.wait_dma2 semaphore(%arg39 : memref<!tpu.dma_semaphore, #tpu.memory_space<semaphore_mem>>) src(%dma_wait3A_435 : memref<80xi32, #tpu.memory_space<hbm>>) dst(%arg23 : memref<80xi32, #tpu.memory_space<vmem>>)
        %dma_start3A_436 = arith.constant 0 : i32
        %dma_start3A_437 = arith.constant 0 : i32
        %dma_start3A_438 = tpu.memref_slice %arg2[%dma_start3A_436, %dma_start3A_437] : memref<10000x128xf32, #tpu.memory_space<hbm>> -> memref<10000x128xf32, #tpu.memory_space<hbm>>
        tpu.enqueue_indirect_dma source(%dma_start3A_438 : memref<10000x128xf32, #tpu.memory_space<hbm>>) target(%arg7 : memref<80x128xf32, #tpu.memory_space<vmem>>) offsets(%arg15 : memref<80xi32, #tpu.memory_space<vmem>>) semaphore(%arg27 : memref<!tpu.dma_semaphore, #tpu.memory_space<semaphore_mem>>)
      } else {
      }
      %add3A_243 = arith.constant 8 : i32
      %add3A_244 = arith.addi %add3A_232, %add3A_243 : i32
      %lt3A_245 = arith.constant 125 : i32
      %lt3A_246 = arith.cmpi slt, %add3A_244, %lt3A_245 : i32
      %convert_element_type3A_247 = arith.extui %lt3A_246 : i1 to i32
      %cond3A_248 = arith.constant 0 : i32
      %cond3A_249 = arith.cmpi ne, %convert_element_type3A_247, %cond3A_248 : i32
      scf.if %cond3A_249 {
        %add3A_418 = arith.constant 8 : i32
        %add3A_419 = arith.addi %add3A_232, %add3A_418 : i32
        %mul3A_420 = arith.constant 80 : i32
        %mul3A_421 = arith.muli %add3A_419, %mul3A_420 : i32
        %add3A_422 = arith.addi %mul3A_2, %mul3A_421 : i32
        %dma_start3A_423 = tpu.memref_slice %arg3[%add3A_422] : memref<640000xi32, #tpu.memory_space<hbm>> -> memref<80xi32, #tpu.memory_space<hbm>>
        %dma_start3A_424 = tpu.memref_slice %arg3[%add3A_422] : memref<640000xi32, #tpu.memory_space<hbm>> -> memref<80xi32, #tpu.memory_space<hbm>>
        tpu.enqueue_dma source(%dma_start3A_424 : memref<80xi32, #tpu.memory_space<hbm>>) target(%arg11 : memref<80xi32, #tpu.memory_space<vmem>>) target_semaphore(%arg35 : memref<!tpu.dma_semaphore, #tpu.memory_space<semaphore_mem>>)
        %add3A_425 = arith.constant 320000 : i32
        %add3A_426 = arith.addi %add3A_425, %mul3A_2 : i32
        %mul3A_427 = arith.constant 80 : i32
        %mul3A_428 = arith.muli %add3A_419, %mul3A_427 : i32
        %add3A_429 = arith.addi %add3A_426, %mul3A_428 : i32
        %dma_start3A_430 = tpu.memref_slice %arg3[%add3A_429] : memref<640000xi32, #tpu.memory_space<hbm>> -> memref<80xi32, #tpu.memory_space<hbm>>
        %dma_start3A_431 = tpu.memref_slice %arg3[%add3A_429] : memref<640000xi32, #tpu.memory_space<hbm>> -> memref<80xi32, #tpu.memory_space<hbm>>
        tpu.enqueue_dma source(%dma_start3A_431 : memref<80xi32, #tpu.memory_space<hbm>>) target(%arg19 : memref<80xi32, #tpu.memory_space<vmem>>) target_semaphore(%arg35 : memref<!tpu.dma_semaphore, #tpu.memory_space<semaphore_mem>>)
      } else {
      }
      %mul3A_250 = arith.constant 8 : i32
      %mul3A_251 = arith.muli %scan3A_228, %mul3A_250 : i32
      %add3A_252 = arith.constant 1 : i32
      %add3A_253 = arith.addi %mul3A_251, %add3A_252 : i32
      %dma_wait3A_254 = arith.constant 0 : i32
      %dma_wait3A_255 = arith.constant 0 : i32
      %dma_wait3A_256 = tpu.memref_slice %arg2[%dma_wait3A_254, %dma_wait3A_255] : memref<10000x128xf32, #tpu.memory_space<hbm>> -> memref<10000x128xf32, #tpu.memory_space<hbm>>
      tpu.wait_indirect_dma semaphore(%arg28 : memref<!tpu.dma_semaphore, #tpu.memory_space<semaphore_mem>>) src(%dma_wait3A_256 : memref<10000x128xf32, #tpu.memory_space<hbm>>) dst(%arg8 : memref<80x128xf32, #tpu.memory_space<vmem>>)
      %dma_start3A_257 = arith.constant 0 : i32
      %dma_start3A_258 = arith.constant 0 : i32
      %dma_start3A_259 = tpu.memref_slice %arg6[%dma_start3A_257, %dma_start3A_258] : memref<10000x128xf32, #tpu.memory_space<vmem_shared>> -> memref<10000x128xf32, #tpu.memory_space<vmem_shared>>
      tpu.enqueue_indirect_dma source(%arg8 : memref<80x128xf32, #tpu.memory_space<vmem>>) target(%dma_start3A_259 : memref<10000x128xf32, #tpu.memory_space<vmem_shared>>) offsets(%arg20 : memref<80xi32, #tpu.memory_space<vmem>>) semaphore(%arg32 : memref<!tpu.dma_semaphore, #tpu.memory_space<semaphore_mem>>) {add = true}
      %add3A_260 = arith.constant 4 : i32
      %add3A_261 = arith.addi %add3A_253, %add3A_260 : i32
      %lt3A_262 = arith.constant 125 : i32
      %lt3A_263 = arith.cmpi slt, %add3A_261, %lt3A_262 : i32
      %convert_element_type3A_264 = arith.extui %lt3A_263 : i1 to i32
      %cond3A_265 = arith.constant 0 : i32
      %cond3A_266 = arith.cmpi ne, %convert_element_type3A_264, %cond3A_265 : i32
      scf.if %cond3A_266 {
        %ge3A = arith.constant 0 : i32
        %ge3A_418 = arith.cmpi sge, %add3A_253, %ge3A : i32
        %convert_element_type3A_419 = arith.extui %ge3A_418 : i1 to i32
        %cond3A_420 = arith.constant 0 : i32
        %cond3A_421 = arith.cmpi ne, %convert_element_type3A_419, %cond3A_420 : i32
        scf.if %cond3A_421 {
          %dma_wait3A_439 = arith.constant 0 : i32
          %dma_wait3A_440 = arith.constant 0 : i32
          %dma_wait3A_441 = tpu.memref_slice %arg6[%dma_wait3A_439, %dma_wait3A_440] : memref<10000x128xf32, #tpu.memory_space<vmem_shared>> -> memref<10000x128xf32, #tpu.memory_space<vmem_shared>>
          tpu.wait_indirect_dma semaphore(%arg32 : memref<!tpu.dma_semaphore, #tpu.memory_space<semaphore_mem>>) src(%arg8 : memref<80x128xf32, #tpu.memory_space<vmem>>) dst(%dma_wait3A_441 : memref<10000x128xf32, #tpu.memory_space<vmem_shared>>)
        } else {
        }
        %add3A_422 = arith.constant 4 : i32
        %add3A_423 = arith.addi %add3A_253, %add3A_422 : i32
        %mul3A_424 = arith.constant 80 : i32
        %mul3A_425 = arith.muli %add3A_423, %mul3A_424 : i32
        %add3A_426 = arith.addi %mul3A_2, %mul3A_425 : i32
        %dma_wait3A_427 = tpu.memref_slice %arg3[%add3A_426] : memref<640000xi32, #tpu.memory_space<hbm>> -> memref<80xi32, #tpu.memory_space<hbm>>
        %dma_wait3A_428 = tpu.memref_slice %arg3[%add3A_426] : memref<640000xi32, #tpu.memory_space<hbm>> -> memref<80xi32, #tpu.memory_space<hbm>>
        tpu.wait_dma2 semaphore(%arg40 : memref<!tpu.dma_semaphore, #tpu.memory_space<semaphore_mem>>) src(%dma_wait3A_428 : memref<80xi32, #tpu.memory_space<hbm>>) dst(%arg16 : memref<80xi32, #tpu.memory_space<vmem>>)
        %add3A_429 = arith.constant 320000 : i32
        %add3A_430 = arith.addi %add3A_429, %mul3A_2 : i32
        %mul3A_431 = arith.constant 80 : i32
        %mul3A_432 = arith.muli %add3A_423, %mul3A_431 : i32
        %add3A_433 = arith.addi %add3A_430, %mul3A_432 : i32
        %dma_wait3A_434 = tpu.memref_slice %arg3[%add3A_433] : memref<640000xi32, #tpu.memory_space<hbm>> -> memref<80xi32, #tpu.memory_space<hbm>>
        %dma_wait3A_435 = tpu.memref_slice %arg3[%add3A_433] : memref<640000xi32, #tpu.memory_space<hbm>> -> memref<80xi32, #tpu.memory_space<hbm>>
        tpu.wait_dma2 semaphore(%arg40 : memref<!tpu.dma_semaphore, #tpu.memory_space<semaphore_mem>>) src(%dma_wait3A_435 : memref<80xi32, #tpu.memory_space<hbm>>) dst(%arg24 : memref<80xi32, #tpu.memory_space<vmem>>)
        %dma_start3A_436 = arith.constant 0 : i32
        %dma_start3A_437 = arith.constant 0 : i32
        %dma_start3A_438 = tpu.memref_slice %arg2[%dma_start3A_436, %dma_start3A_437] : memref<10000x128xf32, #tpu.memory_space<hbm>> -> memref<10000x128xf32, #tpu.memory_space<hbm>>
        tpu.enqueue_indirect_dma source(%dma_start3A_438 : memref<10000x128xf32, #tpu.memory_space<hbm>>) target(%arg8 : memref<80x128xf32, #tpu.memory_space<vmem>>) offsets(%arg16 : memref<80xi32, #tpu.memory_space<vmem>>) semaphore(%arg28 : memref<!tpu.dma_semaphore, #tpu.memory_space<semaphore_mem>>)
      } else {
      }
      %add3A_267 = arith.constant 8 : i32
      %add3A_268 = arith.addi %add3A_253, %add3A_267 : i32
      %lt3A_269 = arith.constant 125 : i32
      %lt3A_270 = arith.cmpi slt, %add3A_268, %lt3A_269 : i32
      %convert_element_type3A_271 = arith.extui %lt3A_270 : i1 to i32
      %cond3A_272 = arith.constant 0 : i32
      %cond3A_273 = arith.cmpi ne, %convert_element_type3A_271, %cond3A_272 : i32
      scf.if %cond3A_273 {
        %add3A_418 = arith.constant 8 : i32
        %add3A_419 = arith.addi %add3A_253, %add3A_418 : i32
        %mul3A_420 = arith.constant 80 : i32
        %mul3A_421 = arith.muli %add3A_419, %mul3A_420 : i32
        %add3A_422 = arith.addi %mul3A_2, %mul3A_421 : i32
        %dma_start3A_423 = tpu.memref_slice %arg3[%add3A_422] : memref<640000xi32, #tpu.memory_space<hbm>> -> memref<80xi32, #tpu.memory_space<hbm>>
        %dma_start3A_424 = tpu.memref_slice %arg3[%add3A_422] : memref<640000xi32, #tpu.memory_space<hbm>> -> memref<80xi32, #tpu.memory_space<hbm>>
        tpu.enqueue_dma source(%dma_start3A_424 : memref<80xi32, #tpu.memory_space<hbm>>) target(%arg12 : memref<80xi32, #tpu.memory_space<vmem>>) target_semaphore(%arg36 : memref<!tpu.dma_semaphore, #tpu.memory_space<semaphore_mem>>)
        %add3A_425 = arith.constant 320000 : i32
        %add3A_426 = arith.addi %add3A_425, %mul3A_2 : i32
        %mul3A_427 = arith.constant 80 : i32
        %mul3A_428 = arith.muli %add3A_419, %mul3A_427 : i32
        %add3A_429 = arith.addi %add3A_426, %mul3A_428 : i32
        %dma_start3A_430 = tpu.memref_slice %arg3[%add3A_429] : memref<640000xi32, #tpu.memory_space<hbm>> -> memref<80xi32, #tpu.memory_space<hbm>>
        %dma_start3A_431 = tpu.memref_slice %arg3[%add3A_429] : memref<640000xi32, #tpu.memory_space<hbm>> -> memref<80xi32, #tpu.memory_space<hbm>>
        tpu.enqueue_dma source(%dma_start3A_431 : memref<80xi32, #tpu.memory_space<hbm>>) target(%arg20 : memref<80xi32, #tpu.memory_space<vmem>>) target_semaphore(%arg36 : memref<!tpu.dma_semaphore, #tpu.memory_space<semaphore_mem>>)
      } else {
      }
      %mul3A_274 = arith.constant 8 : i32
      %mul3A_275 = arith.muli %scan3A_228, %mul3A_274 : i32
      %add3A_276 = arith.constant 2 : i32
      %add3A_277 = arith.addi %mul3A_275, %add3A_276 : i32
      %dma_wait3A_278 = arith.constant 0 : i32
      %dma_wait3A_279 = arith.constant 0 : i32
      %dma_wait3A_280 = tpu.memref_slice %arg2[%dma_wait3A_278, %dma_wait3A_279] : memref<10000x128xf32, #tpu.memory_space<hbm>> -> memref<10000x128xf32, #tpu.memory_space<hbm>>
      tpu.wait_indirect_dma semaphore(%arg29 : memref<!tpu.dma_semaphore, #tpu.memory_space<semaphore_mem>>) src(%dma_wait3A_280 : memref<10000x128xf32, #tpu.memory_space<hbm>>) dst(%arg9 : memref<80x128xf32, #tpu.memory_space<vmem>>)
      %dma_start3A_281 = arith.constant 0 : i32
      %dma_start3A_282 = arith.constant 0 : i32
      %dma_start3A_283 = tpu.memref_slice %arg6[%dma_start3A_281, %dma_start3A_282] : memref<10000x128xf32, #tpu.memory_space<vmem_shared>> -> memref<10000x128xf32, #tpu.memory_space<vmem_shared>>
      tpu.enqueue_indirect_dma source(%arg9 : memref<80x128xf32, #tpu.memory_space<vmem>>) target(%dma_start3A_283 : memref<10000x128xf32, #tpu.memory_space<vmem_shared>>) offsets(%arg21 : memref<80xi32, #tpu.memory_space<vmem>>) semaphore(%arg33 : memref<!tpu.dma_semaphore, #tpu.memory_space<semaphore_mem>>) {add = true}
      %add3A_284 = arith.constant 4 : i32
      %add3A_285 = arith.addi %add3A_277, %add3A_284 : i32
      %lt3A_286 = arith.constant 125 : i32
      %lt3A_287 = arith.cmpi slt, %add3A_285, %lt3A_286 : i32
      %convert_element_type3A_288 = arith.extui %lt3A_287 : i1 to i32
      %cond3A_289 = arith.constant 0 : i32
      %cond3A_290 = arith.cmpi ne, %convert_element_type3A_288, %cond3A_289 : i32
      scf.if %cond3A_290 {
        %ge3A = arith.constant 0 : i32
        %ge3A_418 = arith.cmpi sge, %add3A_277, %ge3A : i32
        %convert_element_type3A_419 = arith.extui %ge3A_418 : i1 to i32
        %cond3A_420 = arith.constant 0 : i32
        %cond3A_421 = arith.cmpi ne, %convert_element_type3A_419, %cond3A_420 : i32
        scf.if %cond3A_421 {
          %dma_wait3A_439 = arith.constant 0 : i32
          %dma_wait3A_440 = arith.constant 0 : i32
          %dma_wait3A_441 = tpu.memref_slice %arg6[%dma_wait3A_439, %dma_wait3A_440] : memref<10000x128xf32, #tpu.memory_space<vmem_shared>> -> memref<10000x128xf32, #tpu.memory_space<vmem_shared>>
          tpu.wait_indirect_dma semaphore(%arg33 : memref<!tpu.dma_semaphore, #tpu.memory_space<semaphore_mem>>) src(%arg9 : memref<80x128xf32, #tpu.memory_space<vmem>>) dst(%dma_wait3A_441 : memref<10000x128xf32, #tpu.memory_space<vmem_shared>>)
        } else {
        }
        %add3A_422 = arith.constant 4 : i32
        %add3A_423 = arith.addi %add3A_277, %add3A_422 : i32
        %mul3A_424 = arith.constant 80 : i32
        %mul3A_425 = arith.muli %add3A_423, %mul3A_424 : i32
        %add3A_426 = arith.addi %mul3A_2, %mul3A_425 : i32
        %dma_wait3A_427 = tpu.memref_slice %arg3[%add3A_426] : memref<640000xi32, #tpu.memory_space<hbm>> -> memref<80xi32, #tpu.memory_space<hbm>>
        %dma_wait3A_428 = tpu.memref_slice %arg3[%add3A_426] : memref<640000xi32, #tpu.memory_space<hbm>> -> memref<80xi32, #tpu.memory_space<hbm>>
        tpu.wait_dma2 semaphore(%arg41 : memref<!tpu.dma_semaphore, #tpu.memory_space<semaphore_mem>>) src(%dma_wait3A_428 : memref<80xi32, #tpu.memory_space<hbm>>) dst(%arg17 : memref<80xi32, #tpu.memory_space<vmem>>)
        %add3A_429 = arith.constant 320000 : i32
        %add3A_430 = arith.addi %add3A_429, %mul3A_2 : i32
        %mul3A_431 = arith.constant 80 : i32
        %mul3A_432 = arith.muli %add3A_423, %mul3A_431 : i32
        %add3A_433 = arith.addi %add3A_430, %mul3A_432 : i32
        %dma_wait3A_434 = tpu.memref_slice %arg3[%add3A_433] : memref<640000xi32, #tpu.memory_space<hbm>> -> memref<80xi32, #tpu.memory_space<hbm>>
        %dma_wait3A_435 = tpu.memref_slice %arg3[%add3A_433] : memref<640000xi32, #tpu.memory_space<hbm>> -> memref<80xi32, #tpu.memory_space<hbm>>
        tpu.wait_dma2 semaphore(%arg41 : memref<!tpu.dma_semaphore, #tpu.memory_space<semaphore_mem>>) src(%dma_wait3A_435 : memref<80xi32, #tpu.memory_space<hbm>>) dst(%arg25 : memref<80xi32, #tpu.memory_space<vmem>>)
        %dma_start3A_436 = arith.constant 0 : i32
        %dma_start3A_437 = arith.constant 0 : i32
        %dma_start3A_438 = tpu.memref_slice %arg2[%dma_start3A_436, %dma_start3A_437] : memref<10000x128xf32, #tpu.memory_space<hbm>> -> memref<10000x128xf32, #tpu.memory_space<hbm>>
        tpu.enqueue_indirect_dma source(%dma_start3A_438 : memref<10000x128xf32, #tpu.memory_space<hbm>>) target(%arg9 : memref<80x128xf32, #tpu.memory_space<vmem>>) offsets(%arg17 : memref<80xi32, #tpu.memory_space<vmem>>) semaphore(%arg29 : memref<!tpu.dma_semaphore, #tpu.memory_space<semaphore_mem>>)
      } else {
      }
      %add3A_291 = arith.constant 8 : i32
      %add3A_292 = arith.addi %add3A_277, %add3A_291 : i32
      %lt3A_293 = arith.constant 125 : i32
      %lt3A_294 = arith.cmpi slt, %add3A_292, %lt3A_293 : i32
      %convert_element_type3A_295 = arith.extui %lt3A_294 : i1 to i32
      %cond3A_296 = arith.constant 0 : i32
      %cond3A_297 = arith.cmpi ne, %convert_element_type3A_295, %cond3A_296 : i32
      scf.if %cond3A_297 {
        %add3A_418 = arith.constant 8 : i32
        %add3A_419 = arith.addi %add3A_277, %add3A_418 : i32
        %mul3A_420 = arith.constant 80 : i32
        %mul3A_421 = arith.muli %add3A_419, %mul3A_420 : i32
        %add3A_422 = arith.addi %mul3A_2, %mul3A_421 : i32
        %dma_start3A_423 = tpu.memref_slice %arg3[%add3A_422] : memref<640000xi32, #tpu.memory_space<hbm>> -> memref<80xi32, #tpu.memory_space<hbm>>
        %dma_start3A_424 = tpu.memref_slice %arg3[%add3A_422] : memref<640000xi32, #tpu.memory_space<hbm>> -> memref<80xi32, #tpu.memory_space<hbm>>
        tpu.enqueue_dma source(%dma_start3A_424 : memref<80xi32, #tpu.memory_space<hbm>>) target(%arg13 : memref<80xi32, #tpu.memory_space<vmem>>) target_semaphore(%arg37 : memref<!tpu.dma_semaphore, #tpu.memory_space<semaphore_mem>>)
        %add3A_425 = arith.constant 320000 : i32
        %add3A_426 = arith.addi %add3A_425, %mul3A_2 : i32
        %mul3A_427 = arith.constant 80 : i32
        %mul3A_428 = arith.muli %add3A_419, %mul3A_427 : i32
        %add3A_429 = arith.addi %add3A_426, %mul3A_428 : i32
        %dma_start3A_430 = tpu.memref_slice %arg3[%add3A_429] : memref<640000xi32, #tpu.memory_space<hbm>> -> memref<80xi32, #tpu.memory_space<hbm>>
        %dma_start3A_431 = tpu.memref_slice %arg3[%add3A_429] : memref<640000xi32, #tpu.memory_space<hbm>> -> memref<80xi32, #tpu.memory_space<hbm>>
        tpu.enqueue_dma source(%dma_start3A_431 : memref<80xi32, #tpu.memory_space<hbm>>) target(%arg21 : memref<80xi32, #tpu.memory_space<vmem>>) target_semaphore(%arg37 : memref<!tpu.dma_semaphore, #tpu.memory_space<semaphore_mem>>)
      } else {
      }
      %mul3A_298 = arith.constant 8 : i32
      %mul3A_299 = arith.muli %scan3A_228, %mul3A_298 : i32
      %add3A_300 = arith.constant 3 : i32
      %add3A_301 = arith.addi %mul3A_299, %add3A_300 : i32
      %dma_wait3A_302 = arith.constant 0 : i32
      %dma_wait3A_303 = arith.constant 0 : i32
      %dma_wait3A_304 = tpu.memref_slice %arg2[%dma_wait3A_302, %dma_wait3A_303] : memref<10000x128xf32, #tpu.memory_space<hbm>> -> memref<10000x128xf32, #tpu.memory_space<hbm>>
      tpu.wait_indirect_dma semaphore(%arg30 : memref<!tpu.dma_semaphore, #tpu.memory_space<semaphore_mem>>) src(%dma_wait3A_304 : memref<10000x128xf32, #tpu.memory_space<hbm>>) dst(%arg10 : memref<80x128xf32, #tpu.memory_space<vmem>>)
      %dma_start3A_305 = arith.constant 0 : i32
      %dma_start3A_306 = arith.constant 0 : i32
      %dma_start3A_307 = tpu.memref_slice %arg6[%dma_start3A_305, %dma_start3A_306] : memref<10000x128xf32, #tpu.memory_space<vmem_shared>> -> memref<10000x128xf32, #tpu.memory_space<vmem_shared>>
      tpu.enqueue_indirect_dma source(%arg10 : memref<80x128xf32, #tpu.memory_space<vmem>>) target(%dma_start3A_307 : memref<10000x128xf32, #tpu.memory_space<vmem_shared>>) offsets(%arg22 : memref<80xi32, #tpu.memory_space<vmem>>) semaphore(%arg34 : memref<!tpu.dma_semaphore, #tpu.memory_space<semaphore_mem>>) {add = true}
      %add3A_308 = arith.constant 4 : i32
      %add3A_309 = arith.addi %add3A_301, %add3A_308 : i32
      %lt3A_310 = arith.constant 125 : i32
      %lt3A_311 = arith.cmpi slt, %add3A_309, %lt3A_310 : i32
      %convert_element_type3A_312 = arith.extui %lt3A_311 : i1 to i32
      %cond3A_313 = arith.constant 0 : i32
      %cond3A_314 = arith.cmpi ne, %convert_element_type3A_312, %cond3A_313 : i32
      scf.if %cond3A_314 {
        %ge3A = arith.constant 0 : i32
        %ge3A_418 = arith.cmpi sge, %add3A_301, %ge3A : i32
        %convert_element_type3A_419 = arith.extui %ge3A_418 : i1 to i32
        %cond3A_420 = arith.constant 0 : i32
        %cond3A_421 = arith.cmpi ne, %convert_element_type3A_419, %cond3A_420 : i32
        scf.if %cond3A_421 {
          %dma_wait3A_439 = arith.constant 0 : i32
          %dma_wait3A_440 = arith.constant 0 : i32
          %dma_wait3A_441 = tpu.memref_slice %arg6[%dma_wait3A_439, %dma_wait3A_440] : memref<10000x128xf32, #tpu.memory_space<vmem_shared>> -> memref<10000x128xf32, #tpu.memory_space<vmem_shared>>
          tpu.wait_indirect_dma semaphore(%arg34 : memref<!tpu.dma_semaphore, #tpu.memory_space<semaphore_mem>>) src(%arg10 : memref<80x128xf32, #tpu.memory_space<vmem>>) dst(%dma_wait3A_441 : memref<10000x128xf32, #tpu.memory_space<vmem_shared>>)
        } else {
        }
        %add3A_422 = arith.constant 4 : i32
        %add3A_423 = arith.addi %add3A_301, %add3A_422 : i32
        %mul3A_424 = arith.constant 80 : i32
        %mul3A_425 = arith.muli %add3A_423, %mul3A_424 : i32
        %add3A_426 = arith.addi %mul3A_2, %mul3A_425 : i32
        %dma_wait3A_427 = tpu.memref_slice %arg3[%add3A_426] : memref<640000xi32, #tpu.memory_space<hbm>> -> memref<80xi32, #tpu.memory_space<hbm>>
        %dma_wait3A_428 = tpu.memref_slice %arg3[%add3A_426] : memref<640000xi32, #tpu.memory_space<hbm>> -> memref<80xi32, #tpu.memory_space<hbm>>
        tpu.wait_dma2 semaphore(%arg42 : memref<!tpu.dma_semaphore, #tpu.memory_space<semaphore_mem>>) src(%dma_wait3A_428 : memref<80xi32, #tpu.memory_space<hbm>>) dst(%arg18 : memref<80xi32, #tpu.memory_space<vmem>>)
        %add3A_429 = arith.constant 320000 : i32
        %add3A_430 = arith.addi %add3A_429, %mul3A_2 : i32
        %mul3A_431 = arith.constant 80 : i32
        %mul3A_432 = arith.muli %add3A_423, %mul3A_431 : i32
        %add3A_433 = arith.addi %add3A_430, %mul3A_432 : i32
        %dma_wait3A_434 = tpu.memref_slice %arg3[%add3A_433] : memref<640000xi32, #tpu.memory_space<hbm>> -> memref<80xi32, #tpu.memory_space<hbm>>
        %dma_wait3A_435 = tpu.memref_slice %arg3[%add3A_433] : memref<640000xi32, #tpu.memory_space<hbm>> -> memref<80xi32, #tpu.memory_space<hbm>>
        tpu.wait_dma2 semaphore(%arg42 : memref<!tpu.dma_semaphore, #tpu.memory_space<semaphore_mem>>) src(%dma_wait3A_435 : memref<80xi32, #tpu.memory_space<hbm>>) dst(%arg26 : memref<80xi32, #tpu.memory_space<vmem>>)
        %dma_start3A_436 = arith.constant 0 : i32
        %dma_start3A_437 = arith.constant 0 : i32
        %dma_start3A_438 = tpu.memref_slice %arg2[%dma_start3A_436, %dma_start3A_437] : memref<10000x128xf32, #tpu.memory_space<hbm>> -> memref<10000x128xf32, #tpu.memory_space<hbm>>
        tpu.enqueue_indirect_dma source(%dma_start3A_438 : memref<10000x128xf32, #tpu.memory_space<hbm>>) target(%arg10 : memref<80x128xf32, #tpu.memory_space<vmem>>) offsets(%arg18 : memref<80xi32, #tpu.memory_space<vmem>>) semaphore(%arg30 : memref<!tpu.dma_semaphore, #tpu.memory_space<semaphore_mem>>)
      } else {
      }
      %add3A_315 = arith.constant 8 : i32
      %add3A_316 = arith.addi %add3A_301, %add3A_315 : i32
      %lt3A_317 = arith.constant 125 : i32
      %lt3A_318 = arith.cmpi slt, %add3A_316, %lt3A_317 : i32
      %convert_element_type3A_319 = arith.extui %lt3A_318 : i1 to i32
      %cond3A_320 = arith.constant 0 : i32
      %cond3A_321 = arith.cmpi ne, %convert_element_type3A_319, %cond3A_320 : i32
      scf.if %cond3A_321 {
        %add3A_418 = arith.constant 8 : i32
        %add3A_419 = arith.addi %add3A_301, %add3A_418 : i32
        %mul3A_420 = arith.constant 80 : i32
        %mul3A_421 = arith.muli %add3A_419, %mul3A_420 : i32
        %add3A_422 = arith.addi %mul3A_2, %mul3A_421 : i32
        %dma_start3A_423 = tpu.memref_slice %arg3[%add3A_422] : memref<640000xi32, #tpu.memory_space<hbm>> -> memref<80xi32, #tpu.memory_space<hbm>>
        %dma_start3A_424 = tpu.memref_slice %arg3[%add3A_422] : memref<640000xi32, #tpu.memory_space<hbm>> -> memref<80xi32, #tpu.memory_space<hbm>>
        tpu.enqueue_dma source(%dma_start3A_424 : memref<80xi32, #tpu.memory_space<hbm>>) target(%arg14 : memref<80xi32, #tpu.memory_space<vmem>>) target_semaphore(%arg38 : memref<!tpu.dma_semaphore, #tpu.memory_space<semaphore_mem>>)
        %add3A_425 = arith.constant 320000 : i32
        %add3A_426 = arith.addi %add3A_425, %mul3A_2 : i32
        %mul3A_427 = arith.constant 80 : i32
        %mul3A_428 = arith.muli %add3A_419, %mul3A_427 : i32
        %add3A_429 = arith.addi %add3A_426, %mul3A_428 : i32
        %dma_start3A_430 = tpu.memref_slice %arg3[%add3A_429] : memref<640000xi32, #tpu.memory_space<hbm>> -> memref<80xi32, #tpu.memory_space<hbm>>
        %dma_start3A_431 = tpu.memref_slice %arg3[%add3A_429] : memref<640000xi32, #tpu.memory_space<hbm>> -> memref<80xi32, #tpu.memory_space<hbm>>
        tpu.enqueue_dma source(%dma_start3A_431 : memref<80xi32, #tpu.memory_space<hbm>>) target(%arg22 : memref<80xi32, #tpu.memory_space<vmem>>) target_semaphore(%arg38 : memref<!tpu.dma_semaphore, #tpu.memory_space<semaphore_mem>>)
      } else {
      }
      %mul3A_322 = arith.constant 8 : i32
      %mul3A_323 = arith.muli %scan3A_228, %mul3A_322 : i32
      %add3A_324 = arith.constant 4 : i32
      %add3A_325 = arith.addi %mul3A_323, %add3A_324 : i32
      %dma_wait3A_326 = arith.constant 0 : i32
      %dma_wait3A_327 = arith.constant 0 : i32
      %dma_wait3A_328 = tpu.memref_slice %arg2[%dma_wait3A_326, %dma_wait3A_327] : memref<10000x128xf32, #tpu.memory_space<hbm>> -> memref<10000x128xf32, #tpu.memory_space<hbm>>
      tpu.wait_indirect_dma semaphore(%arg27 : memref<!tpu.dma_semaphore, #tpu.memory_space<semaphore_mem>>) src(%dma_wait3A_328 : memref<10000x128xf32, #tpu.memory_space<hbm>>) dst(%arg7 : memref<80x128xf32, #tpu.memory_space<vmem>>)
      %dma_start3A_329 = arith.constant 0 : i32
      %dma_start3A_330 = arith.constant 0 : i32
      %dma_start3A_331 = tpu.memref_slice %arg6[%dma_start3A_329, %dma_start3A_330] : memref<10000x128xf32, #tpu.memory_space<vmem_shared>> -> memref<10000x128xf32, #tpu.memory_space<vmem_shared>>
      tpu.enqueue_indirect_dma source(%arg7 : memref<80x128xf32, #tpu.memory_space<vmem>>) target(%dma_start3A_331 : memref<10000x128xf32, #tpu.memory_space<vmem_shared>>) offsets(%arg23 : memref<80xi32, #tpu.memory_space<vmem>>) semaphore(%arg31 : memref<!tpu.dma_semaphore, #tpu.memory_space<semaphore_mem>>) {add = true}
      %add3A_332 = arith.constant 4 : i32
      %add3A_333 = arith.addi %add3A_325, %add3A_332 : i32
      %lt3A_334 = arith.constant 125 : i32
      %lt3A_335 = arith.cmpi slt, %add3A_333, %lt3A_334 : i32
      %convert_element_type3A_336 = arith.extui %lt3A_335 : i1 to i32
      %cond3A_337 = arith.constant 0 : i32
      %cond3A_338 = arith.cmpi ne, %convert_element_type3A_336, %cond3A_337 : i32
      scf.if %cond3A_338 {
        %ge3A = arith.constant 0 : i32
        %ge3A_418 = arith.cmpi sge, %add3A_325, %ge3A : i32
        %convert_element_type3A_419 = arith.extui %ge3A_418 : i1 to i32
        %cond3A_420 = arith.constant 0 : i32
        %cond3A_421 = arith.cmpi ne, %convert_element_type3A_419, %cond3A_420 : i32
        scf.if %cond3A_421 {
          %dma_wait3A_439 = arith.constant 0 : i32
          %dma_wait3A_440 = arith.constant 0 : i32
          %dma_wait3A_441 = tpu.memref_slice %arg6[%dma_wait3A_439, %dma_wait3A_440] : memref<10000x128xf32, #tpu.memory_space<vmem_shared>> -> memref<10000x128xf32, #tpu.memory_space<vmem_shared>>
          tpu.wait_indirect_dma semaphore(%arg31 : memref<!tpu.dma_semaphore, #tpu.memory_space<semaphore_mem>>) src(%arg7 : memref<80x128xf32, #tpu.memory_space<vmem>>) dst(%dma_wait3A_441 : memref<10000x128xf32, #tpu.memory_space<vmem_shared>>)
        } else {
        }
        %add3A_422 = arith.constant 4 : i32
        %add3A_423 = arith.addi %add3A_325, %add3A_422 : i32
        %mul3A_424 = arith.constant 80 : i32
        %mul3A_425 = arith.muli %add3A_423, %mul3A_424 : i32
        %add3A_426 = arith.addi %mul3A_2, %mul3A_425 : i32
        %dma_wait3A_427 = tpu.memref_slice %arg3[%add3A_426] : memref<640000xi32, #tpu.memory_space<hbm>> -> memref<80xi32, #tpu.memory_space<hbm>>
        %dma_wait3A_428 = tpu.memref_slice %arg3[%add3A_426] : memref<640000xi32, #tpu.memory_space<hbm>> -> memref<80xi32, #tpu.memory_space<hbm>>
        tpu.wait_dma2 semaphore(%arg35 : memref<!tpu.dma_semaphore, #tpu.memory_space<semaphore_mem>>) src(%dma_wait3A_428 : memref<80xi32, #tpu.memory_space<hbm>>) dst(%arg11 : memref<80xi32, #tpu.memory_space<vmem>>)
        %add3A_429 = arith.constant 320000 : i32
        %add3A_430 = arith.addi %add3A_429, %mul3A_2 : i32
        %mul3A_431 = arith.constant 80 : i32
        %mul3A_432 = arith.muli %add3A_423, %mul3A_431 : i32
        %add3A_433 = arith.addi %add3A_430, %mul3A_432 : i32
        %dma_wait3A_434 = tpu.memref_slice %arg3[%add3A_433] : memref<640000xi32, #tpu.memory_space<hbm>> -> memref<80xi32, #tpu.memory_space<hbm>>
        %dma_wait3A_435 = tpu.memref_slice %arg3[%add3A_433] : memref<640000xi32, #tpu.memory_space<hbm>> -> memref<80xi32, #tpu.memory_space<hbm>>
        tpu.wait_dma2 semaphore(%arg35 : memref<!tpu.dma_semaphore, #tpu.memory_space<semaphore_mem>>) src(%dma_wait3A_435 : memref<80xi32, #tpu.memory_space<hbm>>) dst(%arg19 : memref<80xi32, #tpu.memory_space<vmem>>)
        %dma_start3A_436 = arith.constant 0 : i32
        %dma_start3A_437 = arith.constant 0 : i32
        %dma_start3A_438 = tpu.memref_slice %arg2[%dma_start3A_436, %dma_start3A_437] : memref<10000x128xf32, #tpu.memory_space<hbm>> -> memref<10000x128xf32, #tpu.memory_space<hbm>>
        tpu.enqueue_indirect_dma source(%dma_start3A_438 : memref<10000x128xf32, #tpu.memory_space<hbm>>) target(%arg7 : memref<80x128xf32, #tpu.memory_space<vmem>>) offsets(%arg11 : memref<80xi32, #tpu.memory_space<vmem>>) semaphore(%arg27 : memref<!tpu.dma_semaphore, #tpu.memory_space<semaphore_mem>>)
      } else {
      }
      %add3A_339 = arith.constant 8 : i32
      %add3A_340 = arith.addi %add3A_325, %add3A_339 : i32
      %lt3A_341 = arith.constant 125 : i32
      %lt3A_342 = arith.cmpi slt, %add3A_340, %lt3A_341 : i32
      %convert_element_type3A_343 = arith.extui %lt3A_342 : i1 to i32
      %cond3A_344 = arith.constant 0 : i32
      %cond3A_345 = arith.cmpi ne, %convert_element_type3A_343, %cond3A_344 : i32
      scf.if %cond3A_345 {
        %add3A_418 = arith.constant 8 : i32
        %add3A_419 = arith.addi %add3A_325, %add3A_418 : i32
        %mul3A_420 = arith.constant 80 : i32
        %mul3A_421 = arith.muli %add3A_419, %mul3A_420 : i32
        %add3A_422 = arith.addi %mul3A_2, %mul3A_421 : i32
        %dma_start3A_423 = tpu.memref_slice %arg3[%add3A_422] : memref<640000xi32, #tpu.memory_space<hbm>> -> memref<80xi32, #tpu.memory_space<hbm>>
        %dma_start3A_424 = tpu.memref_slice %arg3[%add3A_422] : memref<640000xi32, #tpu.memory_space<hbm>> -> memref<80xi32, #tpu.memory_space<hbm>>
        tpu.enqueue_dma source(%dma_start3A_424 : memref<80xi32, #tpu.memory_space<hbm>>) target(%arg15 : memref<80xi32, #tpu.memory_space<vmem>>) target_semaphore(%arg39 : memref<!tpu.dma_semaphore, #tpu.memory_space<semaphore_mem>>)
        %add3A_425 = arith.constant 320000 : i32
        %add3A_426 = arith.addi %add3A_425, %mul3A_2 : i32
        %mul3A_427 = arith.constant 80 : i32
        %mul3A_428 = arith.muli %add3A_419, %mul3A_427 : i32
        %add3A_429 = arith.addi %add3A_426, %mul3A_428 : i32
        %dma_start3A_430 = tpu.memref_slice %arg3[%add3A_429] : memref<640000xi32, #tpu.memory_space<hbm>> -> memref<80xi32, #tpu.memory_space<hbm>>
        %dma_start3A_431 = tpu.memref_slice %arg3[%add3A_429] : memref<640000xi32, #tpu.memory_space<hbm>> -> memref<80xi32, #tpu.memory_space<hbm>>
        tpu.enqueue_dma source(%dma_start3A_431 : memref<80xi32, #tpu.memory_space<hbm>>) target(%arg23 : memref<80xi32, #tpu.memory_space<vmem>>) target_semaphore(%arg39 : memref<!tpu.dma_semaphore, #tpu.memory_space<semaphore_mem>>)
      } else {
      }
      %mul3A_346 = arith.constant 8 : i32
      %mul3A_347 = arith.muli %scan3A_228, %mul3A_346 : i32
      %add3A_348 = arith.constant 5 : i32
      %add3A_349 = arith.addi %mul3A_347, %add3A_348 : i32
      %dma_wait3A_350 = arith.constant 0 : i32
      %dma_wait3A_351 = arith.constant 0 : i32
      %dma_wait3A_352 = tpu.memref_slice %arg2[%dma_wait3A_350, %dma_wait3A_351] : memref<10000x128xf32, #tpu.memory_space<hbm>> -> memref<10000x128xf32, #tpu.memory_space<hbm>>
      tpu.wait_indirect_dma semaphore(%arg28 : memref<!tpu.dma_semaphore, #tpu.memory_space<semaphore_mem>>) src(%dma_wait3A_352 : memref<10000x128xf32, #tpu.memory_space<hbm>>) dst(%arg8 : memref<80x128xf32, #tpu.memory_space<vmem>>)
      %dma_start3A_353 = arith.constant 0 : i32
      %dma_start3A_354 = arith.constant 0 : i32
      %dma_start3A_355 = tpu.memref_slice %arg6[%dma_start3A_353, %dma_start3A_354] : memref<10000x128xf32, #tpu.memory_space<vmem_shared>> -> memref<10000x128xf32, #tpu.memory_space<vmem_shared>>
      tpu.enqueue_indirect_dma source(%arg8 : memref<80x128xf32, #tpu.memory_space<vmem>>) target(%dma_start3A_355 : memref<10000x128xf32, #tpu.memory_space<vmem_shared>>) offsets(%arg24 : memref<80xi32, #tpu.memory_space<vmem>>) semaphore(%arg32 : memref<!tpu.dma_semaphore, #tpu.memory_space<semaphore_mem>>) {add = true}
      %add3A_356 = arith.constant 4 : i32
      %add3A_357 = arith.addi %add3A_349, %add3A_356 : i32
      %lt3A_358 = arith.constant 125 : i32
      %lt3A_359 = arith.cmpi slt, %add3A_357, %lt3A_358 : i32
      %convert_element_type3A_360 = arith.extui %lt3A_359 : i1 to i32
      %cond3A_361 = arith.constant 0 : i32
      %cond3A_362 = arith.cmpi ne, %convert_element_type3A_360, %cond3A_361 : i32
      scf.if %cond3A_362 {
        %ge3A = arith.constant 0 : i32
        %ge3A_418 = arith.cmpi sge, %add3A_349, %ge3A : i32
        %convert_element_type3A_419 = arith.extui %ge3A_418 : i1 to i32
        %cond3A_420 = arith.constant 0 : i32
        %cond3A_421 = arith.cmpi ne, %convert_element_type3A_419, %cond3A_420 : i32
        scf.if %cond3A_421 {
          %dma_wait3A_439 = arith.constant 0 : i32
          %dma_wait3A_440 = arith.constant 0 : i32
          %dma_wait3A_441 = tpu.memref_slice %arg6[%dma_wait3A_439, %dma_wait3A_440] : memref<10000x128xf32, #tpu.memory_space<vmem_shared>> -> memref<10000x128xf32, #tpu.memory_space<vmem_shared>>
          tpu.wait_indirect_dma semaphore(%arg32 : memref<!tpu.dma_semaphore, #tpu.memory_space<semaphore_mem>>) src(%arg8 : memref<80x128xf32, #tpu.memory_space<vmem>>) dst(%dma_wait3A_441 : memref<10000x128xf32, #tpu.memory_space<vmem_shared>>)
        } else {
        }
        %add3A_422 = arith.constant 4 : i32
        %add3A_423 = arith.addi %add3A_349, %add3A_422 : i32
        %mul3A_424 = arith.constant 80 : i32
        %mul3A_425 = arith.muli %add3A_423, %mul3A_424 : i32
        %add3A_426 = arith.addi %mul3A_2, %mul3A_425 : i32
        %dma_wait3A_427 = tpu.memref_slice %arg3[%add3A_426] : memref<640000xi32, #tpu.memory_space<hbm>> -> memref<80xi32, #tpu.memory_space<hbm>>
        %dma_wait3A_428 = tpu.memref_slice %arg3[%add3A_426] : memref<640000xi32, #tpu.memory_space<hbm>> -> memref<80xi32, #tpu.memory_space<hbm>>
        tpu.wait_dma2 semaphore(%arg36 : memref<!tpu.dma_semaphore, #tpu.memory_space<semaphore_mem>>) src(%dma_wait3A_428 : memref<80xi32, #tpu.memory_space<hbm>>) dst(%arg12 : memref<80xi32, #tpu.memory_space<vmem>>)
        %add3A_429 = arith.constant 320000 : i32
        %add3A_430 = arith.addi %add3A_429, %mul3A_2 : i32
        %mul3A_431 = arith.constant 80 : i32
        %mul3A_432 = arith.muli %add3A_423, %mul3A_431 : i32
        %add3A_433 = arith.addi %add3A_430, %mul3A_432 : i32
        %dma_wait3A_434 = tpu.memref_slice %arg3[%add3A_433] : memref<640000xi32, #tpu.memory_space<hbm>> -> memref<80xi32, #tpu.memory_space<hbm>>
        %dma_wait3A_435 = tpu.memref_slice %arg3[%add3A_433] : memref<640000xi32, #tpu.memory_space<hbm>> -> memref<80xi32, #tpu.memory_space<hbm>>
        tpu.wait_dma2 semaphore(%arg36 : memref<!tpu.dma_semaphore, #tpu.memory_space<semaphore_mem>>) src(%dma_wait3A_435 : memref<80xi32, #tpu.memory_space<hbm>>) dst(%arg20 : memref<80xi32, #tpu.memory_space<vmem>>)
        %dma_start3A_436 = arith.constant 0 : i32
        %dma_start3A_437 = arith.constant 0 : i32
        %dma_start3A_438 = tpu.memref_slice %arg2[%dma_start3A_436, %dma_start3A_437] : memref<10000x128xf32, #tpu.memory_space<hbm>> -> memref<10000x128xf32, #tpu.memory_space<hbm>>
        tpu.enqueue_indirect_dma source(%dma_start3A_438 : memref<10000x128xf32, #tpu.memory_space<hbm>>) target(%arg8 : memref<80x128xf32, #tpu.memory_space<vmem>>) offsets(%arg12 : memref<80xi32, #tpu.memory_space<vmem>>) semaphore(%arg28 : memref<!tpu.dma_semaphore, #tpu.memory_space<semaphore_mem>>)
      } else {
      }
      %add3A_363 = arith.constant 8 : i32
      %add3A_364 = arith.addi %add3A_349, %add3A_363 : i32
      %lt3A_365 = arith.constant 125 : i32
      %lt3A_366 = arith.cmpi slt, %add3A_364, %lt3A_365 : i32
      %convert_element_type3A_367 = arith.extui %lt3A_366 : i1 to i32
      %cond3A_368 = arith.constant 0 : i32
      %cond3A_369 = arith.cmpi ne, %convert_element_type3A_367, %cond3A_368 : i32
      scf.if %cond3A_369 {
        %add3A_418 = arith.constant 8 : i32
        %add3A_419 = arith.addi %add3A_349, %add3A_418 : i32
        %mul3A_420 = arith.constant 80 : i32
        %mul3A_421 = arith.muli %add3A_419, %mul3A_420 : i32
        %add3A_422 = arith.addi %mul3A_2, %mul3A_421 : i32
        %dma_start3A_423 = tpu.memref_slice %arg3[%add3A_422] : memref<640000xi32, #tpu.memory_space<hbm>> -> memref<80xi32, #tpu.memory_space<hbm>>
        %dma_start3A_424 = tpu.memref_slice %arg3[%add3A_422] : memref<640000xi32, #tpu.memory_space<hbm>> -> memref<80xi32, #tpu.memory_space<hbm>>
        tpu.enqueue_dma source(%dma_start3A_424 : memref<80xi32, #tpu.memory_space<hbm>>) target(%arg16 : memref<80xi32, #tpu.memory_space<vmem>>) target_semaphore(%arg40 : memref<!tpu.dma_semaphore, #tpu.memory_space<semaphore_mem>>)
        %add3A_425 = arith.constant 320000 : i32
        %add3A_426 = arith.addi %add3A_425, %mul3A_2 : i32
        %mul3A_427 = arith.constant 80 : i32
        %mul3A_428 = arith.muli %add3A_419, %mul3A_427 : i32
        %add3A_429 = arith.addi %add3A_426, %mul3A_428 : i32
        %dma_start3A_430 = tpu.memref_slice %arg3[%add3A_429] : memref<640000xi32, #tpu.memory_space<hbm>> -> memref<80xi32, #tpu.memory_space<hbm>>
        %dma_start3A_431 = tpu.memref_slice %arg3[%add3A_429] : memref<640000xi32, #tpu.memory_space<hbm>> -> memref<80xi32, #tpu.memory_space<hbm>>
        tpu.enqueue_dma source(%dma_start3A_431 : memref<80xi32, #tpu.memory_space<hbm>>) target(%arg24 : memref<80xi32, #tpu.memory_space<vmem>>) target_semaphore(%arg40 : memref<!tpu.dma_semaphore, #tpu.memory_space<semaphore_mem>>)
      } else {
      }
      %mul3A_370 = arith.constant 8 : i32
      %mul3A_371 = arith.muli %scan3A_228, %mul3A_370 : i32
      %add3A_372 = arith.constant 6 : i32
      %add3A_373 = arith.addi %mul3A_371, %add3A_372 : i32
      %dma_wait3A_374 = arith.constant 0 : i32
      %dma_wait3A_375 = arith.constant 0 : i32
      %dma_wait3A_376 = tpu.memref_slice %arg2[%dma_wait3A_374, %dma_wait3A_375] : memref<10000x128xf32, #tpu.memory_space<hbm>> -> memref<10000x128xf32, #tpu.memory_space<hbm>>
      tpu.wait_indirect_dma semaphore(%arg29 : memref<!tpu.dma_semaphore, #tpu.memory_space<semaphore_mem>>) src(%dma_wait3A_376 : memref<10000x128xf32, #tpu.memory_space<hbm>>) dst(%arg9 : memref<80x128xf32, #tpu.memory_space<vmem>>)
      %dma_start3A_377 = arith.constant 0 : i32
      %dma_start3A_378 = arith.constant 0 : i32
      %dma_start3A_379 = tpu.memref_slice %arg6[%dma_start3A_377, %dma_start3A_378] : memref<10000x128xf32, #tpu.memory_space<vmem_shared>> -> memref<10000x128xf32, #tpu.memory_space<vmem_shared>>
      tpu.enqueue_indirect_dma source(%arg9 : memref<80x128xf32, #tpu.memory_space<vmem>>) target(%dma_start3A_379 : memref<10000x128xf32, #tpu.memory_space<vmem_shared>>) offsets(%arg25 : memref<80xi32, #tpu.memory_space<vmem>>) semaphore(%arg33 : memref<!tpu.dma_semaphore, #tpu.memory_space<semaphore_mem>>) {add = true}
      %add3A_380 = arith.constant 4 : i32
      %add3A_381 = arith.addi %add3A_373, %add3A_380 : i32
      %lt3A_382 = arith.constant 125 : i32
      %lt3A_383 = arith.cmpi slt, %add3A_381, %lt3A_382 : i32
      %convert_element_type3A_384 = arith.extui %lt3A_383 : i1 to i32
      %cond3A_385 = arith.constant 0 : i32
      %cond3A_386 = arith.cmpi ne, %convert_element_type3A_384, %cond3A_385 : i32
      scf.if %cond3A_386 {
        %ge3A = arith.constant 0 : i32
        %ge3A_418 = arith.cmpi sge, %add3A_373, %ge3A : i32
        %convert_element_type3A_419 = arith.extui %ge3A_418 : i1 to i32
        %cond3A_420 = arith.constant 0 : i32
        %cond3A_421 = arith.cmpi ne, %convert_element_type3A_419, %cond3A_420 : i32
        scf.if %cond3A_421 {
          %dma_wait3A_439 = arith.constant 0 : i32
          %dma_wait3A_440 = arith.constant 0 : i32
          %dma_wait3A_441 = tpu.memref_slice %arg6[%dma_wait3A_439, %dma_wait3A_440] : memref<10000x128xf32, #tpu.memory_space<vmem_shared>> -> memref<10000x128xf32, #tpu.memory_space<vmem_shared>>
          tpu.wait_indirect_dma semaphore(%arg33 : memref<!tpu.dma_semaphore, #tpu.memory_space<semaphore_mem>>) src(%arg9 : memref<80x128xf32, #tpu.memory_space<vmem>>) dst(%dma_wait3A_441 : memref<10000x128xf32, #tpu.memory_space<vmem_shared>>)
        } else {
        }
        %add3A_422 = arith.constant 4 : i32
        %add3A_423 = arith.addi %add3A_373, %add3A_422 : i32
        %mul3A_424 = arith.constant 80 : i32
        %mul3A_425 = arith.muli %add3A_423, %mul3A_424 : i32
        %add3A_426 = arith.addi %mul3A_2, %mul3A_425 : i32
        %dma_wait3A_427 = tpu.memref_slice %arg3[%add3A_426] : memref<640000xi32, #tpu.memory_space<hbm>> -> memref<80xi32, #tpu.memory_space<hbm>>
        %dma_wait3A_428 = tpu.memref_slice %arg3[%add3A_426] : memref<640000xi32, #tpu.memory_space<hbm>> -> memref<80xi32, #tpu.memory_space<hbm>>
        tpu.wait_dma2 semaphore(%arg37 : memref<!tpu.dma_semaphore, #tpu.memory_space<semaphore_mem>>) src(%dma_wait3A_428 : memref<80xi32, #tpu.memory_space<hbm>>) dst(%arg13 : memref<80xi32, #tpu.memory_space<vmem>>)
        %add3A_429 = arith.constant 320000 : i32
        %add3A_430 = arith.addi %add3A_429, %mul3A_2 : i32
        %mul3A_431 = arith.constant 80 : i32
        %mul3A_432 = arith.muli %add3A_423, %mul3A_431 : i32
        %add3A_433 = arith.addi %add3A_430, %mul3A_432 : i32
        %dma_wait3A_434 = tpu.memref_slice %arg3[%add3A_433] : memref<640000xi32, #tpu.memory_space<hbm>> -> memref<80xi32, #tpu.memory_space<hbm>>
        %dma_wait3A_435 = tpu.memref_slice %arg3[%add3A_433] : memref<640000xi32, #tpu.memory_space<hbm>> -> memref<80xi32, #tpu.memory_space<hbm>>
        tpu.wait_dma2 semaphore(%arg37 : memref<!tpu.dma_semaphore, #tpu.memory_space<semaphore_mem>>) src(%dma_wait3A_435 : memref<80xi32, #tpu.memory_space<hbm>>) dst(%arg21 : memref<80xi32, #tpu.memory_space<vmem>>)
        %dma_start3A_436 = arith.constant 0 : i32
        %dma_start3A_437 = arith.constant 0 : i32
        %dma_start3A_438 = tpu.memref_slice %arg2[%dma_start3A_436, %dma_start3A_437] : memref<10000x128xf32, #tpu.memory_space<hbm>> -> memref<10000x128xf32, #tpu.memory_space<hbm>>
        tpu.enqueue_indirect_dma source(%dma_start3A_438 : memref<10000x128xf32, #tpu.memory_space<hbm>>) target(%arg9 : memref<80x128xf32, #tpu.memory_space<vmem>>) offsets(%arg13 : memref<80xi32, #tpu.memory_space<vmem>>) semaphore(%arg29 : memref<!tpu.dma_semaphore, #tpu.memory_space<semaphore_mem>>)
      } else {
      }
      %add3A_387 = arith.constant 8 : i32
      %add3A_388 = arith.addi %add3A_373, %add3A_387 : i32
      %lt3A_389 = arith.constant 125 : i32
      %lt3A_390 = arith.cmpi slt, %add3A_388, %lt3A_389 : i32
      %convert_element_type3A_391 = arith.extui %lt3A_390 : i1 to i32
      %cond3A_392 = arith.constant 0 : i32
      %cond3A_393 = arith.cmpi ne, %convert_element_type3A_391, %cond3A_392 : i32
      scf.if %cond3A_393 {
        %add3A_418 = arith.constant 8 : i32
        %add3A_419 = arith.addi %add3A_373, %add3A_418 : i32
        %mul3A_420 = arith.constant 80 : i32
        %mul3A_421 = arith.muli %add3A_419, %mul3A_420 : i32
        %add3A_422 = arith.addi %mul3A_2, %mul3A_421 : i32
        %dma_start3A_423 = tpu.memref_slice %arg3[%add3A_422] : memref<640000xi32, #tpu.memory_space<hbm>> -> memref<80xi32, #tpu.memory_space<hbm>>
        %dma_start3A_424 = tpu.memref_slice %arg3[%add3A_422] : memref<640000xi32, #tpu.memory_space<hbm>> -> memref<80xi32, #tpu.memory_space<hbm>>
        tpu.enqueue_dma source(%dma_start3A_424 : memref<80xi32, #tpu.memory_space<hbm>>) target(%arg17 : memref<80xi32, #tpu.memory_space<vmem>>) target_semaphore(%arg41 : memref<!tpu.dma_semaphore, #tpu.memory_space<semaphore_mem>>)
        %add3A_425 = arith.constant 320000 : i32
        %add3A_426 = arith.addi %add3A_425, %mul3A_2 : i32
        %mul3A_427 = arith.constant 80 : i32
        %mul3A_428 = arith.muli %add3A_419, %mul3A_427 : i32
        %add3A_429 = arith.addi %add3A_426, %mul3A_428 : i32
        %dma_start3A_430 = tpu.memref_slice %arg3[%add3A_429] : memref<640000xi32, #tpu.memory_space<hbm>> -> memref<80xi32, #tpu.memory_space<hbm>>
        %dma_start3A_431 = tpu.memref_slice %arg3[%add3A_429] : memref<640000xi32, #tpu.memory_space<hbm>> -> memref<80xi32, #tpu.memory_space<hbm>>
        tpu.enqueue_dma source(%dma_start3A_431 : memref<80xi32, #tpu.memory_space<hbm>>) target(%arg25 : memref<80xi32, #tpu.memory_space<vmem>>) target_semaphore(%arg41 : memref<!tpu.dma_semaphore, #tpu.memory_space<semaphore_mem>>)
      } else {
      }
      %mul3A_394 = arith.constant 8 : i32
      %mul3A_395 = arith.muli %scan3A_228, %mul3A_394 : i32
      %add3A_396 = arith.constant 7 : i32
      %add3A_397 = arith.addi %mul3A_395, %add3A_396 : i32
      %dma_wait3A_398 = arith.constant 0 : i32
      %dma_wait3A_399 = arith.constant 0 : i32
      %dma_wait3A_400 = tpu.memref_slice %arg2[%dma_wait3A_398, %dma_wait3A_399] : memref<10000x128xf32, #tpu.memory_space<hbm>> -> memref<10000x128xf32, #tpu.memory_space<hbm>>
      tpu.wait_indirect_dma semaphore(%arg30 : memref<!tpu.dma_semaphore, #tpu.memory_space<semaphore_mem>>) src(%dma_wait3A_400 : memref<10000x128xf32, #tpu.memory_space<hbm>>) dst(%arg10 : memref<80x128xf32, #tpu.memory_space<vmem>>)
      %dma_start3A_401 = arith.constant 0 : i32
      %dma_start3A_402 = arith.constant 0 : i32
      %dma_start3A_403 = tpu.memref_slice %arg6[%dma_start3A_401, %dma_start3A_402] : memref<10000x128xf32, #tpu.memory_space<vmem_shared>> -> memref<10000x128xf32, #tpu.memory_space<vmem_shared>>
      tpu.enqueue_indirect_dma source(%arg10 : memref<80x128xf32, #tpu.memory_space<vmem>>) target(%dma_start3A_403 : memref<10000x128xf32, #tpu.memory_space<vmem_shared>>) offsets(%arg26 : memref<80xi32, #tpu.memory_space<vmem>>) semaphore(%arg34 : memref<!tpu.dma_semaphore, #tpu.memory_space<semaphore_mem>>) {add = true}
      %add3A_404 = arith.constant 4 : i32
      %add3A_405 = arith.addi %add3A_397, %add3A_404 : i32
      %lt3A_406 = arith.constant 125 : i32
      %lt3A_407 = arith.cmpi slt, %add3A_405, %lt3A_406 : i32
      %convert_element_type3A_408 = arith.extui %lt3A_407 : i1 to i32
      %cond3A_409 = arith.constant 0 : i32
      %cond3A_410 = arith.cmpi ne, %convert_element_type3A_408, %cond3A_409 : i32
      scf.if %cond3A_410 {
        %ge3A = arith.constant 0 : i32
        %ge3A_418 = arith.cmpi sge, %add3A_397, %ge3A : i32
        %convert_element_type3A_419 = arith.extui %ge3A_418 : i1 to i32
        %cond3A_420 = arith.constant 0 : i32
        %cond3A_421 = arith.cmpi ne, %convert_element_type3A_419, %cond3A_420 : i32
        scf.if %cond3A_421 {
          %dma_wait3A_439 = arith.constant 0 : i32
          %dma_wait3A_440 = arith.constant 0 : i32
          %dma_wait3A_441 = tpu.memref_slice %arg6[%dma_wait3A_439, %dma_wait3A_440] : memref<10000x128xf32, #tpu.memory_space<vmem_shared>> -> memref<10000x128xf32, #tpu.memory_space<vmem_shared>>
          tpu.wait_indirect_dma semaphore(%arg34 : memref<!tpu.dma_semaphore, #tpu.memory_space<semaphore_mem>>) src(%arg10 : memref<80x128xf32, #tpu.memory_space<vmem>>) dst(%dma_wait3A_441 : memref<10000x128xf32, #tpu.memory_space<vmem_shared>>)
        } else {
        }
        %add3A_422 = arith.constant 4 : i32
        %add3A_423 = arith.addi %add3A_397, %add3A_422 : i32
        %mul3A_424 = arith.constant 80 : i32
        %mul3A_425 = arith.muli %add3A_423, %mul3A_424 : i32
        %add3A_426 = arith.addi %mul3A_2, %mul3A_425 : i32
        %dma_wait3A_427 = tpu.memref_slice %arg3[%add3A_426] : memref<640000xi32, #tpu.memory_space<hbm>> -> memref<80xi32, #tpu.memory_space<hbm>>
        %dma_wait3A_428 = tpu.memref_slice %arg3[%add3A_426] : memref<640000xi32, #tpu.memory_space<hbm>> -> memref<80xi32, #tpu.memory_space<hbm>>
        tpu.wait_dma2 semaphore(%arg38 : memref<!tpu.dma_semaphore, #tpu.memory_space<semaphore_mem>>) src(%dma_wait3A_428 : memref<80xi32, #tpu.memory_space<hbm>>) dst(%arg14 : memref<80xi32, #tpu.memory_space<vmem>>)
        %add3A_429 = arith.constant 320000 : i32
        %add3A_430 = arith.addi %add3A_429, %mul3A_2 : i32
        %mul3A_431 = arith.constant 80 : i32
        %mul3A_432 = arith.muli %add3A_423, %mul3A_431 : i32
        %add3A_433 = arith.addi %add3A_430, %mul3A_432 : i32
        %dma_wait3A_434 = tpu.memref_slice %arg3[%add3A_433] : memref<640000xi32, #tpu.memory_space<hbm>> -> memref<80xi32, #tpu.memory_space<hbm>>
        %dma_wait3A_435 = tpu.memref_slice %arg3[%add3A_433] : memref<640000xi32, #tpu.memory_space<hbm>> -> memref<80xi32, #tpu.memory_space<hbm>>
        tpu.wait_dma2 semaphore(%arg38 : memref<!tpu.dma_semaphore, #tpu.memory_space<semaphore_mem>>) src(%dma_wait3A_435 : memref<80xi32, #tpu.memory_space<hbm>>) dst(%arg22 : memref<80xi32, #tpu.memory_space<vmem>>)
        %dma_start3A_436 = arith.constant 0 : i32
        %dma_start3A_437 = arith.constant 0 : i32
        %dma_start3A_438 = tpu.memref_slice %arg2[%dma_start3A_436, %dma_start3A_437] : memref<10000x128xf32, #tpu.memory_space<hbm>> -> memref<10000x128xf32, #tpu.memory_space<hbm>>
        tpu.enqueue_indirect_dma source(%dma_start3A_438 : memref<10000x128xf32, #tpu.memory_space<hbm>>) target(%arg10 : memref<80x128xf32, #tpu.memory_space<vmem>>) offsets(%arg14 : memref<80xi32, #tpu.memory_space<vmem>>) semaphore(%arg30 : memref<!tpu.dma_semaphore, #tpu.memory_space<semaphore_mem>>)
      } else {
      }
      %add3A_411 = arith.constant 8 : i32
      %add3A_412 = arith.addi %add3A_397, %add3A_411 : i32
      %lt3A_413 = arith.constant 125 : i32
      %lt3A_414 = arith.cmpi slt, %add3A_412, %lt3A_413 : i32
      %convert_element_type3A_415 = arith.extui %lt3A_414 : i1 to i32
      %cond3A_416 = arith.constant 0 : i32
      %cond3A_417 = arith.cmpi ne, %convert_element_type3A_415, %cond3A_416 : i32
      scf.if %cond3A_417 {
        %add3A_418 = arith.constant 8 : i32
        %add3A_419 = arith.addi %add3A_397, %add3A_418 : i32
        %mul3A_420 = arith.constant 80 : i32
        %mul3A_421 = arith.muli %add3A_419, %mul3A_420 : i32
        %add3A_422 = arith.addi %mul3A_2, %mul3A_421 : i32
        %dma_start3A_423 = tpu.memref_slice %arg3[%add3A_422] : memref<640000xi32, #tpu.memory_space<hbm>> -> memref<80xi32, #tpu.memory_space<hbm>>
        %dma_start3A_424 = tpu.memref_slice %arg3[%add3A_422] : memref<640000xi32, #tpu.memory_space<hbm>> -> memref<80xi32, #tpu.memory_space<hbm>>
        tpu.enqueue_dma source(%dma_start3A_424 : memref<80xi32, #tpu.memory_space<hbm>>) target(%arg18 : memref<80xi32, #tpu.memory_space<vmem>>) target_semaphore(%arg42 : memref<!tpu.dma_semaphore, #tpu.memory_space<semaphore_mem>>)
        %add3A_425 = arith.constant 320000 : i32
        %add3A_426 = arith.addi %add3A_425, %mul3A_2 : i32
        %mul3A_427 = arith.constant 80 : i32
        %mul3A_428 = arith.muli %add3A_419, %mul3A_427 : i32
        %add3A_429 = arith.addi %add3A_426, %mul3A_428 : i32
        %dma_start3A_430 = tpu.memref_slice %arg3[%add3A_429] : memref<640000xi32, #tpu.memory_space<hbm>> -> memref<80xi32, #tpu.memory_space<hbm>>
        %dma_start3A_431 = tpu.memref_slice %arg3[%add3A_429] : memref<640000xi32, #tpu.memory_space<hbm>> -> memref<80xi32, #tpu.memory_space<hbm>>
        tpu.enqueue_dma source(%dma_start3A_431 : memref<80xi32, #tpu.memory_space<hbm>>) target(%arg26 : memref<80xi32, #tpu.memory_space<vmem>>) target_semaphore(%arg42 : memref<!tpu.dma_semaphore, #tpu.memory_space<semaphore_mem>>)
      } else {
      }
    }
    %scan3A_156 = arith.constant 15 : i32
    %dma_wait3A_157 = arith.constant 0 : i32
    %dma_wait3A_158 = arith.constant 0 : i32
    %dma_wait3A_159 = tpu.memref_slice %arg2[%dma_wait3A_157, %dma_wait3A_158] : memref<10000x128xf32, #tpu.memory_space<hbm>> -> memref<10000x128xf32, #tpu.memory_space<hbm>>
    tpu.wait_indirect_dma semaphore(%arg27 : memref<!tpu.dma_semaphore, #tpu.memory_space<semaphore_mem>>) src(%dma_wait3A_159 : memref<10000x128xf32, #tpu.memory_space<hbm>>) dst(%arg7 : memref<80x128xf32, #tpu.memory_space<vmem>>)
    %dma_start3A_160 = arith.constant 0 : i32
    %dma_start3A_161 = arith.constant 0 : i32
    %dma_start3A_162 = tpu.memref_slice %arg6[%dma_start3A_160, %dma_start3A_161] : memref<10000x128xf32, #tpu.memory_space<vmem_shared>> -> memref<10000x128xf32, #tpu.memory_space<vmem_shared>>
    tpu.enqueue_indirect_dma source(%arg7 : memref<80x128xf32, #tpu.memory_space<vmem>>) target(%dma_start3A_162 : memref<10000x128xf32, #tpu.memory_space<vmem_shared>>) offsets(%arg19 : memref<80xi32, #tpu.memory_space<vmem>>) semaphore(%arg31 : memref<!tpu.dma_semaphore, #tpu.memory_space<semaphore_mem>>) {add = true}
    %dma_wait3A_163 = arith.constant 0 : i32
    %dma_wait3A_164 = arith.constant 0 : i32
    %dma_wait3A_165 = tpu.memref_slice %arg6[%dma_wait3A_163, %dma_wait3A_164] : memref<10000x128xf32, #tpu.memory_space<vmem_shared>> -> memref<10000x128xf32, #tpu.memory_space<vmem_shared>>
    tpu.wait_indirect_dma semaphore(%arg31 : memref<!tpu.dma_semaphore, #tpu.memory_space<semaphore_mem>>) src(%arg7 : memref<80x128xf32, #tpu.memory_space<vmem>>) dst(%dma_wait3A_165 : memref<10000x128xf32, #tpu.memory_space<vmem_shared>>)
    %add3A_166 = arith.constant 9920 : i32
    %add3A_167 = arith.addi %mul3A_2, %add3A_166 : i32
    %dma_wait3A_168 = tpu.memref_slice %arg3[%add3A_167] : memref<640000xi32, #tpu.memory_space<hbm>> -> memref<80xi32, #tpu.memory_space<hbm>>
    %dma_wait3A_169 = tpu.memref_slice %arg3[%add3A_167] : memref<640000xi32, #tpu.memory_space<hbm>> -> memref<80xi32, #tpu.memory_space<hbm>>
    tpu.wait_dma2 semaphore(%arg39 : memref<!tpu.dma_semaphore, #tpu.memory_space<semaphore_mem>>) src(%dma_wait3A_169 : memref<80xi32, #tpu.memory_space<hbm>>) dst(%arg15 : memref<80xi32, #tpu.memory_space<vmem>>)
    %add3A_170 = arith.constant 320000 : i32
    %add3A_171 = arith.addi %add3A_170, %mul3A_2 : i32
    %add3A_172 = arith.constant 9920 : i32
    %add3A_173 = arith.addi %add3A_171, %add3A_172 : i32
    %dma_wait3A_174 = tpu.memref_slice %arg3[%add3A_173] : memref<640000xi32, #tpu.memory_space<hbm>> -> memref<80xi32, #tpu.memory_space<hbm>>
    %dma_wait3A_175 = tpu.memref_slice %arg3[%add3A_173] : memref<640000xi32, #tpu.memory_space<hbm>> -> memref<80xi32, #tpu.memory_space<hbm>>
    tpu.wait_dma2 semaphore(%arg39 : memref<!tpu.dma_semaphore, #tpu.memory_space<semaphore_mem>>) src(%dma_wait3A_175 : memref<80xi32, #tpu.memory_space<hbm>>) dst(%arg23 : memref<80xi32, #tpu.memory_space<vmem>>)
    %dma_start3A_176 = arith.constant 0 : i32
    %dma_start3A_177 = arith.constant 0 : i32
    %dma_start3A_178 = tpu.memref_slice %arg2[%dma_start3A_176, %dma_start3A_177] : memref<10000x128xf32, #tpu.memory_space<hbm>> -> memref<10000x128xf32, #tpu.memory_space<hbm>>
    tpu.enqueue_indirect_dma source(%dma_start3A_178 : memref<10000x128xf32, #tpu.memory_space<hbm>>) target(%arg7 : memref<80x128xf32, #tpu.memory_space<vmem>>) offsets(%arg15 : memref<80xi32, #tpu.memory_space<vmem>>) semaphore(%arg27 : memref<!tpu.dma_semaphore, #tpu.memory_space<semaphore_mem>>)
    %dma_wait3A_179 = arith.constant 0 : i32
    %dma_wait3A_180 = arith.constant 0 : i32
    %dma_wait3A_181 = tpu.memref_slice %arg2[%dma_wait3A_179, %dma_wait3A_180] : memref<10000x128xf32, #tpu.memory_space<hbm>> -> memref<10000x128xf32, #tpu.memory_space<hbm>>
    tpu.wait_indirect_dma semaphore(%arg28 : memref<!tpu.dma_semaphore, #tpu.memory_space<semaphore_mem>>) src(%dma_wait3A_181 : memref<10000x128xf32, #tpu.memory_space<hbm>>) dst(%arg8 : memref<80x128xf32, #tpu.memory_space<vmem>>)
    %dma_start3A_182 = arith.constant 0 : i32
    %dma_start3A_183 = arith.constant 0 : i32
    %dma_start3A_184 = tpu.memref_slice %arg6[%dma_start3A_182, %dma_start3A_183] : memref<10000x128xf32, #tpu.memory_space<vmem_shared>> -> memref<10000x128xf32, #tpu.memory_space<vmem_shared>>
    tpu.enqueue_indirect_dma source(%arg8 : memref<80x128xf32, #tpu.memory_space<vmem>>) target(%dma_start3A_184 : memref<10000x128xf32, #tpu.memory_space<vmem_shared>>) offsets(%arg20 : memref<80xi32, #tpu.memory_space<vmem>>) semaphore(%arg32 : memref<!tpu.dma_semaphore, #tpu.memory_space<semaphore_mem>>) {add = true}
    %dma_wait3A_185 = arith.constant 0 : i32
    %dma_wait3A_186 = arith.constant 0 : i32
    %dma_wait3A_187 = tpu.memref_slice %arg2[%dma_wait3A_185, %dma_wait3A_186] : memref<10000x128xf32, #tpu.memory_space<hbm>> -> memref<10000x128xf32, #tpu.memory_space<hbm>>
    tpu.wait_indirect_dma semaphore(%arg29 : memref<!tpu.dma_semaphore, #tpu.memory_space<semaphore_mem>>) src(%dma_wait3A_187 : memref<10000x128xf32, #tpu.memory_space<hbm>>) dst(%arg9 : memref<80x128xf32, #tpu.memory_space<vmem>>)
    %dma_start3A_188 = arith.constant 0 : i32
    %dma_start3A_189 = arith.constant 0 : i32
    %dma_start3A_190 = tpu.memref_slice %arg6[%dma_start3A_188, %dma_start3A_189] : memref<10000x128xf32, #tpu.memory_space<vmem_shared>> -> memref<10000x128xf32, #tpu.memory_space<vmem_shared>>
    tpu.enqueue_indirect_dma source(%arg9 : memref<80x128xf32, #tpu.memory_space<vmem>>) target(%dma_start3A_190 : memref<10000x128xf32, #tpu.memory_space<vmem_shared>>) offsets(%arg21 : memref<80xi32, #tpu.memory_space<vmem>>) semaphore(%arg33 : memref<!tpu.dma_semaphore, #tpu.memory_space<semaphore_mem>>) {add = true}
    %dma_wait3A_191 = arith.constant 0 : i32
    %dma_wait3A_192 = arith.constant 0 : i32
    %dma_wait3A_193 = tpu.memref_slice %arg2[%dma_wait3A_191, %dma_wait3A_192] : memref<10000x128xf32, #tpu.memory_space<hbm>> -> memref<10000x128xf32, #tpu.memory_space<hbm>>
    tpu.wait_indirect_dma semaphore(%arg30 : memref<!tpu.dma_semaphore, #tpu.memory_space<semaphore_mem>>) src(%dma_wait3A_193 : memref<10000x128xf32, #tpu.memory_space<hbm>>) dst(%arg10 : memref<80x128xf32, #tpu.memory_space<vmem>>)
    %dma_start3A_194 = arith.constant 0 : i32
    %dma_start3A_195 = arith.constant 0 : i32
    %dma_start3A_196 = tpu.memref_slice %arg6[%dma_start3A_194, %dma_start3A_195] : memref<10000x128xf32, #tpu.memory_space<vmem_shared>> -> memref<10000x128xf32, #tpu.memory_space<vmem_shared>>
    tpu.enqueue_indirect_dma source(%arg10 : memref<80x128xf32, #tpu.memory_space<vmem>>) target(%dma_start3A_196 : memref<10000x128xf32, #tpu.memory_space<vmem_shared>>) offsets(%arg22 : memref<80xi32, #tpu.memory_space<vmem>>) semaphore(%arg34 : memref<!tpu.dma_semaphore, #tpu.memory_space<semaphore_mem>>) {add = true}
    %dma_wait3A_197 = arith.constant 0 : i32
    %dma_wait3A_198 = arith.constant 0 : i32
    %dma_wait3A_199 = tpu.memref_slice %arg2[%dma_wait3A_197, %dma_wait3A_198] : memref<10000x128xf32, #tpu.memory_space<hbm>> -> memref<10000x128xf32, #tpu.memory_space<hbm>>
    tpu.wait_indirect_dma semaphore(%arg27 : memref<!tpu.dma_semaphore, #tpu.memory_space<semaphore_mem>>) src(%dma_wait3A_199 : memref<10000x128xf32, #tpu.memory_space<hbm>>) dst(%arg7 : memref<80x128xf32, #tpu.memory_space<vmem>>)
    %dma_start3A_200 = arith.constant 0 : i32
    %dma_start3A_201 = arith.constant 0 : i32
    %dma_start3A_202 = tpu.memref_slice %arg6[%dma_start3A_200, %dma_start3A_201] : memref<10000x128xf32, #tpu.memory_space<vmem_shared>> -> memref<10000x128xf32, #tpu.memory_space<vmem_shared>>
    tpu.enqueue_indirect_dma source(%arg7 : memref<80x128xf32, #tpu.memory_space<vmem>>) target(%dma_start3A_202 : memref<10000x128xf32, #tpu.memory_space<vmem_shared>>) offsets(%arg23 : memref<80xi32, #tpu.memory_space<vmem>>) semaphore(%arg31 : memref<!tpu.dma_semaphore, #tpu.memory_space<semaphore_mem>>) {add = true}
    %dma_wait3A_203 = arith.constant 0 : i32
    %dma_wait3A_204 = arith.constant 0 : i32
    %dma_wait3A_205 = tpu.memref_slice %arg6[%dma_wait3A_203, %dma_wait3A_204] : memref<10000x128xf32, #tpu.memory_space<vmem_shared>> -> memref<10000x128xf32, #tpu.memory_space<vmem_shared>>
    tpu.wait_indirect_dma semaphore(%arg32 : memref<!tpu.dma_semaphore, #tpu.memory_space<semaphore_mem>>) src(%arg8 : memref<80x128xf32, #tpu.memory_space<vmem>>) dst(%dma_wait3A_205 : memref<10000x128xf32, #tpu.memory_space<vmem_shared>>)
    %dma_wait3A_206 = arith.constant 0 : i32
    %dma_wait3A_207 = arith.constant 0 : i32
    %dma_wait3A_208 = tpu.memref_slice %arg6[%dma_wait3A_206, %dma_wait3A_207] : memref<10000x128xf32, #tpu.memory_space<vmem_shared>> -> memref<10000x128xf32, #tpu.memory_space<vmem_shared>>
    tpu.wait_indirect_dma semaphore(%arg33 : memref<!tpu.dma_semaphore, #tpu.memory_space<semaphore_mem>>) src(%arg9 : memref<80x128xf32, #tpu.memory_space<vmem>>) dst(%dma_wait3A_208 : memref<10000x128xf32, #tpu.memory_space<vmem_shared>>)
    %dma_wait3A_209 = arith.constant 0 : i32
    %dma_wait3A_210 = arith.constant 0 : i32
    %dma_wait3A_211 = tpu.memref_slice %arg6[%dma_wait3A_209, %dma_wait3A_210] : memref<10000x128xf32, #tpu.memory_space<vmem_shared>> -> memref<10000x128xf32, #tpu.memory_space<vmem_shared>>
    tpu.wait_indirect_dma semaphore(%arg34 : memref<!tpu.dma_semaphore, #tpu.memory_space<semaphore_mem>>) src(%arg10 : memref<80x128xf32, #tpu.memory_space<vmem>>) dst(%dma_wait3A_211 : memref<10000x128xf32, #tpu.memory_space<vmem_shared>>)
    %dma_wait3A_212 = arith.constant 0 : i32
    %dma_wait3A_213 = arith.constant 0 : i32
    %dma_wait3A_214 = tpu.memref_slice %arg6[%dma_wait3A_212, %dma_wait3A_213] : memref<10000x128xf32, #tpu.memory_space<vmem_shared>> -> memref<10000x128xf32, #tpu.memory_space<vmem_shared>>
    tpu.wait_indirect_dma semaphore(%arg31 : memref<!tpu.dma_semaphore, #tpu.memory_space<semaphore_mem>>) src(%arg7 : memref<80x128xf32, #tpu.memory_space<vmem>>) dst(%dma_wait3A_214 : memref<10000x128xf32, #tpu.memory_space<vmem_shared>>)
    %barrier3A_215 = arith.constant 0 : index
    tpu.barrier barrier_id(%barrier3A_215)
    %scan3A_216 = arith.constant 0 : i32
    %scan3A_217 = arith.constant 0 : i32
    %scan3A_218 = arith.constant 8 : i32
    %scan3A_219 = arith.addi %scan3A_217, %scan3A_218 : i32
    %scan3A_220 = arith.constant 1 : i32
    scf.for %scan3A_228 = %scan3A_217 to %scan3A_219 step %scan3A_220  : i32 {
      %mul3A_229 = arith.constant 16 : i32
      %mul3A_230 = arith.muli %scan3A_228, %mul3A_229 : i32
      %add3A_231 = arith.addi %arg1, %mul3A_230 : i32
      %lt3A = arith.constant 125 : i32
      %lt3A_232 = arith.cmpi slt, %add3A_231, %lt3A : i32
      %convert_element_type3A = arith.extui %lt3A_232 : i1 to i32
      %cond3A = arith.constant 0 : i32
      %cond3A_233 = arith.cmpi ne, %convert_element_type3A, %cond3A : i32
      scf.if %cond3A_233 {
        %mul3A_234 = arith.constant 80 : i32
        %mul3A_235 = arith.muli %add3A_231, %mul3A_234 : i32
        %mul3A_236 = arith.constant 10000 : i32
        %mul3A_237 = arith.muli %arg0, %mul3A_236 : i32
        %mul3A_238 = arith.constant 80 : i32
        %mul3A_239 = arith.muli %add3A_231, %mul3A_238 : i32
        %add3A_240 = arith.addi %mul3A_237, %mul3A_239 : i32
        %dma_start3A_241 = arith.constant 0 : i32
        %dma_start3A_242 = tpu.memref_slice %arg4[%add3A_240, %dma_start3A_241] : memref<20000x128xf32, #tpu.memory_space<hbm>> -> memref<80x128xf32, #tpu.memory_space<hbm>>
        %dma_start3A_243 = arith.constant 0 : i32
        %dma_start3A_244 = tpu.memref_slice %arg6[%mul3A_235, %dma_start3A_243] : memref<10000x128xf32, #tpu.memory_space<vmem_shared>> -> memref<80x128xf32, #tpu.memory_space<vmem_shared>>
        tpu.enqueue_dma source(%dma_start3A_244 : memref<80x128xf32, #tpu.memory_space<vmem_shared>>) target(%dma_start3A_242 : memref<80x128xf32, #tpu.memory_space<hbm>>) target_semaphore(%arg43 : memref<!tpu.dma_semaphore, #tpu.memory_space<semaphore_mem>>)
      } else {
      }
    }
    %scan3A_221 = arith.constant 8 : i32
    %scan3A_222 = arith.constant 0 : i32
    %scan3A_223 = arith.constant 0 : i32
    %scan3A_224 = arith.constant 8 : i32
    %scan3A_225 = arith.addi %scan3A_223, %scan3A_224 : i32
    %scan3A_226 = arith.constant 1 : i32
    scf.for %scan3A_228 = %scan3A_223 to %scan3A_225 step %scan3A_226  : i32 {
      %mul3A_229 = arith.constant 16 : i32
      %mul3A_230 = arith.muli %scan3A_228, %mul3A_229 : i32
      %add3A_231 = arith.addi %arg1, %mul3A_230 : i32
      %lt3A = arith.constant 125 : i32
      %lt3A_232 = arith.cmpi slt, %add3A_231, %lt3A : i32
      %convert_element_type3A = arith.extui %lt3A_232 : i1 to i32
      %cond3A = arith.constant 0 : i32
      %cond3A_233 = arith.cmpi ne, %convert_element_type3A, %cond3A : i32
      scf.if %cond3A_233 {
        %mul3A_234 = arith.constant 80 : i32
        %mul3A_235 = arith.muli %add3A_231, %mul3A_234 : i32
        %mul3A_236 = arith.constant 10000 : i32
        %mul3A_237 = arith.muli %arg0, %mul3A_236 : i32
        %mul3A_238 = arith.constant 80 : i32
        %mul3A_239 = arith.muli %add3A_231, %mul3A_238 : i32
        %add3A_240 = arith.addi %mul3A_237, %mul3A_239 : i32
        %dma_wait3A_241 = arith.constant 0 : i32
        %dma_wait3A_242 = tpu.memref_slice %arg4[%add3A_240, %dma_wait3A_241] : memref<20000x128xf32, #tpu.memory_space<hbm>> -> memref<80x128xf32, #tpu.memory_space<hbm>>
        %dma_wait3A_243 = arith.constant 0 : i32
        %dma_wait3A_244 = tpu.memref_slice %arg6[%mul3A_235, %dma_wait3A_243] : memref<10000x128xf32, #tpu.memory_space<vmem_shared>> -> memref<80x128xf32, #tpu.memory_space<vmem_shared>>
        tpu.wait_dma2 semaphore(%arg43 : memref<!tpu.dma_semaphore, #tpu.memory_space<semaphore_mem>>) src(%dma_wait3A_244 : memref<80x128xf32, #tpu.memory_space<vmem_shared>>) dst(%dma_wait3A_242 : memref<80x128xf32, #tpu.memory_space<hbm>>)
      } else {
      }
    }
    %scan3A_227 = arith.constant 8 : i32
    return
  }
}

#map = affine_map<(d0, d1) -> (0, 0)>
#map1 = affine_map<(d0, d1) -> (0)>
module attributes {stable_mosaic.version = 14 : i64} {
  func.func @_sc_aggregate_body(%arg0: i32, %arg1: i32, %arg2: memref<10000x128xf32, #tpu.memory_space<hbm>>, %arg3: memref<640000xi32, #tpu.memory_space<hbm>>, %arg4: memref<20000x128xf32, #tpu.memory_space<hbm>>, %arg5: memref<40x128xf32, #tpu.memory_space<vmem>>, %arg6: memref<10000x128xf32, #tpu.memory_space<vmem_shared>>, %arg7: memref<80x128xf32, #tpu.memory_space<vmem>>, %arg8: memref<80x128xf32, #tpu.memory_space<vmem>>, %arg9: memref<80x128xf32, #tpu.memory_space<vmem>>, %arg10: memref<80x128xf32, #tpu.memory_space<vmem>>, %arg11: memref<80xi32, #tpu.memory_space<vmem>>, %arg12: memref<80xi32, #tpu.memory_space<vmem>>, %arg13: memref<80xi32, #tpu.memory_space<vmem>>, %arg14: memref<80xi32, #tpu.memory_space<vmem>>, %arg15: memref<80xi32, #tpu.memory_space<vmem>>, %arg16: memref<80xi32, #tpu.memory_space<vmem>>, %arg17: memref<80xi32, #tpu.memory_space<vmem>>, %arg18: memref<80xi32, #tpu.memory_space<vmem>>, %arg19: memref<80xi32, #tpu.memory_space<vmem>>, %arg20: memref<80xi32, #tpu.memory_space<vmem>>, %arg21: memref<80xi32, #tpu.memory_space<vmem>>, %arg22: memref<80xi32, #tpu.memory_space<vmem>>, %arg23: memref<80xi32, #tpu.memory_space<vmem>>, %arg24: memref<80xi32, #tpu.memory_space<vmem>>, %arg25: memref<80xi32, #tpu.memory_space<vmem>>, %arg26: memref<80xi32, #tpu.memory_space<vmem>>, %arg27: memref<!tpu.dma_semaphore, #tpu.memory_space<semaphore_mem>>, %arg28: memref<!tpu.dma_semaphore, #tpu.memory_space<semaphore_mem>>, %arg29: memref<!tpu.dma_semaphore, #tpu.memory_space<semaphore_mem>>, %arg30: memref<!tpu.dma_semaphore, #tpu.memory_space<semaphore_mem>>, %arg31: memref<!tpu.dma_semaphore, #tpu.memory_space<semaphore_mem>>, %arg32: memref<!tpu.dma_semaphore, #tpu.memory_space<semaphore_mem>>, %arg33: memref<!tpu.dma_semaphore, #tpu.memory_space<semaphore_mem>>, %arg34: memref<!tpu.dma_semaphore, #tpu.memory_space<semaphore_mem>>, %arg35: memref<!tpu.dma_semaphore, #tpu.memory_space<semaphore_mem>>, %arg36: memref<!tpu.dma_semaphore, #tpu.memory_space<semaphore_mem>>, %arg37: memref<!tpu.dma_semaphore, #tpu.memory_space<semaphore_mem>>, %arg38: memref<!tpu.dma_semaphore, #tpu.memory_space<semaphore_mem>>, %arg39: memref<!tpu.dma_semaphore, #tpu.memory_space<semaphore_mem>>, %arg40: memref<!tpu.dma_semaphore, #tpu.memory_space<semaphore_mem>>, %arg41: memref<!tpu.dma_semaphore, #tpu.memory_space<semaphore_mem>>, %arg42: memref<!tpu.dma_semaphore, #tpu.memory_space<semaphore_mem>>, %arg43: memref<!tpu.dma_semaphore, #tpu.memory_space<semaphore_mem>>) attributes {dimension_semantics = [#tpu.dimension_semantics<core_parallel>, #tpu.dimension_semantics<subcore_parallel>], iteration_bounds = array<i64: 2, 16>, scalar_prefetch = 0 : i64, scratch_operands = 39 : i64, tpu.core_type = #tpu.core_type<sc_vector_subcore>, window_params = [{transform_indices = #map}, {transform_indices = #map1}, {transform_indices = #map}]} {
    %mul3A = arith.constant 2 : i32
    %mul3A_0 = arith.muli %arg1, %mul3A : i32
    %add3A = arith.addi %mul3A_0, %arg0 : i32
    %mul3A_1 = arith.constant 10000 : i32
    %mul3A_2 = arith.muli %add3A, %mul3A_1 : i32
    %add3A_3 = arith.constant 0 : i32
    %add3A_4 = arith.addi %mul3A_2, %add3A_3 : i32
    %dma_start3A = tpu.memref_slice %arg3[%add3A_4] : memref<640000xi32, #tpu.memory_space<hbm>> -> memref<80xi32, #tpu.memory_space<hbm>>
    %dma_start3A_5 = tpu.memref_slice %arg3[%add3A_4] : memref<640000xi32, #tpu.memory_space<hbm>> -> memref<80xi32, #tpu.memory_space<hbm>>
    tpu.enqueue_dma source(%dma_start3A_5 : memref<80xi32, #tpu.memory_space<hbm>>) target(%arg11 : memref<80xi32, #tpu.memory_space<vmem>>) target_semaphore(%arg35 : memref<!tpu.dma_semaphore, #tpu.memory_space<semaphore_mem>>)
    %add3A_6 = arith.constant 320000 : i32
    %add3A_7 = arith.addi %add3A_6, %mul3A_2 : i32
    %add3A_8 = arith.constant 0 : i32
    %add3A_9 = arith.addi %add3A_7, %add3A_8 : i32
    %dma_start3A_10 = tpu.memref_slice %arg3[%add3A_9] : memref<640000xi32, #tpu.memory_space<hbm>> -> memref<80xi32, #tpu.memory_space<hbm>>
    %dma_start3A_11 = tpu.memref_slice %arg3[%add3A_9] : memref<640000xi32, #tpu.memory_space<hbm>> -> memref<80xi32, #tpu.memory_space<hbm>>
    tpu.enqueue_dma source(%dma_start3A_11 : memref<80xi32, #tpu.memory_space<hbm>>) target(%arg19 : memref<80xi32, #tpu.memory_space<vmem>>) target_semaphore(%arg35 : memref<!tpu.dma_semaphore, #tpu.memory_space<semaphore_mem>>)
    %add3A_12 = arith.constant 80 : i32
    %add3A_13 = arith.addi %mul3A_2, %add3A_12 : i32
    %dma_start3A_14 = tpu.memref_slice %arg3[%add3A_13] : memref<640000xi32, #tpu.memory_space<hbm>> -> memref<80xi32, #tpu.memory_space<hbm>>
    %dma_start3A_15 = tpu.memref_slice %arg3[%add3A_13] : memref<640000xi32, #tpu.memory_space<hbm>> -> memref<80xi32, #tpu.memory_space<hbm>>
    tpu.enqueue_dma source(%dma_start3A_15 : memref<80xi32, #tpu.memory_space<hbm>>) target(%arg12 : memref<80xi32, #tpu.memory_space<vmem>>) target_semaphore(%arg36 : memref<!tpu.dma_semaphore, #tpu.memory_space<semaphore_mem>>)
    %add3A_16 = arith.constant 320000 : i32
    %add3A_17 = arith.addi %add3A_16, %mul3A_2 : i32
    %add3A_18 = arith.constant 80 : i32
    %add3A_19 = arith.addi %add3A_17, %add3A_18 : i32
    %dma_start3A_20 = tpu.memref_slice %arg3[%add3A_19] : memref<640000xi32, #tpu.memory_space<hbm>> -> memref<80xi32, #tpu.memory_space<hbm>>
    %dma_start3A_21 = tpu.memref_slice %arg3[%add3A_19] : memref<640000xi32, #tpu.memory_space<hbm>> -> memref<80xi32, #tpu.memory_space<hbm>>
    tpu.enqueue_dma source(%dma_start3A_21 : memref<80xi32, #tpu.memory_space<hbm>>) target(%arg20 : memref<80xi32, #tpu.memory_space<vmem>>) target_semaphore(%arg36 : memref<!tpu.dma_semaphore, #tpu.memory_space<semaphore_mem>>)
    %add3A_22 = arith.constant 160 : i32
    %add3A_23 = arith.addi %mul3A_2, %add3A_22 : i32
    %dma_start3A_24 = tpu.memref_slice %arg3[%add3A_23] : memref<640000xi32, #tpu.memory_space<hbm>> -> memref<80xi32, #tpu.memory_space<hbm>>
    %dma_start3A_25 = tpu.memref_slice %arg3[%add3A_23] : memref<640000xi32, #tpu.memory_space<hbm>> -> memref<80xi32, #tpu.memory_space<hbm>>
    tpu.enqueue_dma source(%dma_start3A_25 : memref<80xi32, #tpu.memory_space<hbm>>) target(%arg13 : memref<80xi32, #tpu.memory_space<vmem>>) target_semaphore(%arg37 : memref<!tpu.dma_semaphore, #tpu.memory_space<semaphore_mem>>)
    %add3A_26 = arith.constant 320000 : i32
    %add3A_27 = arith.addi %add3A_26, %mul3A_2 : i32
    %add3A_28 = arith.constant 160 : i32
    %add3A_29 = arith.addi %add3A_27, %add3A_28 : i32
    %dma_start3A_30 = tpu.memref_slice %arg3[%add3A_29] : memref<640000xi32, #tpu.memory_space<hbm>> -> memref<80xi32, #tpu.memory_space<hbm>>
    %dma_start3A_31 = tpu.memref_slice %arg3[%add3A_29] : memref<640000xi32, #tpu.memory_space<hbm>> -> memref<80xi32, #tpu.memory_space<hbm>>
    tpu.enqueue_dma source(%dma_start3A_31 : memref<80xi32, #tpu.memory_space<hbm>>) target(%arg21 : memref<80xi32, #tpu.memory_space<vmem>>) target_semaphore(%arg37 : memref<!tpu.dma_semaphore, #tpu.memory_space<semaphore_mem>>)
    %add3A_32 = arith.constant 240 : i32
    %add3A_33 = arith.addi %mul3A_2, %add3A_32 : i32
    %dma_start3A_34 = tpu.memref_slice %arg3[%add3A_33] : memref<640000xi32, #tpu.memory_space<hbm>> -> memref<80xi32, #tpu.memory_space<hbm>>
    %dma_start3A_35 = tpu.memref_slice %arg3[%add3A_33] : memref<640000xi32, #tpu.memory_space<hbm>> -> memref<80xi32, #tpu.memory_space<hbm>>
    tpu.enqueue_dma source(%dma_start3A_35 : memref<80xi32, #tpu.memory_space<hbm>>) target(%arg14 : memref<80xi32, #tpu.memory_space<vmem>>) target_semaphore(%arg38 : memref<!tpu.dma_semaphore, #tpu.memory_space<semaphore_mem>>)
    %add3A_36 = arith.constant 320000 : i32
    %add3A_37 = arith.addi %add3A_36, %mul3A_2 : i32
    %add3A_38 = arith.constant 240 : i32
    %add3A_39 = arith.addi %add3A_37, %add3A_38 : i32
    %dma_start3A_40 = tpu.memref_slice %arg3[%add3A_39] : memref<640000xi32, #tpu.memory_space<hbm>> -> memref<80xi32, #tpu.memory_space<hbm>>
    %dma_start3A_41 = tpu.memref_slice %arg3[%add3A_39] : memref<640000xi32, #tpu.memory_space<hbm>> -> memref<80xi32, #tpu.memory_space<hbm>>
    tpu.enqueue_dma source(%dma_start3A_41 : memref<80xi32, #tpu.memory_space<hbm>>) target(%arg22 : memref<80xi32, #tpu.memory_space<vmem>>) target_semaphore(%arg38 : memref<!tpu.dma_semaphore, #tpu.memory_space<semaphore_mem>>)
    %add3A_42 = arith.constant 320 : i32
    %add3A_43 = arith.addi %mul3A_2, %add3A_42 : i32
    %dma_start3A_44 = tpu.memref_slice %arg3[%add3A_43] : memref<640000xi32, #tpu.memory_space<hbm>> -> memref<80xi32, #tpu.memory_space<hbm>>
    %dma_start3A_45 = tpu.memref_slice %arg3[%add3A_43] : memref<640000xi32, #tpu.memory_space<hbm>> -> memref<80xi32, #tpu.memory_space<hbm>>
    tpu.enqueue_dma source(%dma_start3A_45 : memref<80xi32, #tpu.memory_space<hbm>>) target(%arg15 : memref<80xi32, #tpu.memory_space<vmem>>) target_semaphore(%arg39 : memref<!tpu.dma_semaphore, #tpu.memory_space<semaphore_mem>>)
    %add3A_46 = arith.constant 320000 : i32
    %add3A_47 = arith.addi %add3A_46, %mul3A_2 : i32
    %add3A_48 = arith.constant 320 : i32
    %add3A_49 = arith.addi %add3A_47, %add3A_48 : i32
    %dma_start3A_50 = tpu.memref_slice %arg3[%add3A_49] : memref<640000xi32, #tpu.memory_space<hbm>> -> memref<80xi32, #tpu.memory_space<hbm>>
    %dma_start3A_51 = tpu.memref_slice %arg3[%add3A_49] : memref<640000xi32, #tpu.memory_space<hbm>> -> memref<80xi32, #tpu.memory_space<hbm>>
    tpu.enqueue_dma source(%dma_start3A_51 : memref<80xi32, #tpu.memory_space<hbm>>) target(%arg23 : memref<80xi32, #tpu.memory_space<vmem>>) target_semaphore(%arg39 : memref<!tpu.dma_semaphore, #tpu.memory_space<semaphore_mem>>)
    %add3A_52 = arith.constant 400 : i32
    %add3A_53 = arith.addi %mul3A_2, %add3A_52 : i32
    %dma_start3A_54 = tpu.memref_slice %arg3[%add3A_53] : memref<640000xi32, #tpu.memory_space<hbm>> -> memref<80xi32, #tpu.memory_space<hbm>>
    %dma_start3A_55 = tpu.memref_slice %arg3[%add3A_53] : memref<640000xi32, #tpu.memory_space<hbm>> -> memref<80xi32, #tpu.memory_space<hbm>>
    tpu.enqueue_dma source(%dma_start3A_55 : memref<80xi32, #tpu.memory_space<hbm>>) target(%arg16 : memref<80xi32, #tpu.memory_space<vmem>>) target_semaphore(%arg40 : memref<!tpu.dma_semaphore, #tpu.memory_space<semaphore_mem>>)
    %add3A_56 = arith.constant 320000 : i32
    %add3A_57 = arith.addi %add3A_56, %mul3A_2 : i32
    %add3A_58 = arith.constant 400 : i32
    %add3A_59 = arith.addi %add3A_57, %add3A_58 : i32
    %dma_start3A_60 = tpu.memref_slice %arg3[%add3A_59] : memref<640000xi32, #tpu.memory_space<hbm>> -> memref<80xi32, #tpu.memory_space<hbm>>
    %dma_start3A_61 = tpu.memref_slice %arg3[%add3A_59] : memref<640000xi32, #tpu.memory_space<hbm>> -> memref<80xi32, #tpu.memory_space<hbm>>
    tpu.enqueue_dma source(%dma_start3A_61 : memref<80xi32, #tpu.memory_space<hbm>>) target(%arg24 : memref<80xi32, #tpu.memory_space<vmem>>) target_semaphore(%arg40 : memref<!tpu.dma_semaphore, #tpu.memory_space<semaphore_mem>>)
    %add3A_62 = arith.constant 480 : i32
    %add3A_63 = arith.addi %mul3A_2, %add3A_62 : i32
    %dma_start3A_64 = tpu.memref_slice %arg3[%add3A_63] : memref<640000xi32, #tpu.memory_space<hbm>> -> memref<80xi32, #tpu.memory_space<hbm>>
    %dma_start3A_65 = tpu.memref_slice %arg3[%add3A_63] : memref<640000xi32, #tpu.memory_space<hbm>> -> memref<80xi32, #tpu.memory_space<hbm>>
    tpu.enqueue_dma source(%dma_start3A_65 : memref<80xi32, #tpu.memory_space<hbm>>) target(%arg17 : memref<80xi32, #tpu.memory_space<vmem>>) target_semaphore(%arg41 : memref<!tpu.dma_semaphore, #tpu.memory_space<semaphore_mem>>)
    %add3A_66 = arith.constant 320000 : i32
    %add3A_67 = arith.addi %add3A_66, %mul3A_2 : i32
    %add3A_68 = arith.constant 480 : i32
    %add3A_69 = arith.addi %add3A_67, %add3A_68 : i32
    %dma_start3A_70 = tpu.memref_slice %arg3[%add3A_69] : memref<640000xi32, #tpu.memory_space<hbm>> -> memref<80xi32, #tpu.memory_space<hbm>>
    %dma_start3A_71 = tpu.memref_slice %arg3[%add3A_69] : memref<640000xi32, #tpu.memory_space<hbm>> -> memref<80xi32, #tpu.memory_space<hbm>>
    tpu.enqueue_dma source(%dma_start3A_71 : memref<80xi32, #tpu.memory_space<hbm>>) target(%arg25 : memref<80xi32, #tpu.memory_space<vmem>>) target_semaphore(%arg41 : memref<!tpu.dma_semaphore, #tpu.memory_space<semaphore_mem>>)
    %add3A_72 = arith.constant 560 : i32
    %add3A_73 = arith.addi %mul3A_2, %add3A_72 : i32
    %dma_start3A_74 = tpu.memref_slice %arg3[%add3A_73] : memref<640000xi32, #tpu.memory_space<hbm>> -> memref<80xi32, #tpu.memory_space<hbm>>
    %dma_start3A_75 = tpu.memref_slice %arg3[%add3A_73] : memref<640000xi32, #tpu.memory_space<hbm>> -> memref<80xi32, #tpu.memory_space<hbm>>
    tpu.enqueue_dma source(%dma_start3A_75 : memref<80xi32, #tpu.memory_space<hbm>>) target(%arg18 : memref<80xi32, #tpu.memory_space<vmem>>) target_semaphore(%arg42 : memref<!tpu.dma_semaphore, #tpu.memory_space<semaphore_mem>>)
    %add3A_76 = arith.constant 320000 : i32
    %add3A_77 = arith.addi %add3A_76, %mul3A_2 : i32
    %add3A_78 = arith.constant 560 : i32
    %add3A_79 = arith.addi %add3A_77, %add3A_78 : i32
    %dma_start3A_80 = tpu.memref_slice %arg3[%add3A_79] : memref<640000xi32, #tpu.memory_space<hbm>> -> memref<80xi32, #tpu.memory_space<hbm>>
    %dma_start3A_81 = tpu.memref_slice %arg3[%add3A_79] : memref<640000xi32, #tpu.memory_space<hbm>> -> memref<80xi32, #tpu.memory_space<hbm>>
    tpu.enqueue_dma source(%dma_start3A_81 : memref<80xi32, #tpu.memory_space<hbm>>) target(%arg26 : memref<80xi32, #tpu.memory_space<vmem>>) target_semaphore(%arg42 : memref<!tpu.dma_semaphore, #tpu.memory_space<semaphore_mem>>)
    %broadcast_in_dim3A = arith.constant 0.000000e+00 : f32
    %broadcast_in_dim3A_82 = vector.broadcast %broadcast_in_dim3A : f32 to vector<16xf32>
    %scan3A = arith.constant 0 : i32
    %scan3A_83 = arith.constant 0 : i32
    %scan3A_84 = arith.constant 40 : i32
    %scan3A_85 = arith.addi %scan3A_83, %scan3A_84 : i32
    %scan3A_86 = arith.constant 1 : i32
    scf.for %scan3A_228 = %scan3A_83 to %scan3A_85 step %scan3A_86  : i32 {
      %swap3A = arith.index_cast %scan3A_228 : i32 to index
      %swap3A_229 = arith.constant 0 : index
      %swap3A_230 = tpu.vector_load %arg5[%swap3A, %swap3A_229] {strides = array<i32>} : memref<40x128xf32, #tpu.memory_space<vmem>>, vector<1x16xf32>,
      %swap3A_231 = vector.shape_cast %swap3A_230 : vector<1x16xf32> to vector<16xf32>
      %swap3A_232 = vector.shape_cast %broadcast_in_dim3A_82 : vector<16xf32> to vector<1x16xf32>
      tpu.vector_store %arg5[%swap3A, %swap3A_229], %swap3A_232 {strides = array<i32>} : memref<40x128xf32, #tpu.memory_space<vmem>>, vector<1x16xf32>,
      %swap3A_233 = arith.index_cast %scan3A_228 : i32 to index
      %swap3A_234 = arith.constant 16 : index
      %swap3A_235 = tpu.vector_load %arg5[%swap3A_233, %swap3A_234] {strides = array<i32>} : memref<40x128xf32, #tpu.memory_space<vmem>>, vector<1x16xf32>,
      %swap3A_236 = vector.shape_cast %swap3A_235 : vector<1x16xf32> to vector<16xf32>
      %swap3A_237 = vector.shape_cast %broadcast_in_dim3A_82 : vector<16xf32> to vector<1x16xf32>
      tpu.vector_store %arg5[%swap3A_233, %swap3A_234], %swap3A_237 {strides = array<i32>} : memref<40x128xf32, #tpu.memory_space<vmem>>, vector<1x16xf32>,
      %swap3A_238 = arith.index_cast %scan3A_228 : i32 to index
      %swap3A_239 = arith.constant 32 : index
      %swap3A_240 = tpu.vector_load %arg5[%swap3A_238, %swap3A_239] {strides = array<i32>} : memref<40x128xf32, #tpu.memory_space<vmem>>, vector<1x16xf32>,
      %swap3A_241 = vector.shape_cast %swap3A_240 : vector<1x16xf32> to vector<16xf32>
      %swap3A_242 = vector.shape_cast %broadcast_in_dim3A_82 : vector<16xf32> to vector<1x16xf32>
      tpu.vector_store %arg5[%swap3A_238, %swap3A_239], %swap3A_242 {strides = array<i32>} : memref<40x128xf32, #tpu.memory_space<vmem>>, vector<1x16xf32>,
      %swap3A_243 = arith.index_cast %scan3A_228 : i32 to index
      %swap3A_244 = arith.constant 48 : index
      %swap3A_245 = tpu.vector_load %arg5[%swap3A_243, %swap3A_244] {strides = array<i32>} : memref<40x128xf32, #tpu.memory_space<vmem>>, vector<1x16xf32>,
      %swap3A_246 = vector.shape_cast %swap3A_245 : vector<1x16xf32> to vector<16xf32>
      %swap3A_247 = vector.shape_cast %broadcast_in_dim3A_82 : vector<16xf32> to vector<1x16xf32>
      tpu.vector_store %arg5[%swap3A_243, %swap3A_244], %swap3A_247 {strides = array<i32>} : memref<40x128xf32, #tpu.memory_space<vmem>>, vector<1x16xf32>,
      %swap3A_248 = arith.index_cast %scan3A_228 : i32 to index
      %swap3A_249 = arith.constant 64 : index
      %swap3A_250 = tpu.vector_load %arg5[%swap3A_248, %swap3A_249] {strides = array<i32>} : memref<40x128xf32, #tpu.memory_space<vmem>>, vector<1x16xf32>,
      %swap3A_251 = vector.shape_cast %swap3A_250 : vector<1x16xf32> to vector<16xf32>
      %swap3A_252 = vector.shape_cast %broadcast_in_dim3A_82 : vector<16xf32> to vector<1x16xf32>
      tpu.vector_store %arg5[%swap3A_248, %swap3A_249], %swap3A_252 {strides = array<i32>} : memref<40x128xf32, #tpu.memory_space<vmem>>, vector<1x16xf32>,
      %swap3A_253 = arith.index_cast %scan3A_228 : i32 to index
      %swap3A_254 = arith.constant 80 : index
      %swap3A_255 = tpu.vector_load %arg5[%swap3A_253, %swap3A_254] {strides = array<i32>} : memref<40x128xf32, #tpu.memory_space<vmem>>, vector<1x16xf32>,
      %swap3A_256 = vector.shape_cast %swap3A_255 : vector<1x16xf32> to vector<16xf32>
      %swap3A_257 = vector.shape_cast %broadcast_in_dim3A_82 : vector<16xf32> to vector<1x16xf32>
      tpu.vector_store %arg5[%swap3A_253, %swap3A_254], %swap3A_257 {strides = array<i32>} : memref<40x128xf32, #tpu.memory_space<vmem>>, vector<1x16xf32>,
      %swap3A_258 = arith.index_cast %scan3A_228 : i32 to index
      %swap3A_259 = arith.constant 96 : index
      %swap3A_260 = tpu.vector_load %arg5[%swap3A_258, %swap3A_259] {strides = array<i32>} : memref<40x128xf32, #tpu.memory_space<vmem>>, vector<1x16xf32>,
      %swap3A_261 = vector.shape_cast %swap3A_260 : vector<1x16xf32> to vector<16xf32>
      %swap3A_262 = vector.shape_cast %broadcast_in_dim3A_82 : vector<16xf32> to vector<1x16xf32>
      tpu.vector_store %arg5[%swap3A_258, %swap3A_259], %swap3A_262 {strides = array<i32>} : memref<40x128xf32, #tpu.memory_space<vmem>>, vector<1x16xf32>,
      %swap3A_263 = arith.index_cast %scan3A_228 : i32 to index
      %swap3A_264 = arith.constant 112 : index
      %swap3A_265 = tpu.vector_load %arg5[%swap3A_263, %swap3A_264] {strides = array<i32>} : memref<40x128xf32, #tpu.memory_space<vmem>>, vector<1x16xf32>,
      %swap3A_266 = vector.shape_cast %swap3A_265 : vector<1x16xf32> to vector<16xf32>
      %swap3A_267 = vector.shape_cast %broadcast_in_dim3A_82 : vector<16xf32> to vector<1x16xf32>
      tpu.vector_store %arg5[%swap3A_263, %swap3A_264], %swap3A_267 {strides = array<i32>} : memref<40x128xf32, #tpu.memory_space<vmem>>, vector<1x16xf32>,
    }
    %scan3A_87 = arith.constant 40 : i32
    %add3A_88 = arith.constant 0 : i32
    %add3A_89 = arith.addi %mul3A_2, %add3A_88 : i32
    %dma_wait3A = tpu.memref_slice %arg3[%add3A_89] : memref<640000xi32, #tpu.memory_space<hbm>> -> memref<80xi32, #tpu.memory_space<hbm>>
    %dma_wait3A_90 = tpu.memref_slice %arg3[%add3A_89] : memref<640000xi32, #tpu.memory_space<hbm>> -> memref<80xi32, #tpu.memory_space<hbm>>
    tpu.wait_dma2 semaphore(%arg35 : memref<!tpu.dma_semaphore, #tpu.memory_space<semaphore_mem>>) src(%dma_wait3A_90 : memref<80xi32, #tpu.memory_space<hbm>>) dst(%arg11 : memref<80xi32, #tpu.memory_space<vmem>>)
    %add3A_91 = arith.constant 320000 : i32
    %add3A_92 = arith.addi %add3A_91, %mul3A_2 : i32
    %add3A_93 = arith.constant 0 : i32
    %add3A_94 = arith.addi %add3A_92, %add3A_93 : i32
    %dma_wait3A_95 = tpu.memref_slice %arg3[%add3A_94] : memref<640000xi32, #tpu.memory_space<hbm>> -> memref<80xi32, #tpu.memory_space<hbm>>
    %dma_wait3A_96 = tpu.memref_slice %arg3[%add3A_94] : memref<640000xi32, #tpu.memory_space<hbm>> -> memref<80xi32, #tpu.memory_space<hbm>>
    tpu.wait_dma2 semaphore(%arg35 : memref<!tpu.dma_semaphore, #tpu.memory_space<semaphore_mem>>) src(%dma_wait3A_96 : memref<80xi32, #tpu.memory_space<hbm>>) dst(%arg19 : memref<80xi32, #tpu.memory_space<vmem>>)
    %dma_start3A_97 = arith.constant 0 : i32
    %dma_start3A_98 = arith.constant 0 : i32
    %dma_start3A_99 = tpu.memref_slice %arg2[%dma_start3A_97, %dma_start3A_98] : memref<10000x128xf32, #tpu.memory_space<hbm>> -> memref<10000x128xf32, #tpu.memory_space<hbm>>
    tpu.enqueue_indirect_dma source(%dma_start3A_99 : memref<10000x128xf32, #tpu.memory_space<hbm>>) target(%arg7 : memref<80x128xf32, #tpu.memory_space<vmem>>) offsets(%arg11 : memref<80xi32, #tpu.memory_space<vmem>>) semaphore(%arg27 : memref<!tpu.dma_semaphore, #tpu.memory_space<semaphore_mem>>)
    %add3A_100 = arith.constant 80 : i32
    %add3A_101 = arith.addi %mul3A_2, %add3A_100 : i32
    %dma_wait3A_102 = tpu.memref_slice %arg3[%add3A_101] : memref<640000xi32, #tpu.memory_space<hbm>> -> memref<80xi32, #tpu.memory_space<hbm>>
    %dma_wait3A_103 = tpu.memref_slice %arg3[%add3A_101] : memref<640000xi32, #tpu.memory_space<hbm>> -> memref<80xi32, #tpu.memory_space<hbm>>
    tpu.wait_dma2 semaphore(%arg36 : memref<!tpu.dma_semaphore, #tpu.memory_space<semaphore_mem>>) src(%dma_wait3A_103 : memref<80xi32, #tpu.memory_space<hbm>>) dst(%arg12 : memref<80xi32, #tpu.memory_space<vmem>>)
    %add3A_104 = arith.constant 320000 : i32
    %add3A_105 = arith.addi %add3A_104, %mul3A_2 : i32
    %add3A_106 = arith.constant 80 : i32
    %add3A_107 = arith.addi %add3A_105, %add3A_106 : i32
    %dma_wait3A_108 = tpu.memref_slice %arg3[%add3A_107] : memref<640000xi32, #tpu.memory_space<hbm>> -> memref<80xi32, #tpu.memory_space<hbm>>
    %dma_wait3A_109 = tpu.memref_slice %arg3[%add3A_107] : memref<640000xi32, #tpu.memory_space<hbm>> -> memref<80xi32, #tpu.memory_space<hbm>>
    tpu.wait_dma2 semaphore(%arg36 : memref<!tpu.dma_semaphore, #tpu.memory_space<semaphore_mem>>) src(%dma_wait3A_109 : memref<80xi32, #tpu.memory_space<hbm>>) dst(%arg20 : memref<80xi32, #tpu.memory_space<vmem>>)
    %dma_start3A_110 = arith.constant 0 : i32
    %dma_start3A_111 = arith.constant 0 : i32
    %dma_start3A_112 = tpu.memref_slice %arg2[%dma_start3A_110, %dma_start3A_111] : memref<10000x128xf32, #tpu.memory_space<hbm>> -> memref<10000x128xf32, #tpu.memory_space<hbm>>
    tpu.enqueue_indirect_dma source(%dma_start3A_112 : memref<10000x128xf32, #tpu.memory_space<hbm>>) target(%arg8 : memref<80x128xf32, #tpu.memory_space<vmem>>) offsets(%arg12 : memref<80xi32, #tpu.memory_space<vmem>>) semaphore(%arg28 : memref<!tpu.dma_semaphore, #tpu.memory_space<semaphore_mem>>)
    %add3A_113 = arith.constant 160 : i32
    %add3A_114 = arith.addi %mul3A_2, %add3A_113 : i32
    %dma_wait3A_115 = tpu.memref_slice %arg3[%add3A_114] : memref<640000xi32, #tpu.memory_space<hbm>> -> memref<80xi32, #tpu.memory_space<hbm>>
    %dma_wait3A_116 = tpu.memref_slice %arg3[%add3A_114] : memref<640000xi32, #tpu.memory_space<hbm>> -> memref<80xi32, #tpu.memory_space<hbm>>
    tpu.wait_dma2 semaphore(%arg37 : memref<!tpu.dma_semaphore, #tpu.memory_space<semaphore_mem>>) src(%dma_wait3A_116 : memref<80xi32, #tpu.memory_space<hbm>>) dst(%arg13 : memref<80xi32, #tpu.memory_space<vmem>>)
    %add3A_117 = arith.constant 320000 : i32
    %add3A_118 = arith.addi %add3A_117, %mul3A_2 : i32
    %add3A_119 = arith.constant 160 : i32
    %add3A_120 = arith.addi %add3A_118, %add3A_119 : i32
    %dma_wait3A_121 = tpu.memref_slice %arg3[%add3A_120] : memref<640000xi32, #tpu.memory_space<hbm>> -> memref<80xi32, #tpu.memory_space<hbm>>
    %dma_wait3A_122 = tpu.memref_slice %arg3[%add3A_120] : memref<640000xi32, #tpu.memory_space<hbm>> -> memref<80xi32, #tpu.memory_space<hbm>>
    tpu.wait_dma2 semaphore(%arg37 : memref<!tpu.dma_semaphore, #tpu.memory_space<semaphore_mem>>) src(%dma_wait3A_122 : memref<80xi32, #tpu.memory_space<hbm>>) dst(%arg21 : memref<80xi32, #tpu.memory_space<vmem>>)
    %dma_start3A_123 = arith.constant 0 : i32
    %dma_start3A_124 = arith.constant 0 : i32
    %dma_start3A_125 = tpu.memref_slice %arg2[%dma_start3A_123, %dma_start3A_124] : memref<10000x128xf32, #tpu.memory_space<hbm>> -> memref<10000x128xf32, #tpu.memory_space<hbm>>
    tpu.enqueue_indirect_dma source(%dma_start3A_125 : memref<10000x128xf32, #tpu.memory_space<hbm>>) target(%arg9 : memref<80x128xf32, #tpu.memory_space<vmem>>) offsets(%arg13 : memref<80xi32, #tpu.memory_space<vmem>>) semaphore(%arg29 : memref<!tpu.dma_semaphore, #tpu.memory_space<semaphore_mem>>)
    %add3A_126 = arith.constant 240 : i32
    %add3A_127 = arith.addi %mul3A_2, %add3A_126 : i32
    %dma_wait3A_128 = tpu.memref_slice %arg3[%add3A_127] : memref<640000xi32, #tpu.memory_space<hbm>> -> memref<80xi32, #tpu.memory_space<hbm>>
    %dma_wait3A_129 = tpu.memref_slice %arg3[%add3A_127] : memref<640000xi32, #tpu.memory_space<hbm>> -> memref<80xi32, #tpu.memory_space<hbm>>
    tpu.wait_dma2 semaphore(%arg38 : memref<!tpu.dma_semaphore, #tpu.memory_space<semaphore_mem>>) src(%dma_wait3A_129 : memref<80xi32, #tpu.memory_space<hbm>>) dst(%arg14 : memref<80xi32, #tpu.memory_space<vmem>>)
    %add3A_130 = arith.constant 320000 : i32
    %add3A_131 = arith.addi %add3A_130, %mul3A_2 : i32
    %add3A_132 = arith.constant 240 : i32
    %add3A_133 = arith.addi %add3A_131, %add3A_132 : i32
    %dma_wait3A_134 = tpu.memref_slice %arg3[%add3A_133] : memref<640000xi32, #tpu.memory_space<hbm>> -> memref<80xi32, #tpu.memory_space<hbm>>
    %dma_wait3A_135 = tpu.memref_slice %arg3[%add3A_133] : memref<640000xi32, #tpu.memory_space<hbm>> -> memref<80xi32, #tpu.memory_space<hbm>>
    tpu.wait_dma2 semaphore(%arg38 : memref<!tpu.dma_semaphore, #tpu.memory_space<semaphore_mem>>) src(%dma_wait3A_135 : memref<80xi32, #tpu.memory_space<hbm>>) dst(%arg22 : memref<80xi32, #tpu.memory_space<vmem>>)
    %dma_start3A_136 = arith.constant 0 : i32
    %dma_start3A_137 = arith.constant 0 : i32
    %dma_start3A_138 = tpu.memref_slice %arg2[%dma_start3A_136, %dma_start3A_137] : memref<10000x128xf32, #tpu.memory_space<hbm>> -> memref<10000x128xf32, #tpu.memory_space<hbm>>
    tpu.enqueue_indirect_dma source(%dma_start3A_138 : memref<10000x128xf32, #tpu.memory_space<hbm>>) target(%arg10 : memref<80x128xf32, #tpu.memory_space<vmem>>) offsets(%arg14 : memref<80xi32, #tpu.memory_space<vmem>>) semaphore(%arg30 : memref<!tpu.dma_semaphore, #tpu.memory_space<semaphore_mem>>)
    %scan3A_139 = arith.constant 0 : i32
    %scan3A_140 = arith.constant 0 : i32
    %scan3A_141 = arith.constant 16 : i32
    %scan3A_142 = arith.addi %scan3A_140, %scan3A_141 : i32
    %scan3A_143 = arith.constant 1 : i32
    scf.for %scan3A_228 = %scan3A_140 to %scan3A_142 step %scan3A_143  : i32 {
      %mul3A_229 = arith.constant 16 : i32
      %mul3A_230 = arith.muli %scan3A_228, %mul3A_229 : i32
      %add3A_231 = arith.addi %arg1, %mul3A_230 : i32
      %lt3A = arith.constant 250 : i32
      %lt3A_232 = arith.cmpi slt, %add3A_231, %lt3A : i32
      %convert_element_type3A = arith.extui %lt3A_232 : i1 to i32
      %cond3A = arith.constant 0 : i32
      %cond3A_233 = arith.cmpi ne, %convert_element_type3A, %cond3A : i32
      scf.if %cond3A_233 {
        %mul3A_234 = arith.constant 40 : i32
        %mul3A_235 = arith.muli %add3A_231, %mul3A_234 : i32
        %dma_start3A_236 = arith.constant 0 : i32
        %dma_start3A_237 = tpu.memref_slice %arg6[%mul3A_235, %dma_start3A_236] : memref<10000x128xf32, #tpu.memory_space<vmem_shared>> -> memref<40x128xf32, #tpu.memory_space<vmem_shared>>
        %dma_start3A_238 = arith.constant 0 : i32
        %dma_start3A_239 = tpu.memref_slice %arg6[%mul3A_235, %dma_start3A_238] : memref<10000x128xf32, #tpu.memory_space<vmem_shared>> -> memref<40x128xf32, #tpu.memory_space<vmem_shared>>
        tpu.enqueue_dma source(%arg5 : memref<40x128xf32, #tpu.memory_space<vmem>>) target(%dma_start3A_239 : memref<40x128xf32, #tpu.memory_space<vmem_shared>>) target_semaphore(%arg43 : memref<!tpu.dma_semaphore, #tpu.memory_space<semaphore_mem>>)
      } else {
      }
    }
    %scan3A_144 = arith.constant 16 : i32
    %scan3A_145 = arith.constant 0 : i32
    %scan3A_146 = arith.constant 0 : i32
    %scan3A_147 = arith.constant 16 : i32
    %scan3A_148 = arith.addi %scan3A_146, %scan3A_147 : i32
    %scan3A_149 = arith.constant 1 : i32
    scf.for %scan3A_228 = %scan3A_146 to %scan3A_148 step %scan3A_149  : i32 {
      %mul3A_229 = arith.constant 16 : i32
      %mul3A_230 = arith.muli %scan3A_228, %mul3A_229 : i32
      %add3A_231 = arith.addi %arg1, %mul3A_230 : i32
      %lt3A = arith.constant 250 : i32
      %lt3A_232 = arith.cmpi slt, %add3A_231, %lt3A : i32
      %convert_element_type3A = arith.extui %lt3A_232 : i1 to i32
      %cond3A = arith.constant 0 : i32
      %cond3A_233 = arith.cmpi ne, %convert_element_type3A, %cond3A : i32
      scf.if %cond3A_233 {
        %mul3A_234 = arith.constant 40 : i32
        %mul3A_235 = arith.muli %add3A_231, %mul3A_234 : i32
        %dma_wait3A_236 = arith.constant 0 : i32
        %dma_wait3A_237 = tpu.memref_slice %arg6[%mul3A_235, %dma_wait3A_236] : memref<10000x128xf32, #tpu.memory_space<vmem_shared>> -> memref<40x128xf32, #tpu.memory_space<vmem_shared>>
        %dma_wait3A_238 = arith.constant 0 : i32
        %dma_wait3A_239 = tpu.memref_slice %arg6[%mul3A_235, %dma_wait3A_238] : memref<10000x128xf32, #tpu.memory_space<vmem_shared>> -> memref<40x128xf32, #tpu.memory_space<vmem_shared>>
        tpu.wait_dma2 semaphore(%arg43 : memref<!tpu.dma_semaphore, #tpu.memory_space<semaphore_mem>>) src(%arg5 : memref<40x128xf32, #tpu.memory_space<vmem>>) dst(%dma_wait3A_239 : memref<40x128xf32, #tpu.memory_space<vmem_shared>>)
      } else {
      }
    }
    %scan3A_150 = arith.constant 16 : i32
    %barrier3A = arith.constant 0 : index
    tpu.barrier barrier_id(%barrier3A)
    %scan3A_151 = arith.constant 0 : i32
    %scan3A_152 = arith.constant 0 : i32
    %scan3A_153 = arith.constant 15 : i32
    %scan3A_154 = arith.addi %scan3A_152, %scan3A_153 : i32
    %scan3A_155 = arith.constant 1 : i32
    scf.for %scan3A_228 = %scan3A_152 to %scan3A_154 step %scan3A_155  : i32 {
      %mul3A_229 = arith.constant 8 : i32
      %mul3A_230 = arith.muli %scan3A_228, %mul3A_229 : i32
      %add3A_231 = arith.constant 0 : i32
      %add3A_232 = arith.addi %mul3A_230, %add3A_231 : i32
      %dma_wait3A_233 = arith.constant 0 : i32
      %dma_wait3A_234 = arith.constant 0 : i32
      %dma_wait3A_235 = tpu.memref_slice %arg2[%dma_wait3A_233, %dma_wait3A_234] : memref<10000x128xf32, #tpu.memory_space<hbm>> -> memref<10000x128xf32, #tpu.memory_space<hbm>>
      tpu.wait_indirect_dma semaphore(%arg27 : memref<!tpu.dma_semaphore, #tpu.memory_space<semaphore_mem>>) src(%dma_wait3A_235 : memref<10000x128xf32, #tpu.memory_space<hbm>>) dst(%arg7 : memref<80x128xf32, #tpu.memory_space<vmem>>)
      %dma_start3A_236 = arith.constant 0 : i32
      %dma_start3A_237 = arith.constant 0 : i32
      %dma_start3A_238 = tpu.memref_slice %arg6[%dma_start3A_236, %dma_start3A_237] : memref<10000x128xf32, #tpu.memory_space<vmem_shared>> -> memref<10000x128xf32, #tpu.memory_space<vmem_shared>>
      tpu.enqueue_indirect_dma source(%arg7 : memref<80x128xf32, #tpu.memory_space<vmem>>) target(%dma_start3A_238 : memref<10000x128xf32, #tpu.memory_space<vmem_shared>>) offsets(%arg19 : memref<80xi32, #tpu.memory_space<vmem>>) semaphore(%arg31 : memref<!tpu.dma_semaphore, #tpu.memory_space<semaphore_mem>>) {add = true}
      %add3A_239 = arith.constant 4 : i32
      %add3A_240 = arith.addi %add3A_232, %add3A_239 : i32
      %lt3A = arith.constant 125 : i32
      %lt3A_241 = arith.cmpi slt, %add3A_240, %lt3A : i32
      %convert_element_type3A = arith.extui %lt3A_241 : i1 to i32
      %cond3A = arith.constant 0 : i32
      %cond3A_242 = arith.cmpi ne, %convert_element_type3A, %cond3A : i32
      scf.if %cond3A_242 {
        %ge3A = arith.constant 0 : i32
        %ge3A_418 = arith.cmpi sge, %add3A_232, %ge3A : i32
        %convert_element_type3A_419 = arith.extui %ge3A_418 : i1 to i32
        %cond3A_420 = arith.constant 0 : i32
        %cond3A_421 = arith.cmpi ne, %convert_element_type3A_419, %cond3A_420 : i32
        scf.if %cond3A_421 {
          %dma_wait3A_439 = arith.constant 0 : i32
          %dma_wait3A_440 = arith.constant 0 : i32
          %dma_wait3A_441 = tpu.memref_slice %arg6[%dma_wait3A_439, %dma_wait3A_440] : memref<10000x128xf32, #tpu.memory_space<vmem_shared>> -> memref<10000x128xf32, #tpu.memory_space<vmem_shared>>
          tpu.wait_indirect_dma semaphore(%arg31 : memref<!tpu.dma_semaphore, #tpu.memory_space<semaphore_mem>>) src(%arg7 : memref<80x128xf32, #tpu.memory_space<vmem>>) dst(%dma_wait3A_441 : memref<10000x128xf32, #tpu.memory_space<vmem_shared>>)
        } else {
        }
        %add3A_422 = arith.constant 4 : i32
        %add3A_423 = arith.addi %add3A_232, %add3A_422 : i32
        %mul3A_424 = arith.constant 80 : i32
        %mul3A_425 = arith.muli %add3A_423, %mul3A_424 : i32
        %add3A_426 = arith.addi %mul3A_2, %mul3A_425 : i32
        %dma_wait3A_427 = tpu.memref_slice %arg3[%add3A_426] : memref<640000xi32, #tpu.memory_space<hbm>> -> memref<80xi32, #tpu.memory_space<hbm>>
        %dma_wait3A_428 = tpu.memref_slice %arg3[%add3A_426] : memref<640000xi32, #tpu.memory_space<hbm>> -> memref<80xi32, #tpu.memory_space<hbm>>
        tpu.wait_dma2 semaphore(%arg39 : memref<!tpu.dma_semaphore, #tpu.memory_space<semaphore_mem>>) src(%dma_wait3A_428 : memref<80xi32, #tpu.memory_space<hbm>>) dst(%arg15 : memref<80xi32, #tpu.memory_space<vmem>>)
        %add3A_429 = arith.constant 320000 : i32
        %add3A_430 = arith.addi %add3A_429, %mul3A_2 : i32
        %mul3A_431 = arith.constant 80 : i32
        %mul3A_432 = arith.muli %add3A_423, %mul3A_431 : i32
        %add3A_433 = arith.addi %add3A_430, %mul3A_432 : i32
        %dma_wait3A_434 = tpu.memref_slice %arg3[%add3A_433] : memref<640000xi32, #tpu.memory_space<hbm>> -> memref<80xi32, #tpu.memory_space<hbm>>
        %dma_wait3A_435 = tpu.memref_slice %arg3[%add3A_433] : memref<640000xi32, #tpu.memory_space<hbm>> -> memref<80xi32, #tpu.memory_space<hbm>>
        tpu.wait_dma2 semaphore(%arg39 : memref<!tpu.dma_semaphore, #tpu.memory_space<semaphore_mem>>) src(%dma_wait3A_435 : memref<80xi32, #tpu.memory_space<hbm>>) dst(%arg23 : memref<80xi32, #tpu.memory_space<vmem>>)
        %dma_start3A_436 = arith.constant 0 : i32
        %dma_start3A_437 = arith.constant 0 : i32
        %dma_start3A_438 = tpu.memref_slice %arg2[%dma_start3A_436, %dma_start3A_437] : memref<10000x128xf32, #tpu.memory_space<hbm>> -> memref<10000x128xf32, #tpu.memory_space<hbm>>
        tpu.enqueue_indirect_dma source(%dma_start3A_438 : memref<10000x128xf32, #tpu.memory_space<hbm>>) target(%arg7 : memref<80x128xf32, #tpu.memory_space<vmem>>) offsets(%arg15 : memref<80xi32, #tpu.memory_space<vmem>>) semaphore(%arg27 : memref<!tpu.dma_semaphore, #tpu.memory_space<semaphore_mem>>)
      } else {
      }
      %add3A_243 = arith.constant 8 : i32
      %add3A_244 = arith.addi %add3A_232, %add3A_243 : i32
      %lt3A_245 = arith.constant 125 : i32
      %lt3A_246 = arith.cmpi slt, %add3A_244, %lt3A_245 : i32
      %convert_element_type3A_247 = arith.extui %lt3A_246 : i1 to i32
      %cond3A_248 = arith.constant 0 : i32
      %cond3A_249 = arith.cmpi ne, %convert_element_type3A_247, %cond3A_248 : i32
      scf.if %cond3A_249 {
        %add3A_418 = arith.constant 8 : i32
        %add3A_419 = arith.addi %add3A_232, %add3A_418 : i32
        %mul3A_420 = arith.constant 80 : i32
        %mul3A_421 = arith.muli %add3A_419, %mul3A_420 : i32
        %add3A_422 = arith.addi %mul3A_2, %mul3A_421 : i32
        %dma_start3A_423 = tpu.memref_slice %arg3[%add3A_422] : memref<640000xi32, #tpu.memory_space<hbm>> -> memref<80xi32, #tpu.memory_space<hbm>>
        %dma_start3A_424 = tpu.memref_slice %arg3[%add3A_422] : memref<640000xi32, #tpu.memory_space<hbm>> -> memref<80xi32, #tpu.memory_space<hbm>>
        tpu.enqueue_dma source(%dma_start3A_424 : memref<80xi32, #tpu.memory_space<hbm>>) target(%arg11 : memref<80xi32, #tpu.memory_space<vmem>>) target_semaphore(%arg35 : memref<!tpu.dma_semaphore, #tpu.memory_space<semaphore_mem>>)
        %add3A_425 = arith.constant 320000 : i32
        %add3A_426 = arith.addi %add3A_425, %mul3A_2 : i32
        %mul3A_427 = arith.constant 80 : i32
        %mul3A_428 = arith.muli %add3A_419, %mul3A_427 : i32
        %add3A_429 = arith.addi %add3A_426, %mul3A_428 : i32
        %dma_start3A_430 = tpu.memref_slice %arg3[%add3A_429] : memref<640000xi32, #tpu.memory_space<hbm>> -> memref<80xi32, #tpu.memory_space<hbm>>
        %dma_start3A_431 = tpu.memref_slice %arg3[%add3A_429] : memref<640000xi32, #tpu.memory_space<hbm>> -> memref<80xi32, #tpu.memory_space<hbm>>
        tpu.enqueue_dma source(%dma_start3A_431 : memref<80xi32, #tpu.memory_space<hbm>>) target(%arg19 : memref<80xi32, #tpu.memory_space<vmem>>) target_semaphore(%arg35 : memref<!tpu.dma_semaphore, #tpu.memory_space<semaphore_mem>>)
      } else {
      }
      %mul3A_250 = arith.constant 8 : i32
      %mul3A_251 = arith.muli %scan3A_228, %mul3A_250 : i32
      %add3A_252 = arith.constant 1 : i32
      %add3A_253 = arith.addi %mul3A_251, %add3A_252 : i32
      %dma_wait3A_254 = arith.constant 0 : i32
      %dma_wait3A_255 = arith.constant 0 : i32
      %dma_wait3A_256 = tpu.memref_slice %arg2[%dma_wait3A_254, %dma_wait3A_255] : memref<10000x128xf32, #tpu.memory_space<hbm>> -> memref<10000x128xf32, #tpu.memory_space<hbm>>
      tpu.wait_indirect_dma semaphore(%arg28 : memref<!tpu.dma_semaphore, #tpu.memory_space<semaphore_mem>>) src(%dma_wait3A_256 : memref<10000x128xf32, #tpu.memory_space<hbm>>) dst(%arg8 : memref<80x128xf32, #tpu.memory_space<vmem>>)
      %dma_start3A_257 = arith.constant 0 : i32
      %dma_start3A_258 = arith.constant 0 : i32
      %dma_start3A_259 = tpu.memref_slice %arg6[%dma_start3A_257, %dma_start3A_258] : memref<10000x128xf32, #tpu.memory_space<vmem_shared>> -> memref<10000x128xf32, #tpu.memory_space<vmem_shared>>
      tpu.enqueue_indirect_dma source(%arg8 : memref<80x128xf32, #tpu.memory_space<vmem>>) target(%dma_start3A_259 : memref<10000x128xf32, #tpu.memory_space<vmem_shared>>) offsets(%arg20 : memref<80xi32, #tpu.memory_space<vmem>>) semaphore(%arg32 : memref<!tpu.dma_semaphore, #tpu.memory_space<semaphore_mem>>) {add = true}
      %add3A_260 = arith.constant 4 : i32
      %add3A_261 = arith.addi %add3A_253, %add3A_260 : i32
      %lt3A_262 = arith.constant 125 : i32
      %lt3A_263 = arith.cmpi slt, %add3A_261, %lt3A_262 : i32
      %convert_element_type3A_264 = arith.extui %lt3A_263 : i1 to i32
      %cond3A_265 = arith.constant 0 : i32
      %cond3A_266 = arith.cmpi ne, %convert_element_type3A_264, %cond3A_265 : i32
      scf.if %cond3A_266 {
        %ge3A = arith.constant 0 : i32
        %ge3A_418 = arith.cmpi sge, %add3A_253, %ge3A : i32
        %convert_element_type3A_419 = arith.extui %ge3A_418 : i1 to i32
        %cond3A_420 = arith.constant 0 : i32
        %cond3A_421 = arith.cmpi ne, %convert_element_type3A_419, %cond3A_420 : i32
        scf.if %cond3A_421 {
          %dma_wait3A_439 = arith.constant 0 : i32
          %dma_wait3A_440 = arith.constant 0 : i32
          %dma_wait3A_441 = tpu.memref_slice %arg6[%dma_wait3A_439, %dma_wait3A_440] : memref<10000x128xf32, #tpu.memory_space<vmem_shared>> -> memref<10000x128xf32, #tpu.memory_space<vmem_shared>>
          tpu.wait_indirect_dma semaphore(%arg32 : memref<!tpu.dma_semaphore, #tpu.memory_space<semaphore_mem>>) src(%arg8 : memref<80x128xf32, #tpu.memory_space<vmem>>) dst(%dma_wait3A_441 : memref<10000x128xf32, #tpu.memory_space<vmem_shared>>)
        } else {
        }
        %add3A_422 = arith.constant 4 : i32
        %add3A_423 = arith.addi %add3A_253, %add3A_422 : i32
        %mul3A_424 = arith.constant 80 : i32
        %mul3A_425 = arith.muli %add3A_423, %mul3A_424 : i32
        %add3A_426 = arith.addi %mul3A_2, %mul3A_425 : i32
        %dma_wait3A_427 = tpu.memref_slice %arg3[%add3A_426] : memref<640000xi32, #tpu.memory_space<hbm>> -> memref<80xi32, #tpu.memory_space<hbm>>
        %dma_wait3A_428 = tpu.memref_slice %arg3[%add3A_426] : memref<640000xi32, #tpu.memory_space<hbm>> -> memref<80xi32, #tpu.memory_space<hbm>>
        tpu.wait_dma2 semaphore(%arg40 : memref<!tpu.dma_semaphore, #tpu.memory_space<semaphore_mem>>) src(%dma_wait3A_428 : memref<80xi32, #tpu.memory_space<hbm>>) dst(%arg16 : memref<80xi32, #tpu.memory_space<vmem>>)
        %add3A_429 = arith.constant 320000 : i32
        %add3A_430 = arith.addi %add3A_429, %mul3A_2 : i32
        %mul3A_431 = arith.constant 80 : i32
        %mul3A_432 = arith.muli %add3A_423, %mul3A_431 : i32
        %add3A_433 = arith.addi %add3A_430, %mul3A_432 : i32
        %dma_wait3A_434 = tpu.memref_slice %arg3[%add3A_433] : memref<640000xi32, #tpu.memory_space<hbm>> -> memref<80xi32, #tpu.memory_space<hbm>>
        %dma_wait3A_435 = tpu.memref_slice %arg3[%add3A_433] : memref<640000xi32, #tpu.memory_space<hbm>> -> memref<80xi32, #tpu.memory_space<hbm>>
        tpu.wait_dma2 semaphore(%arg40 : memref<!tpu.dma_semaphore, #tpu.memory_space<semaphore_mem>>) src(%dma_wait3A_435 : memref<80xi32, #tpu.memory_space<hbm>>) dst(%arg24 : memref<80xi32, #tpu.memory_space<vmem>>)
        %dma_start3A_436 = arith.constant 0 : i32
        %dma_start3A_437 = arith.constant 0 : i32
        %dma_start3A_438 = tpu.memref_slice %arg2[%dma_start3A_436, %dma_start3A_437] : memref<10000x128xf32, #tpu.memory_space<hbm>> -> memref<10000x128xf32, #tpu.memory_space<hbm>>
        tpu.enqueue_indirect_dma source(%dma_start3A_438 : memref<10000x128xf32, #tpu.memory_space<hbm>>) target(%arg8 : memref<80x128xf32, #tpu.memory_space<vmem>>) offsets(%arg16 : memref<80xi32, #tpu.memory_space<vmem>>) semaphore(%arg28 : memref<!tpu.dma_semaphore, #tpu.memory_space<semaphore_mem>>)
      } else {
      }
      %add3A_267 = arith.constant 8 : i32
      %add3A_268 = arith.addi %add3A_253, %add3A_267 : i32
      %lt3A_269 = arith.constant 125 : i32
      %lt3A_270 = arith.cmpi slt, %add3A_268, %lt3A_269 : i32
      %convert_element_type3A_271 = arith.extui %lt3A_270 : i1 to i32
      %cond3A_272 = arith.constant 0 : i32
      %cond3A_273 = arith.cmpi ne, %convert_element_type3A_271, %cond3A_272 : i32
      scf.if %cond3A_273 {
        %add3A_418 = arith.constant 8 : i32
        %add3A_419 = arith.addi %add3A_253, %add3A_418 : i32
        %mul3A_420 = arith.constant 80 : i32
        %mul3A_421 = arith.muli %add3A_419, %mul3A_420 : i32
        %add3A_422 = arith.addi %mul3A_2, %mul3A_421 : i32
        %dma_start3A_423 = tpu.memref_slice %arg3[%add3A_422] : memref<640000xi32, #tpu.memory_space<hbm>> -> memref<80xi32, #tpu.memory_space<hbm>>
        %dma_start3A_424 = tpu.memref_slice %arg3[%add3A_422] : memref<640000xi32, #tpu.memory_space<hbm>> -> memref<80xi32, #tpu.memory_space<hbm>>
        tpu.enqueue_dma source(%dma_start3A_424 : memref<80xi32, #tpu.memory_space<hbm>>) target(%arg12 : memref<80xi32, #tpu.memory_space<vmem>>) target_semaphore(%arg36 : memref<!tpu.dma_semaphore, #tpu.memory_space<semaphore_mem>>)
        %add3A_425 = arith.constant 320000 : i32
        %add3A_426 = arith.addi %add3A_425, %mul3A_2 : i32
        %mul3A_427 = arith.constant 80 : i32
        %mul3A_428 = arith.muli %add3A_419, %mul3A_427 : i32
        %add3A_429 = arith.addi %add3A_426, %mul3A_428 : i32
        %dma_start3A_430 = tpu.memref_slice %arg3[%add3A_429] : memref<640000xi32, #tpu.memory_space<hbm>> -> memref<80xi32, #tpu.memory_space<hbm>>
        %dma_start3A_431 = tpu.memref_slice %arg3[%add3A_429] : memref<640000xi32, #tpu.memory_space<hbm>> -> memref<80xi32, #tpu.memory_space<hbm>>
        tpu.enqueue_dma source(%dma_start3A_431 : memref<80xi32, #tpu.memory_space<hbm>>) target(%arg20 : memref<80xi32, #tpu.memory_space<vmem>>) target_semaphore(%arg36 : memref<!tpu.dma_semaphore, #tpu.memory_space<semaphore_mem>>)
      } else {
      }
      %mul3A_274 = arith.constant 8 : i32
      %mul3A_275 = arith.muli %scan3A_228, %mul3A_274 : i32
      %add3A_276 = arith.constant 2 : i32
      %add3A_277 = arith.addi %mul3A_275, %add3A_276 : i32
      %dma_wait3A_278 = arith.constant 0 : i32
      %dma_wait3A_279 = arith.constant 0 : i32
      %dma_wait3A_280 = tpu.memref_slice %arg2[%dma_wait3A_278, %dma_wait3A_279] : memref<10000x128xf32, #tpu.memory_space<hbm>> -> memref<10000x128xf32, #tpu.memory_space<hbm>>
      tpu.wait_indirect_dma semaphore(%arg29 : memref<!tpu.dma_semaphore, #tpu.memory_space<semaphore_mem>>) src(%dma_wait3A_280 : memref<10000x128xf32, #tpu.memory_space<hbm>>) dst(%arg9 : memref<80x128xf32, #tpu.memory_space<vmem>>)
      %dma_start3A_281 = arith.constant 0 : i32
      %dma_start3A_282 = arith.constant 0 : i32
      %dma_start3A_283 = tpu.memref_slice %arg6[%dma_start3A_281, %dma_start3A_282] : memref<10000x128xf32, #tpu.memory_space<vmem_shared>> -> memref<10000x128xf32, #tpu.memory_space<vmem_shared>>
      tpu.enqueue_indirect_dma source(%arg9 : memref<80x128xf32, #tpu.memory_space<vmem>>) target(%dma_start3A_283 : memref<10000x128xf32, #tpu.memory_space<vmem_shared>>) offsets(%arg21 : memref<80xi32, #tpu.memory_space<vmem>>) semaphore(%arg33 : memref<!tpu.dma_semaphore, #tpu.memory_space<semaphore_mem>>) {add = true}
      %add3A_284 = arith.constant 4 : i32
      %add3A_285 = arith.addi %add3A_277, %add3A_284 : i32
      %lt3A_286 = arith.constant 125 : i32
      %lt3A_287 = arith.cmpi slt, %add3A_285, %lt3A_286 : i32
      %convert_element_type3A_288 = arith.extui %lt3A_287 : i1 to i32
      %cond3A_289 = arith.constant 0 : i32
      %cond3A_290 = arith.cmpi ne, %convert_element_type3A_288, %cond3A_289 : i32
      scf.if %cond3A_290 {
        %ge3A = arith.constant 0 : i32
        %ge3A_418 = arith.cmpi sge, %add3A_277, %ge3A : i32
        %convert_element_type3A_419 = arith.extui %ge3A_418 : i1 to i32
        %cond3A_420 = arith.constant 0 : i32
        %cond3A_421 = arith.cmpi ne, %convert_element_type3A_419, %cond3A_420 : i32
        scf.if %cond3A_421 {
          %dma_wait3A_439 = arith.constant 0 : i32
          %dma_wait3A_440 = arith.constant 0 : i32
          %dma_wait3A_441 = tpu.memref_slice %arg6[%dma_wait3A_439, %dma_wait3A_440] : memref<10000x128xf32, #tpu.memory_space<vmem_shared>> -> memref<10000x128xf32, #tpu.memory_space<vmem_shared>>
          tpu.wait_indirect_dma semaphore(%arg33 : memref<!tpu.dma_semaphore, #tpu.memory_space<semaphore_mem>>) src(%arg9 : memref<80x128xf32, #tpu.memory_space<vmem>>) dst(%dma_wait3A_441 : memref<10000x128xf32, #tpu.memory_space<vmem_shared>>)
        } else {
        }
        %add3A_422 = arith.constant 4 : i32
        %add3A_423 = arith.addi %add3A_277, %add3A_422 : i32
        %mul3A_424 = arith.constant 80 : i32
        %mul3A_425 = arith.muli %add3A_423, %mul3A_424 : i32
        %add3A_426 = arith.addi %mul3A_2, %mul3A_425 : i32
        %dma_wait3A_427 = tpu.memref_slice %arg3[%add3A_426] : memref<640000xi32, #tpu.memory_space<hbm>> -> memref<80xi32, #tpu.memory_space<hbm>>
        %dma_wait3A_428 = tpu.memref_slice %arg3[%add3A_426] : memref<640000xi32, #tpu.memory_space<hbm>> -> memref<80xi32, #tpu.memory_space<hbm>>
        tpu.wait_dma2 semaphore(%arg41 : memref<!tpu.dma_semaphore, #tpu.memory_space<semaphore_mem>>) src(%dma_wait3A_428 : memref<80xi32, #tpu.memory_space<hbm>>) dst(%arg17 : memref<80xi32, #tpu.memory_space<vmem>>)
        %add3A_429 = arith.constant 320000 : i32
        %add3A_430 = arith.addi %add3A_429, %mul3A_2 : i32
        %mul3A_431 = arith.constant 80 : i32
        %mul3A_432 = arith.muli %add3A_423, %mul3A_431 : i32
        %add3A_433 = arith.addi %add3A_430, %mul3A_432 : i32
        %dma_wait3A_434 = tpu.memref_slice %arg3[%add3A_433] : memref<640000xi32, #tpu.memory_space<hbm>> -> memref<80xi32, #tpu.memory_space<hbm>>
        %dma_wait3A_435 = tpu.memref_slice %arg3[%add3A_433] : memref<640000xi32, #tpu.memory_space<hbm>> -> memref<80xi32, #tpu.memory_space<hbm>>
        tpu.wait_dma2 semaphore(%arg41 : memref<!tpu.dma_semaphore, #tpu.memory_space<semaphore_mem>>) src(%dma_wait3A_435 : memref<80xi32, #tpu.memory_space<hbm>>) dst(%arg25 : memref<80xi32, #tpu.memory_space<vmem>>)
        %dma_start3A_436 = arith.constant 0 : i32
        %dma_start3A_437 = arith.constant 0 : i32
        %dma_start3A_438 = tpu.memref_slice %arg2[%dma_start3A_436, %dma_start3A_437] : memref<10000x128xf32, #tpu.memory_space<hbm>> -> memref<10000x128xf32, #tpu.memory_space<hbm>>
        tpu.enqueue_indirect_dma source(%dma_start3A_438 : memref<10000x128xf32, #tpu.memory_space<hbm>>) target(%arg9 : memref<80x128xf32, #tpu.memory_space<vmem>>) offsets(%arg17 : memref<80xi32, #tpu.memory_space<vmem>>) semaphore(%arg29 : memref<!tpu.dma_semaphore, #tpu.memory_space<semaphore_mem>>)
      } else {
      }
      %add3A_291 = arith.constant 8 : i32
      %add3A_292 = arith.addi %add3A_277, %add3A_291 : i32
      %lt3A_293 = arith.constant 125 : i32
      %lt3A_294 = arith.cmpi slt, %add3A_292, %lt3A_293 : i32
      %convert_element_type3A_295 = arith.extui %lt3A_294 : i1 to i32
      %cond3A_296 = arith.constant 0 : i32
      %cond3A_297 = arith.cmpi ne, %convert_element_type3A_295, %cond3A_296 : i32
      scf.if %cond3A_297 {
        %add3A_418 = arith.constant 8 : i32
        %add3A_419 = arith.addi %add3A_277, %add3A_418 : i32
        %mul3A_420 = arith.constant 80 : i32
        %mul3A_421 = arith.muli %add3A_419, %mul3A_420 : i32
        %add3A_422 = arith.addi %mul3A_2, %mul3A_421 : i32
        %dma_start3A_423 = tpu.memref_slice %arg3[%add3A_422] : memref<640000xi32, #tpu.memory_space<hbm>> -> memref<80xi32, #tpu.memory_space<hbm>>
        %dma_start3A_424 = tpu.memref_slice %arg3[%add3A_422] : memref<640000xi32, #tpu.memory_space<hbm>> -> memref<80xi32, #tpu.memory_space<hbm>>
        tpu.enqueue_dma source(%dma_start3A_424 : memref<80xi32, #tpu.memory_space<hbm>>) target(%arg13 : memref<80xi32, #tpu.memory_space<vmem>>) target_semaphore(%arg37 : memref<!tpu.dma_semaphore, #tpu.memory_space<semaphore_mem>>)
        %add3A_425 = arith.constant 320000 : i32
        %add3A_426 = arith.addi %add3A_425, %mul3A_2 : i32
        %mul3A_427 = arith.constant 80 : i32
        %mul3A_428 = arith.muli %add3A_419, %mul3A_427 : i32
        %add3A_429 = arith.addi %add3A_426, %mul3A_428 : i32
        %dma_start3A_430 = tpu.memref_slice %arg3[%add3A_429] : memref<640000xi32, #tpu.memory_space<hbm>> -> memref<80xi32, #tpu.memory_space<hbm>>
        %dma_start3A_431 = tpu.memref_slice %arg3[%add3A_429] : memref<640000xi32, #tpu.memory_space<hbm>> -> memref<80xi32, #tpu.memory_space<hbm>>
        tpu.enqueue_dma source(%dma_start3A_431 : memref<80xi32, #tpu.memory_space<hbm>>) target(%arg21 : memref<80xi32, #tpu.memory_space<vmem>>) target_semaphore(%arg37 : memref<!tpu.dma_semaphore, #tpu.memory_space<semaphore_mem>>)
      } else {
      }
      %mul3A_298 = arith.constant 8 : i32
      %mul3A_299 = arith.muli %scan3A_228, %mul3A_298 : i32
      %add3A_300 = arith.constant 3 : i32
      %add3A_301 = arith.addi %mul3A_299, %add3A_300 : i32
      %dma_wait3A_302 = arith.constant 0 : i32
      %dma_wait3A_303 = arith.constant 0 : i32
      %dma_wait3A_304 = tpu.memref_slice %arg2[%dma_wait3A_302, %dma_wait3A_303] : memref<10000x128xf32, #tpu.memory_space<hbm>> -> memref<10000x128xf32, #tpu.memory_space<hbm>>
      tpu.wait_indirect_dma semaphore(%arg30 : memref<!tpu.dma_semaphore, #tpu.memory_space<semaphore_mem>>) src(%dma_wait3A_304 : memref<10000x128xf32, #tpu.memory_space<hbm>>) dst(%arg10 : memref<80x128xf32, #tpu.memory_space<vmem>>)
      %dma_start3A_305 = arith.constant 0 : i32
      %dma_start3A_306 = arith.constant 0 : i32
      %dma_start3A_307 = tpu.memref_slice %arg6[%dma_start3A_305, %dma_start3A_306] : memref<10000x128xf32, #tpu.memory_space<vmem_shared>> -> memref<10000x128xf32, #tpu.memory_space<vmem_shared>>
      tpu.enqueue_indirect_dma source(%arg10 : memref<80x128xf32, #tpu.memory_space<vmem>>) target(%dma_start3A_307 : memref<10000x128xf32, #tpu.memory_space<vmem_shared>>) offsets(%arg22 : memref<80xi32, #tpu.memory_space<vmem>>) semaphore(%arg34 : memref<!tpu.dma_semaphore, #tpu.memory_space<semaphore_mem>>) {add = true}
      %add3A_308 = arith.constant 4 : i32
      %add3A_309 = arith.addi %add3A_301, %add3A_308 : i32
      %lt3A_310 = arith.constant 125 : i32
      %lt3A_311 = arith.cmpi slt, %add3A_309, %lt3A_310 : i32
      %convert_element_type3A_312 = arith.extui %lt3A_311 : i1 to i32
      %cond3A_313 = arith.constant 0 : i32
      %cond3A_314 = arith.cmpi ne, %convert_element_type3A_312, %cond3A_313 : i32
      scf.if %cond3A_314 {
        %ge3A = arith.constant 0 : i32
        %ge3A_418 = arith.cmpi sge, %add3A_301, %ge3A : i32
        %convert_element_type3A_419 = arith.extui %ge3A_418 : i1 to i32
        %cond3A_420 = arith.constant 0 : i32
        %cond3A_421 = arith.cmpi ne, %convert_element_type3A_419, %cond3A_420 : i32
        scf.if %cond3A_421 {
          %dma_wait3A_439 = arith.constant 0 : i32
          %dma_wait3A_440 = arith.constant 0 : i32
          %dma_wait3A_441 = tpu.memref_slice %arg6[%dma_wait3A_439, %dma_wait3A_440] : memref<10000x128xf32, #tpu.memory_space<vmem_shared>> -> memref<10000x128xf32, #tpu.memory_space<vmem_shared>>
          tpu.wait_indirect_dma semaphore(%arg34 : memref<!tpu.dma_semaphore, #tpu.memory_space<semaphore_mem>>) src(%arg10 : memref<80x128xf32, #tpu.memory_space<vmem>>) dst(%dma_wait3A_441 : memref<10000x128xf32, #tpu.memory_space<vmem_shared>>)
        } else {
        }
        %add3A_422 = arith.constant 4 : i32
        %add3A_423 = arith.addi %add3A_301, %add3A_422 : i32
        %mul3A_424 = arith.constant 80 : i32
        %mul3A_425 = arith.muli %add3A_423, %mul3A_424 : i32
        %add3A_426 = arith.addi %mul3A_2, %mul3A_425 : i32
        %dma_wait3A_427 = tpu.memref_slice %arg3[%add3A_426] : memref<640000xi32, #tpu.memory_space<hbm>> -> memref<80xi32, #tpu.memory_space<hbm>>
        %dma_wait3A_428 = tpu.memref_slice %arg3[%add3A_426] : memref<640000xi32, #tpu.memory_space<hbm>> -> memref<80xi32, #tpu.memory_space<hbm>>
        tpu.wait_dma2 semaphore(%arg42 : memref<!tpu.dma_semaphore, #tpu.memory_space<semaphore_mem>>) src(%dma_wait3A_428 : memref<80xi32, #tpu.memory_space<hbm>>) dst(%arg18 : memref<80xi32, #tpu.memory_space<vmem>>)
        %add3A_429 = arith.constant 320000 : i32
        %add3A_430 = arith.addi %add3A_429, %mul3A_2 : i32
        %mul3A_431 = arith.constant 80 : i32
        %mul3A_432 = arith.muli %add3A_423, %mul3A_431 : i32
        %add3A_433 = arith.addi %add3A_430, %mul3A_432 : i32
        %dma_wait3A_434 = tpu.memref_slice %arg3[%add3A_433] : memref<640000xi32, #tpu.memory_space<hbm>> -> memref<80xi32, #tpu.memory_space<hbm>>
        %dma_wait3A_435 = tpu.memref_slice %arg3[%add3A_433] : memref<640000xi32, #tpu.memory_space<hbm>> -> memref<80xi32, #tpu.memory_space<hbm>>
        tpu.wait_dma2 semaphore(%arg42 : memref<!tpu.dma_semaphore, #tpu.memory_space<semaphore_mem>>) src(%dma_wait3A_435 : memref<80xi32, #tpu.memory_space<hbm>>) dst(%arg26 : memref<80xi32, #tpu.memory_space<vmem>>)
        %dma_start3A_436 = arith.constant 0 : i32
        %dma_start3A_437 = arith.constant 0 : i32
        %dma_start3A_438 = tpu.memref_slice %arg2[%dma_start3A_436, %dma_start3A_437] : memref<10000x128xf32, #tpu.memory_space<hbm>> -> memref<10000x128xf32, #tpu.memory_space<hbm>>
        tpu.enqueue_indirect_dma source(%dma_start3A_438 : memref<10000x128xf32, #tpu.memory_space<hbm>>) target(%arg10 : memref<80x128xf32, #tpu.memory_space<vmem>>) offsets(%arg18 : memref<80xi32, #tpu.memory_space<vmem>>) semaphore(%arg30 : memref<!tpu.dma_semaphore, #tpu.memory_space<semaphore_mem>>)
      } else {
      }
      %add3A_315 = arith.constant 8 : i32
      %add3A_316 = arith.addi %add3A_301, %add3A_315 : i32
      %lt3A_317 = arith.constant 125 : i32
      %lt3A_318 = arith.cmpi slt, %add3A_316, %lt3A_317 : i32
      %convert_element_type3A_319 = arith.extui %lt3A_318 : i1 to i32
      %cond3A_320 = arith.constant 0 : i32
      %cond3A_321 = arith.cmpi ne, %convert_element_type3A_319, %cond3A_320 : i32
      scf.if %cond3A_321 {
        %add3A_418 = arith.constant 8 : i32
        %add3A_419 = arith.addi %add3A_301, %add3A_418 : i32
        %mul3A_420 = arith.constant 80 : i32
        %mul3A_421 = arith.muli %add3A_419, %mul3A_420 : i32
        %add3A_422 = arith.addi %mul3A_2, %mul3A_421 : i32
        %dma_start3A_423 = tpu.memref_slice %arg3[%add3A_422] : memref<640000xi32, #tpu.memory_space<hbm>> -> memref<80xi32, #tpu.memory_space<hbm>>
        %dma_start3A_424 = tpu.memref_slice %arg3[%add3A_422] : memref<640000xi32, #tpu.memory_space<hbm>> -> memref<80xi32, #tpu.memory_space<hbm>>
        tpu.enqueue_dma source(%dma_start3A_424 : memref<80xi32, #tpu.memory_space<hbm>>) target(%arg14 : memref<80xi32, #tpu.memory_space<vmem>>) target_semaphore(%arg38 : memref<!tpu.dma_semaphore, #tpu.memory_space<semaphore_mem>>)
        %add3A_425 = arith.constant 320000 : i32
        %add3A_426 = arith.addi %add3A_425, %mul3A_2 : i32
        %mul3A_427 = arith.constant 80 : i32
        %mul3A_428 = arith.muli %add3A_419, %mul3A_427 : i32
        %add3A_429 = arith.addi %add3A_426, %mul3A_428 : i32
        %dma_start3A_430 = tpu.memref_slice %arg3[%add3A_429] : memref<640000xi32, #tpu.memory_space<hbm>> -> memref<80xi32, #tpu.memory_space<hbm>>
        %dma_start3A_431 = tpu.memref_slice %arg3[%add3A_429] : memref<640000xi32, #tpu.memory_space<hbm>> -> memref<80xi32, #tpu.memory_space<hbm>>
        tpu.enqueue_dma source(%dma_start3A_431 : memref<80xi32, #tpu.memory_space<hbm>>) target(%arg22 : memref<80xi32, #tpu.memory_space<vmem>>) target_semaphore(%arg38 : memref<!tpu.dma_semaphore, #tpu.memory_space<semaphore_mem>>)
      } else {
      }
      %mul3A_322 = arith.constant 8 : i32
      %mul3A_323 = arith.muli %scan3A_228, %mul3A_322 : i32
      %add3A_324 = arith.constant 4 : i32
      %add3A_325 = arith.addi %mul3A_323, %add3A_324 : i32
      %dma_wait3A_326 = arith.constant 0 : i32
      %dma_wait3A_327 = arith.constant 0 : i32
      %dma_wait3A_328 = tpu.memref_slice %arg2[%dma_wait3A_326, %dma_wait3A_327] : memref<10000x128xf32, #tpu.memory_space<hbm>> -> memref<10000x128xf32, #tpu.memory_space<hbm>>
      tpu.wait_indirect_dma semaphore(%arg27 : memref<!tpu.dma_semaphore, #tpu.memory_space<semaphore_mem>>) src(%dma_wait3A_328 : memref<10000x128xf32, #tpu.memory_space<hbm>>) dst(%arg7 : memref<80x128xf32, #tpu.memory_space<vmem>>)
      %dma_start3A_329 = arith.constant 0 : i32
      %dma_start3A_330 = arith.constant 0 : i32
      %dma_start3A_331 = tpu.memref_slice %arg6[%dma_start3A_329, %dma_start3A_330] : memref<10000x128xf32, #tpu.memory_space<vmem_shared>> -> memref<10000x128xf32, #tpu.memory_space<vmem_shared>>
      tpu.enqueue_indirect_dma source(%arg7 : memref<80x128xf32, #tpu.memory_space<vmem>>) target(%dma_start3A_331 : memref<10000x128xf32, #tpu.memory_space<vmem_shared>>) offsets(%arg23 : memref<80xi32, #tpu.memory_space<vmem>>) semaphore(%arg31 : memref<!tpu.dma_semaphore, #tpu.memory_space<semaphore_mem>>) {add = true}
      %add3A_332 = arith.constant 4 : i32
      %add3A_333 = arith.addi %add3A_325, %add3A_332 : i32
      %lt3A_334 = arith.constant 125 : i32
      %lt3A_335 = arith.cmpi slt, %add3A_333, %lt3A_334 : i32
      %convert_element_type3A_336 = arith.extui %lt3A_335 : i1 to i32
      %cond3A_337 = arith.constant 0 : i32
      %cond3A_338 = arith.cmpi ne, %convert_element_type3A_336, %cond3A_337 : i32
      scf.if %cond3A_338 {
        %ge3A = arith.constant 0 : i32
        %ge3A_418 = arith.cmpi sge, %add3A_325, %ge3A : i32
        %convert_element_type3A_419 = arith.extui %ge3A_418 : i1 to i32
        %cond3A_420 = arith.constant 0 : i32
        %cond3A_421 = arith.cmpi ne, %convert_element_type3A_419, %cond3A_420 : i32
        scf.if %cond3A_421 {
          %dma_wait3A_439 = arith.constant 0 : i32
          %dma_wait3A_440 = arith.constant 0 : i32
          %dma_wait3A_441 = tpu.memref_slice %arg6[%dma_wait3A_439, %dma_wait3A_440] : memref<10000x128xf32, #tpu.memory_space<vmem_shared>> -> memref<10000x128xf32, #tpu.memory_space<vmem_shared>>
          tpu.wait_indirect_dma semaphore(%arg31 : memref<!tpu.dma_semaphore, #tpu.memory_space<semaphore_mem>>) src(%arg7 : memref<80x128xf32, #tpu.memory_space<vmem>>) dst(%dma_wait3A_441 : memref<10000x128xf32, #tpu.memory_space<vmem_shared>>)
        } else {
        }
        %add3A_422 = arith.constant 4 : i32
        %add3A_423 = arith.addi %add3A_325, %add3A_422 : i32
        %mul3A_424 = arith.constant 80 : i32
        %mul3A_425 = arith.muli %add3A_423, %mul3A_424 : i32
        %add3A_426 = arith.addi %mul3A_2, %mul3A_425 : i32
        %dma_wait3A_427 = tpu.memref_slice %arg3[%add3A_426] : memref<640000xi32, #tpu.memory_space<hbm>> -> memref<80xi32, #tpu.memory_space<hbm>>
        %dma_wait3A_428 = tpu.memref_slice %arg3[%add3A_426] : memref<640000xi32, #tpu.memory_space<hbm>> -> memref<80xi32, #tpu.memory_space<hbm>>
        tpu.wait_dma2 semaphore(%arg35 : memref<!tpu.dma_semaphore, #tpu.memory_space<semaphore_mem>>) src(%dma_wait3A_428 : memref<80xi32, #tpu.memory_space<hbm>>) dst(%arg11 : memref<80xi32, #tpu.memory_space<vmem>>)
        %add3A_429 = arith.constant 320000 : i32
        %add3A_430 = arith.addi %add3A_429, %mul3A_2 : i32
        %mul3A_431 = arith.constant 80 : i32
        %mul3A_432 = arith.muli %add3A_423, %mul3A_431 : i32
        %add3A_433 = arith.addi %add3A_430, %mul3A_432 : i32
        %dma_wait3A_434 = tpu.memref_slice %arg3[%add3A_433] : memref<640000xi32, #tpu.memory_space<hbm>> -> memref<80xi32, #tpu.memory_space<hbm>>
        %dma_wait3A_435 = tpu.memref_slice %arg3[%add3A_433] : memref<640000xi32, #tpu.memory_space<hbm>> -> memref<80xi32, #tpu.memory_space<hbm>>
        tpu.wait_dma2 semaphore(%arg35 : memref<!tpu.dma_semaphore, #tpu.memory_space<semaphore_mem>>) src(%dma_wait3A_435 : memref<80xi32, #tpu.memory_space<hbm>>) dst(%arg19 : memref<80xi32, #tpu.memory_space<vmem>>)
        %dma_start3A_436 = arith.constant 0 : i32
        %dma_start3A_437 = arith.constant 0 : i32
        %dma_start3A_438 = tpu.memref_slice %arg2[%dma_start3A_436, %dma_start3A_437] : memref<10000x128xf32, #tpu.memory_space<hbm>> -> memref<10000x128xf32, #tpu.memory_space<hbm>>
        tpu.enqueue_indirect_dma source(%dma_start3A_438 : memref<10000x128xf32, #tpu.memory_space<hbm>>) target(%arg7 : memref<80x128xf32, #tpu.memory_space<vmem>>) offsets(%arg11 : memref<80xi32, #tpu.memory_space<vmem>>) semaphore(%arg27 : memref<!tpu.dma_semaphore, #tpu.memory_space<semaphore_mem>>)
      } else {
      }
      %add3A_339 = arith.constant 8 : i32
      %add3A_340 = arith.addi %add3A_325, %add3A_339 : i32
      %lt3A_341 = arith.constant 125 : i32
      %lt3A_342 = arith.cmpi slt, %add3A_340, %lt3A_341 : i32
      %convert_element_type3A_343 = arith.extui %lt3A_342 : i1 to i32
      %cond3A_344 = arith.constant 0 : i32
      %cond3A_345 = arith.cmpi ne, %convert_element_type3A_343, %cond3A_344 : i32
      scf.if %cond3A_345 {
        %add3A_418 = arith.constant 8 : i32
        %add3A_419 = arith.addi %add3A_325, %add3A_418 : i32
        %mul3A_420 = arith.constant 80 : i32
        %mul3A_421 = arith.muli %add3A_419, %mul3A_420 : i32
        %add3A_422 = arith.addi %mul3A_2, %mul3A_421 : i32
        %dma_start3A_423 = tpu.memref_slice %arg3[%add3A_422] : memref<640000xi32, #tpu.memory_space<hbm>> -> memref<80xi32, #tpu.memory_space<hbm>>
        %dma_start3A_424 = tpu.memref_slice %arg3[%add3A_422] : memref<640000xi32, #tpu.memory_space<hbm>> -> memref<80xi32, #tpu.memory_space<hbm>>
        tpu.enqueue_dma source(%dma_start3A_424 : memref<80xi32, #tpu.memory_space<hbm>>) target(%arg15 : memref<80xi32, #tpu.memory_space<vmem>>) target_semaphore(%arg39 : memref<!tpu.dma_semaphore, #tpu.memory_space<semaphore_mem>>)
        %add3A_425 = arith.constant 320000 : i32
        %add3A_426 = arith.addi %add3A_425, %mul3A_2 : i32
        %mul3A_427 = arith.constant 80 : i32
        %mul3A_428 = arith.muli %add3A_419, %mul3A_427 : i32
        %add3A_429 = arith.addi %add3A_426, %mul3A_428 : i32
        %dma_start3A_430 = tpu.memref_slice %arg3[%add3A_429] : memref<640000xi32, #tpu.memory_space<hbm>> -> memref<80xi32, #tpu.memory_space<hbm>>
        %dma_start3A_431 = tpu.memref_slice %arg3[%add3A_429] : memref<640000xi32, #tpu.memory_space<hbm>> -> memref<80xi32, #tpu.memory_space<hbm>>
        tpu.enqueue_dma source(%dma_start3A_431 : memref<80xi32, #tpu.memory_space<hbm>>) target(%arg23 : memref<80xi32, #tpu.memory_space<vmem>>) target_semaphore(%arg39 : memref<!tpu.dma_semaphore, #tpu.memory_space<semaphore_mem>>)
      } else {
      }
      %mul3A_346 = arith.constant 8 : i32
      %mul3A_347 = arith.muli %scan3A_228, %mul3A_346 : i32
      %add3A_348 = arith.constant 5 : i32
      %add3A_349 = arith.addi %mul3A_347, %add3A_348 : i32
      %dma_wait3A_350 = arith.constant 0 : i32
      %dma_wait3A_351 = arith.constant 0 : i32
      %dma_wait3A_352 = tpu.memref_slice %arg2[%dma_wait3A_350, %dma_wait3A_351] : memref<10000x128xf32, #tpu.memory_space<hbm>> -> memref<10000x128xf32, #tpu.memory_space<hbm>>
      tpu.wait_indirect_dma semaphore(%arg28 : memref<!tpu.dma_semaphore, #tpu.memory_space<semaphore_mem>>) src(%dma_wait3A_352 : memref<10000x128xf32, #tpu.memory_space<hbm>>) dst(%arg8 : memref<80x128xf32, #tpu.memory_space<vmem>>)
      %dma_start3A_353 = arith.constant 0 : i32
      %dma_start3A_354 = arith.constant 0 : i32
      %dma_start3A_355 = tpu.memref_slice %arg6[%dma_start3A_353, %dma_start3A_354] : memref<10000x128xf32, #tpu.memory_space<vmem_shared>> -> memref<10000x128xf32, #tpu.memory_space<vmem_shared>>
      tpu.enqueue_indirect_dma source(%arg8 : memref<80x128xf32, #tpu.memory_space<vmem>>) target(%dma_start3A_355 : memref<10000x128xf32, #tpu.memory_space<vmem_shared>>) offsets(%arg24 : memref<80xi32, #tpu.memory_space<vmem>>) semaphore(%arg32 : memref<!tpu.dma_semaphore, #tpu.memory_space<semaphore_mem>>) {add = true}
      %add3A_356 = arith.constant 4 : i32
      %add3A_357 = arith.addi %add3A_349, %add3A_356 : i32
      %lt3A_358 = arith.constant 125 : i32
      %lt3A_359 = arith.cmpi slt, %add3A_357, %lt3A_358 : i32
      %convert_element_type3A_360 = arith.extui %lt3A_359 : i1 to i32
      %cond3A_361 = arith.constant 0 : i32
      %cond3A_362 = arith.cmpi ne, %convert_element_type3A_360, %cond3A_361 : i32
      scf.if %cond3A_362 {
        %ge3A = arith.constant 0 : i32
        %ge3A_418 = arith.cmpi sge, %add3A_349, %ge3A : i32
        %convert_element_type3A_419 = arith.extui %ge3A_418 : i1 to i32
        %cond3A_420 = arith.constant 0 : i32
        %cond3A_421 = arith.cmpi ne, %convert_element_type3A_419, %cond3A_420 : i32
        scf.if %cond3A_421 {
          %dma_wait3A_439 = arith.constant 0 : i32
          %dma_wait3A_440 = arith.constant 0 : i32
          %dma_wait3A_441 = tpu.memref_slice %arg6[%dma_wait3A_439, %dma_wait3A_440] : memref<10000x128xf32, #tpu.memory_space<vmem_shared>> -> memref<10000x128xf32, #tpu.memory_space<vmem_shared>>
          tpu.wait_indirect_dma semaphore(%arg32 : memref<!tpu.dma_semaphore, #tpu.memory_space<semaphore_mem>>) src(%arg8 : memref<80x128xf32, #tpu.memory_space<vmem>>) dst(%dma_wait3A_441 : memref<10000x128xf32, #tpu.memory_space<vmem_shared>>)
        } else {
        }
        %add3A_422 = arith.constant 4 : i32
        %add3A_423 = arith.addi %add3A_349, %add3A_422 : i32
        %mul3A_424 = arith.constant 80 : i32
        %mul3A_425 = arith.muli %add3A_423, %mul3A_424 : i32
        %add3A_426 = arith.addi %mul3A_2, %mul3A_425 : i32
        %dma_wait3A_427 = tpu.memref_slice %arg3[%add3A_426] : memref<640000xi32, #tpu.memory_space<hbm>> -> memref<80xi32, #tpu.memory_space<hbm>>
        %dma_wait3A_428 = tpu.memref_slice %arg3[%add3A_426] : memref<640000xi32, #tpu.memory_space<hbm>> -> memref<80xi32, #tpu.memory_space<hbm>>
        tpu.wait_dma2 semaphore(%arg36 : memref<!tpu.dma_semaphore, #tpu.memory_space<semaphore_mem>>) src(%dma_wait3A_428 : memref<80xi32, #tpu.memory_space<hbm>>) dst(%arg12 : memref<80xi32, #tpu.memory_space<vmem>>)
        %add3A_429 = arith.constant 320000 : i32
        %add3A_430 = arith.addi %add3A_429, %mul3A_2 : i32
        %mul3A_431 = arith.constant 80 : i32
        %mul3A_432 = arith.muli %add3A_423, %mul3A_431 : i32
        %add3A_433 = arith.addi %add3A_430, %mul3A_432 : i32
        %dma_wait3A_434 = tpu.memref_slice %arg3[%add3A_433] : memref<640000xi32, #tpu.memory_space<hbm>> -> memref<80xi32, #tpu.memory_space<hbm>>
        %dma_wait3A_435 = tpu.memref_slice %arg3[%add3A_433] : memref<640000xi32, #tpu.memory_space<hbm>> -> memref<80xi32, #tpu.memory_space<hbm>>
        tpu.wait_dma2 semaphore(%arg36 : memref<!tpu.dma_semaphore, #tpu.memory_space<semaphore_mem>>) src(%dma_wait3A_435 : memref<80xi32, #tpu.memory_space<hbm>>) dst(%arg20 : memref<80xi32, #tpu.memory_space<vmem>>)
        %dma_start3A_436 = arith.constant 0 : i32
        %dma_start3A_437 = arith.constant 0 : i32
        %dma_start3A_438 = tpu.memref_slice %arg2[%dma_start3A_436, %dma_start3A_437] : memref<10000x128xf32, #tpu.memory_space<hbm>> -> memref<10000x128xf32, #tpu.memory_space<hbm>>
        tpu.enqueue_indirect_dma source(%dma_start3A_438 : memref<10000x128xf32, #tpu.memory_space<hbm>>) target(%arg8 : memref<80x128xf32, #tpu.memory_space<vmem>>) offsets(%arg12 : memref<80xi32, #tpu.memory_space<vmem>>) semaphore(%arg28 : memref<!tpu.dma_semaphore, #tpu.memory_space<semaphore_mem>>)
      } else {
      }
      %add3A_363 = arith.constant 8 : i32
      %add3A_364 = arith.addi %add3A_349, %add3A_363 : i32
      %lt3A_365 = arith.constant 125 : i32
      %lt3A_366 = arith.cmpi slt, %add3A_364, %lt3A_365 : i32
      %convert_element_type3A_367 = arith.extui %lt3A_366 : i1 to i32
      %cond3A_368 = arith.constant 0 : i32
      %cond3A_369 = arith.cmpi ne, %convert_element_type3A_367, %cond3A_368 : i32
      scf.if %cond3A_369 {
        %add3A_418 = arith.constant 8 : i32
        %add3A_419 = arith.addi %add3A_349, %add3A_418 : i32
        %mul3A_420 = arith.constant 80 : i32
        %mul3A_421 = arith.muli %add3A_419, %mul3A_420 : i32
        %add3A_422 = arith.addi %mul3A_2, %mul3A_421 : i32
        %dma_start3A_423 = tpu.memref_slice %arg3[%add3A_422] : memref<640000xi32, #tpu.memory_space<hbm>> -> memref<80xi32, #tpu.memory_space<hbm>>
        %dma_start3A_424 = tpu.memref_slice %arg3[%add3A_422] : memref<640000xi32, #tpu.memory_space<hbm>> -> memref<80xi32, #tpu.memory_space<hbm>>
        tpu.enqueue_dma source(%dma_start3A_424 : memref<80xi32, #tpu.memory_space<hbm>>) target(%arg16 : memref<80xi32, #tpu.memory_space<vmem>>) target_semaphore(%arg40 : memref<!tpu.dma_semaphore, #tpu.memory_space<semaphore_mem>>)
        %add3A_425 = arith.constant 320000 : i32
        %add3A_426 = arith.addi %add3A_425, %mul3A_2 : i32
        %mul3A_427 = arith.constant 80 : i32
        %mul3A_428 = arith.muli %add3A_419, %mul3A_427 : i32
        %add3A_429 = arith.addi %add3A_426, %mul3A_428 : i32
        %dma_start3A_430 = tpu.memref_slice %arg3[%add3A_429] : memref<640000xi32, #tpu.memory_space<hbm>> -> memref<80xi32, #tpu.memory_space<hbm>>
        %dma_start3A_431 = tpu.memref_slice %arg3[%add3A_429] : memref<640000xi32, #tpu.memory_space<hbm>> -> memref<80xi32, #tpu.memory_space<hbm>>
        tpu.enqueue_dma source(%dma_start3A_431 : memref<80xi32, #tpu.memory_space<hbm>>) target(%arg24 : memref<80xi32, #tpu.memory_space<vmem>>) target_semaphore(%arg40 : memref<!tpu.dma_semaphore, #tpu.memory_space<semaphore_mem>>)
      } else {
      }
      %mul3A_370 = arith.constant 8 : i32
      %mul3A_371 = arith.muli %scan3A_228, %mul3A_370 : i32
      %add3A_372 = arith.constant 6 : i32
      %add3A_373 = arith.addi %mul3A_371, %add3A_372 : i32
      %dma_wait3A_374 = arith.constant 0 : i32
      %dma_wait3A_375 = arith.constant 0 : i32
      %dma_wait3A_376 = tpu.memref_slice %arg2[%dma_wait3A_374, %dma_wait3A_375] : memref<10000x128xf32, #tpu.memory_space<hbm>> -> memref<10000x128xf32, #tpu.memory_space<hbm>>
      tpu.wait_indirect_dma semaphore(%arg29 : memref<!tpu.dma_semaphore, #tpu.memory_space<semaphore_mem>>) src(%dma_wait3A_376 : memref<10000x128xf32, #tpu.memory_space<hbm>>) dst(%arg9 : memref<80x128xf32, #tpu.memory_space<vmem>>)
      %dma_start3A_377 = arith.constant 0 : i32
      %dma_start3A_378 = arith.constant 0 : i32
      %dma_start3A_379 = tpu.memref_slice %arg6[%dma_start3A_377, %dma_start3A_378] : memref<10000x128xf32, #tpu.memory_space<vmem_shared>> -> memref<10000x128xf32, #tpu.memory_space<vmem_shared>>
      tpu.enqueue_indirect_dma source(%arg9 : memref<80x128xf32, #tpu.memory_space<vmem>>) target(%dma_start3A_379 : memref<10000x128xf32, #tpu.memory_space<vmem_shared>>) offsets(%arg25 : memref<80xi32, #tpu.memory_space<vmem>>) semaphore(%arg33 : memref<!tpu.dma_semaphore, #tpu.memory_space<semaphore_mem>>) {add = true}
      %add3A_380 = arith.constant 4 : i32
      %add3A_381 = arith.addi %add3A_373, %add3A_380 : i32
      %lt3A_382 = arith.constant 125 : i32
      %lt3A_383 = arith.cmpi slt, %add3A_381, %lt3A_382 : i32
      %convert_element_type3A_384 = arith.extui %lt3A_383 : i1 to i32
      %cond3A_385 = arith.constant 0 : i32
      %cond3A_386 = arith.cmpi ne, %convert_element_type3A_384, %cond3A_385 : i32
      scf.if %cond3A_386 {
        %ge3A = arith.constant 0 : i32
        %ge3A_418 = arith.cmpi sge, %add3A_373, %ge3A : i32
        %convert_element_type3A_419 = arith.extui %ge3A_418 : i1 to i32
        %cond3A_420 = arith.constant 0 : i32
        %cond3A_421 = arith.cmpi ne, %convert_element_type3A_419, %cond3A_420 : i32
        scf.if %cond3A_421 {
          %dma_wait3A_439 = arith.constant 0 : i32
          %dma_wait3A_440 = arith.constant 0 : i32
          %dma_wait3A_441 = tpu.memref_slice %arg6[%dma_wait3A_439, %dma_wait3A_440] : memref<10000x128xf32, #tpu.memory_space<vmem_shared>> -> memref<10000x128xf32, #tpu.memory_space<vmem_shared>>
          tpu.wait_indirect_dma semaphore(%arg33 : memref<!tpu.dma_semaphore, #tpu.memory_space<semaphore_mem>>) src(%arg9 : memref<80x128xf32, #tpu.memory_space<vmem>>) dst(%dma_wait3A_441 : memref<10000x128xf32, #tpu.memory_space<vmem_shared>>)
        } else {
        }
        %add3A_422 = arith.constant 4 : i32
        %add3A_423 = arith.addi %add3A_373, %add3A_422 : i32
        %mul3A_424 = arith.constant 80 : i32
        %mul3A_425 = arith.muli %add3A_423, %mul3A_424 : i32
        %add3A_426 = arith.addi %mul3A_2, %mul3A_425 : i32
        %dma_wait3A_427 = tpu.memref_slice %arg3[%add3A_426] : memref<640000xi32, #tpu.memory_space<hbm>> -> memref<80xi32, #tpu.memory_space<hbm>>
        %dma_wait3A_428 = tpu.memref_slice %arg3[%add3A_426] : memref<640000xi32, #tpu.memory_space<hbm>> -> memref<80xi32, #tpu.memory_space<hbm>>
        tpu.wait_dma2 semaphore(%arg37 : memref<!tpu.dma_semaphore, #tpu.memory_space<semaphore_mem>>) src(%dma_wait3A_428 : memref<80xi32, #tpu.memory_space<hbm>>) dst(%arg13 : memref<80xi32, #tpu.memory_space<vmem>>)
        %add3A_429 = arith.constant 320000 : i32
        %add3A_430 = arith.addi %add3A_429, %mul3A_2 : i32
        %mul3A_431 = arith.constant 80 : i32
        %mul3A_432 = arith.muli %add3A_423, %mul3A_431 : i32
        %add3A_433 = arith.addi %add3A_430, %mul3A_432 : i32
        %dma_wait3A_434 = tpu.memref_slice %arg3[%add3A_433] : memref<640000xi32, #tpu.memory_space<hbm>> -> memref<80xi32, #tpu.memory_space<hbm>>
        %dma_wait3A_435 = tpu.memref_slice %arg3[%add3A_433] : memref<640000xi32, #tpu.memory_space<hbm>> -> memref<80xi32, #tpu.memory_space<hbm>>
        tpu.wait_dma2 semaphore(%arg37 : memref<!tpu.dma_semaphore, #tpu.memory_space<semaphore_mem>>) src(%dma_wait3A_435 : memref<80xi32, #tpu.memory_space<hbm>>) dst(%arg21 : memref<80xi32, #tpu.memory_space<vmem>>)
        %dma_start3A_436 = arith.constant 0 : i32
        %dma_start3A_437 = arith.constant 0 : i32
        %dma_start3A_438 = tpu.memref_slice %arg2[%dma_start3A_436, %dma_start3A_437] : memref<10000x128xf32, #tpu.memory_space<hbm>> -> memref<10000x128xf32, #tpu.memory_space<hbm>>
        tpu.enqueue_indirect_dma source(%dma_start3A_438 : memref<10000x128xf32, #tpu.memory_space<hbm>>) target(%arg9 : memref<80x128xf32, #tpu.memory_space<vmem>>) offsets(%arg13 : memref<80xi32, #tpu.memory_space<vmem>>) semaphore(%arg29 : memref<!tpu.dma_semaphore, #tpu.memory_space<semaphore_mem>>)
      } else {
      }
      %add3A_387 = arith.constant 8 : i32
      %add3A_388 = arith.addi %add3A_373, %add3A_387 : i32
      %lt3A_389 = arith.constant 125 : i32
      %lt3A_390 = arith.cmpi slt, %add3A_388, %lt3A_389 : i32
      %convert_element_type3A_391 = arith.extui %lt3A_390 : i1 to i32
      %cond3A_392 = arith.constant 0 : i32
      %cond3A_393 = arith.cmpi ne, %convert_element_type3A_391, %cond3A_392 : i32
      scf.if %cond3A_393 {
        %add3A_418 = arith.constant 8 : i32
        %add3A_419 = arith.addi %add3A_373, %add3A_418 : i32
        %mul3A_420 = arith.constant 80 : i32
        %mul3A_421 = arith.muli %add3A_419, %mul3A_420 : i32
        %add3A_422 = arith.addi %mul3A_2, %mul3A_421 : i32
        %dma_start3A_423 = tpu.memref_slice %arg3[%add3A_422] : memref<640000xi32, #tpu.memory_space<hbm>> -> memref<80xi32, #tpu.memory_space<hbm>>
        %dma_start3A_424 = tpu.memref_slice %arg3[%add3A_422] : memref<640000xi32, #tpu.memory_space<hbm>> -> memref<80xi32, #tpu.memory_space<hbm>>
        tpu.enqueue_dma source(%dma_start3A_424 : memref<80xi32, #tpu.memory_space<hbm>>) target(%arg17 : memref<80xi32, #tpu.memory_space<vmem>>) target_semaphore(%arg41 : memref<!tpu.dma_semaphore, #tpu.memory_space<semaphore_mem>>)
        %add3A_425 = arith.constant 320000 : i32
        %add3A_426 = arith.addi %add3A_425, %mul3A_2 : i32
        %mul3A_427 = arith.constant 80 : i32
        %mul3A_428 = arith.muli %add3A_419, %mul3A_427 : i32
        %add3A_429 = arith.addi %add3A_426, %mul3A_428 : i32
        %dma_start3A_430 = tpu.memref_slice %arg3[%add3A_429] : memref<640000xi32, #tpu.memory_space<hbm>> -> memref<80xi32, #tpu.memory_space<hbm>>
        %dma_start3A_431 = tpu.memref_slice %arg3[%add3A_429] : memref<640000xi32, #tpu.memory_space<hbm>> -> memref<80xi32, #tpu.memory_space<hbm>>
        tpu.enqueue_dma source(%dma_start3A_431 : memref<80xi32, #tpu.memory_space<hbm>>) target(%arg25 : memref<80xi32, #tpu.memory_space<vmem>>) target_semaphore(%arg41 : memref<!tpu.dma_semaphore, #tpu.memory_space<semaphore_mem>>)
      } else {
      }
      %mul3A_394 = arith.constant 8 : i32
      %mul3A_395 = arith.muli %scan3A_228, %mul3A_394 : i32
      %add3A_396 = arith.constant 7 : i32
      %add3A_397 = arith.addi %mul3A_395, %add3A_396 : i32
      %dma_wait3A_398 = arith.constant 0 : i32
      %dma_wait3A_399 = arith.constant 0 : i32
      %dma_wait3A_400 = tpu.memref_slice %arg2[%dma_wait3A_398, %dma_wait3A_399] : memref<10000x128xf32, #tpu.memory_space<hbm>> -> memref<10000x128xf32, #tpu.memory_space<hbm>>
      tpu.wait_indirect_dma semaphore(%arg30 : memref<!tpu.dma_semaphore, #tpu.memory_space<semaphore_mem>>) src(%dma_wait3A_400 : memref<10000x128xf32, #tpu.memory_space<hbm>>) dst(%arg10 : memref<80x128xf32, #tpu.memory_space<vmem>>)
      %dma_start3A_401 = arith.constant 0 : i32
      %dma_start3A_402 = arith.constant 0 : i32
      %dma_start3A_403 = tpu.memref_slice %arg6[%dma_start3A_401, %dma_start3A_402] : memref<10000x128xf32, #tpu.memory_space<vmem_shared>> -> memref<10000x128xf32, #tpu.memory_space<vmem_shared>>
      tpu.enqueue_indirect_dma source(%arg10 : memref<80x128xf32, #tpu.memory_space<vmem>>) target(%dma_start3A_403 : memref<10000x128xf32, #tpu.memory_space<vmem_shared>>) offsets(%arg26 : memref<80xi32, #tpu.memory_space<vmem>>) semaphore(%arg34 : memref<!tpu.dma_semaphore, #tpu.memory_space<semaphore_mem>>) {add = true}
      %add3A_404 = arith.constant 4 : i32
      %add3A_405 = arith.addi %add3A_397, %add3A_404 : i32
      %lt3A_406 = arith.constant 125 : i32
      %lt3A_407 = arith.cmpi slt, %add3A_405, %lt3A_406 : i32
      %convert_element_type3A_408 = arith.extui %lt3A_407 : i1 to i32
      %cond3A_409 = arith.constant 0 : i32
      %cond3A_410 = arith.cmpi ne, %convert_element_type3A_408, %cond3A_409 : i32
      scf.if %cond3A_410 {
        %ge3A = arith.constant 0 : i32
        %ge3A_418 = arith.cmpi sge, %add3A_397, %ge3A : i32
        %convert_element_type3A_419 = arith.extui %ge3A_418 : i1 to i32
        %cond3A_420 = arith.constant 0 : i32
        %cond3A_421 = arith.cmpi ne, %convert_element_type3A_419, %cond3A_420 : i32
        scf.if %cond3A_421 {
          %dma_wait3A_439 = arith.constant 0 : i32
          %dma_wait3A_440 = arith.constant 0 : i32
          %dma_wait3A_441 = tpu.memref_slice %arg6[%dma_wait3A_439, %dma_wait3A_440] : memref<10000x128xf32, #tpu.memory_space<vmem_shared>> -> memref<10000x128xf32, #tpu.memory_space<vmem_shared>>
          tpu.wait_indirect_dma semaphore(%arg34 : memref<!tpu.dma_semaphore, #tpu.memory_space<semaphore_mem>>) src(%arg10 : memref<80x128xf32, #tpu.memory_space<vmem>>) dst(%dma_wait3A_441 : memref<10000x128xf32, #tpu.memory_space<vmem_shared>>)
        } else {
        }
        %add3A_422 = arith.constant 4 : i32
        %add3A_423 = arith.addi %add3A_397, %add3A_422 : i32
        %mul3A_424 = arith.constant 80 : i32
        %mul3A_425 = arith.muli %add3A_423, %mul3A_424 : i32
        %add3A_426 = arith.addi %mul3A_2, %mul3A_425 : i32
        %dma_wait3A_427 = tpu.memref_slice %arg3[%add3A_426] : memref<640000xi32, #tpu.memory_space<hbm>> -> memref<80xi32, #tpu.memory_space<hbm>>
        %dma_wait3A_428 = tpu.memref_slice %arg3[%add3A_426] : memref<640000xi32, #tpu.memory_space<hbm>> -> memref<80xi32, #tpu.memory_space<hbm>>
        tpu.wait_dma2 semaphore(%arg38 : memref<!tpu.dma_semaphore, #tpu.memory_space<semaphore_mem>>) src(%dma_wait3A_428 : memref<80xi32, #tpu.memory_space<hbm>>) dst(%arg14 : memref<80xi32, #tpu.memory_space<vmem>>)
        %add3A_429 = arith.constant 320000 : i32
        %add3A_430 = arith.addi %add3A_429, %mul3A_2 : i32
        %mul3A_431 = arith.constant 80 : i32
        %mul3A_432 = arith.muli %add3A_423, %mul3A_431 : i32
        %add3A_433 = arith.addi %add3A_430, %mul3A_432 : i32
        %dma_wait3A_434 = tpu.memref_slice %arg3[%add3A_433] : memref<640000xi32, #tpu.memory_space<hbm>> -> memref<80xi32, #tpu.memory_space<hbm>>
        %dma_wait3A_435 = tpu.memref_slice %arg3[%add3A_433] : memref<640000xi32, #tpu.memory_space<hbm>> -> memref<80xi32, #tpu.memory_space<hbm>>
        tpu.wait_dma2 semaphore(%arg38 : memref<!tpu.dma_semaphore, #tpu.memory_space<semaphore_mem>>) src(%dma_wait3A_435 : memref<80xi32, #tpu.memory_space<hbm>>) dst(%arg22 : memref<80xi32, #tpu.memory_space<vmem>>)
        %dma_start3A_436 = arith.constant 0 : i32
        %dma_start3A_437 = arith.constant 0 : i32
        %dma_start3A_438 = tpu.memref_slice %arg2[%dma_start3A_436, %dma_start3A_437] : memref<10000x128xf32, #tpu.memory_space<hbm>> -> memref<10000x128xf32, #tpu.memory_space<hbm>>
        tpu.enqueue_indirect_dma source(%dma_start3A_438 : memref<10000x128xf32, #tpu.memory_space<hbm>>) target(%arg10 : memref<80x128xf32, #tpu.memory_space<vmem>>) offsets(%arg14 : memref<80xi32, #tpu.memory_space<vmem>>) semaphore(%arg30 : memref<!tpu.dma_semaphore, #tpu.memory_space<semaphore_mem>>)
      } else {
      }
      %add3A_411 = arith.constant 8 : i32
      %add3A_412 = arith.addi %add3A_397, %add3A_411 : i32
      %lt3A_413 = arith.constant 125 : i32
      %lt3A_414 = arith.cmpi slt, %add3A_412, %lt3A_413 : i32
      %convert_element_type3A_415 = arith.extui %lt3A_414 : i1 to i32
      %cond3A_416 = arith.constant 0 : i32
      %cond3A_417 = arith.cmpi ne, %convert_element_type3A_415, %cond3A_416 : i32
      scf.if %cond3A_417 {
        %add3A_418 = arith.constant 8 : i32
        %add3A_419 = arith.addi %add3A_397, %add3A_418 : i32
        %mul3A_420 = arith.constant 80 : i32
        %mul3A_421 = arith.muli %add3A_419, %mul3A_420 : i32
        %add3A_422 = arith.addi %mul3A_2, %mul3A_421 : i32
        %dma_start3A_423 = tpu.memref_slice %arg3[%add3A_422] : memref<640000xi32, #tpu.memory_space<hbm>> -> memref<80xi32, #tpu.memory_space<hbm>>
        %dma_start3A_424 = tpu.memref_slice %arg3[%add3A_422] : memref<640000xi32, #tpu.memory_space<hbm>> -> memref<80xi32, #tpu.memory_space<hbm>>
        tpu.enqueue_dma source(%dma_start3A_424 : memref<80xi32, #tpu.memory_space<hbm>>) target(%arg18 : memref<80xi32, #tpu.memory_space<vmem>>) target_semaphore(%arg42 : memref<!tpu.dma_semaphore, #tpu.memory_space<semaphore_mem>>)
        %add3A_425 = arith.constant 320000 : i32
        %add3A_426 = arith.addi %add3A_425, %mul3A_2 : i32
        %mul3A_427 = arith.constant 80 : i32
        %mul3A_428 = arith.muli %add3A_419, %mul3A_427 : i32
        %add3A_429 = arith.addi %add3A_426, %mul3A_428 : i32
        %dma_start3A_430 = tpu.memref_slice %arg3[%add3A_429] : memref<640000xi32, #tpu.memory_space<hbm>> -> memref<80xi32, #tpu.memory_space<hbm>>
        %dma_start3A_431 = tpu.memref_slice %arg3[%add3A_429] : memref<640000xi32, #tpu.memory_space<hbm>> -> memref<80xi32, #tpu.memory_space<hbm>>
        tpu.enqueue_dma source(%dma_start3A_431 : memref<80xi32, #tpu.memory_space<hbm>>) target(%arg26 : memref<80xi32, #tpu.memory_space<vmem>>) target_semaphore(%arg42 : memref<!tpu.dma_semaphore, #tpu.memory_space<semaphore_mem>>)
      } else {
      }
    }
    %scan3A_156 = arith.constant 15 : i32
    %dma_wait3A_157 = arith.constant 0 : i32
    %dma_wait3A_158 = arith.constant 0 : i32
    %dma_wait3A_159 = tpu.memref_slice %arg2[%dma_wait3A_157, %dma_wait3A_158] : memref<10000x128xf32, #tpu.memory_space<hbm>> -> memref<10000x128xf32, #tpu.memory_space<hbm>>
    tpu.wait_indirect_dma semaphore(%arg27 : memref<!tpu.dma_semaphore, #tpu.memory_space<semaphore_mem>>) src(%dma_wait3A_159 : memref<10000x128xf32, #tpu.memory_space<hbm>>) dst(%arg7 : memref<80x128xf32, #tpu.memory_space<vmem>>)
    %dma_start3A_160 = arith.constant 0 : i32
    %dma_start3A_161 = arith.constant 0 : i32
    %dma_start3A_162 = tpu.memref_slice %arg6[%dma_start3A_160, %dma_start3A_161] : memref<10000x128xf32, #tpu.memory_space<vmem_shared>> -> memref<10000x128xf32, #tpu.memory_space<vmem_shared>>
    tpu.enqueue_indirect_dma source(%arg7 : memref<80x128xf32, #tpu.memory_space<vmem>>) target(%dma_start3A_162 : memref<10000x128xf32, #tpu.memory_space<vmem_shared>>) offsets(%arg19 : memref<80xi32, #tpu.memory_space<vmem>>) semaphore(%arg31 : memref<!tpu.dma_semaphore, #tpu.memory_space<semaphore_mem>>) {add = true}
    %dma_wait3A_163 = arith.constant 0 : i32
    %dma_wait3A_164 = arith.constant 0 : i32
    %dma_wait3A_165 = tpu.memref_slice %arg6[%dma_wait3A_163, %dma_wait3A_164] : memref<10000x128xf32, #tpu.memory_space<vmem_shared>> -> memref<10000x128xf32, #tpu.memory_space<vmem_shared>>
    tpu.wait_indirect_dma semaphore(%arg31 : memref<!tpu.dma_semaphore, #tpu.memory_space<semaphore_mem>>) src(%arg7 : memref<80x128xf32, #tpu.memory_space<vmem>>) dst(%dma_wait3A_165 : memref<10000x128xf32, #tpu.memory_space<vmem_shared>>)
    %add3A_166 = arith.constant 9920 : i32
    %add3A_167 = arith.addi %mul3A_2, %add3A_166 : i32
    %dma_wait3A_168 = tpu.memref_slice %arg3[%add3A_167] : memref<640000xi32, #tpu.memory_space<hbm>> -> memref<80xi32, #tpu.memory_space<hbm>>
    %dma_wait3A_169 = tpu.memref_slice %arg3[%add3A_167] : memref<640000xi32, #tpu.memory_space<hbm>> -> memref<80xi32, #tpu.memory_space<hbm>>
    tpu.wait_dma2 semaphore(%arg39 : memref<!tpu.dma_semaphore, #tpu.memory_space<semaphore_mem>>) src(%dma_wait3A_169 : memref<80xi32, #tpu.memory_space<hbm>>) dst(%arg15 : memref<80xi32, #tpu.memory_space<vmem>>)
    %add3A_170 = arith.constant 320000 : i32
    %add3A_171 = arith.addi %add3A_170, %mul3A_2 : i32
    %add3A_172 = arith.constant 9920 : i32
    %add3A_173 = arith.addi %add3A_171, %add3A_172 : i32
    %dma_wait3A_174 = tpu.memref_slice %arg3[%add3A_173] : memref<640000xi32, #tpu.memory_space<hbm>> -> memref<80xi32, #tpu.memory_space<hbm>>
    %dma_wait3A_175 = tpu.memref_slice %arg3[%add3A_173] : memref<640000xi32, #tpu.memory_space<hbm>> -> memref<80xi32, #tpu.memory_space<hbm>>
    tpu.wait_dma2 semaphore(%arg39 : memref<!tpu.dma_semaphore, #tpu.memory_space<semaphore_mem>>) src(%dma_wait3A_175 : memref<80xi32, #tpu.memory_space<hbm>>) dst(%arg23 : memref<80xi32, #tpu.memory_space<vmem>>)
    %dma_start3A_176 = arith.constant 0 : i32
    %dma_start3A_177 = arith.constant 0 : i32
    %dma_start3A_178 = tpu.memref_slice %arg2[%dma_start3A_176, %dma_start3A_177] : memref<10000x128xf32, #tpu.memory_space<hbm>> -> memref<10000x128xf32, #tpu.memory_space<hbm>>
    tpu.enqueue_indirect_dma source(%dma_start3A_178 : memref<10000x128xf32, #tpu.memory_space<hbm>>) target(%arg7 : memref<80x128xf32, #tpu.memory_space<vmem>>) offsets(%arg15 : memref<80xi32, #tpu.memory_space<vmem>>) semaphore(%arg27 : memref<!tpu.dma_semaphore, #tpu.memory_space<semaphore_mem>>)
    %dma_wait3A_179 = arith.constant 0 : i32
    %dma_wait3A_180 = arith.constant 0 : i32
    %dma_wait3A_181 = tpu.memref_slice %arg2[%dma_wait3A_179, %dma_wait3A_180] : memref<10000x128xf32, #tpu.memory_space<hbm>> -> memref<10000x128xf32, #tpu.memory_space<hbm>>
    tpu.wait_indirect_dma semaphore(%arg28 : memref<!tpu.dma_semaphore, #tpu.memory_space<semaphore_mem>>) src(%dma_wait3A_181 : memref<10000x128xf32, #tpu.memory_space<hbm>>) dst(%arg8 : memref<80x128xf32, #tpu.memory_space<vmem>>)
    %dma_start3A_182 = arith.constant 0 : i32
    %dma_start3A_183 = arith.constant 0 : i32
    %dma_start3A_184 = tpu.memref_slice %arg6[%dma_start3A_182, %dma_start3A_183] : memref<10000x128xf32, #tpu.memory_space<vmem_shared>> -> memref<10000x128xf32, #tpu.memory_space<vmem_shared>>
    tpu.enqueue_indirect_dma source(%arg8 : memref<80x128xf32, #tpu.memory_space<vmem>>) target(%dma_start3A_184 : memref<10000x128xf32, #tpu.memory_space<vmem_shared>>) offsets(%arg20 : memref<80xi32, #tpu.memory_space<vmem>>) semaphore(%arg32 : memref<!tpu.dma_semaphore, #tpu.memory_space<semaphore_mem>>) {add = true}
    %dma_wait3A_185 = arith.constant 0 : i32
    %dma_wait3A_186 = arith.constant 0 : i32
    %dma_wait3A_187 = tpu.memref_slice %arg2[%dma_wait3A_185, %dma_wait3A_186] : memref<10000x128xf32, #tpu.memory_space<hbm>> -> memref<10000x128xf32, #tpu.memory_space<hbm>>
    tpu.wait_indirect_dma semaphore(%arg29 : memref<!tpu.dma_semaphore, #tpu.memory_space<semaphore_mem>>) src(%dma_wait3A_187 : memref<10000x128xf32, #tpu.memory_space<hbm>>) dst(%arg9 : memref<80x128xf32, #tpu.memory_space<vmem>>)
    %dma_start3A_188 = arith.constant 0 : i32
    %dma_start3A_189 = arith.constant 0 : i32
    %dma_start3A_190 = tpu.memref_slice %arg6[%dma_start3A_188, %dma_start3A_189] : memref<10000x128xf32, #tpu.memory_space<vmem_shared>> -> memref<10000x128xf32, #tpu.memory_space<vmem_shared>>
    tpu.enqueue_indirect_dma source(%arg9 : memref<80x128xf32, #tpu.memory_space<vmem>>) target(%dma_start3A_190 : memref<10000x128xf32, #tpu.memory_space<vmem_shared>>) offsets(%arg21 : memref<80xi32, #tpu.memory_space<vmem>>) semaphore(%arg33 : memref<!tpu.dma_semaphore, #tpu.memory_space<semaphore_mem>>) {add = true}
    %dma_wait3A_191 = arith.constant 0 : i32
    %dma_wait3A_192 = arith.constant 0 : i32
    %dma_wait3A_193 = tpu.memref_slice %arg2[%dma_wait3A_191, %dma_wait3A_192] : memref<10000x128xf32, #tpu.memory_space<hbm>> -> memref<10000x128xf32, #tpu.memory_space<hbm>>
    tpu.wait_indirect_dma semaphore(%arg30 : memref<!tpu.dma_semaphore, #tpu.memory_space<semaphore_mem>>) src(%dma_wait3A_193 : memref<10000x128xf32, #tpu.memory_space<hbm>>) dst(%arg10 : memref<80x128xf32, #tpu.memory_space<vmem>>)
    %dma_start3A_194 = arith.constant 0 : i32
    %dma_start3A_195 = arith.constant 0 : i32
    %dma_start3A_196 = tpu.memref_slice %arg6[%dma_start3A_194, %dma_start3A_195] : memref<10000x128xf32, #tpu.memory_space<vmem_shared>> -> memref<10000x128xf32, #tpu.memory_space<vmem_shared>>
    tpu.enqueue_indirect_dma source(%arg10 : memref<80x128xf32, #tpu.memory_space<vmem>>) target(%dma_start3A_196 : memref<10000x128xf32, #tpu.memory_space<vmem_shared>>) offsets(%arg22 : memref<80xi32, #tpu.memory_space<vmem>>) semaphore(%arg34 : memref<!tpu.dma_semaphore, #tpu.memory_space<semaphore_mem>>) {add = true}
    %dma_wait3A_197 = arith.constant 0 : i32
    %dma_wait3A_198 = arith.constant 0 : i32
    %dma_wait3A_199 = tpu.memref_slice %arg2[%dma_wait3A_197, %dma_wait3A_198] : memref<10000x128xf32, #tpu.memory_space<hbm>> -> memref<10000x128xf32, #tpu.memory_space<hbm>>
    tpu.wait_indirect_dma semaphore(%arg27 : memref<!tpu.dma_semaphore, #tpu.memory_space<semaphore_mem>>) src(%dma_wait3A_199 : memref<10000x128xf32, #tpu.memory_space<hbm>>) dst(%arg7 : memref<80x128xf32, #tpu.memory_space<vmem>>)
    %dma_start3A_200 = arith.constant 0 : i32
    %dma_start3A_201 = arith.constant 0 : i32
    %dma_start3A_202 = tpu.memref_slice %arg6[%dma_start3A_200, %dma_start3A_201] : memref<10000x128xf32, #tpu.memory_space<vmem_shared>> -> memref<10000x128xf32, #tpu.memory_space<vmem_shared>>
    tpu.enqueue_indirect_dma source(%arg7 : memref<80x128xf32, #tpu.memory_space<vmem>>) target(%dma_start3A_202 : memref<10000x128xf32, #tpu.memory_space<vmem_shared>>) offsets(%arg23 : memref<80xi32, #tpu.memory_space<vmem>>) semaphore(%arg31 : memref<!tpu.dma_semaphore, #tpu.memory_space<semaphore_mem>>) {add = true}
    %dma_wait3A_203 = arith.constant 0 : i32
    %dma_wait3A_204 = arith.constant 0 : i32
    %dma_wait3A_205 = tpu.memref_slice %arg6[%dma_wait3A_203, %dma_wait3A_204] : memref<10000x128xf32, #tpu.memory_space<vmem_shared>> -> memref<10000x128xf32, #tpu.memory_space<vmem_shared>>
    tpu.wait_indirect_dma semaphore(%arg32 : memref<!tpu.dma_semaphore, #tpu.memory_space<semaphore_mem>>) src(%arg8 : memref<80x128xf32, #tpu.memory_space<vmem>>) dst(%dma_wait3A_205 : memref<10000x128xf32, #tpu.memory_space<vmem_shared>>)
    %dma_wait3A_206 = arith.constant 0 : i32
    %dma_wait3A_207 = arith.constant 0 : i32
    %dma_wait3A_208 = tpu.memref_slice %arg6[%dma_wait3A_206, %dma_wait3A_207] : memref<10000x128xf32, #tpu.memory_space<vmem_shared>> -> memref<10000x128xf32, #tpu.memory_space<vmem_shared>>
    tpu.wait_indirect_dma semaphore(%arg33 : memref<!tpu.dma_semaphore, #tpu.memory_space<semaphore_mem>>) src(%arg9 : memref<80x128xf32, #tpu.memory_space<vmem>>) dst(%dma_wait3A_208 : memref<10000x128xf32, #tpu.memory_space<vmem_shared>>)
    %dma_wait3A_209 = arith.constant 0 : i32
    %dma_wait3A_210 = arith.constant 0 : i32
    %dma_wait3A_211 = tpu.memref_slice %arg6[%dma_wait3A_209, %dma_wait3A_210] : memref<10000x128xf32, #tpu.memory_space<vmem_shared>> -> memref<10000x128xf32, #tpu.memory_space<vmem_shared>>
    tpu.wait_indirect_dma semaphore(%arg34 : memref<!tpu.dma_semaphore, #tpu.memory_space<semaphore_mem>>) src(%arg10 : memref<80x128xf32, #tpu.memory_space<vmem>>) dst(%dma_wait3A_211 : memref<10000x128xf32, #tpu.memory_space<vmem_shared>>)
    %dma_wait3A_212 = arith.constant 0 : i32
    %dma_wait3A_213 = arith.constant 0 : i32
    %dma_wait3A_214 = tpu.memref_slice %arg6[%dma_wait3A_212, %dma_wait3A_213] : memref<10000x128xf32, #tpu.memory_space<vmem_shared>> -> memref<10000x128xf32, #tpu.memory_space<vmem_shared>>
    tpu.wait_indirect_dma semaphore(%arg31 : memref<!tpu.dma_semaphore, #tpu.memory_space<semaphore_mem>>) src(%arg7 : memref<80x128xf32, #tpu.memory_space<vmem>>) dst(%dma_wait3A_214 : memref<10000x128xf32, #tpu.memory_space<vmem_shared>>)
    %barrier3A_215 = arith.constant 0 : index
    tpu.barrier barrier_id(%barrier3A_215)
    %scan3A_216 = arith.constant 0 : i32
    %scan3A_217 = arith.constant 0 : i32
    %scan3A_218 = arith.constant 8 : i32
    %scan3A_219 = arith.addi %scan3A_217, %scan3A_218 : i32
    %scan3A_220 = arith.constant 1 : i32
    scf.for %scan3A_228 = %scan3A_217 to %scan3A_219 step %scan3A_220  : i32 {
      %mul3A_229 = arith.constant 16 : i32
      %mul3A_230 = arith.muli %scan3A_228, %mul3A_229 : i32
      %add3A_231 = arith.addi %arg1, %mul3A_230 : i32
      %lt3A = arith.constant 125 : i32
      %lt3A_232 = arith.cmpi slt, %add3A_231, %lt3A : i32
      %convert_element_type3A = arith.extui %lt3A_232 : i1 to i32
      %cond3A = arith.constant 0 : i32
      %cond3A_233 = arith.cmpi ne, %convert_element_type3A, %cond3A : i32
      scf.if %cond3A_233 {
        %mul3A_234 = arith.constant 80 : i32
        %mul3A_235 = arith.muli %add3A_231, %mul3A_234 : i32
        %mul3A_236 = arith.constant 10000 : i32
        %mul3A_237 = arith.muli %arg0, %mul3A_236 : i32
        %mul3A_238 = arith.constant 80 : i32
        %mul3A_239 = arith.muli %add3A_231, %mul3A_238 : i32
        %add3A_240 = arith.addi %mul3A_237, %mul3A_239 : i32
        %dma_start3A_241 = arith.constant 0 : i32
        %dma_start3A_242 = tpu.memref_slice %arg4[%add3A_240, %dma_start3A_241] : memref<20000x128xf32, #tpu.memory_space<hbm>> -> memref<80x128xf32, #tpu.memory_space<hbm>>
        %dma_start3A_243 = arith.constant 0 : i32
        %dma_start3A_244 = tpu.memref_slice %arg6[%mul3A_235, %dma_start3A_243] : memref<10000x128xf32, #tpu.memory_space<vmem_shared>> -> memref<80x128xf32, #tpu.memory_space<vmem_shared>>
        tpu.enqueue_dma source(%dma_start3A_244 : memref<80x128xf32, #tpu.memory_space<vmem_shared>>) target(%dma_start3A_242 : memref<80x128xf32, #tpu.memory_space<hbm>>) target_semaphore(%arg43 : memref<!tpu.dma_semaphore, #tpu.memory_space<semaphore_mem>>)
      } else {
      }
    }
    %scan3A_221 = arith.constant 8 : i32
    %scan3A_222 = arith.constant 0 : i32
    %scan3A_223 = arith.constant 0 : i32
    %scan3A_224 = arith.constant 8 : i32
    %scan3A_225 = arith.addi %scan3A_223, %scan3A_224 : i32
    %scan3A_226 = arith.constant 1 : i32
    scf.for %scan3A_228 = %scan3A_223 to %scan3A_225 step %scan3A_226  : i32 {
      %mul3A_229 = arith.constant 16 : i32
      %mul3A_230 = arith.muli %scan3A_228, %mul3A_229 : i32
      %add3A_231 = arith.addi %arg1, %mul3A_230 : i32
      %lt3A = arith.constant 125 : i32
      %lt3A_232 = arith.cmpi slt, %add3A_231, %lt3A : i32
      %convert_element_type3A = arith.extui %lt3A_232 : i1 to i32
      %cond3A = arith.constant 0 : i32
      %cond3A_233 = arith.cmpi ne, %convert_element_type3A, %cond3A : i32
      scf.if %cond3A_233 {
        %mul3A_234 = arith.constant 80 : i32
        %mul3A_235 = arith.muli %add3A_231, %mul3A_234 : i32
        %mul3A_236 = arith.constant 10000 : i32
        %mul3A_237 = arith.muli %arg0, %mul3A_236 : i32
        %mul3A_238 = arith.constant 80 : i32
        %mul3A_239 = arith.muli %add3A_231, %mul3A_238 : i32
        %add3A_240 = arith.addi %mul3A_237, %mul3A_239 : i32
        %dma_wait3A_241 = arith.constant 0 : i32
        %dma_wait3A_242 = tpu.memref_slice %arg4[%add3A_240, %dma_wait3A_241] : memref<20000x128xf32, #tpu.memory_space<hbm>> -> memref<80x128xf32, #tpu.memory_space<hbm>>
        %dma_wait3A_243 = arith.constant 0 : i32
        %dma_wait3A_244 = tpu.memref_slice %arg6[%mul3A_235, %dma_wait3A_243] : memref<10000x128xf32, #tpu.memory_space<vmem_shared>> -> memref<80x128xf32, #tpu.memory_space<vmem_shared>>
        tpu.wait_dma2 semaphore(%arg43 : memref<!tpu.dma_semaphore, #tpu.memory_space<semaphore_mem>>) src(%dma_wait3A_244 : memref<80x128xf32, #tpu.memory_space<vmem_shared>>) dst(%dma_wait3A_242 : memref<80x128xf32, #tpu.memory_space<hbm>>)
      } else {
      }
    }
    %scan3A_227 = arith.constant 8 : i32
    return
  }
}

module attributes {stable_mosaic.version = 14 : i64} {
  func.func @_tc_layer_body(%arg0: i32, %arg1: memref<1x1xf32, #tpu.memory_space<vmem>>, %arg2: memref<2000x128xf32, #tpu.memory_space<vmem>>, %arg3: memref<2x2000x128xf32, #tpu.memory_space<vmem>>, %arg4: memref<2000x1xf32, #tpu.memory_space<vmem>>, %arg5: memref<128x128xf32, #tpu.memory_space<vmem>>, %arg6: memref<1x128xf32, #tpu.memory_space<vmem>>, %arg7: memref<128x128xf32, #tpu.memory_space<vmem>>, %arg8: memref<1x128xf32, #tpu.memory_space<vmem>>, %arg9: memref<2000x128xf32, #tpu.memory_space<vmem>>, %arg10: memref<1x128xf32, #tpu.memory_space<vmem>>) attributes {dimension_semantics = [#tpu.dimension_semantics<arbitrary>], iteration_bounds = array<i64: 5>, scalar_prefetch = 0 : i64, scratch_operands = 0 : i64, tpu.core_type = #tpu.core_type<tc>, window_params = [{pipeline_mode = #tpu.pipeline_mode<synchronous>, transform_indices = @transform_0, window_bounds = array<i64: 1, 1>}, {transform_indices = @transform_1, window_bounds = array<i64: 2000, 128>}, {transform_indices = @transform_2, window_bounds = array<i64: 2, 2000, 128>}, {transform_indices = @transform_3, window_bounds = array<i64: 2000, 1>}, {pipeline_mode = #tpu.pipeline_mode<synchronous>, transform_indices = @transform_4, window_bounds = array<i64: 128, 128>}, {pipeline_mode = #tpu.pipeline_mode<synchronous>, transform_indices = @transform_5, window_bounds = array<i64: 1, 128>}, {pipeline_mode = #tpu.pipeline_mode<synchronous>, transform_indices = @transform_6, window_bounds = array<i64: 128, 128>}, {pipeline_mode = #tpu.pipeline_mode<synchronous>, transform_indices = @transform_7, window_bounds = array<i64: 1, 128>}, {transform_indices = @transform_8, window_bounds = array<i64: 2000, 128>}, {pipeline_mode = #tpu.pipeline_mode<synchronous>, transform_indices = @transform_9, window_bounds = array<i64: 1, 128>}]} {
    %get3A = arith.constant 0 : index
    %get3A_0 = arith.constant 0 : index
    %get3A_1 = vector.load %arg2[%get3A, %get3A_0] : memref<2000x128xf32, #tpu.memory_space<vmem>>, vector<2000x128xf32>
    %get3A_2 = arith.constant 0 : index
    %get3A_3 = arith.constant 0 : index
    %get3A_4 = arith.constant 0 : index
    %get3A_5 = vector.load %arg3[%get3A_2, %get3A_3, %get3A_4] : memref<2x2000x128xf32, #tpu.memory_space<vmem>>, vector<1x2000x128xf32>
    %get3A_6 = vector.shape_cast %get3A_5 : vector<1x2000x128xf32> to vector<2000x128xf32>
    %get3A_7 = arith.constant 1 : index
    %get3A_8 = arith.constant 0 : index
    %get3A_9 = arith.constant 0 : index
    %get3A_10 = vector.load %arg3[%get3A_7, %get3A_8, %get3A_9] : memref<2x2000x128xf32, #tpu.memory_space<vmem>>, vector<1x2000x128xf32>
    %get3A_11 = vector.shape_cast %get3A_10 : vector<1x2000x128xf32> to vector<2000x128xf32>
    %get3A_12 = arith.constant 0 : index
    %get3A_13 = arith.constant 0 : index
    %get3A_14 = vector.load %arg1[%get3A_12, %get3A_13] : memref<1x1xf32, #tpu.memory_space<vmem>>, vector<1x1xf32>
    %get3A_15 = vector.extract %get3A_14[0, 0] : f32 from vector<1x1xf32>
    %get3A_16 = arith.constant 0 : index
    %get3A_17 = arith.constant 0 : index
    %get3A_18 = vector.load %arg5[%get3A_16, %get3A_17] : memref<128x128xf32, #tpu.memory_space<vmem>>, vector<128x128xf32>
    %get3A_19 = arith.constant 0 : index
    %get3A_20 = arith.constant 0 : index
    %get3A_21 = vector.load %arg6[%get3A_19, %get3A_20] : memref<1x128xf32, #tpu.memory_space<vmem>>, vector<1x128xf32>
    %get3A_22 = arith.constant 0 : index
    %get3A_23 = arith.constant 0 : index
    %get3A_24 = vector.load %arg7[%get3A_22, %get3A_23] : memref<128x128xf32, #tpu.memory_space<vmem>>, vector<128x128xf32>
    %get3A_25 = arith.constant 0 : index
    %get3A_26 = arith.constant 0 : index
    %get3A_27 = vector.load %arg8[%get3A_25, %get3A_26] : memref<1x128xf32, #tpu.memory_space<vmem>>, vector<1x128xf32>
    %mul3A = vector.broadcast %get3A_15 : f32 to vector<2000x128xf32>
    %mul3A_28 = arith.mulf %get3A_1, %mul3A : vector<2000x128xf32>
    %add3A = arith.addf %mul3A_28, %get3A_6 : vector<2000x128xf32>
    %add3A_29 = arith.addf %add3A, %get3A_11 : vector<2000x128xf32>
    %dot_general3A = arith.constant dense<0.000000e+00> : vector<2000x128xf32>
    %dot_general3A_30 = tpu.matmul %add3A_29, %get3A_18, %dot_general3A {dimension_numbers = #tpu.dot_dimension_numbers<[1], [0], [0], [1], [0, 0, 1, 1], [], []>, transpose_lhs_hint = false} : vector<2000x128xf32>, vector<128x128xf32>, vector<2000x128xf32> -> vector<2000x128xf32>
    %add3A_31 = vector.broadcast %get3A_21 : vector<1x128xf32> to vector<2000x128xf32>
    %add3A_32 = arith.addf %dot_general3A_30, %add3A_31 : vector<2000x128xf32>
    %max3A = arith.constant 0.000000e+00 : f32
    %max3A_33 = vector.broadcast %max3A : f32 to vector<2000x128xf32>
    %max3A_34 = arith.maximumf %add3A_32, %max3A_33 : vector<2000x128xf32>
    %dot_general3A_35 = arith.constant dense<0.000000e+00> : vector<2000x128xf32>
    %dot_general3A_36 = tpu.matmul %max3A_34, %get3A_24, %dot_general3A_35 {dimension_numbers = #tpu.dot_dimension_numbers<[1], [0], [0], [1], [0, 0, 1, 1], [], []>, transpose_lhs_hint = false} : vector<2000x128xf32>, vector<128x128xf32>, vector<2000x128xf32> -> vector<2000x128xf32>
    %add3A_37 = vector.broadcast %get3A_27 : vector<1x128xf32> to vector<2000x128xf32>
    %add3A_38 = arith.addf %dot_general3A_36, %add3A_37 : vector<2000x128xf32>
    %swap3A = arith.constant 0 : index
    %swap3A_39 = arith.constant 0 : index
    %swap3A_40 = vector.load %arg9[%swap3A, %swap3A_39] : memref<2000x128xf32, #tpu.memory_space<vmem>>, vector<2000x128xf32>
    tpu.vector_store %arg9[%swap3A, %swap3A_39], %add3A_38 {strides = array<i32>} : memref<2000x128xf32, #tpu.memory_space<vmem>>, vector<2000x128xf32>,
    %get3A_41 = arith.constant 0 : index
    %get3A_42 = arith.constant 0 : index
    %get3A_43 = vector.load %arg4[%get3A_41, %get3A_42] : memref<2000x1xf32, #tpu.memory_space<vmem>>, vector<2000x1xf32>
    %dot_general3A_44 = arith.constant dense<0.000000e+00> : vector<1x128xf32>
    %dot_general3A_45 = tpu.matmul %get3A_43, %add3A_38, %dot_general3A_44 {dimension_numbers = #tpu.dot_dimension_numbers<[0], [0], [1], [1], [0, 1, 1, 1], [], []>, transpose_lhs_hint = false} : vector<2000x1xf32>, vector<2000x128xf32>, vector<1x128xf32> -> vector<1x128xf32>
    %eq3A = arith.constant 0 : i32
    %eq3A_46 = arith.cmpi eq, %arg0, %eq3A : i32
    %convert_element_type3A = arith.extui %eq3A_46 : i1 to i32
    %cond3A = arith.constant 0 : i32
    %cond3A_47 = arith.cmpi ne, %convert_element_type3A, %cond3A : i32
    scf.if %cond3A_47 {
      %swap3A_52 = arith.constant 0 : index
      %swap3A_53 = arith.constant 0 : index
      %swap3A_54 = vector.load %arg10[%swap3A_52, %swap3A_53] : memref<1x128xf32, #tpu.memory_space<vmem>>, vector<1x128xf32>
      tpu.vector_store %arg10[%swap3A_52, %swap3A_53], %dot_general3A_45 {strides = array<i32>} : memref<1x128xf32, #tpu.memory_space<vmem>>, vector<1x128xf32>,
    } else {
    }
    %ne3A = arith.constant 0 : i32
    %ne3A_48 = arith.cmpi ne, %arg0, %ne3A : i32
    %convert_element_type3A_49 = arith.extui %ne3A_48 : i1 to i32
    %cond3A_50 = arith.constant 0 : i32
    %cond3A_51 = arith.cmpi ne, %convert_element_type3A_49, %cond3A_50 : i32
    scf.if %cond3A_51 {
      %get3A_52 = arith.constant 0 : index
      %get3A_53 = arith.constant 0 : index
      %get3A_54 = vector.load %arg10[%get3A_52, %get3A_53] : memref<1x128xf32, #tpu.memory_space<vmem>>, vector<1x128xf32>
      %add3A_55 = arith.addf %get3A_54, %dot_general3A_45 : vector<1x128xf32>
      %swap3A_56 = arith.constant 0 : index
      %swap3A_57 = arith.constant 0 : index
      %swap3A_58 = vector.load %arg10[%swap3A_56, %swap3A_57] : memref<1x128xf32, #tpu.memory_space<vmem>>, vector<1x128xf32>
      tpu.vector_store %arg10[%swap3A_56, %swap3A_57], %add3A_55 {strides = array<i32>} : memref<1x128xf32, #tpu.memory_space<vmem>>, vector<1x128xf32>,
    } else {
    }
    return
  }
  func.func @transform_0(%arg0: i32) -> (i32, i32) {
    %c0_i32 = arith.constant 0 : i32
    %c0_i32_0 = arith.constant 0 : i32
    %c0_i32_1 = arith.constant 0 : i32
    return %c0_i32, %c0_i32_0 : i32, i32
  }
  func.func @transform_1(%arg0: i32) -> (i32, i32) {
    %c0_i32 = arith.constant 0 : i32
    %c0_i32_0 = arith.constant 0 : i32
    return %arg0, %c0_i32 : i32, i32
  }
  func.func @transform_2(%arg0: i32) -> (i32, i32, i32) {
    %c0_i32 = arith.constant 0 : i32
    %c0_i32_0 = arith.constant 0 : i32
    %c0_i32_1 = arith.constant 0 : i32
    return %c0_i32, %arg0, %c0_i32_0 : i32, i32, i32
  }
  func.func @transform_3(%arg0: i32) -> (i32, i32) {
    %c0_i32 = arith.constant 0 : i32
    %c0_i32_0 = arith.constant 0 : i32
    return %arg0, %c0_i32 : i32, i32
  }
  func.func @transform_4(%arg0: i32) -> (i32, i32) {
    %c0_i32 = arith.constant 0 : i32
    %c0_i32_0 = arith.constant 0 : i32
    %c0_i32_1 = arith.constant 0 : i32
    return %c0_i32, %c0_i32_0 : i32, i32
  }
  func.func @transform_5(%arg0: i32) -> (i32, i32) {
    %c0_i32 = arith.constant 0 : i32
    %c0_i32_0 = arith.constant 0 : i32
    %c0_i32_1 = arith.constant 0 : i32
    return %c0_i32, %c0_i32_0 : i32, i32
  }
  func.func @transform_6(%arg0: i32) -> (i32, i32) {
    %c0_i32 = arith.constant 0 : i32
    %c0_i32_0 = arith.constant 0 : i32
    %c0_i32_1 = arith.constant 0 : i32
    return %c0_i32, %c0_i32_0 : i32, i32
  }
  func.func @transform_7(%arg0: i32) -> (i32, i32) {
    %c0_i32 = arith.constant 0 : i32
    %c0_i32_0 = arith.constant 0 : i32
    %c0_i32_1 = arith.constant 0 : i32
    return %c0_i32, %c0_i32_0 : i32, i32
  }
  func.func @transform_8(%arg0: i32) -> (i32, i32) {
    %c0_i32 = arith.constant 0 : i32
    %c0_i32_0 = arith.constant 0 : i32
    return %arg0, %c0_i32 : i32, i32
  }
  func.func @transform_9(%arg0: i32) -> (i32, i32) {
    %c0_i32 = arith.constant 0 : i32
    %c0_i32_0 = arith.constant 0 : i32
    %c0_i32_1 = arith.constant 0 : i32
    return %c0_i32, %c0_i32_0 : i32, i32
  }
}

module attributes {stable_mosaic.version = 14 : i64} {
  func.func @_tc_weights_body(%arg0: memref<10000x1xf32, #tpu.memory_space<vmem>>, %arg1: memref<10000x1xf32, #tpu.memory_space<vmem>>) attributes {dimension_semantics = [], scalar_prefetch = 0 : i64, scratch_operands = 0 : i64, tpu.core_type = #tpu.core_type<tc>} {
    %get3A = arith.constant 0 : index
    %get3A_0 = arith.constant 0 : index
    %get3A_1 = vector.load %arg0[%get3A, %get3A_0] : memref<10000x1xf32, #tpu.memory_space<vmem>>, vector<10000x1xf32>
    %iota3A = tpu.iota {dimensions = array<i32: 1>} : vector<10000x64xi32>
    %convert_element_type3A = arith.sitofp %iota3A : vector<10000x64xi32> to vector<10000x64xf32>
    %eq3A = vector.broadcast %get3A_1 : vector<10000x1xf32> to vector<10000x64xf32>
    %eq3A_2 = arith.cmpf oeq, %eq3A, %convert_element_type3A : vector<10000x64xf32>
    %convert_element_type3A_3 = arith.extui %eq3A_2 : vector<10000x64xi1> to vector<10000x64xi32>
    %convert_element_type3A_4 = arith.sitofp %convert_element_type3A_3 : vector<10000x64xi32> to vector<10000x64xf32>
    %reduce_sum3A = arith.constant dense<0.000000e+00> : vector<64xf32>
    %reduce_sum3A_5 = vector.multi_reduction <add>, %convert_element_type3A_4, %reduce_sum3A [0] : vector<10000x64xf32> to vector<64xf32>
    %broadcast_in_dim3A = vector.shape_cast %reduce_sum3A_5 : vector<64xf32> to vector<1x64xf32>
    %max3A = arith.constant 1.000000e+00 : f32
    %max3A_6 = vector.broadcast %max3A : f32 to vector<1x64xf32>
    %max3A_7 = arith.maximumf %broadcast_in_dim3A, %max3A_6 : vector<1x64xf32>
    %div3A = arith.constant 1.000000e+00 : f32
    %div3A_8 = vector.broadcast %div3A : f32 to vector<1x64xf32>
    %div3A_9 = arith.divf %div3A_8, %max3A_7 : vector<1x64xf32>
    %dot_general3A = arith.constant dense<0.000000e+00> : vector<10000x1xf32>
    %dot_general3A_10 = tpu.matmul %convert_element_type3A_4, %div3A_9, %dot_general3A {dimension_numbers = #tpu.dot_dimension_numbers<[1], [1], [0], [0], [0, 0, 1, 0], [], []>, transpose_lhs_hint = false} : vector<10000x64xf32>, vector<1x64xf32>, vector<10000x1xf32> -> vector<10000x1xf32>
    %swap3A = arith.constant 0 : index
    %swap3A_11 = arith.constant 0 : index
    %swap3A_12 = vector.load %arg1[%swap3A, %swap3A_11] : memref<10000x1xf32, #tpu.memory_space<vmem>>, vector<10000x1xf32>
    tpu.vector_store %arg1[%swap3A, %swap3A_11], %dot_general3A_10 {strides = array<i32>} : memref<10000x1xf32, #tpu.memory_space<vmem>>, vector<10000x1xf32>,
    return
  }
}

module attributes {stable_mosaic.version = 14 : i64} {
  func.func @_tc_last_body(%arg0: i32, %arg1: memref<1x1xf32, #tpu.memory_space<vmem>>, %arg2: memref<2000x128xf32, #tpu.memory_space<vmem>>, %arg3: memref<2x2000x128xf32, #tpu.memory_space<vmem>>, %arg4: memref<2000x1xf32, #tpu.memory_space<vmem>>, %arg5: memref<128x128xf32, #tpu.memory_space<vmem>>, %arg6: memref<1x128xf32, #tpu.memory_space<vmem>>, %arg7: memref<128x128xf32, #tpu.memory_space<vmem>>, %arg8: memref<1x128xf32, #tpu.memory_space<vmem>>, %arg9: memref<1x128xf32, #tpu.memory_space<vmem>>, %arg10: memref<1x128xf32, #tpu.memory_space<vmem>>, %arg11: memref<384x128xf32, #tpu.memory_space<vmem>>, %arg12: memref<1x128xf32, #tpu.memory_space<vmem>>, %arg13: memref<128x64xf32, #tpu.memory_space<vmem>>, %arg14: memref<1x64xf32, #tpu.memory_space<vmem>>, %arg15: memref<1x64xf32, #tpu.memory_space<vmem>>, %arg16: memref<1x128xf32, #tpu.memory_space<vmem>>) attributes {dimension_semantics = [#tpu.dimension_semantics<arbitrary>], iteration_bounds = array<i64: 5>, scalar_prefetch = 0 : i64, scratch_operands = 1 : i64, tpu.core_type = #tpu.core_type<tc>, window_params = [{pipeline_mode = #tpu.pipeline_mode<synchronous>, transform_indices = @transform_0, window_bounds = array<i64: 1, 1>}, {transform_indices = @transform_1, window_bounds = array<i64: 2000, 128>}, {transform_indices = @transform_2, window_bounds = array<i64: 2, 2000, 128>}, {transform_indices = @transform_3, window_bounds = array<i64: 2000, 1>}, {pipeline_mode = #tpu.pipeline_mode<synchronous>, transform_indices = @transform_4, window_bounds = array<i64: 128, 128>}, {pipeline_mode = #tpu.pipeline_mode<synchronous>, transform_indices = @transform_5, window_bounds = array<i64: 1, 128>}, {pipeline_mode = #tpu.pipeline_mode<synchronous>, transform_indices = @transform_6, window_bounds = array<i64: 128, 128>}, {pipeline_mode = #tpu.pipeline_mode<synchronous>, transform_indices = @transform_7, window_bounds = array<i64: 1, 128>}, {pipeline_mode = #tpu.pipeline_mode<synchronous>, transform_indices = @transform_8, window_bounds = array<i64: 1, 128>}, {pipeline_mode = #tpu.pipeline_mode<synchronous>, transform_indices = @transform_9, window_bounds = array<i64: 1, 128>}, {pipeline_mode = #tpu.pipeline_mode<synchronous>, transform_indices = @transform_10, window_bounds = array<i64: 384, 128>}, {pipeline_mode = #tpu.pipeline_mode<synchronous>, transform_indices = @transform_11, window_bounds = array<i64: 1, 128>}, {pipeline_mode = #tpu.pipeline_mode<synchronous>, transform_indices = @transform_12, window_bounds = array<i64: 128, 64>}, {pipeline_mode = #tpu.pipeline_mode<synchronous>, transform_indices = @transform_13, window_bounds = array<i64: 1, 64>}, {pipeline_mode = #tpu.pipeline_mode<synchronous>, transform_indices = @transform_14, window_bounds = array<i64: 1, 64>}]} {
    %get3A = arith.constant 0 : index
    %get3A_0 = arith.constant 0 : index
    %get3A_1 = vector.load %arg2[%get3A, %get3A_0] : memref<2000x128xf32, #tpu.memory_space<vmem>>, vector<2000x128xf32>
    %get3A_2 = arith.constant 0 : index
    %get3A_3 = arith.constant 0 : index
    %get3A_4 = arith.constant 0 : index
    %get3A_5 = vector.load %arg3[%get3A_2, %get3A_3, %get3A_4] : memref<2x2000x128xf32, #tpu.memory_space<vmem>>, vector<1x2000x128xf32>
    %get3A_6 = vector.shape_cast %get3A_5 : vector<1x2000x128xf32> to vector<2000x128xf32>
    %get3A_7 = arith.constant 1 : index
    %get3A_8 = arith.constant 0 : index
    %get3A_9 = arith.constant 0 : index
    %get3A_10 = vector.load %arg3[%get3A_7, %get3A_8, %get3A_9] : memref<2x2000x128xf32, #tpu.memory_space<vmem>>, vector<1x2000x128xf32>
    %get3A_11 = vector.shape_cast %get3A_10 : vector<1x2000x128xf32> to vector<2000x128xf32>
    %get3A_12 = arith.constant 0 : index
    %get3A_13 = arith.constant 0 : index
    %get3A_14 = vector.load %arg1[%get3A_12, %get3A_13] : memref<1x1xf32, #tpu.memory_space<vmem>>, vector<1x1xf32>
    %get3A_15 = vector.extract %get3A_14[0, 0] : f32 from vector<1x1xf32>
    %get3A_16 = arith.constant 0 : index
    %get3A_17 = arith.constant 0 : index
    %get3A_18 = vector.load %arg5[%get3A_16, %get3A_17] : memref<128x128xf32, #tpu.memory_space<vmem>>, vector<128x128xf32>
    %get3A_19 = arith.constant 0 : index
    %get3A_20 = arith.constant 0 : index
    %get3A_21 = vector.load %arg6[%get3A_19, %get3A_20] : memref<1x128xf32, #tpu.memory_space<vmem>>, vector<1x128xf32>
    %get3A_22 = arith.constant 0 : index
    %get3A_23 = arith.constant 0 : index
    %get3A_24 = vector.load %arg7[%get3A_22, %get3A_23] : memref<128x128xf32, #tpu.memory_space<vmem>>, vector<128x128xf32>
    %get3A_25 = arith.constant 0 : index
    %get3A_26 = arith.constant 0 : index
    %get3A_27 = vector.load %arg8[%get3A_25, %get3A_26] : memref<1x128xf32, #tpu.memory_space<vmem>>, vector<1x128xf32>
    %mul3A = vector.broadcast %get3A_15 : f32 to vector<2000x128xf32>
    %mul3A_28 = arith.mulf %get3A_1, %mul3A : vector<2000x128xf32>
    %add3A = arith.addf %mul3A_28, %get3A_6 : vector<2000x128xf32>
    %add3A_29 = arith.addf %add3A, %get3A_11 : vector<2000x128xf32>
    %dot_general3A = arith.constant dense<0.000000e+00> : vector<2000x128xf32>
    %dot_general3A_30 = tpu.matmul %add3A_29, %get3A_18, %dot_general3A {dimension_numbers = #tpu.dot_dimension_numbers<[1], [0], [0], [1], [0, 0, 1, 1], [], []>, transpose_lhs_hint = false} : vector<2000x128xf32>, vector<128x128xf32>, vector<2000x128xf32> -> vector<2000x128xf32>
    %add3A_31 = vector.broadcast %get3A_21 : vector<1x128xf32> to vector<2000x128xf32>
    %add3A_32 = arith.addf %dot_general3A_30, %add3A_31 : vector<2000x128xf32>
    %max3A = arith.constant 0.000000e+00 : f32
    %max3A_33 = vector.broadcast %max3A : f32 to vector<2000x128xf32>
    %max3A_34 = arith.maximumf %add3A_32, %max3A_33 : vector<2000x128xf32>
    %dot_general3A_35 = arith.constant dense<0.000000e+00> : vector<2000x128xf32>
    %dot_general3A_36 = tpu.matmul %max3A_34, %get3A_24, %dot_general3A_35 {dimension_numbers = #tpu.dot_dimension_numbers<[1], [0], [0], [1], [0, 0, 1, 1], [], []>, transpose_lhs_hint = false} : vector<2000x128xf32>, vector<128x128xf32>, vector<2000x128xf32> -> vector<2000x128xf32>
    %add3A_37 = vector.broadcast %get3A_27 : vector<1x128xf32> to vector<2000x128xf32>
    %add3A_38 = arith.addf %dot_general3A_36, %add3A_37 : vector<2000x128xf32>
    %get3A_39 = arith.constant 0 : index
    %get3A_40 = arith.constant 0 : index
    %get3A_41 = vector.load %arg4[%get3A_39, %get3A_40] : memref<2000x1xf32, #tpu.memory_space<vmem>>, vector<2000x1xf32>
    %dot_general3A_42 = arith.constant dense<0.000000e+00> : vector<1x128xf32>
    %dot_general3A_43 = tpu.matmul %get3A_41, %add3A_38, %dot_general3A_42 {dimension_numbers = #tpu.dot_dimension_numbers<[0], [0], [1], [1], [0, 1, 1, 1], [], []>, transpose_lhs_hint = false} : vector<2000x1xf32>, vector<2000x128xf32>, vector<1x128xf32> -> vector<1x128xf32>
    %eq3A = arith.constant 0 : i32
    %eq3A_44 = arith.cmpi eq, %arg0, %eq3A : i32
    %convert_element_type3A = arith.extui %eq3A_44 : i1 to i32
    %cond3A = arith.constant 0 : i32
    %cond3A_45 = arith.cmpi ne, %convert_element_type3A, %cond3A : i32
    scf.if %cond3A_45 {
      %swap3A = arith.constant 0 : index
      %swap3A_55 = arith.constant 0 : index
      %swap3A_56 = vector.load %arg16[%swap3A, %swap3A_55] : memref<1x128xf32, #tpu.memory_space<vmem>>, vector<1x128xf32>
      tpu.vector_store %arg16[%swap3A, %swap3A_55], %dot_general3A_43 {strides = array<i32>} : memref<1x128xf32, #tpu.memory_space<vmem>>, vector<1x128xf32>,
    } else {
    }
    %ne3A = arith.constant 0 : i32
    %ne3A_46 = arith.cmpi ne, %arg0, %ne3A : i32
    %convert_element_type3A_47 = arith.extui %ne3A_46 : i1 to i32
    %cond3A_48 = arith.constant 0 : i32
    %cond3A_49 = arith.cmpi ne, %convert_element_type3A_47, %cond3A_48 : i32
    scf.if %cond3A_49 {
      %get3A_55 = arith.constant 0 : index
      %get3A_56 = arith.constant 0 : index
      %get3A_57 = vector.load %arg16[%get3A_55, %get3A_56] : memref<1x128xf32, #tpu.memory_space<vmem>>, vector<1x128xf32>
      %add3A_58 = arith.addf %get3A_57, %dot_general3A_43 : vector<1x128xf32>
      %swap3A = arith.constant 0 : index
      %swap3A_59 = arith.constant 0 : index
      %swap3A_60 = vector.load %arg16[%swap3A, %swap3A_59] : memref<1x128xf32, #tpu.memory_space<vmem>>, vector<1x128xf32>
      tpu.vector_store %arg16[%swap3A, %swap3A_59], %add3A_58 {strides = array<i32>} : memref<1x128xf32, #tpu.memory_space<vmem>>, vector<1x128xf32>,
    } else {
    }
    %eq3A_50 = arith.constant 4 : i32
    %eq3A_51 = arith.cmpi eq, %arg0, %eq3A_50 : i32
    %convert_element_type3A_52 = arith.extui %eq3A_51 : i1 to i32
    %cond3A_53 = arith.constant 0 : i32
    %cond3A_54 = arith.cmpi ne, %convert_element_type3A_52, %cond3A_53 : i32
    scf.if %cond3A_54 {
      %get3A_55 = arith.constant 0 : index
      %get3A_56 = arith.constant 0 : index
      %get3A_57 = vector.load %arg9[%get3A_55, %get3A_56] : memref<1x128xf32, #tpu.memory_space<vmem>>, vector<1x128xf32>
      %get3A_58 = arith.constant 0 : index
      %get3A_59 = arith.constant 0 : index
      %get3A_60 = vector.load %arg10[%get3A_58, %get3A_59] : memref<1x128xf32, #tpu.memory_space<vmem>>, vector<1x128xf32>
      %get3A_61 = arith.constant 0 : index
      %get3A_62 = arith.constant 0 : index
      %get3A_63 = vector.load %arg16[%get3A_61, %get3A_62] : memref<1x128xf32, #tpu.memory_space<vmem>>, vector<1x128xf32>
      %concatenate3A = tpu.concatenate %get3A_57, %get3A_60, %get3A_63 in 1 : vector<1x128xf32>, vector<1x128xf32>, vector<1x128xf32> -> vector<1x384xf32>
      %get3A_64 = arith.constant 0 : index
      %get3A_65 = arith.constant 0 : index
      %get3A_66 = vector.load %arg11[%get3A_64, %get3A_65] : memref<384x128xf32, #tpu.memory_space<vmem>>, vector<384x128xf32>
      %dot_general3A_67 = arith.constant dense<0.000000e+00> : vector<1x128xf32>
      %dot_general3A_68 = tpu.matmul %concatenate3A, %get3A_66, %dot_general3A_67 {dimension_numbers = #tpu.dot_dimension_numbers<[1], [0], [0], [1], [0, 0, 1, 1], [], []>, transpose_lhs_hint = false} : vector<1x384xf32>, vector<384x128xf32>, vector<1x128xf32> -> vector<1x128xf32>
      %get3A_69 = arith.constant 0 : index
      %get3A_70 = arith.constant 0 : index
      %get3A_71 = vector.load %arg12[%get3A_69, %get3A_70] : memref<1x128xf32, #tpu.memory_space<vmem>>, vector<1x128xf32>
      %add3A_72 = arith.addf %dot_general3A_68, %get3A_71 : vector<1x128xf32>
      %max3A_73 = arith.constant 0.000000e+00 : f32
      %max3A_74 = vector.broadcast %max3A_73 : f32 to vector<1x128xf32>
      %max3A_75 = arith.maximumf %add3A_72, %max3A_74 : vector<1x128xf32>
      %get3A_76 = arith.constant 0 : index
      %get3A_77 = arith.constant 0 : index
      %get3A_78 = vector.load %arg13[%get3A_76, %get3A_77] : memref<128x64xf32, #tpu.memory_space<vmem>>, vector<128x64xf32>
      %dot_general3A_79 = arith.constant dense<0.000000e+00> : vector<1x64xf32>
      %dot_general3A_80 = tpu.matmul %max3A_75, %get3A_78, %dot_general3A_79 {dimension_numbers = #tpu.dot_dimension_numbers<[1], [0], [0], [1], [0, 0, 1, 1], [], []>, transpose_lhs_hint = false} : vector<1x128xf32>, vector<128x64xf32>, vector<1x64xf32> -> vector<1x64xf32>
      %get3A_81 = arith.constant 0 : index
      %get3A_82 = arith.constant 0 : index
      %get3A_83 = vector.load %arg14[%get3A_81, %get3A_82] : memref<1x64xf32, #tpu.memory_space<vmem>>, vector<1x64xf32>
      %add3A_84 = arith.addf %dot_general3A_80, %get3A_83 : vector<1x64xf32>
      %max3A_85 = arith.constant 0.000000e+00 : f32
      %max3A_86 = vector.broadcast %max3A_85 : f32 to vector<1x64xf32>
      %max3A_87 = arith.maximumf %add3A_84, %max3A_86 : vector<1x64xf32>
      %swap3A = arith.constant 0 : index
      %swap3A_88 = arith.constant 0 : index
      %swap3A_89 = vector.load %arg15[%swap3A, %swap3A_88] : memref<1x64xf32, #tpu.memory_space<vmem>>, vector<1x64xf32>
      tpu.vector_store %arg15[%swap3A, %swap3A_88], %max3A_87 {strides = array<i32>} : memref<1x64xf32, #tpu.memory_space<vmem>>, vector<1x64xf32>,
    } else {
    }
    return
  }
  func.func @transform_0(%arg0: i32) -> (i32, i32) {
    %c0_i32 = arith.constant 0 : i32
    %c0_i32_0 = arith.constant 0 : i32
    %c0_i32_1 = arith.constant 0 : i32
    return %c0_i32, %c0_i32_0 : i32, i32
  }
  func.func @transform_1(%arg0: i32) -> (i32, i32) {
    %c0_i32 = arith.constant 0 : i32
    %c0_i32_0 = arith.constant 0 : i32
    return %arg0, %c0_i32 : i32, i32
  }
  func.func @transform_2(%arg0: i32) -> (i32, i32, i32) {
    %c0_i32 = arith.constant 0 : i32
    %c0_i32_0 = arith.constant 0 : i32
    %c0_i32_1 = arith.constant 0 : i32
    return %c0_i32, %arg0, %c0_i32_0 : i32, i32, i32
  }
  func.func @transform_3(%arg0: i32) -> (i32, i32) {
    %c0_i32 = arith.constant 0 : i32
    %c0_i32_0 = arith.constant 0 : i32
    return %arg0, %c0_i32 : i32, i32
  }
  func.func @transform_4(%arg0: i32) -> (i32, i32) {
    %c0_i32 = arith.constant 0 : i32
    %c0_i32_0 = arith.constant 0 : i32
    %c0_i32_1 = arith.constant 0 : i32
    return %c0_i32, %c0_i32_0 : i32, i32
  }
  func.func @transform_5(%arg0: i32) -> (i32, i32) {
    %c0_i32 = arith.constant 0 : i32
    %c0_i32_0 = arith.constant 0 : i32
    %c0_i32_1 = arith.constant 0 : i32
    return %c0_i32, %c0_i32_0 : i32, i32
  }
  func.func @transform_6(%arg0: i32) -> (i32, i32) {
    %c0_i32 = arith.constant 0 : i32
    %c0_i32_0 = arith.constant 0 : i32
    %c0_i32_1 = arith.constant 0 : i32
    return %c0_i32, %c0_i32_0 : i32, i32
  }
  func.func @transform_7(%arg0: i32) -> (i32, i32) {
    %c0_i32 = arith.constant 0 : i32
    %c0_i32_0 = arith.constant 0 : i32
    %c0_i32_1 = arith.constant 0 : i32
    return %c0_i32, %c0_i32_0 : i32, i32
  }
  func.func @transform_8(%arg0: i32) -> (i32, i32) {
    %c0_i32 = arith.constant 0 : i32
    %c0_i32_0 = arith.constant 0 : i32
    %c0_i32_1 = arith.constant 0 : i32
    return %c0_i32, %c0_i32_0 : i32, i32
  }
  func.func @transform_9(%arg0: i32) -> (i32, i32) {
    %c0_i32 = arith.constant 0 : i32
    %c0_i32_0 = arith.constant 0 : i32
    %c0_i32_1 = arith.constant 0 : i32
    return %c0_i32, %c0_i32_0 : i32, i32
  }
  func.func @transform_10(%arg0: i32) -> (i32, i32) {
    %c0_i32 = arith.constant 0 : i32
    %c0_i32_0 = arith.constant 0 : i32
    %c0_i32_1 = arith.constant 0 : i32
    return %c0_i32, %c0_i32_0 : i32, i32
  }
  func.func @transform_11(%arg0: i32) -> (i32, i32) {
    %c0_i32 = arith.constant 0 : i32
    %c0_i32_0 = arith.constant 0 : i32
    %c0_i32_1 = arith.constant 0 : i32
    return %c0_i32, %c0_i32_0 : i32, i32
  }
  func.func @transform_12(%arg0: i32) -> (i32, i32) {
    %c0_i32 = arith.constant 0 : i32
    %c0_i32_0 = arith.constant 0 : i32
    %c0_i32_1 = arith.constant 0 : i32
    return %c0_i32, %c0_i32_0 : i32, i32
  }
  func.func @transform_13(%arg0: i32) -> (i32, i32) {
    %c0_i32 = arith.constant 0 : i32
    %c0_i32_0 = arith.constant 0 : i32
    %c0_i32_1 = arith.constant 0 : i32
    return %c0_i32, %c0_i32_0 : i32, i32
  }
  func.func @transform_14(%arg0: i32) -> (i32, i32) {
    %c0_i32 = arith.constant 0 : i32
    %c0_i32_0 = arith.constant 0 : i32
    %c0_i32_1 = arith.constant 0 : i32
    return %c0_i32, %c0_i32_0 : i32, i32
  }
}

</mosaic_0001>

<sc_bundles>
// kernel: kernel.12.cloned.1.call-start
scs
__scs_entry_jumppad:
0x0: {  	(pc) =	sbr.rel $0x88, $3  }
0x1: {  	(tag) =	ssettag $0x0;
	lr =	simm.s32 $0x1  }
0x2: {  	[smem:$0x3F8B] =	sst lr;
	_ =	strace $0xD0000000  }
0x3: {  	_ = 	snop  }
0x4: {  	_ = 	snop  }
0x5: {  	_ = 	snop  }
0x6: {  	_ = 	snop  }
0x7: {  	_ = 	snop  }
__scs_overlays_trampoline_lowered:
0x8: {  	[smem:$0x3F9A] =	sst s0  }
0x9: {  	[smem:$0x3F9B] =	sst s1  }
0xa: {  	[smem:$0x3F9C] =	sst s2  }
0xb: {  	[smem:$0x3F9D] =	sst s3  }
0xc: {  	[smem:$0x3F9E] =	sst s4  }
0xd: {  	[smem:$0x3F9F] =	sst s5  }
0xe: {  	[smem:$0x3FA0] =	sst s6  }
0xf: {  	[smem:$0x3FA1] =	sst s7  }
0x10: {  	[smem:$0x3FA2] =	sst s8  }
0x11: {  	[smem:$0x3FA3] =	sst s9;
	s0 =	simm.s32 @!p0 $0x0  }
0x12: {  	s1 =	sld [smem:$0x3F89];
	s0 =	simm.s32 @p0 $0x1  }
0x13: {  	[smem:$0x3FA4] =	sst s0;
	s0 =	simm.s32 @!p1 $0x0  }
0x14: {  	s2 =	sld [smem:$0x3F88];
	s0 =	simm.s32 @p1 $0x1  }
0x15: {  	[smem:$0x3FA5] =	sst s0;
	s0 =	simm.s32 @!p2 $0x0  }
0x16: {  	s3 =	sld [smem:$0x3FDB];
	s0 =	simm.s32 @p2 $0x1  }
0x17: {  	s4 =	simm.s32 $0x1BF5;
	[smem:$0x3FA7] =	sst s0  }
0x18: {  	s0 =	sld [smem:$0x3F8A];
	_ =	swait.ge [sflag:s4], $0x0  }
0x19: {  	s7 =	sld [smem:$0x3F8B]  }
0x1a: {  	s8 =	sadd.s32 $0xFFFFE003, lr  }
0x1b: {  	s9 =	sadd.s32 $0xFFFFFEF7, lr;
	s5 =	simm.s32 $0xFFFFFFFF;
	p2 =	slt.u32 s8, $0xFFFFF086  }
0x1c: {  	p1 =	slt.u32 s9, $0xF7A;
	s5 =	simm.s32 @!p2 $0x0  }
0x1d: {  	s5 =	simm.s32 @p1 $0x1;
	p0 =	seq.s32 s7, s2  }
0x1e: {  	s7 =	smul.u32 @!p0 $0xF7A, s2;
	p2 =	seq.s32 @!p0 s5, $0x0  }
0x1f: {  	s9 =	smul.u32 $0xF7A, s1;
	s8 =	simm.s32 @!p0 $0x1BF5;
	p2 =	por !p2, p0  }
0x20: {  	[sflag:s8] =	ssyncset.s32 @!p0 $0xFFFFF086;
	s6 =	sadd.s32 @!p0 s3, s7;
	s7 =	simm.s32 @!p0 $0x108  }
0x21: {  	s3 =	sadd.s32 s3, s9;
	s6 =	sadd.s32 @!p0 $0x88, s6;
	s7 =	simm.s32 @p2 $0x1082  }
0x22: {  	[simem:s7], [sflag:s8] =	dma.local @!p0 [hbm:s6], $0xF7A  }
0x23: {  	s9 =	sor.u32 $0xD0000000, s2;
	s6 =	simm.s32 $0x108;
	_ =	swait.ge @!p0 [sflag:s8], $0x0  }
0x24: {  	s3 =	sadd.s32 $0x88, s3;
	s6 =	simm.s32 @!p1 $0x1082;
	[sflag:s4] =	ssyncset.s32 $0xFFFFF086  }
0x25: {  	[simem:s6], [sflag:s4] =	dma.local [hbm:s3], $0xF7A  }
0x26: {  	[smem:$0x3F8B] =	sst s1;
	(tag) =	ssettag s2;
	_ =	strace s9  }
0x27: {  	s1 =	sld [smem:$0x3F9B]  }
0x28: {  	s2 =	sld [smem:$0x3F9C]  }
0x29: {  	s4 =	sld [smem:$0x3F9E]  }
0x2a: {  	p0 =	seq.s32 s5, $0x0;
	s5 =	sld [smem:$0x3F9F]  }
0x2b: {  	s6 =	sld [smem:$0x3FA0]  }
0x2c: {  	s7 =	sld [smem:$0x3FA1]  }
0x2d: {  	s3 =	simm.s32 $0x108;
	s8 =	sld [smem:$0x3FA2]  }
0x2e: {  	s3 =	simm.s32 @!p0 $0x1082;
	s9 =	sld [smem:$0x3FA3]  }
0x2f: {  	lr =	sadd.s32 s0, s3;
	s0 =	sld [smem:$0x3F9A]  }
0x30: {  	s3 =	sld [smem:$0x3F9D]  }
0x31: {  	[smem:$0x3FA6] =	sst s10  }
0x32: {  	s10 =	sld [smem:$0x3FA4];
	_ =	sdelay $0x3  }
0x33: {  	p0 =	seq.s32 s10, $0x1;
	s10 =	sld [smem:$0x3FA6];
	_ =	sdelay $0x3  }
0x34: {  	[smem:$0x3FA6] =	sst s10  }
0x35: {  	s10 =	sld [smem:$0x3FA5];
	_ =	sdelay $0x3  }
0x36: {  	p1 =	seq.s32 s10, $0x1;
	s10 =	sld [smem:$0x3FA6];
	_ =	sdelay $0x3  }
0x37: {  	[smem:$0x3FA6] =	sst s10  }
0x38: {  	s10 =	sld [smem:$0x3FA7]  }
0x39: {  	_ = 	snop;
	(pc) =	sbr.ind lr, $3  }
0x3a: {  	_ = 	snop  }
0x3b: {  	_ = 	snop  }
0x3c: {  	p2 =	seq.s32 s10, $0x1;
	s10 =	sld [smem:$0x3FA6]  }
0x3d: {  	_ =	shalt  }
0x3e: {  	_ =	shalt  }
0x3f: {  	_ =	shalt  }
0x40: {  	_ =	shalt  }
0x41: {  	_ =	shalt  }
0x42: {  	_ =	shalt  }
0x43: {  	_ =	shalt  }
0x44: {  	_ =	shalt  }
0x45: {  	_ =	shalt  }
0x46: {  	_ =	shalt  }
0x47: {  	_ =	shalt  }
0x48: {  	_ =	shalt  }
0x49: {  	_ =	shalt  }
0x4a: {  	_ =	shalt  }
0x4b: {  	_ =	shalt  }
0x4c: {  	_ =	shalt  }
0x4d: {  	_ =	shalt  }
0x4e: {  	_ =	shalt  }
0x4f: {  	_ =	shalt  }
0x50: {  	_ =	shalt  }
0x51: {  	_ =	shalt  }
0x52: {  	_ =	shalt  }
0x53: {  	_ =	shalt  }
0x54: {  	_ =	shalt  }
0x55: {  	_ =	shalt  }
0x56: {  	_ =	shalt  }
0x57: {  	_ =	shalt  }
0x58: {  	_ =	shalt  }
0x59: {  	_ =	shalt  }
0x5a: {  	_ =	shalt  }
0x5b: {  	_ =	shalt  }
0x5c: {  	_ =	shalt  }
0x5d: {  	_ =	shalt  }
0x5e: {  	_ =	shalt  }
0x5f: {  	_ =	shalt  }
0x60: {  	_ =	shalt  }
0x61: {  	_ =	shalt  }
0x62: {  	_ =	shalt  }
0x63: {  	_ =	shalt  }
0x64: {  	_ =	shalt  }
0x65: {  	_ =	shalt  }
0x66: {  	_ =	shalt  }
0x67: {  	_ =	shalt  }
0x68: {  	_ =	shalt  }
0x69: {  	_ =	shalt  }
0x6a: {  	_ =	shalt  }
0x6b: {  	_ =	shalt  }
0x6c: {  	_ =	shalt  }
0x6d: {  	_ =	shalt  }
0x6e: {  	_ =	shalt  }
0x6f: {  	_ =	shalt  }
0x70: {  	_ =	shalt  }
0x71: {  	_ =	shalt  }
0x72: {  	_ =	shalt  }
0x73: {  	_ =	shalt  }
0x74: {  	_ =	shalt  }
0x75: {  	_ =	shalt  }
0x76: {  	_ =	shalt  }
0x77: {  	_ =	shalt  }
0x78: {  	_ =	shalt  }
0x79: {  	_ =	shalt  }
0x7a: {  	_ =	shalt  }
0x7b: {  	_ =	shalt  }
0x7c: {  	_ =	shalt  }
0x7d: {  	_ =	shalt  }
0x7e: {  	_ =	shalt  }
0x7f: {  	_ =	shalt  }
0x80: {  	_ =	shalt  }
0x81: {  	_ =	shalt  }
0x82: {  	_ =	shalt  }
0x83: {  	_ =	shalt  }
0x84: {  	_ =	shalt  }
0x85: {  	_ =	shalt  }
0x86: {  	_ =	shalt  }
0x87: {  	_ =	shalt  }
.Lfunc_end0:
.L_simem_size_0:
called_computation.1_lowered:
.L_overlay_start_0:
0x88: {  	s2 =	sld [smem:$0x3FD9]  }
0x89: {  	s3 =	sld [smem:$0x3FFE];
	_ =	sdelay $0x1  }
0x8a: {  	s1 =	srdreg.scid  }
0x8b: {  	s0 =	sand.u32 $0x1, s1  }
0x8c: {  	s16 =	sshll.u32 s0, $0xA;
	s2 =	sadd.s32 s3, s2  }
0x8d: {  	s2 =	sadd.s32 s2, s16  }
0x8e: {  	[smem:$0x3FB2] =	sst s2  }
0x8f: {  	_ = 	snop  }
0x90: {  	(tm) =	ssettm $0x1  }
0x91: {  	s17 =	sld [smem:$0x3FFB];
	_ =	sdelay $0x3  }
0x92: {  	_ =	strace s17  }
0x93: {  	s2 =	sld [smem:$0x3FFC];
	_ =	sdelay $0x3  }
0x94: {  	_ =	strace s2  }
0x95: {  	s2 =	sld [smem:$0x3FFD];
	_ =	sdelay $0x3  }
0x96: {  	_ =	strace s2  }
0x97: {  	_ =	strace $0x8FFFFFFF  }
0x98: {  	s18 =	sld [smem:$0x3FDB];
	_ =	sdelay $0x1  }
0x99: {  	s19 =	simm.s32 $_scs_section_size  }
0x9a: {  	s4 =	simm.s32 $_size__tile_overlayer_lowered;
	s5 =	simm.s32 $_tile_overlayer_lowered  }
0x9b: {  	s22 =	simm.s32 $0x1BFF;
	s21 =	sshll.u32 s5, $0x1;
	s2 =	sadd.s32 s19, s18  }
0x9c: {  	s6 =	simm.s32 $0x0;
	s20 =	sshll.u32 s4, $0x1;
	s4 =	sadd.s32 s21, s2  }
0x9d: {  	[timem:s6], [sflag:s22] =	dma.local [hbm:s4], s20  }
0x9e: {  	_ =	swait.ge [sflag:s22], s20  }
0x9f: {  	s3 =	ssub.s32 $0x0, s20;
	[sflag:s22] =	ssyncset.done $0x0  }
0xa0: {  	[sflag:s22] =	ssyncadd.s32 s3;
	_ =	sdelay $0x1  }
0xa1: {  	s23 =	simm.s32 $0x1B8B  }
0xa2: {  	_ =	swait.ge [sflag:s23], $0x1  }
0xa3: {  	[sflag:s23] =	ssyncset.done $0x0  }
0xa4: {  	s25 =	simm.s32 $0x1B8E;
	s24 =	sld [smem:$0x3FFE];
	[sflag:s23] =	ssyncadd.s32 $0xFFFFFFFF  }
0xa5: {  	s26 =	simm.s32 $execute0_lowered;
	[smem:$0x3FD2] =	sst s25  }
0xa6: {  	s4 =	sshll.u32 s26, $0x1;
	_ =	strace $0x80000049;
	[dreg:$0x1] =	wrdreg $0xFFFFFFFF  }
0xa7: {  	s28 =	simm.s32 $_size_execute0_lowered;
	s2 =	sadd.s32 s2, s4;
	[dreg:$0x0] =	wrdreg $0x0  }
0xa8: {  	s4 =	sshll.u32 s28, $0x1;
	[dreg:$0x2] =	wrdreg s2  }
0xa9: {  	[dreg:$0x3] =	wrdreg s4  }
0xaa: {  	[dreg:$0x4] =	wrdreg $0xC0  }
0xab: {  	_ =	task [dreg:s6], $0x5FFFF  }
0xac: {  	[dreg:$0x1] =	wrdreg $0xFFFFFFFF  }
0xad: {  	[dreg:$0x0] =	wrdreg $0x60  }
0xae: {  	[dreg:$0x2] =	wrdreg s24  }
0xaf: {  	[dreg:$0x3] =	wrdreg $0x14000  }
0xb0: {  	[dreg:$0x4] =	wrdreg $0x9  }
0xb1: {  	_ =	task.clear_ibuf [dreg:s6], $0x5FFFF;
	_ =	strace $0x90000049  }
0xb2: {  	s29 =	simm.s32 $0x9;
	_ =	strace $0x8000004B  }
0xb3: {  	_ =	swait.ge [sflag:s29], $0x1  }
0xb4: {  	[sflag:s29] =	ssyncadd.s32 $0xFFFFFFFF  }
0xb5: {  	_ =	strace $0x9000004B  }
0xb6: {  	_ =	sfence  }
0xb7: {  	s30 =	sld [smem:$0x0];
	_ =	sdelay $0x2  }
0xb8: {  	s31 =	sshll.u32 s1, $0xD;
	s1 =	sshrl.u32 s1, $0x2  }
0xb9: {  	s3 =	sand.u32 $0x4000, s31;
	s1 =	sadd.s32 s1, s30  }
0xba: {  	s0 =	sor.u32 s3, s0;
	s1 =	sshll.u32 s1, $0x11  }
0xbb: {  	s0 =	sor.u32 s1, s0  }
0xbc: {  	s0 =	sadd.s32 $0x8F2B, s0  }
0xbd: {  	[sflag:s0] =	ssyncadd.remote.s32 $0x1  }
0xbe: {  	_ =	sfence.sel $0xFFFF  }
0xbf: {  	[dreg:$0x0] =	wrdreg $0xFFFFFFFF;
	(pc) =	sbr.abs _section_cstart, $3  }
0xc0: {  	[dreg:$0x1] =	wrdreg $0xFFFFFFFF  }
0xc1: {  	_ =	task.clear_ibuf [dreg:s6], $0x2FFFF;
	_ =	strace $0x9FFFFFFF  }
0xc2: {  	(tm) =	ssettm $0x7FFFFFFF  }
0xc3: {  	_ =	shalt  }
tec
execute0_lowered:
.L_overlay_start_1:
0x0: {  	(tag) =	ssettag $0x1  }
0x1: {  	s21 =	stileid.u32  }
0x2: {  	s1 =	srdreg.scid;
	s13 =	smul.u32 $0x500, s21  }
0x3: {  	s11 =	sand.u32 $0x1, s1;
	s23 =	smul.u32 $0x4E20, s21  }
0x4: {  	s0 =	rddreg [dreg:$0x0];
	s5 =	sor.u32 $0x20, s21;
	s6 =	smul.u32 $0x27100, s11  }
0x5: {  	s2 =	rddreg [dreg:$0x1];
	s7 =	sor.u32 $0x30, s21;
	s15 =	smul.u32 $0x500, s5  }
0x6: {  	s3 =	simm.s32 $0x0;
	s8 =	sor.u32 $0x40, s21;
	s16 =	smul.u32 $0x500, s7  }
0x7: {  	s25 =	sshll.u32 s21, $0x1;
	s9 =	sor.u32 $0x50, s21;
	s17 =	smul.u32 $0x500, s8  }
0x8: {  	[smem:$0x7FF] =	sst s3;
	s4 =	sadd.s32 $0x17E00, s0;
	s19 =	smul.u32 $0x500, s9  }
0x9: {  	s1 =	sor.u32 s11, s25;
	s26 =	ssub.s32 $0x2, s11;
	s11 =	smul.u32 $0x2710, s11  }
0xa: {  	s22 =	sadd.s32 $0x4400, s0;
	s12 =	smul.u32 $0x2710, s1;
	s1 =	sor.u32 $0x10, s21  }
0xb: {  	p2 =	sgt.u32 s21, $0x9;
	s10 =	sshrl.u32 s26, $0x1;
	s14 =	smul.u32 $0x500, s1  }
0xc: {  	s0 =	sadd.s32 s6, s0;
	s18 =	ssub.s32 s26, s10;
	s10 =	sor.u32 $0x60, s21  }
0xd: {  	_ =	strace $0x8000004A;
	s0 =	sadd.s32 $0x3F000, s0;
	s20 =	smul.u32 $0x500, s10  }
0xe: {  	[dreg:$0x3] =	wrdreg s22;
	s24 =	sadd.s32 s0, s17;
	s17 =	smul.u32 $0x5000, s1  }
0xf: {  	s25 =	sadd.s32 s0, s19;
	s19 =	smax.u32 s18, $0x1;
	s18 =	smul.u32 $0x5000, s10  }
0x10: {  	s6 =	sor.u32 $0x70, s21;
	s13 =	sadd.s32 s0, s13;
	s10 =	smul.u32 $0xA000, s10  }
0x11: {  	s16 =	sadd.s32 s0, s16;
	[dreg:$0x4] =	wrdreg s13;
	s13 =	smul.u32 $0x500, s6  }
0x12: {  	s14 =	sadd.s32 s0, s14;
	[dreg:$0x7] =	wrdreg s16;
	s16 =	smul.u32 $0x5000, s21  }
0x13: {  	[dreg:$0x5] =	wrdreg s14;
	s26 =	sadd.s32 s0, s20;
	s20 =	smul.u32 $0x5000, s5  }
0x14: {  	p3 =	sgt.u32 s21, $0xC;
	[dreg:$0x8] =	wrdreg s24;
	s24 =	smul.u32 $0x5000, s8  }
0x15: {  	s15 =	sadd.s32 s0, s15;
	[dreg:$0xd] =	wrdreg s19;
	s19 =	smul.u32 $0x5000, s6  }
0x16: {  	s12 =	sshrl.u32 s12, $0x3;
	[dreg:$0x6] =	wrdreg s15;
	s8 =	smul.u32 $0xA000, s8  }
0x17: {  	p1 =	sgt.u32 s6, $0x7C;
	[dreg:$0x9] =	wrdreg s25;
	s6 =	smul.u32 $0xA000, s6  }
0x18: {  	s15 =	sadd.s32 s22, s12;
	[dreg:$0xa] =	wrdreg s26;
	s26 =	smul.u32 $0x5000, s9  }
0x19: {  	s9 =	smul.u32 $0xA000, s9;
	s10 =	sshrl.u32 s10, $0x2;
	[dreg:$0xc] =	wrdreg s15  }
0x1a: {  	s0 =	sadd.s32 s0, s13;
	s13 =	sshrl.u32 s16, $0x2;
	s12 =	sshrl.u32 s20, $0x2  }
0x1b: {  	s20 =	sor.u32 $0xF0, s21;
	s8 =	sshrl.u32 s8, $0x2;
	s10 =	sadd.s32 s10, s2  }
0x1c: {  	s6 =	sshrl.u32 s6, $0x2;
	[dreg:$0xb] =	wrdreg s0;
	s0 =	sadd.s32 s11, s23  }
0x1d: {  	s11 =	sshrl.u32 s17, $0x2;
	s23 =	smul.u32 $0x5000, s7;
	s16 =	sadd.s32 s13, s2  }
0x1e: {  	s12 =	sadd.s32 s12, s2;
	s17 =	sshrl.u32 s26, $0x2;
	p0 =	sgt.u32 s20, $0xF9  }
0x1f: {  	s9 =	sshrl.u32 s9, $0x2;
	s8 =	sadd.s32 s8, s2;
	[dreg:$0x10] =	wrdreg s12  }
0x20: {  	s6 =	sadd.s32 s6, s2;
	s11 =	sadd.s32 s11, s2;
	[dreg:$0xe] =	wrdreg s16  }
0x21: {  	s12 =	sshrl.u32 s18, $0x2;
	s9 =	sadd.s32 s9, s2;
	[dreg:$0xf] =	wrdreg s11  }
0x22: {  	s25 =	sshrl.u32 s23, $0x2;
	s11 =	sshrl.u32 s24, $0x2;
	s12 =	sadd.s32 s12, s2  }
0x23: {  	s23 =	smul.u32 $0xA000, s21;
	s21 =	sadd.s32 $0xB4000, s16;
	[dreg:$0x14] =	wrdreg s12  }
0x24: {  	s13 =	sadd.s32 s25, s2;
	s25 =	smul.u32 $0xA000, s1;
	[smem:$0x7F8] =	sst s21  }
0x25: {  	s11 =	sadd.s32 s11, s2;
	s12 =	smul.u32 $0xA000, s5;
	[dreg:$0x11] =	wrdreg s13  }
0x26: {  	[dreg:$0x12] =	wrdreg s11;
	s11 =	sadd.s32 s17, s2;
	s13 =	smul.u32 $0x5000, s20  }
0x27: {  	s17 =	smul.u32 $0xA000, s7;
	s20 =	sadd.s32 $0x410, s0;
	[dreg:$0x13] =	wrdreg s11  }
0x28: {  	s11 =	sshrl.u32 s19, $0x2;
	s14 =	sshrl.u32 s25, $0x2;
	s18 =	sshrl.u32 s12, $0x2  }
0x29: {  	s12 =	sshrl.u32 s20, $0x3;
	s25 =	sadd.s32 $0x460, s0;
	s11 =	sadd.s32 s11, s2  }
0x2a: {  	s24 =	sshrl.u32 s13, $0x2;
	s5 =	sadd.s32 s14, s2;
	s7 =	sadd.s32 s18, s2  }
0x2b: {  	s19 =	sshrl.u32 s17, $0x2;
	s12 =	sadd.s32 s12, s22;
	s17 =	sadd.s32 $0x4B0, s0  }
0x2c: {  	s13 =	sadd.s32 $0x9C72, s15;
	[dreg:$0x15] =	wrdreg s11;
	s26 =	sadd.s32 s24, s2  }
0x2d: {  	s11 =	sshrl.u32 s23, $0x2;
	s23 =	sadd.s32 $0x4E610, s0;
	[dreg:$0x17] =	wrdreg s12  }
0x2e: {  	s18 =	sshrl.u32 s17, $0x3;
	s17 =	sadd.s32 $0x4E570, s0;
	[smem:$0x7F2] =	sst s13  }
0x2f: {  	[dreg:$0x16] =	wrdreg s26;
	s1 =	sadd.s32 s11, s2;
	s11 =	sadd.s32 s19, s2  }
0x30: {  	s24 =	sshrl.u32 s23, $0x3;
	s26 =	sshrl.u32 s25, $0x3;
	s2 =	sadd.s32 $0x4E660, s0  }
0x31: {  	s19 =	sadd.s32 $0x4E6B0, s0;
	s23 =	sadd.s32 $0x3C0, s0;
	s25 =	sadd.s32 $0x4E5C0, s0  }
0x32: {  	s12 =	sadd.s32 s24, s22;
	s14 =	sshrl.u32 s2, $0x3;
	s20 =	sshrl.u32 s19, $0x3  }
0x33: {  	s24 =	sshrl.u32 s23, $0x3;
	s2 =	sadd.s32 $0x370, s0;
	s19 =	sadd.s32 $0x320, s0  }
0x34: {  	s23 =	sadd.s32 $0x4E520, s0;
	[dreg:$0x18] =	wrdreg s12;
	s12 =	sadd.s32 s26, s22  }
0x35: {  	s26 =	sshrl.u32 s25, $0x3;
	s25 =	sadd.s32 $0x2D0, s0;
	[dreg:$0x19] =	wrdreg s12  }
0x36: {  	s12 =	sadd.s32 s14, s22;
	s14 =	sshrl.u32 s2, $0x3;
	s2 =	sadd.s32 $0x4E4D0, s0  }
0x37: {  	[dreg:$0x1a] =	wrdreg s12;
	s12 =	sadd.s32 s18, s22;
	s18 =	sshrl.u32 s17, $0x3  }
0x38: {  	s17 =	sadd.s32 $0x4E480, s0;
	s0 =	sadd.s32 $0x280, s0;
	[dreg:$0x1b] =	wrdreg s12  }
0x39: {  	s12 =	sadd.s32 s20, s22;
	[smem:$0x7DE] =	sst s0  }
0x3a: {  	s20 =	sshrl.u32 s19, $0x3;
	s19 =	sshrl.u32 s1, $0x3;
	[dreg:$0x1c] =	wrdreg s12  }
0x3b: {  	s1 =	sadd.s32 $0x9C40, s15;
	[smem:$0x7E0] =	sst s19  }
0x3c: {  	s12 =	sadd.s32 s24, s22;
	[smem:$0x7E8] =	sst s1  }
0x3d: {  	s24 =	sshrl.u32 s23, $0x3;
	s23 =	sshrl.u32 s11, $0x3;
	[dreg:$0x1d] =	wrdreg s12  }
0x3e: {  	s11 =	sadd.s32 $0x9C68, s15;
	[smem:$0x7E3] =	sst s23  }
0x3f: {  	s19 =	sadd.s32 $0x9C86, s15;
	[smem:$0x7F0] =	sst s11  }
0x40: {  	s12 =	sadd.s32 s26, s22;
	[smem:$0x7F6] =	sst s19  }
0x41: {  	s26 =	sshrl.u32 s25, $0x3;
	s25 =	sshrl.u32 s9, $0x3;
	[dreg:$0x1e] =	wrdreg s12  }
0x42: {  	s9 =	sadd.s32 $0x9C5E, s15;
	[smem:$0x7E5] =	sst s25  }
0x43: {  	s23 =	sadd.s32 $0xDC000, s16;
	[smem:$0x7EE] =	sst s9  }
0x44: {  	s12 =	sadd.s32 s14, s22;
	[smem:$0x7FA] =	sst s23  }
0x45: {  	s14 =	sshrl.u32 s2, $0x3;
	s2 =	sadd.s32 $0xA, s15;
	[dreg:$0x1f] =	wrdreg s12  }
0x46: {  	s31 =	simm.s32 $0x1F100;
	s25 =	sadd.s32 $0x104000, s16;
	[smem:$0x7E9] =	sst s2  }
0x47: {  	s29 =	simm.s32 $0x1EE00;
	s12 =	sadd.s32 s18, s22;
	[smem:$0x7FC] =	sst s25  }
0x48: {  	s18 =	sshrl.u32 s17, $0x3;
	s17 =	sadd.s32 $0x9C7C, s15;
	[smem:$0x7D9] =	sst s12  }
0x49: {  	s30 =	simm.s32 $0x50;
	s12 =	sadd.s32 s20, s22;
	[smem:$0x7F4] =	sst s17  }
0x4a: {  	s28 =	simm.s32 $0x0;
	s0 =	sadd.s32 s18, s22;
	[smem:$0x7DA] =	sst s12  }
0x4b: {  	s21 =	simm.s32 $0x1F280;
	s20 =	sshrl.u32 s5, $0x3;
	[smem:$0x7DF] =	sst s0  }
0x4c: {  	s13 =	simm.s32 $0x17480;
	s5 =	sadd.s32 $0x9C4A, s15;
	[smem:$0x7E1] =	sst s20  }
0x4d: {  	s1 =	simm.s32 $0x1F200;
	s18 =	sadd.s32 $0x46, s15;
	[smem:$0x7EA] =	sst s5  }
0x4e: {  	s19 =	simm.s32 $0x1F180;
	s12 =	sadd.s32 s24, s22;
	[smem:$0x7F5] =	sst s18  }
0x4f: {  	s11 =	simm.s32 $0x6;
	s24 =	sshrl.u32 s8, $0x3;
	[smem:$0x7DB] =	sst s12  }
0x50: {  	s9 =	simm.s32 $0xD;
	s0 =	sshrl.u32 @!p1 s6, $0x3;
	[smem:$0x7E4] =	sst s24  }
0x51: {  	s23 =	simm.s32 $0x7;
	s6 =	sadd.s32 $0x14, s15;
	[smem:$0x7E7] =	sst s0  }
0x52: {  	s25 =	simm.s32 $0x19C80;
	s8 =	sadd.s32 $0x1E, s15;
	[smem:$0x7EB] =	sst s6  }
0x53: {  	s2 =	simm.s32 $0x11;
	s20 =	sadd.s32 $0xA0000, s16;
	[smem:$0x7ED] =	sst s8  }
0x54: {  	s17 =	simm.s32 $0x10;
	s12 =	sadd.s32 s26, s22;
	[smem:$0x7F7] =	sst s20  }
0x55: {  	s5 =	simm.s32 $0x14C80;
	s26 =	sshrl.u32 s10, $0x3;
	[smem:$0x7DC] =	sst s12  }
0x56: {  	s10 =	sadd.s32 $0x28, s15;
	s24 =	sadd.s32 $0xF0000, s16;
	[smem:$0x7E6] =	sst s26  }
0x57: {  	s6 =	simm.s32 $0x1ED00;
	s20 =	simm.s32 $0x1EE80;
	[smem:$0x7EF] =	sst s10  }
0x58: {  	s0 =	simm.s32 $0xC;
	s12 =	sadd.s32 s14, s22;
	[smem:$0x7FB] =	sst s24  }
0x59: {  	s8 =	simm.s32 $0x5;
	s22 =	sshrl.u32 s7, $0x3;
	[smem:$0x7DD] =	sst s12  }
0x5a: {  	s7 =	sadd.s32 $0x9C54, s15;
	s14 =	sadd.s32 $0x3C, s15;
	[smem:$0x7E2] =	sst s22  }
0x5b: {  	s26 =	sadd.s32 $0x118000, s16;
	s10 =	simm.s32 $0x2;
	[smem:$0x7EC] =	sst s7  }
.Ltmp0:
0x5c: {  	s24 =	simm.s32 $0x3;
	[smem:$0x7F3] =	sst s14;
	(pc) =	sbr.rel .LBB2_1-.Ltmp0, $4  }
0x5d: {  	s12 =	sadd.s32 $0x32, s15;
	s22 =	sadd.s32 $0xC8000, s16;
	[smem:$0x7FD] =	sst s26  }
0x5e: {  	s16 =	simm.s32 $0x1EC80;
	s26 =	simm.s32 $0x1ED80;
	s15 =	simm.s32 $0x1C480  }
0x5f: {  	s7 =	simm.s32 $0x1;
	s14 =	simm.s32 $0x4;
	[smem:$0x7F1] =	sst s12  }
0x60: {  	v0 =	vimm.f32 $0.0e+00;
	[smem:$0x7F9] =	sst s22;
	s22 =	simm.s32 $0x1F080;
	s12 =	simm.s32 $0x8  }
.LBB2_6:
0x61: {  	_ =	swait.ge [sflag:s7], $0x2800  }
0x62: {  	[sflag:s7] =	ssyncset.done $0x0  }
0x63: {  	[sflag:s7] =	ssyncadd.s32 $0xFFFFD800  }
0x64: {  	s22 =	simm.s32 $0x1F080;
	s19 =	simm.s32 $0x14C80;
	s2 =	rddreg [dreg:$0x1]  }
0x65: {  	[spmem:s2] =	stream.indirect.scatter.add.f32 [tilespmem:s19], [sflag:$0x5], $0x80, s22, s30, $0xb8;
	[tilespmem:$0x1F480] =	vst v63  }
0x66: {  	_ =	swait.ge [sflag:s8], $0x2800  }
0x67: {  	[sflag:s8] =	ssyncset.done $0x0  }
0x68: {  	[sflag:s8] =	ssyncadd.s32 $0xFFFFD800  }
0x69: {  	_ =	swait.ge [sflag:s9], $0x50  }
0x6a: {  	[sflag:s9] =	ssyncset.done $0x0  }
0x6b: {  	[sflag:s9] =	ssyncadd.s32 $0xFFFFFFB0  }
0x6c: {  	_ =	swait.ge [sflag:s9], $0x50  }
0x6d: {  	[sflag:s9] =	ssyncset.done $0x0  }
0x6e: {  	s1 =	simm.s32 $0x1EE80;
	[sflag:s9] =	ssyncadd.s32 $0xFFFFFFB0  }
0x6f: {  	[tilespmem:s19], [sflag:$0x1] =	stream.indirect.gather [hbm4b:s4+s30], $0x80, s1, s30, $0xb8;
	[tilespmem:$0x1F480] =	vst v63  }
0x70: {  	_ =	swait.ge [sflag:s10], $0x2800  }
0x71: {  	[sflag:s10] =	ssyncset.done $0x0  }
0x72: {  	s31 =	simm.s32 $0x1F100;
	[sflag:s10] =	ssyncadd.s32 $0xFFFFD800  }
0x73: {  	[spmem:s2] =	stream.indirect.scatter.add.f32 [tilespmem:s13], [sflag:$0x6], $0x80, s31, s30, $0xb8;
	[tilespmem:$0x1F480] =	vst v63  }
0x74: {  	_ =	swait.ge [sflag:s24], $0x2800  }
0x75: {  	[sflag:s24] =	ssyncset.done $0x0  }
0x76: {  	s18 =	simm.s32 $0x1F180;
	[sflag:s24] =	ssyncadd.s32 $0xFFFFD800  }
0x77: {  	[spmem:s2] =	stream.indirect.scatter.add.f32 [tilespmem:s25], [sflag:$0x7], $0x80, s18, s30, $0xb8;
	[tilespmem:$0x1F480] =	vst v63  }
0x78: {  	_ =	swait.ge [sflag:s14], $0x2800  }
0x79: {  	[sflag:s14] =	ssyncset.done $0x0  }
0x7a: {  	s21 =	simm.s32 $0x1F200;
	[sflag:s14] =	ssyncadd.s32 $0xFFFFD800  }
0x7b: {  	[spmem:s2] =	stream.indirect.scatter.add.f32 [tilespmem:s15], [sflag:$0x8], $0x80, s21, s30, $0xb8;
	[tilespmem:$0x1F480] =	vst v63  }
0x7c: {  	_ =	swait.ge [sflag:s7], $0x2800  }
0x7d: {  	[sflag:s7] =	ssyncset.done $0x0  }
0x7e: {  	s21 =	simm.s32 $0x1F280;
	[sflag:s7] =	ssyncadd.s32 $0xFFFFD800  }
0x7f: {  	[spmem:s2] =	stream.indirect.scatter.add.f32 [tilespmem:s19], [sflag:$0x5], $0x80, s21, s30, $0xb8;
	[tilespmem:$0x1F480] =	vst v63  }
0x80: {  	_ =	swait.ge [sflag:s11], $0x2800  }
0x81: {  	[sflag:s11] =	ssyncset.done $0x0  }
0x82: {  	[sflag:s11] =	ssyncadd.s32 $0xFFFFD800  }
0x83: {  	_ =	swait.ge [sflag:s23], $0x2800  }
0x84: {  	[sflag:s23] =	ssyncset.done $0x0  }
0x85: {  	[sflag:s23] =	ssyncadd.s32 $0xFFFFD800  }
0x86: {  	_ =	swait.ge [sflag:s12], $0x2800  }
0x87: {  	[sflag:s12] =	ssyncset.done $0x0  }
0x88: {  	[sflag:s12] =	ssyncadd.s32 $0xFFFFD800  }
0x89: {  	_ =	swait.ge [sflag:s8], $0x2800  }
0x8a: {  	[sflag:s8] =	ssyncset.done $0x0  }
0x8b: {  	[sflag:s8] =	ssyncadd.s32 $0xFFFFD800  }
0x8c: {  	[bflag:$0x0] =	sbarrier.arrive $0xFFFF  }
0x8d: {  	s1 =	stileid.u32;
	s20 =	sld [smem:$0x7E0]  }
0x8e: {  	s18 =	sshll.u32 s1, $0x6  }
0x8f: {  	s18 =	sor.u32 $0x1C11, s18;
	s2 =	rddreg [dreg:$0x4]  }
0x90: {  	[hbm:s2], [sflag:s18] =	dma.local [spmem:s20], $0x500  }
0x91: {  	s20 =	sld [smem:$0x7E1];
	_ =	sdelay $0x1  }
0x92: {  	s19 =	rddreg [dreg:$0x5]  }
0x93: {  	[hbm:s19], [sflag:s18] =	dma.local [spmem:s20], $0x500  }
0x94: {  	s20 =	sld [smem:$0x7E2];
	_ =	sdelay $0x1  }
0x95: {  	s19 =	rddreg [dreg:$0x6]  }
0x96: {  	[hbm:s19], [sflag:s18] =	dma.local [spmem:s20], $0x500  }
0x97: {  	s20 =	sld [smem:$0x7E3];
	_ =	sdelay $0x1  }
0x98: {  	s19 =	rddreg [dreg:$0x7]  }
0x99: {  	[hbm:s19], [sflag:s18] =	dma.local [spmem:s20], $0x500  }
0x9a: {  	s20 =	sld [smem:$0x7E4];
	_ =	sdelay $0x1  }
0x9b: {  	s19 =	rddreg [dreg:$0x8]  }
0x9c: {  	[hbm:s19], [sflag:s18] =	dma.local [spmem:s20], $0x500  }
0x9d: {  	s20 =	sld [smem:$0x7E5];
	_ =	sdelay $0x1  }
0x9e: {  	s19 =	rddreg [dreg:$0x9]  }
0x9f: {  	[hbm:s19], [sflag:s18] =	dma.local [spmem:s20], $0x500  }
0xa0: {  	s20 =	sld [smem:$0x7E6];
	_ =	sdelay $0x1  }
0xa1: {  	s19 =	rddreg [dreg:$0xa]  }
0xa2: {  	[hbm:s19], [sflag:s18] =	dma.local [spmem:s20], $0x500  }
0xa3: {  	s20 =	sld [smem:$0x7E7];
	_ =	sdelay $0x1  }
0xa4: {  	s2 =	simm.s32 $0x11;
	s19 =	rddreg [dreg:$0xb]  }
0xa5: {  	[hbm:s19], [sflag:s18] =	dma.local @!p1 [spmem:s20], $0x500  }
0xa6: {  	_ =	swait.ge [sflag:s2], $0x500  }
0xa7: {  	[sflag:s2] =	ssyncset.done $0x0  }
0xa8: {  	[sflag:s2] =	ssyncadd.s32 $0xFFFFFB00  }
0xa9: {  	_ =	swait.ge [sflag:s2], $0x500  }
0xaa: {  	[sflag:s2] =	ssyncset.done $0x0  }
0xab: {  	[sflag:s2] =	ssyncadd.s32 $0xFFFFFB00  }
0xac: {  	_ =	swait.ge [sflag:s2], $0x500  }
0xad: {  	[sflag:s2] =	ssyncset.done $0x0  }
0xae: {  	[sflag:s2] =	ssyncadd.s32 $0xFFFFFB00  }
0xaf: {  	_ =	swait.ge [sflag:s2], $0x500  }
0xb0: {  	[sflag:s2] =	ssyncset.done $0x0  }
0xb1: {  	[sflag:s2] =	ssyncadd.s32 $0xFFFFFB00  }
0xb2: {  	_ =	swait.ge [sflag:s2], $0x500  }
0xb3: {  	[sflag:s2] =	ssyncset.done $0x0  }
0xb4: {  	[sflag:s2] =	ssyncadd.s32 $0xFFFFFB00  }
0xb5: {  	_ =	swait.ge [sflag:s2], $0x500  }
0xb6: {  	[sflag:s2] =	ssyncset.done $0x0  }
0xb7: {  	[sflag:s2] =	ssyncadd.s32 $0xFFFFFB00  }
0xb8: {  	_ =	swait.ge [sflag:s2], $0x500  }
0xb9: {  	[sflag:s2] =	ssyncset.done $0x0  }
0xba: {  	s18 =	simm.s32 @!p3 $0x11;
	[sflag:s2] =	ssyncadd.s32 $0xFFFFFB00  }
0xbb: {  	_ =	swait.ge @!p3 [sflag:s18], $0x500  }
0xbc: {  	s28 =	sld [smem:$0x7D8];
	_ =	sdelay $0x2  }
0xbd: {  	s19 =	rddreg [dreg:$0xd];
	s28 =	sadd.s32 $0x1, s28  }
0xbe: {  	p4 =	sne.s32 s28, s19  }
.Ltmp1:
0xbf: {  	_ = 	snop;
	(pc) =	sbr.rel @!p4 .LBB2_7-.Ltmp1, $3  }
0xc0: {  	_ =	sdelay $0x1  }
0xc1: {  	s5 =	simm.s32 $0x14C80;
	s1 =	simm.s32 $0x1F200;
	[sflag:s18] =	ssyncset.done @!p3 $0x0  }
0xc2: {  	s20 =	simm.s32 $0x1EE80;
	[sflag:s18] =	ssyncadd.s32 @!p3 $0xFFFFFB00;
	s19 =	simm.s32 $0x1F180  }
.LBB2_1:
0xc3: {  	[smem:$0x7D8] =	sst s28  }
0xc4: {  	s18 =	rddreg [dreg:$0xc]  }
0xc5: {  	s28 =	sld [smem:$0x7E8]  }
0xc6: {  	[tilespmem:s16], [sflag:$0x9] =	stream.linear.gather [hbm4b:s18+s3], $0x50, $0x38;
	[tilespmem:$0x1F480] =	vst v63  }
0xc7: {  	_ = 	snop  }
0xc8: {  	[tilespmem:s22], [sflag:$0x9] =	stream.linear.gather [hbm4b:s28+s3], $0x50, $0x38;
	[tilespmem:$0x1F480] =	vst v63  }
0xc9: {  	s28 =	sld [smem:$0x7E9];
	_ =	sdelay $0x2  }
0xca: {  	[tilespmem:s6], [sflag:$0xA] =	stream.linear.gather [hbm4b:s28+s3], $0x50, $0x38;
	[tilespmem:$0x1F480] =	vst v63  }
0xcb: {  	s28 =	sld [smem:$0x7EA];
	_ =	sdelay $0x2  }
0xcc: {  	[tilespmem:s31], [sflag:$0xA] =	stream.linear.gather [hbm4b:s28+s3], $0x50, $0x38;
	[tilespmem:$0x1F480] =	vst v63  }
0xcd: {  	s28 =	sld [smem:$0x7EB];
	_ =	sdelay $0x1  }
0xce: {  	s31 =	sld [smem:$0x7EC]  }
0xcf: {  	[tilespmem:s26], [sflag:$0xB] =	stream.linear.gather [hbm4b:s28+s3], $0x50, $0x38;
	[tilespmem:$0x1F480] =	vst v63  }
0xd0: {  	_ = 	snop  }
0xd1: {  	[tilespmem:s19], [sflag:$0xB] =	stream.linear.gather [hbm4b:s31+s3], $0x50, $0x38;
	[tilespmem:$0x1F480] =	vst v63  }
0xd2: {  	s19 =	sld [smem:$0x7ED];
	_ =	sdelay $0x1  }
0xd3: {  	s28 =	sld [smem:$0x7EE]  }
0xd4: {  	[tilespmem:s29], [sflag:$0xC] =	stream.linear.gather [hbm4b:s19+s3], $0x50, $0x38;
	[tilespmem:$0x1F480] =	vst v63  }
0xd5: {  	s31 =	sld [smem:$0x7EF]  }
0xd6: {  	[tilespmem:s1], [sflag:$0xC] =	stream.linear.gather [hbm4b:s28+s3], $0x50, $0x38;
	[tilespmem:$0x1F480] =	vst v63  }
0xd7: {  	s1 =	sld [smem:$0x7F0]  }
0xd8: {  	[tilespmem:s20], [sflag:$0xD] =	stream.linear.gather [hbm4b:s31+s3], $0x50, $0x38;
	[tilespmem:$0x1F480] =	vst v63  }
0xd9: {  	s19 =	sld [smem:$0x7F1]  }
0xda: {  	[tilespmem:s21], [sflag:$0xD] =	stream.linear.gather [hbm4b:s1+s3], $0x50, $0x38;
	[tilespmem:$0x1F480] =	vst v63  }
0xdb: {  	s28 =	sld [smem:$0x7F2];
	s21 =	simm.s32 $0x1EF00  }
0xdc: {  	[tilespmem:s21], [sflag:$0xE] =	stream.linear.gather [hbm4b:s19+s3], $0x50, $0x38;
	[tilespmem:$0x1F480] =	vst v63  }
0xdd: {  	s31 =	simm.s32 $0x1F300;
	s19 =	sld [smem:$0x7F3]  }
0xde: {  	[tilespmem:s31], [sflag:$0xE] =	stream.linear.gather [hbm4b:s28+s3], $0x50, $0x38;
	[tilespmem:$0x1F480] =	vst v63  }
0xdf: {  	s21 =	simm.s32 $0x1EF80;
	s28 =	sld [smem:$0x7F4]  }
0xe0: {  	[tilespmem:s21], [sflag:$0xF] =	stream.linear.gather [hbm4b:s19+s3], $0x50, $0x38;
	[tilespmem:$0x1F480] =	vst v63  }
0xe1: {  	s31 =	simm.s32 $0x1F380;
	s19 =	sld [smem:$0x7F5]  }
0xe2: {  	[tilespmem:s31], [sflag:$0xF] =	stream.linear.gather [hbm4b:s28+s3], $0x50, $0x38;
	[tilespmem:$0x1F480] =	vst v63  }
0xe3: {  	s21 =	simm.s32 $0x1F000;
	s28 =	sld [smem:$0x7F6]  }
0xe4: {  	[tilespmem:s21], [sflag:$0x10] =	stream.linear.gather [hbm4b:s19+s3], $0x50, $0x38;
	[tilespmem:$0x1F480] =	vst v63  }
0xe5: {  	s18 =	simm.s32 $0x0;
	s31 =	simm.s32 $0x1F400;
	s19 =	simm.s32 $0x200  }
0xe6: {  	[tilespmem:s31], [sflag:$0x10] =	stream.linear.gather [hbm4b:s28+s3], $0x50, $0x38;
	[tilespmem:$0x1F480] =	vst v63  }
.LBB2_2:
0xe7: {  	p4 =	sne.s32 s19, $0x4E00;
	[tilespmem:s18+$0x70] =	vst v0  }
0xe8: {  	[tilespmem:s18+$0x0] =	vst v0  }
0xe9: {  	[tilespmem:s18+$0x10] =	vst v0  }
.Ltmp2:
0xea: {  	[tilespmem:s18+$0x20] =	vst v0;
	(pc) =	sbr.rel @p4 .LBB2_2-.Ltmp2, $4  }
0xeb: {  	[tilespmem:s18+$0x30] =	vst v0  }
0xec: {  	[tilespmem:s18+$0x40] =	vst v0  }
0xed: {  	[tilespmem:s18+$0x50] =	vst v0  }
0xee: {  	[tilespmem:s18+$0x60] =	vst v0;
	s18 =	sshra.s32 s19, $0x2;
	s19 =	sadd.s32 $0x200, s19  }
0xef: {  	[tilespmem:s18+$0x70] =	vst v0  }
0xf0: {  	[tilespmem:s18+$0x0] =	vst v0  }
0xf1: {  	[tilespmem:s18+$0x10] =	vst v0  }
0xf2: {  	[tilespmem:s18+$0x20] =	vst v0  }
0xf3: {  	[tilespmem:s18+$0x30] =	vst v0  }
0xf4: {  	[tilespmem:s18+$0x40] =	vst v0  }
0xf5: {  	[tilespmem:s18+$0x50] =	vst v0  }
0xf6: {  	[tilespmem:s18+$0x60] =	vst v0;
	s1 =	simm.s32 $0x9  }
0xf7: {  	_ =	swait.ge [sflag:s1], $0x50  }
0xf8: {  	[sflag:s1] =	ssyncset.done $0x0  }
0xf9: {  	[sflag:s1] =	ssyncadd.s32 $0xFFFFFFB0  }
0xfa: {  	_ =	swait.ge [sflag:s1], $0x50  }
0xfb: {  	[sflag:s1] =	ssyncset.done $0x0  }
0xfc: {  	s21 =	simm.s32 $0xA;
	[sflag:s1] =	ssyncadd.s32 $0xFFFFFFB0  }
0xfd: {  	[tilespmem:s5], [sflag:$0x1] =	stream.indirect.gather [hbm4b:s4+s30], $0x80, s16, s30, $0xb8;
	[tilespmem:$0x1F480] =	vst v63  }
0xfe: {  	_ =	swait.ge [sflag:s21], $0x50  }
0xff: {  	[sflag:s21] =	ssyncset.done $0x0  }
0x100: {  	[sflag:s21] =	ssyncadd.s32 $0xFFFFFFB0  }
0x101: {  	_ =	swait.ge [sflag:s21], $0x50  }
0x102: {  	[sflag:s21] =	ssyncset.done $0x0  }
0x103: {  	s28 =	simm.s32 $0xB;
	[sflag:s21] =	ssyncadd.s32 $0xFFFFFFB0  }
0x104: {  	[tilespmem:s13], [sflag:$0x2] =	stream.indirect.gather [hbm4b:s4+s30], $0x80, s6, s30, $0xb8;
	[tilespmem:$0x1F480] =	vst v63  }
0x105: {  	_ =	swait.ge [sflag:s28], $0x50  }
0x106: {  	[sflag:s28] =	ssyncset.done $0x0  }
0x107: {  	[sflag:s28] =	ssyncadd.s32 $0xFFFFFFB0  }
0x108: {  	_ =	swait.ge [sflag:s28], $0x50  }
0x109: {  	[sflag:s28] =	ssyncset.done $0x0  }
0x10a: {  	[sflag:s28] =	ssyncadd.s32 $0xFFFFFFB0  }
0x10b: {  	[tilespmem:s25], [sflag:$0x3] =	stream.indirect.gather [hbm4b:s4+s30], $0x80, s26, s30, $0xb8;
	[tilespmem:$0x1F480] =	vst v63  }
0x10c: {  	_ =	swait.ge [sflag:s0], $0x50  }
0x10d: {  	[sflag:s0] =	ssyncset.done $0x0  }
0x10e: {  	[sflag:s0] =	ssyncadd.s32 $0xFFFFFFB0  }
0x10f: {  	_ =	swait.ge [sflag:s0], $0x50  }
0x110: {  	[sflag:s0] =	ssyncset.done $0x0  }
0x111: {  	s31 =	rddreg [dreg:$0xf];
	[sflag:s0] =	ssyncadd.s32 $0xFFFFFFB0  }
0x112: {  	[tilespmem:s15], [sflag:$0x4] =	stream.indirect.gather [hbm4b:s4+s30], $0x80, s29, s30, $0xb8;
	[tilespmem:$0x1F480] =	vst v63  }
0x113: {  	s29 =	rddreg [dreg:$0xe]  }
0x114: {  	[spmem:s29] =	stream.linear.scatter [tilespmem:s3], [sflag:$0x11], $0x1400, $0x38;
	[tilespmem:$0x1F480] =	vst v63  }
0x115: {  	s1 =	rddreg [dreg:$0x10]  }
0x116: {  	[spmem:s31] =	stream.linear.scatter [tilespmem:s3], [sflag:$0x11], $0x1400, $0x38;
	[tilespmem:$0x1F480] =	vst v63  }
0x117: {  	s5 =	rddreg [dreg:$0x11]  }
0x118: {  	[spmem:s1] =	stream.linear.scatter [tilespmem:s3], [sflag:$0x11], $0x1400, $0x38;
	[tilespmem:$0x1F480] =	vst v63  }
0x119: {  	s6 =	rddreg [dreg:$0x12]  }
0x11a: {  	[spmem:s5] =	stream.linear.scatter [tilespmem:s3], [sflag:$0x11], $0x1400, $0x38;
	[tilespmem:$0x1F480] =	vst v63  }
0x11b: {  	s13 =	rddreg [dreg:$0x13]  }
0x11c: {  	[spmem:s6] =	stream.linear.scatter [tilespmem:s3], [sflag:$0x11], $0x1400, $0x38;
	[tilespmem:$0x1F480] =	vst v63  }
0x11d: {  	s16 =	rddreg [dreg:$0x15]  }
0x11e: {  	[spmem:s13] =	stream.linear.scatter [tilespmem:s3], [sflag:$0x11], $0x1400, $0x38;
	[tilespmem:$0x1F480] =	vst v63  }
0x11f: {  	s15 =	rddreg [dreg:$0x14]  }
0x120: {  	[spmem:s15] =	stream.linear.scatter [tilespmem:s3], [sflag:$0x11], $0x1400, $0x38;
	[tilespmem:$0x1F480] =	vst v63  }
0x121: {  	s19 =	sld [smem:$0x7F7]  }
0x122: {  	[spmem:s16] =	stream.linear.scatter [tilespmem:s3], [sflag:$0x11], $0x1400, $0x38;
	[tilespmem:$0x1F480] =	vst v63  }
0x123: {  	s21 =	sld [smem:$0x7F8]  }
0x124: {  	[spmem:s19] =	stream.linear.scatter [tilespmem:s3], [sflag:$0x11], $0x1400, $0x38;
	[tilespmem:$0x1F480] =	vst v63  }
0x125: {  	s25 =	sld [smem:$0x7F9]  }
0x126: {  	[spmem:s21] =	stream.linear.scatter [tilespmem:s3], [sflag:$0x11], $0x1400, $0x38;
	[tilespmem:$0x1F480] =	vst v63  }
0x127: {  	s26 =	sld [smem:$0x7FA]  }
0x128: {  	[spmem:s25] =	stream.linear.scatter [tilespmem:s3], [sflag:$0x11], $0x1400, $0x38;
	[tilespmem:$0x1F480] =	vst v63  }
0x129: {  	s28 =	sld [smem:$0x7FB]  }
0x12a: {  	[spmem:s26] =	stream.linear.scatter [tilespmem:s3], [sflag:$0x11], $0x1400, $0x38;
	[tilespmem:$0x1F480] =	vst v63  }
0x12b: {  	s29 =	sld [smem:$0x7FC]  }
0x12c: {  	[spmem:s28] =	stream.linear.scatter [tilespmem:s3], [sflag:$0x11], $0x1400, $0x38;
	[tilespmem:$0x1F480] =	vst v63  }
0x12d: {  	s31 =	sld [smem:$0x7FD]  }
0x12e: {  	[spmem:s29] =	stream.linear.scatter [tilespmem:s3], [sflag:$0x11], $0x1400, $0x38;
	[tilespmem:$0x1F480] =	vst v63  }
0x12f: {  	_ = 	snop  }
0x130: {  	[spmem:s31] =	stream.linear.scatter [tilespmem:s3], [sflag:$0x11], $0x1400, $0x38;
	[tilespmem:$0x1F480] =	vst v63  }
0x131: {  	s18 =	simm.s32 @!p0 $0x0;
	s19 =	rddreg [dreg:$0x16]  }
0x132: {  	[spmem:s19] =	stream.linear.scatter @!p0 [tilespmem:s18], [sflag:$0x11], $0x1400, $0x38;
	[tilespmem:$0x1F480] =	vst v63  }
0x133: {  	_ =	swait.ge [sflag:s2], $0x1400  }
0x134: {  	[sflag:s2] =	ssyncset.done $0x0  }
0x135: {  	[sflag:s2] =	ssyncadd.s32 $0xFFFFEC00  }
0x136: {  	_ =	swait.ge [sflag:s2], $0x1400  }
0x137: {  	[sflag:s2] =	ssyncset.done $0x0  }
0x138: {  	[sflag:s2] =	ssyncadd.s32 $0xFFFFEC00  }
0x139: {  	_ =	swait.ge [sflag:s2], $0x1400  }
0x13a: {  	[sflag:s2] =	ssyncset.done $0x0  }
0x13b: {  	[sflag:s2] =	ssyncadd.s32 $0xFFFFEC00  }
0x13c: {  	_ =	swait.ge [sflag:s2], $0x1400  }
0x13d: {  	[sflag:s2] =	ssyncset.done $0x0  }
0x13e: {  	[sflag:s2] =	ssyncadd.s32 $0xFFFFEC00  }
0x13f: {  	_ =	swait.ge [sflag:s2], $0x1400  }
0x140: {  	[sflag:s2] =	ssyncset.done $0x0  }
0x141: {  	[sflag:s2] =	ssyncadd.s32 $0xFFFFEC00  }
0x142: {  	_ =	swait.ge [sflag:s2], $0x1400  }
0x143: {  	[sflag:s2] =	ssyncset.done $0x0  }
0x144: {  	[sflag:s2] =	ssyncadd.s32 $0xFFFFEC00  }
0x145: {  	_ =	swait.ge [sflag:s2], $0x1400  }
0x146: {  	[sflag:s2] =	ssyncset.done $0x0  }
0x147: {  	[sflag:s2] =	ssyncadd.s32 $0xFFFFEC00  }
0x148: {  	_ =	swait.ge [sflag:s2], $0x1400  }
0x149: {  	[sflag:s2] =	ssyncset.done $0x0  }
0x14a: {  	[sflag:s2] =	ssyncadd.s32 $0xFFFFEC00  }
0x14b: {  	_ =	swait.ge [sflag:s2], $0x1400  }
0x14c: {  	[sflag:s2] =	ssyncset.done $0x0  }
0x14d: {  	[sflag:s2] =	ssyncadd.s32 $0xFFFFEC00  }
0x14e: {  	_ =	swait.ge [sflag:s2], $0x1400  }
0x14f: {  	[sflag:s2] =	ssyncset.done $0x0  }
0x150: {  	[sflag:s2] =	ssyncadd.s32 $0xFFFFEC00  }
0x151: {  	_ =	swait.ge [sflag:s2], $0x1400  }
0x152: {  	[sflag:s2] =	ssyncset.done $0x0  }
0x153: {  	[sflag:s2] =	ssyncadd.s32 $0xFFFFEC00  }
0x154: {  	_ =	swait.ge [sflag:s2], $0x1400  }
0x155: {  	[sflag:s2] =	ssyncset.done $0x0  }
0x156: {  	[sflag:s2] =	ssyncadd.s32 $0xFFFFEC00  }
0x157: {  	_ =	swait.ge [sflag:s2], $0x1400  }
0x158: {  	[sflag:s2] =	ssyncset.done $0x0  }
0x159: {  	[sflag:s2] =	ssyncadd.s32 $0xFFFFEC00  }
0x15a: {  	_ =	swait.ge [sflag:s2], $0x1400  }
0x15b: {  	[sflag:s2] =	ssyncset.done $0x0  }
0x15c: {  	[sflag:s2] =	ssyncadd.s32 $0xFFFFEC00  }
0x15d: {  	_ =	swait.ge [sflag:s2], $0x1400  }
0x15e: {  	[sflag:s2] =	ssyncset.done $0x0  }
0x15f: {  	s18 =	simm.s32 @!p2 $0x11;
	[sflag:s2] =	ssyncadd.s32 $0xFFFFEC00  }
0x160: {  	_ =	swait.ge @!p2 [sflag:s18], $0x1400  }
0x161: {  	[sflag:s18] =	ssyncset.done @!p2 $0x0  }
0x162: {  	[sflag:s18] =	ssyncadd.s32 @!p2 $0xFFFFEC00  }
0x163: {  	s16 =	simm.s32 $0x1F000;
	[bflag:$0x0] =	sbarrier.arrive $0xFFFF  }
0x164: {  	s2 =	simm.s32 $0x1F400;
	s18 =	simm.s32 $0x0;
	s19 =	sld [smem:$0x7DE]  }
.LBB2_4:
0x165: {  	_ =	swait.ge [sflag:s7], $0x2800  }
0x166: {  	[sflag:s7] =	ssyncset.done $0x0  }
0x167: {  	[sflag:s7] =	ssyncadd.s32 $0xFFFFD800  }
0x168: {  	s13 =	simm.s32 $0x14C80;
	s5 =	rddreg [dreg:$0x1]  }
0x169: {  	[spmem:s5] =	stream.indirect.scatter.add.f32 [tilespmem:s13], [sflag:$0x5], $0x80, s22, s30, $0xb8;
	[tilespmem:$0x1F480] =	vst v63  }
0x16a: {  	_ =	swait.ge [sflag:s8], $0x2800  }
0x16b: {  	[sflag:s8] =	ssyncset.done $0x0  }
0x16c: {  	[sflag:s8] =	ssyncadd.s32 $0xFFFFD800  }
0x16d: {  	_ =	swait.ge [sflag:s9], $0x50  }
0x16e: {  	[sflag:s9] =	ssyncset.done $0x0  }
0x16f: {  	[sflag:s9] =	ssyncadd.s32 $0xFFFFFFB0  }
0x170: {  	_ =	swait.ge [sflag:s9], $0x50  }
0x171: {  	[sflag:s9] =	ssyncset.done $0x0;
	s21 =	rddreg [dreg:$0x3]  }
0x172: {  	s15 =	sshrl.u32 s19, $0x3;
	s25 =	sld [smem:$0x7DF];
	[sflag:s9] =	ssyncadd.s32 $0xFFFFFFB0  }
0x173: {  	[tilespmem:s13], [sflag:$0x1] =	stream.indirect.gather [hbm4b:s4+s30], $0x80, s20, s30, $0xb8;
	[tilespmem:$0x1F480] =	vst v63  }
0x174: {  	s20 =	sadd.s32 s21, s15;
	s21 =	simm.s32 $0x1EC80  }
0x175: {  	[tilespmem:s21], [sflag:$0x9] =	stream.linear.gather [hbm4b:s20+s3], $0x50, $0x38;
	[tilespmem:$0x1F480] =	vst v63  }
0x176: {  	s20 =	sadd.s32 s18, s25  }
0x177: {  	[tilespmem:s22], [sflag:$0x9] =	stream.linear.gather [hbm4b:s20+s3], $0x50, $0x38;
	[tilespmem:$0x1F480] =	vst v63  }
0x178: {  	_ =	swait.ge [sflag:s10], $0x2800  }
0x179: {  	[sflag:s10] =	ssyncset.done $0x0  }
0x17a: {  	s6 =	simm.s32 $0x1F100;
	s25 =	simm.s32 $0x17480;
	[sflag:s10] =	ssyncadd.s32 $0xFFFFD800  }
0x17b: {  	[spmem:s5] =	stream.indirect.scatter.add.f32 [tilespmem:s25], [sflag:$0x6], $0x80, s6, s30, $0xb8;
	[tilespmem:$0x1F480] =	vst v63  }
0x17c: {  	_ =	swait.ge [sflag:s11], $0x2800  }
0x17d: {  	[sflag:s11] =	ssyncset.done $0x0  }
0x17e: {  	s1 =	simm.s32 $0xE;
	[sflag:s11] =	ssyncadd.s32 $0xFFFFD800  }
0x17f: {  	_ =	swait.ge [sflag:s1], $0x50  }
0x180: {  	[sflag:s1] =	ssyncset.done $0x0  }
0x181: {  	[sflag:s1] =	ssyncadd.s32 $0xFFFFFFB0  }
0x182: {  	_ =	swait.ge [sflag:s1], $0x50  }
0x183: {  	[sflag:s1] =	ssyncset.done $0x0  }
0x184: {  	[sflag:s1] =	ssyncadd.s32 $0xFFFFFFB0;
	s1 =	sld [smem:$0x7DC]  }
0x185: {  	s28 =	simm.s32 $0x1EF00;
	s15 =	sld [smem:$0x7DD]  }
0x186: {  	[tilespmem:s25], [sflag:$0x2] =	stream.indirect.gather [hbm4b:s4+s30], $0x80, s28, s30, $0xb8;
	[tilespmem:$0x1F480] =	vst v63  }
0x187: {  	s22 =	simm.s32 $0x1ED00;
	s20 =	sadd.s32 s18, s1  }
0x188: {  	[tilespmem:s22], [sflag:$0xA] =	stream.linear.gather [hbm4b:s20+s3], $0x50, $0x38;
	[tilespmem:$0x1F480] =	vst v63  }
0x189: {  	s20 =	sadd.s32 s18, s15  }
0x18a: {  	[tilespmem:s6], [sflag:$0xA] =	stream.linear.gather [hbm4b:s20+s3], $0x50, $0x38;
	[tilespmem:$0x1F480] =	vst v63  }
0x18b: {  	_ =	swait.ge [sflag:s24], $0x2800  }
0x18c: {  	[sflag:s24] =	ssyncset.done $0x0  }
0x18d: {  	s15 =	simm.s32 $0x19C80;
	s6 =	simm.s32 $0x1F180;
	[sflag:s24] =	ssyncadd.s32 $0xFFFFD800  }
0x18e: {  	[spmem:s5] =	stream.indirect.scatter.add.f32 [tilespmem:s15], [sflag:$0x7], $0x80, s6, s30, $0xb8;
	[tilespmem:$0x1F480] =	vst v63  }
0x18f: {  	_ =	swait.ge [sflag:s23], $0x2800  }
0x190: {  	[sflag:s23] =	ssyncset.done $0x0  }
0x191: {  	s20 =	simm.s32 $0xF;
	[sflag:s23] =	ssyncadd.s32 $0xFFFFD800  }
0x192: {  	_ =	swait.ge [sflag:s20], $0x50  }
0x193: {  	[sflag:s20] =	ssyncset.done $0x0  }
0x194: {  	[sflag:s20] =	ssyncadd.s32 $0xFFFFFFB0  }
0x195: {  	_ =	swait.ge [sflag:s20], $0x50  }
0x196: {  	[sflag:s20] =	ssyncset.done $0x0  }
0x197: {  	s28 =	simm.s32 $0x1EF80;
	s1 =	sld [smem:$0x7DA];
	[sflag:s20] =	ssyncadd.s32 $0xFFFFFFB0  }
0x198: {  	[tilespmem:s15], [sflag:$0x3] =	stream.indirect.gather [hbm4b:s4+s30], $0x80, s28, s30, $0xb8;
	[tilespmem:$0x1F480] =	vst v63  }
0x199: {  	s28 =	sld [smem:$0x7DB]  }
0x19a: {  	s29 =	simm.s32 $0x1ED80;
	s20 =	sadd.s32 s18, s1  }
0x19b: {  	[tilespmem:s29], [sflag:$0xB] =	stream.linear.gather [hbm4b:s20+s3], $0x50, $0x38;
	[tilespmem:$0x1F480] =	vst v63  }
0x19c: {  	s20 =	sadd.s32 s18, s28  }
0x19d: {  	[tilespmem:s6], [sflag:$0xB] =	stream.linear.gather [hbm4b:s20+s3], $0x50, $0x38;
	[tilespmem:$0x1F480] =	vst v63  }
0x19e: {  	_ =	swait.ge [sflag:s14], $0x2800  }
0x19f: {  	[sflag:s14] =	ssyncset.done $0x0  }
0x1a0: {  	s28 =	simm.s32 $0x1C480;
	s6 =	simm.s32 $0x1F200;
	[sflag:s14] =	ssyncadd.s32 $0xFFFFD800  }
0x1a1: {  	[spmem:s5] =	stream.indirect.scatter.add.f32 [tilespmem:s28], [sflag:$0x8], $0x80, s6, s30, $0xb8;
	[tilespmem:$0x1F480] =	vst v63  }
0x1a2: {  	_ =	swait.ge [sflag:s12], $0x2800  }
0x1a3: {  	[sflag:s12] =	ssyncset.done $0x0  }
0x1a4: {  	[sflag:s12] =	ssyncadd.s32 $0xFFFFD800  }
0x1a5: {  	_ =	swait.ge [sflag:s17], $0x50  }
0x1a6: {  	[sflag:s17] =	ssyncset.done $0x0  }
0x1a7: {  	[sflag:s17] =	ssyncadd.s32 $0xFFFFFFB0  }
0x1a8: {  	_ =	swait.ge [sflag:s17], $0x50  }
0x1a9: {  	[sflag:s17] =	ssyncset.done $0x0  }
0x1aa: {  	s1 =	rddreg [dreg:$0x1f];
	[sflag:s17] =	ssyncadd.s32 $0xFFFFFFB0  }
0x1ab: {  	[tilespmem:s28], [sflag:$0x4] =	stream.indirect.gather [hbm4b:s4+s30], $0x80, s16, s30, $0xb8;
	[tilespmem:$0x1F480] =	vst v63  }
0x1ac: {  	s16 =	sld [smem:$0x7D9]  }
0x1ad: {  	s20 =	sadd.s32 s18, s1;
	s1 =	simm.s32 $0x1EE00  }
0x1ae: {  	[tilespmem:s1], [sflag:$0xC] =	stream.linear.gather [hbm4b:s20+s3], $0x50, $0x38;
	[tilespmem:$0x1F480] =	vst v63  }
0x1af: {  	s20 =	sadd.s32 s18, s16  }
0x1b0: {  	[tilespmem:s6], [sflag:$0xC] =	stream.linear.gather [hbm4b:s20+s3], $0x50, $0x38;
	[tilespmem:$0x1F480] =	vst v63  }
0x1b1: {  	_ =	swait.ge [sflag:s7], $0x2800  }
0x1b2: {  	[sflag:s7] =	ssyncset.done $0x0  }
0x1b3: {  	s6 =	simm.s32 $0x1F280;
	[sflag:s7] =	ssyncadd.s32 $0xFFFFD800  }
0x1b4: {  	[spmem:s5] =	stream.indirect.scatter.add.f32 [tilespmem:s13], [sflag:$0x5], $0x80, s6, s30, $0xb8;
	[tilespmem:$0x1F480] =	vst v63  }
0x1b5: {  	_ =	swait.ge [sflag:s8], $0x2800  }
0x1b6: {  	[sflag:s8] =	ssyncset.done $0x0  }
0x1b7: {  	s20 =	simm.s32 $0x9;
	[sflag:s8] =	ssyncadd.s32 $0xFFFFD800  }
0x1b8: {  	_ =	swait.ge [sflag:s20], $0x50  }
0x1b9: {  	[sflag:s20] =	ssyncset.done $0x0  }
0x1ba: {  	[sflag:s20] =	ssyncadd.s32 $0xFFFFFFB0  }
0x1bb: {  	_ =	swait.ge [sflag:s20], $0x50  }
0x1bc: {  	[sflag:s20] =	ssyncset.done $0x0  }
0x1bd: {  	[sflag:s20] =	ssyncadd.s32 $0xFFFFFFB0  }
0x1be: {  	[tilespmem:s13], [sflag:$0x1] =	stream.indirect.gather [hbm4b:s4+s30], $0x80, s21, s30, $0xb8;
	[tilespmem:$0x1F480] =	vst v63  }
0x1bf: {  	s21 =	rddreg [dreg:$0x1d]  }
0x1c0: {  	s26 =	simm.s32 $0x1EE80;
	s13 =	rddreg [dreg:$0x1e];
	s20 =	sadd.s32 s18, s21  }
0x1c1: {  	[tilespmem:s26], [sflag:$0xD] =	stream.linear.gather [hbm4b:s20+s3], $0x50, $0x38;
	[tilespmem:$0x1F480] =	vst v63  }
0x1c2: {  	s20 =	sadd.s32 s18, s13  }
0x1c3: {  	[tilespmem:s6], [sflag:$0xD] =	stream.linear.gather [hbm4b:s20+s3], $0x50, $0x38;
	[tilespmem:$0x1F480] =	vst v63  }
0x1c4: {  	_ =	swait.ge [sflag:s10], $0x2800  }
0x1c5: {  	[sflag:s10] =	ssyncset.done $0x0  }
0x1c6: {  	s20 =	simm.s32 $0x1F300;
	[sflag:s10] =	ssyncadd.s32 $0xFFFFD800  }
0x1c7: {  	[spmem:s5] =	stream.indirect.scatter.add.f32 [tilespmem:s25], [sflag:$0x6], $0x80, s20, s30, $0xb8;
	[tilespmem:$0x1F480] =	vst v63  }
0x1c8: {  	_ =	swait.ge [sflag:s11], $0x2800  }
0x1c9: {  	[sflag:s11] =	ssyncset.done $0x0  }
0x1ca: {  	s21 =	simm.s32 $0xA;
	[sflag:s11] =	ssyncadd.s32 $0xFFFFD800  }
0x1cb: {  	_ =	swait.ge [sflag:s21], $0x50  }
0x1cc: {  	[sflag:s21] =	ssyncset.done $0x0  }
0x1cd: {  	[sflag:s21] =	ssyncadd.s32 $0xFFFFFFB0  }
0x1ce: {  	_ =	swait.ge [sflag:s21], $0x50  }
0x1cf: {  	[sflag:s21] =	ssyncset.done $0x0  }
0x1d0: {  	p4 =	seq.s32 s18, $0x460;
	s20 =	rddreg [dreg:$0x17];
	[sflag:s21] =	ssyncadd.s32 $0xFFFFFFB0  }
0x1d1: {  	[tilespmem:s25], [sflag:$0x2] =	stream.indirect.gather [hbm4b:s4+s30], $0x80, s22, s30, $0xb8;
	[tilespmem:$0x1F480] =	vst v63  }
0x1d2: {  	s20 =	sadd.s32 @!p4 s18, s20;
	s21 =	simm.s32 @!p4 $0x0;
	s22 =	simm.s32 @!p4 $0x1EF00  }
0x1d3: {  	[tilespmem:s22], [sflag:$0xE] =	stream.linear.gather @!p4 [hbm4b:s20+s21], $0x50, $0x38;
	[tilespmem:$0x1F480] =	vst v63  }
0x1d4: {  	s20 =	rddreg [dreg:$0x18]  }
0x1d5: {  	s22 =	simm.s32 @!p4 $0x1F300;
	s20 =	sadd.s32 @!p4 s18, s20  }
0x1d6: {  	[tilespmem:s22], [sflag:$0xE] =	stream.linear.gather @!p4 [hbm4b:s20+s21], $0x50, $0x38;
	[tilespmem:$0x1F480] =	vst v63  }
0x1d7: {  	_ =	swait.ge [sflag:s24], $0x2800  }
0x1d8: {  	[sflag:s24] =	ssyncset.done $0x0  }
0x1d9: {  	s25 =	simm.s32 $0x1F380;
	[sflag:s24] =	ssyncadd.s32 $0xFFFFD800  }
0x1da: {  	[spmem:s5] =	stream.indirect.scatter.add.f32 [tilespmem:s15], [sflag:$0x7], $0x80, s25, s30, $0xb8;
	[tilespmem:$0x1F480] =	vst v63  }
0x1db: {  	_ =	swait.ge [sflag:s23], $0x2800  }
0x1dc: {  	[sflag:s23] =	ssyncset.done $0x0  }
0x1dd: {  	s26 =	simm.s32 $0xB;
	[sflag:s23] =	ssyncadd.s32 $0xFFFFD800  }
0x1de: {  	_ =	swait.ge [sflag:s26], $0x50  }
0x1df: {  	[sflag:s26] =	ssyncset.done $0x0  }
0x1e0: {  	[sflag:s26] =	ssyncadd.s32 $0xFFFFFFB0  }
0x1e1: {  	_ =	swait.ge [sflag:s26], $0x50  }
0x1e2: {  	[sflag:s26] =	ssyncset.done $0x0  }
0x1e3: {  	s20 =	rddreg [dreg:$0x19];
	[sflag:s26] =	ssyncadd.s32 $0xFFFFFFB0  }
0x1e4: {  	[tilespmem:s15], [sflag:$0x3] =	stream.indirect.gather [hbm4b:s4+s30], $0x80, s29, s30, $0xb8;
	[tilespmem:$0x1F480] =	vst v63  }
0x1e5: {  	s22 =	simm.s32 @!p4 $0x1EF80;
	s20 =	sadd.s32 @!p4 s18, s20  }
0x1e6: {  	[tilespmem:s22], [sflag:$0xF] =	stream.linear.gather @!p4 [hbm4b:s20+s21], $0x50, $0x38;
	[tilespmem:$0x1F480] =	vst v63  }
0x1e7: {  	s20 =	rddreg [dreg:$0x1a]  }
0x1e8: {  	s22 =	simm.s32 @!p4 $0x1F380;
	s20 =	sadd.s32 @!p4 s18, s20  }
0x1e9: {  	[tilespmem:s22], [sflag:$0xF] =	stream.linear.gather @!p4 [hbm4b:s20+s21], $0x50, $0x38;
	[tilespmem:$0x1F480] =	vst v63  }
0x1ea: {  	_ =	swait.ge [sflag:s14], $0x2800  }
0x1eb: {  	[sflag:s14] =	ssyncset.done $0x0  }
0x1ec: {  	[sflag:s14] =	ssyncadd.s32 $0xFFFFD800  }
0x1ed: {  	[spmem:s5] =	stream.indirect.scatter.add.f32 [tilespmem:s28], [sflag:$0x8], $0x80, s2, s30, $0xb8;
	[tilespmem:$0x1F480] =	vst v63  }
0x1ee: {  	_ =	swait.ge [sflag:s12], $0x2800  }
0x1ef: {  	[sflag:s12] =	ssyncset.done $0x0  }
0x1f0: {  	[sflag:s12] =	ssyncadd.s32 $0xFFFFD800  }
0x1f1: {  	_ =	swait.ge [sflag:s0], $0x50  }
0x1f2: {  	[sflag:s0] =	ssyncset.done $0x0  }
0x1f3: {  	s31 =	simm.s32 $0x1F000;
	[sflag:s0] =	ssyncadd.s32 $0xFFFFFFB0  }
.Ltmp3:
0x1f4: {  	s16 =	simm.s32 $0x1EC80;
	_ =	swait.ge [sflag:s0], $0x50;
	(pc) =	sbr.rel @p4 .LBB2_6-.Ltmp3, $4  }
0x1f5: {  	s13 =	simm.s32 $0x17480;
	s6 =	simm.s32 $0x1ED00;
	[sflag:s0] =	ssyncset.done $0x0  }
0x1f6: {  	s25 =	simm.s32 $0x19C80;
	s26 =	simm.s32 $0x1ED80;
	[sflag:s0] =	ssyncadd.s32 $0xFFFFFFB0  }
0x1f7: {  	[tilespmem:s28], [sflag:$0x4] =	stream.indirect.gather [hbm4b:s4+s30], $0x80, s1, s30, $0xb8;
	[tilespmem:$0x1F480] =	vst v63  }
0x1f8: {  	s29 =	simm.s32 $0x1EE00;
	s15 =	simm.s32 $0x1C480;
	s1 =	simm.s32 $0x1F400  }
0x1f9: {  	s20 =	rddreg [dreg:$0x1b]  }
0x1fa: {  	s20 =	sadd.s32 s18, s20  }
0x1fb: {  	[tilespmem:s31], [sflag:$0x10] =	stream.linear.gather [hbm4b:s20+s3], $0x50, $0x38;
	[tilespmem:$0x1F480] =	vst v63  }
.Ltmp4:
0x1fc: {  	_ = 	snop;
	(pc) =	sbr.rel .LBB2_4-.Ltmp4, $4  }
0x1fd: {  	s19 =	sadd.s32 $0x280, s19;
	s31 =	rddreg [dreg:$0x1c]  }
0x1fe: {  	s22 =	simm.s32 $0x1F080;
	s16 =	simm.s32 $0x1F000;
	s20 =	sadd.s32 s18, s31  }
0x1ff: {  	[tilespmem:s1], [sflag:$0x10] =	stream.linear.gather [hbm4b:s20+s3], $0x50, $0x38;
	[tilespmem:$0x1F480] =	vst v63  }
0x200: {  	s2 =	simm.s32 $0x1F400;
	s18 =	sadd.s32 $0x50, s18;
	s20 =	simm.s32 $0x1EE80  }
.LBB2_7:
0x201: {  	_ =	sfence.sel $0x180000  }
0x202: {  	[bflag:$0x0] =	sbarrier.arrive $0xFFFF  }
0x203: {  	_ =	strace $0x9000004A  }
0x204: {  	s0 =	stileid.u32;
	[bflag:$0x2] =	sbarrier.arrive $0xFFFF  }
0x205: {  	p0 =	sne.s32 s0, $0x0;
	s0 =	rddreg [dreg:$0x2]  }
0x206: {  	s0 =	sadd.s32 @!p0 $0x100000, s0  }
0x207: {  	[sflag:s0] =	ssyncadd.tile.s32 @!p0 $0x1;
	_ =	shalt  }
.Lfunc_end2:
_tile_overlayer_lowered:
.L_overlay_start_2:
0x208: {  	(tag) =	ssettag $0x2  }
0x209: {  	s0 =	rddreg [dreg:$0x0];
	s2 =	stileid.u32  }
0x20a: {  	s1 =	rddreg [dreg:$0x1];
	p0 =	sne.s32 s2, $0x0  }
0x20b: {  	s3 =	rddreg [dreg:$0x2];
	[bflag:$0x3] =	sbarrier.arrive $0xFFFF;
	s2 =	simm.s32 @!p0 $0x1C12  }
0x20c: {  	[timem:s3], [sflag:s2] =	dma.local @!p0 [hbm:s0], s1  }
0x20d: {  	s0 =	simm.s32 @!p0 $0x12  }
0x20e: {  	_ =	swait.ge @!p0 [sflag:s0], s1  }
0x20f: {  	s1 =	ssub.s32 @!p0 $0x0, s1;
	[sflag:s0] =	ssyncset.done @!p0 $0x0  }
0x210: {  	[sflag:s0] =	ssyncadd.s32 @!p0 s1  }
0x211: {  	[bflag:$0x3] =	sbarrier.arrive $0xFFFF  }
0x212: {  	_ =	shalt  }

// kernel: kernel.15.cloned.1.call-start
scs
__scs_entry_jumppad:
0x0: {  	(pc) =	sbr.rel $0x88, $3  }
0x1: {  	(tag) =	ssettag $0x0;
	lr =	simm.s32 $0x1  }
0x2: {  	[smem:$0x3F8B] =	sst lr;
	_ =	strace $0xD0000000  }
0x3: {  	_ = 	snop  }
0x4: {  	_ = 	snop  }
0x5: {  	_ = 	snop  }
0x6: {  	_ = 	snop  }
0x7: {  	_ = 	snop  }
__scs_overlays_trampoline_lowered:
0x8: {  	[smem:$0x3F9A] =	sst s0  }
0x9: {  	[smem:$0x3F9B] =	sst s1  }
0xa: {  	[smem:$0x3F9C] =	sst s2  }
0xb: {  	[smem:$0x3F9D] =	sst s3  }
0xc: {  	[smem:$0x3F9E] =	sst s4  }
0xd: {  	[smem:$0x3F9F] =	sst s5  }
0xe: {  	[smem:$0x3FA0] =	sst s6  }
0xf: {  	[smem:$0x3FA1] =	sst s7  }
0x10: {  	[smem:$0x3FA2] =	sst s8  }
0x11: {  	[smem:$0x3FA3] =	sst s9;
	s0 =	simm.s32 @!p0 $0x0  }
0x12: {  	s1 =	sld [smem:$0x3F89];
	s0 =	simm.s32 @p0 $0x1  }
0x13: {  	[smem:$0x3FA4] =	sst s0;
	s0 =	simm.s32 @!p1 $0x0  }
0x14: {  	s2 =	sld [smem:$0x3F88];
	s0 =	simm.s32 @p1 $0x1  }
0x15: {  	[smem:$0x3FA5] =	sst s0;
	s0 =	simm.s32 @!p2 $0x0  }
0x16: {  	s3 =	sld [smem:$0x3FDB];
	s0 =	simm.s32 @p2 $0x1  }
0x17: {  	s4 =	simm.s32 $0x1BF5;
	[smem:$0x3FA7] =	sst s0  }
0x18: {  	s0 =	sld [smem:$0x3F8A];
	_ =	swait.ge [sflag:s4], $0x0  }
0x19: {  	s7 =	sld [smem:$0x3F8B]  }
0x1a: {  	s8 =	sadd.s32 $0xFFFFE003, lr  }
0x1b: {  	s9 =	sadd.s32 $0xFFFFFEF7, lr;
	s5 =	simm.s32 $0xFFFFFFFF;
	p2 =	slt.u32 s8, $0xFFFFF086  }
0x1c: {  	p1 =	slt.u32 s9, $0xF7A;
	s5 =	simm.s32 @!p2 $0x0  }
0x1d: {  	s5 =	simm.s32 @p1 $0x1;
	p0 =	seq.s32 s7, s2  }
0x1e: {  	s7 =	smul.u32 @!p0 $0xF7A, s2;
	p2 =	seq.s32 @!p0 s5, $0x0  }
0x1f: {  	s9 =	smul.u32 $0xF7A, s1;
	s8 =	simm.s32 @!p0 $0x1BF5;
	p2 =	por !p2, p0  }
0x20: {  	[sflag:s8] =	ssyncset.s32 @!p0 $0xFFFFF086;
	s6 =	sadd.s32 @!p0 s3, s7;
	s7 =	simm.s32 @!p0 $0x108  }
0x21: {  	s3 =	sadd.s32 s3, s9;
	s6 =	sadd.s32 @!p0 $0x88, s6;
	s7 =	simm.s32 @p2 $0x1082  }
0x22: {  	[simem:s7], [sflag:s8] =	dma.local @!p0 [hbm:s6], $0xF7A  }
0x23: {  	s9 =	sor.u32 $0xD0000000, s2;
	s6 =	simm.s32 $0x108;
	_ =	swait.ge @!p0 [sflag:s8], $0x0  }
0x24: {  	s3 =	sadd.s32 $0x88, s3;
	s6 =	simm.s32 @!p1 $0x1082;
	[sflag:s4] =	ssyncset.s32 $0xFFFFF086  }
0x25: {  	[simem:s6], [sflag:s4] =	dma.local [hbm:s3], $0xF7A  }
0x26: {  	[smem:$0x3F8B] =	sst s1;
	(tag) =	ssettag s2;
	_ =	strace s9  }
0x27: {  	s1 =	sld [smem:$0x3F9B]  }
0x28: {  	s2 =	sld [smem:$0x3F9C]  }
0x29: {  	s4 =	sld [smem:$0x3F9E]  }
0x2a: {  	p0 =	seq.s32 s5, $0x0;
	s5 =	sld [smem:$0x3F9F]  }
0x2b: {  	s6 =	sld [smem:$0x3FA0]  }
0x2c: {  	s7 =	sld [smem:$0x3FA1]  }
0x2d: {  	s3 =	simm.s32 $0x108;
	s8 =	sld [smem:$0x3FA2]  }
0x2e: {  	s3 =	simm.s32 @!p0 $0x1082;
	s9 =	sld [smem:$0x3FA3]  }
0x2f: {  	lr =	sadd.s32 s0, s3;
	s0 =	sld [smem:$0x3F9A]  }
0x30: {  	s3 =	sld [smem:$0x3F9D]  }
0x31: {  	[smem:$0x3FA6] =	sst s10  }
0x32: {  	s10 =	sld [smem:$0x3FA4];
	_ =	sdelay $0x3  }
0x33: {  	p0 =	seq.s32 s10, $0x1;
	s10 =	sld [smem:$0x3FA6];
	_ =	sdelay $0x3  }
0x34: {  	[smem:$0x3FA6] =	sst s10  }
0x35: {  	s10 =	sld [smem:$0x3FA5];
	_ =	sdelay $0x3  }
0x36: {  	p1 =	seq.s32 s10, $0x1;
	s10 =	sld [smem:$0x3FA6];
	_ =	sdelay $0x3  }
0x37: {  	[smem:$0x3FA6] =	sst s10  }
0x38: {  	s10 =	sld [smem:$0x3FA7]  }
0x39: {  	_ = 	snop;
	(pc) =	sbr.ind lr, $3  }
0x3a: {  	_ = 	snop  }
0x3b: {  	_ = 	snop  }
0x3c: {  	p2 =	seq.s32 s10, $0x1;
	s10 =	sld [smem:$0x3FA6]  }
0x3d: {  	_ =	shalt  }
0x3e: {  	_ =	shalt  }
0x3f: {  	_ =	shalt  }
0x40: {  	_ =	shalt  }
0x41: {  	_ =	shalt  }
0x42: {  	_ =	shalt  }
0x43: {  	_ =	shalt  }
0x44: {  	_ =	shalt  }
0x45: {  	_ =	shalt  }
0x46: {  	_ =	shalt  }
0x47: {  	_ =	shalt  }
0x48: {  	_ =	shalt  }
0x49: {  	_ =	shalt  }
0x4a: {  	_ =	shalt  }
0x4b: {  	_ =	shalt  }
0x4c: {  	_ =	shalt  }
0x4d: {  	_ =	shalt  }
0x4e: {  	_ =	shalt  }
0x4f: {  	_ =	shalt  }
0x50: {  	_ =	shalt  }
0x51: {  	_ =	shalt  }
0x52: {  	_ =	shalt  }
0x53: {  	_ =	shalt  }
0x54: {  	_ =	shalt  }
0x55: {  	_ =	shalt  }
0x56: {  	_ =	shalt  }
0x57: {  	_ =	shalt  }
0x58: {  	_ =	shalt  }
0x59: {  	_ =	shalt  }
0x5a: {  	_ =	shalt  }
0x5b: {  	_ =	shalt  }
0x5c: {  	_ =	shalt  }
0x5d: {  	_ =	shalt  }
0x5e: {  	_ =	shalt  }
0x5f: {  	_ =	shalt  }
0x60: {  	_ =	shalt  }
0x61: {  	_ =	shalt  }
0x62: {  	_ =	shalt  }
0x63: {  	_ =	shalt  }
0x64: {  	_ =	shalt  }
0x65: {  	_ =	shalt  }
0x66: {  	_ =	shalt  }
0x67: {  	_ =	shalt  }
0x68: {  	_ =	shalt  }
0x69: {  	_ =	shalt  }
0x6a: {  	_ =	shalt  }
0x6b: {  	_ =	shalt  }
0x6c: {  	_ =	shalt  }
0x6d: {  	_ =	shalt  }
0x6e: {  	_ =	shalt  }
0x6f: {  	_ =	shalt  }
0x70: {  	_ =	shalt  }
0x71: {  	_ =	shalt  }
0x72: {  	_ =	shalt  }
0x73: {  	_ =	shalt  }
0x74: {  	_ =	shalt  }
0x75: {  	_ =	shalt  }
0x76: {  	_ =	shalt  }
0x77: {  	_ =	shalt  }
0x78: {  	_ =	shalt  }
0x79: {  	_ =	shalt  }
0x7a: {  	_ =	shalt  }
0x7b: {  	_ =	shalt  }
0x7c: {  	_ =	shalt  }
0x7d: {  	_ =	shalt  }
0x7e: {  	_ =	shalt  }
0x7f: {  	_ =	shalt  }
0x80: {  	_ =	shalt  }
0x81: {  	_ =	shalt  }
0x82: {  	_ =	shalt  }
0x83: {  	_ =	shalt  }
0x84: {  	_ =	shalt  }
0x85: {  	_ =	shalt  }
0x86: {  	_ =	shalt  }
0x87: {  	_ =	shalt  }
.Lfunc_end0:
.L_simem_size_0:
called_computation.2_lowered:
.L_overlay_start_0:
0x88: {  	s2 =	sld [smem:$0x3FD9]  }
0x89: {  	s3 =	sld [smem:$0x3FFE];
	_ =	sdelay $0x1  }
0x8a: {  	s1 =	srdreg.scid  }
0x8b: {  	s0 =	sand.u32 $0x1, s1  }
0x8c: {  	s16 =	sshll.u32 s0, $0xA;
	s2 =	sadd.s32 s3, s2  }
0x8d: {  	s2 =	sadd.s32 s2, s16  }
0x8e: {  	[smem:$0x3FB2] =	sst s2  }
0x8f: {  	_ = 	snop  }
0x90: {  	(tm) =	ssettm $0x1  }
0x91: {  	s17 =	sld [smem:$0x3FFB];
	_ =	sdelay $0x3  }
0x92: {  	_ =	strace s17  }
0x93: {  	s2 =	sld [smem:$0x3FFC];
	_ =	sdelay $0x3  }
0x94: {  	_ =	strace s2  }
0x95: {  	s2 =	sld [smem:$0x3FFD];
	_ =	sdelay $0x3  }
0x96: {  	_ =	strace s2  }
0x97: {  	_ =	strace $0x8FFFFFFF  }
0x98: {  	s18 =	sld [smem:$0x3FDB];
	_ =	sdelay $0x1  }
0x99: {  	s19 =	simm.s32 $_scs_section_size  }
0x9a: {  	s4 =	simm.s32 $_size__tile_overlayer_lowered;
	s5 =	simm.s32 $_tile_overlayer_lowered  }
0x9b: {  	s22 =	simm.s32 $0x1BFF;
	s21 =	sshll.u32 s5, $0x1;
	s2 =	sadd.s32 s19, s18  }
0x9c: {  	s6 =	simm.s32 $0x0;
	s20 =	sshll.u32 s4, $0x1;
	s4 =	sadd.s32 s21, s2  }
0x9d: {  	[timem:s6], [sflag:s22] =	dma.local [hbm:s4], s20  }
0x9e: {  	_ =	swait.ge [sflag:s22], s20  }
0x9f: {  	s3 =	ssub.s32 $0x0, s20;
	[sflag:s22] =	ssyncset.done $0x0  }
0xa0: {  	[sflag:s22] =	ssyncadd.s32 s3;
	_ =	sdelay $0x1  }
0xa1: {  	s23 =	simm.s32 $0x1B8B  }
0xa2: {  	_ =	swait.ge [sflag:s23], $0x1  }
0xa3: {  	[sflag:s23] =	ssyncset.done $0x0  }
0xa4: {  	s25 =	simm.s32 $0x1B8E;
	s24 =	sld [smem:$0x3FFE];
	[sflag:s23] =	ssyncadd.s32 $0xFFFFFFFF  }
0xa5: {  	s26 =	simm.s32 $execute0_lowered;
	[smem:$0x3FD2] =	sst s25  }
0xa6: {  	s4 =	sshll.u32 s26, $0x1;
	_ =	strace $0x8000004C;
	[dreg:$0x1] =	wrdreg $0xFFFFFFFF  }
0xa7: {  	s28 =	simm.s32 $_size_execute0_lowered;
	s2 =	sadd.s32 s2, s4;
	[dreg:$0x0] =	wrdreg $0x0  }
0xa8: {  	s4 =	sshll.u32 s28, $0x1;
	[dreg:$0x2] =	wrdreg s2  }
0xa9: {  	[dreg:$0x3] =	wrdreg s4  }
0xaa: {  	[dreg:$0x4] =	wrdreg $0xC0  }
0xab: {  	_ =	task [dreg:s6], $0x5FFFF  }
0xac: {  	[dreg:$0x1] =	wrdreg $0xFFFFFFFF  }
0xad: {  	[dreg:$0x0] =	wrdreg $0x60  }
0xae: {  	[dreg:$0x2] =	wrdreg s24  }
0xaf: {  	[dreg:$0x3] =	wrdreg $0x14000  }
0xb0: {  	[dreg:$0x4] =	wrdreg $0x9  }
0xb1: {  	_ =	task.clear_ibuf [dreg:s6], $0x5FFFF;
	_ =	strace $0x9000004C  }
0xb2: {  	s29 =	simm.s32 $0x9;
	_ =	strace $0x8000004E  }
0xb3: {  	_ =	swait.ge [sflag:s29], $0x1  }
0xb4: {  	[sflag:s29] =	ssyncadd.s32 $0xFFFFFFFF  }
0xb5: {  	_ =	strace $0x9000004E  }
0xb6: {  	_ =	sfence  }
0xb7: {  	s30 =	sld [smem:$0x0];
	_ =	sdelay $0x2  }
0xb8: {  	s31 =	sshll.u32 s1, $0xD;
	s1 =	sshrl.u32 s1, $0x2  }
0xb9: {  	s3 =	sand.u32 $0x4000, s31;
	s1 =	sadd.s32 s1, s30  }
0xba: {  	s0 =	sor.u32 s3, s0;
	s1 =	sshll.u32 s1, $0x11  }
0xbb: {  	s0 =	sor.u32 s1, s0  }
0xbc: {  	s0 =	sadd.s32 $0x8F2B, s0  }
0xbd: {  	[sflag:s0] =	ssyncadd.remote.s32 $0x1  }
0xbe: {  	_ =	sfence.sel $0xFFFF  }
0xbf: {  	[dreg:$0x0] =	wrdreg $0xFFFFFFFF;
	(pc) =	sbr.abs _section_cstart, $3  }
0xc0: {  	[dreg:$0x1] =	wrdreg $0xFFFFFFFF  }
0xc1: {  	_ =	task.clear_ibuf [dreg:s6], $0x2FFFF;
	_ =	strace $0x9FFFFFFF  }
0xc2: {  	(tm) =	ssettm $0x7FFFFFFF  }
0xc3: {  	_ =	shalt  }
tec
execute0_lowered:
.L_overlay_start_1:
0x0: {  	(tag) =	ssettag $0x1  }
0x1: {  	s21 =	stileid.u32  }
0x2: {  	s1 =	srdreg.scid;
	s13 =	smul.u32 $0x500, s21  }
0x3: {  	s11 =	sand.u32 $0x1, s1;
	s23 =	smul.u32 $0x4E20, s21  }
0x4: {  	s0 =	rddreg [dreg:$0x0];
	s5 =	sor.u32 $0x20, s21;
	s6 =	smul.u32 $0x27100, s11  }
0x5: {  	s2 =	rddreg [dreg:$0x1];
	s7 =	sor.u32 $0x30, s21;
	s15 =	smul.u32 $0x500, s5  }
0x6: {  	s3 =	simm.s32 $0x0;
	s8 =	sor.u32 $0x40, s21;
	s16 =	smul.u32 $0x500, s7  }
0x7: {  	s25 =	sshll.u32 s21, $0x1;
	s9 =	sor.u32 $0x50, s21;
	s17 =	smul.u32 $0x500, s8  }
0x8: {  	[smem:$0x7FF] =	sst s3;
	s4 =	sadd.s32 $0x17E00, s0;
	s19 =	smul.u32 $0x500, s9  }
0x9: {  	s1 =	sor.u32 s11, s25;
	s26 =	ssub.s32 $0x2, s11;
	s11 =	smul.u32 $0x2710, s11  }
0xa: {  	s22 =	sadd.s32 $0x4400, s0;
	s12 =	smul.u32 $0x2710, s1;
	s1 =	sor.u32 $0x10, s21  }
0xb: {  	p2 =	sgt.u32 s21, $0x9;
	s10 =	sshrl.u32 s26, $0x1;
	s14 =	smul.u32 $0x500, s1  }
0xc: {  	s0 =	sadd.s32 s6, s0;
	s18 =	ssub.s32 s26, s10;
	s10 =	sor.u32 $0x60, s21  }
0xd: {  	_ =	strace $0x8000004D;
	s0 =	sadd.s32 $0x3F000, s0;
	s20 =	smul.u32 $0x500, s10  }
0xe: {  	[dreg:$0x3] =	wrdreg s22;
	s24 =	sadd.s32 s0, s17;
	s17 =	smul.u32 $0x5000, s1  }
0xf: {  	s25 =	sadd.s32 s0, s19;
	s19 =	smax.u32 s18, $0x1;
	s18 =	smul.u32 $0x5000, s10  }
0x10: {  	s6 =	sor.u32 $0x70, s21;
	s13 =	sadd.s32 s0, s13;
	s10 =	smul.u32 $0xA000, s10  }
0x11: {  	s16 =	sadd.s32 s0, s16;
	[dreg:$0x4] =	wrdreg s13;
	s13 =	smul.u32 $0x500, s6  }
0x12: {  	s14 =	sadd.s32 s0, s14;
	[dreg:$0x7] =	wrdreg s16;
	s16 =	smul.u32 $0x5000, s21  }
0x13: {  	[dreg:$0x5] =	wrdreg s14;
	s26 =	sadd.s32 s0, s20;
	s20 =	smul.u32 $0x5000, s5  }
0x14: {  	p3 =	sgt.u32 s21, $0xC;
	[dreg:$0x8] =	wrdreg s24;
	s24 =	smul.u32 $0x5000, s8  }
0x15: {  	s15 =	sadd.s32 s0, s15;
	[dreg:$0xd] =	wrdreg s19;
	s19 =	smul.u32 $0x5000, s6  }
0x16: {  	s12 =	sshrl.u32 s12, $0x3;
	[dreg:$0x6] =	wrdreg s15;
	s8 =	smul.u32 $0xA000, s8  }
0x17: {  	p1 =	sgt.u32 s6, $0x7C;
	[dreg:$0x9] =	wrdreg s25;
	s6 =	smul.u32 $0xA000, s6  }
0x18: {  	s15 =	sadd.s32 s22, s12;
	[dreg:$0xa] =	wrdreg s26;
	s26 =	smul.u32 $0x5000, s9  }
0x19: {  	s9 =	smul.u32 $0xA000, s9;
	s10 =	sshrl.u32 s10, $0x2;
	[dreg:$0xc] =	wrdreg s15  }
0x1a: {  	s0 =	sadd.s32 s0, s13;
	s13 =	sshrl.u32 s16, $0x2;
	s12 =	sshrl.u32 s20, $0x2  }
0x1b: {  	s20 =	sor.u32 $0xF0, s21;
	s8 =	sshrl.u32 s8, $0x2;
	s10 =	sadd.s32 s10, s2  }
0x1c: {  	s6 =	sshrl.u32 s6, $0x2;
	[dreg:$0xb] =	wrdreg s0;
	s0 =	sadd.s32 s11, s23  }
0x1d: {  	s11 =	sshrl.u32 s17, $0x2;
	s23 =	smul.u32 $0x5000, s7;
	s16 =	sadd.s32 s13, s2  }
0x1e: {  	s12 =	sadd.s32 s12, s2;
	s17 =	sshrl.u32 s26, $0x2;
	p0 =	sgt.u32 s20, $0xF9  }
0x1f: {  	s9 =	sshrl.u32 s9, $0x2;
	s8 =	sadd.s32 s8, s2;
	[dreg:$0x10] =	wrdreg s12  }
0x20: {  	s6 =	sadd.s32 s6, s2;
	s11 =	sadd.s32 s11, s2;
	[dreg:$0xe] =	wrdreg s16  }
0x21: {  	s12 =	sshrl.u32 s18, $0x2;
	s9 =	sadd.s32 s9, s2;
	[dreg:$0xf] =	wrdreg s11  }
0x22: {  	s25 =	sshrl.u32 s23, $0x2;
	s11 =	sshrl.u32 s24, $0x2;
	s12 =	sadd.s32 s12, s2  }
0x23: {  	s23 =	smul.u32 $0xA000, s21;
	s21 =	sadd.s32 $0xB4000, s16;
	[dreg:$0x14] =	wrdreg s12  }
0x24: {  	s13 =	sadd.s32 s25, s2;
	s25 =	smul.u32 $0xA000, s1;
	[smem:$0x7F8] =	sst s21  }
0x25: {  	s11 =	sadd.s32 s11, s2;
	s12 =	smul.u32 $0xA000, s5;
	[dreg:$0x11] =	wrdreg s13  }
0x26: {  	[dreg:$0x12] =	wrdreg s11;
	s11 =	sadd.s32 s17, s2;
	s13 =	smul.u32 $0x5000, s20  }
0x27: {  	s17 =	smul.u32 $0xA000, s7;
	s20 =	sadd.s32 $0x410, s0;
	[dreg:$0x13] =	wrdreg s11  }
0x28: {  	s11 =	sshrl.u32 s19, $0x2;
	s14 =	sshrl.u32 s25, $0x2;
	s18 =	sshrl.u32 s12, $0x2  }
0x29: {  	s12 =	sshrl.u32 s20, $0x3;
	s25 =	sadd.s32 $0x460, s0;
	s11 =	sadd.s32 s11, s2  }
0x2a: {  	s24 =	sshrl.u32 s13, $0x2;
	s5 =	sadd.s32 s14, s2;
	s7 =	sadd.s32 s18, s2  }
0x2b: {  	s19 =	sshrl.u32 s17, $0x2;
	s12 =	sadd.s32 s12, s22;
	s17 =	sadd.s32 $0x4B0, s0  }
0x2c: {  	s13 =	sadd.s32 $0x9C72, s15;
	[dreg:$0x15] =	wrdreg s11;
	s26 =	sadd.s32 s24, s2  }
0x2d: {  	s11 =	sshrl.u32 s23, $0x2;
	s23 =	sadd.s32 $0x4E610, s0;
	[dreg:$0x17] =	wrdreg s12  }
0x2e: {  	s18 =	sshrl.u32 s17, $0x3;
	s17 =	sadd.s32 $0x4E570, s0;
	[smem:$0x7F2] =	sst s13  }
0x2f: {  	[dreg:$0x16] =	wrdreg s26;
	s1 =	sadd.s32 s11, s2;
	s11 =	sadd.s32 s19, s2  }
0x30: {  	s24 =	sshrl.u32 s23, $0x3;
	s26 =	sshrl.u32 s25, $0x3;
	s2 =	sadd.s32 $0x4E660, s0  }
0x31: {  	s19 =	sadd.s32 $0x4E6B0, s0;
	s23 =	sadd.s32 $0x3C0, s0;
	s25 =	sadd.s32 $0x4E5C0, s0  }
0x32: {  	s12 =	sadd.s32 s24, s22;
	s14 =	sshrl.u32 s2, $0x3;
	s20 =	sshrl.u32 s19, $0x3  }
0x33: {  	s24 =	sshrl.u32 s23, $0x3;
	s2 =	sadd.s32 $0x370, s0;
	s19 =	sadd.s32 $0x320, s0  }
0x34: {  	s23 =	sadd.s32 $0x4E520, s0;
	[dreg:$0x18] =	wrdreg s12;
	s12 =	sadd.s32 s26, s22  }
0x35: {  	s26 =	sshrl.u32 s25, $0x3;
	s25 =	sadd.s32 $0x2D0, s0;
	[dreg:$0x19] =	wrdreg s12  }
0x36: {  	s12 =	sadd.s32 s14, s22;
	s14 =	sshrl.u32 s2, $0x3;
	s2 =	sadd.s32 $0x4E4D0, s0  }
0x37: {  	[dreg:$0x1a] =	wrdreg s12;
	s12 =	sadd.s32 s18, s22;
	s18 =	sshrl.u32 s17, $0x3  }
0x38: {  	s17 =	sadd.s32 $0x4E480, s0;
	s0 =	sadd.s32 $0x280, s0;
	[dreg:$0x1b] =	wrdreg s12  }
0x39: {  	s12 =	sadd.s32 s20, s22;
	[smem:$0x7DE] =	sst s0  }
0x3a: {  	s20 =	sshrl.u32 s19, $0x3;
	s19 =	sshrl.u32 s1, $0x3;
	[dreg:$0x1c] =	wrdreg s12  }
0x3b: {  	s1 =	sadd.s32 $0x9C40, s15;
	[smem:$0x7E0] =	sst s19  }
0x3c: {  	s12 =	sadd.s32 s24, s22;
	[smem:$0x7E8] =	sst s1  }
0x3d: {  	s24 =	sshrl.u32 s23, $0x3;
	s23 =	sshrl.u32 s11, $0x3;
	[dreg:$0x1d] =	wrdreg s12  }
0x3e: {  	s11 =	sadd.s32 $0x9C68, s15;
	[smem:$0x7E3] =	sst s23  }
0x3f: {  	s19 =	sadd.s32 $0x9C86, s15;
	[smem:$0x7F0] =	sst s11  }
0x40: {  	s12 =	sadd.s32 s26, s22;
	[smem:$0x7F6] =	sst s19  }
0x41: {  	s26 =	sshrl.u32 s25, $0x3;
	s25 =	sshrl.u32 s9, $0x3;
	[dreg:$0x1e] =	wrdreg s12  }
0x42: {  	s9 =	sadd.s32 $0x9C5E, s15;
	[smem:$0x7E5] =	sst s25  }
0x43: {  	s23 =	sadd.s32 $0xDC000, s16;
	[smem:$0x7EE] =	sst s9  }
0x44: {  	s12 =	sadd.s32 s14, s22;
	[smem:$0x7FA] =	sst s23  }
0x45: {  	s14 =	sshrl.u32 s2, $0x3;
	s2 =	sadd.s32 $0xA, s15;
	[dreg:$0x1f] =	wrdreg s12  }
0x46: {  	s31 =	simm.s32 $0x1F100;
	s25 =	sadd.s32 $0x104000, s16;
	[smem:$0x7E9] =	sst s2  }
0x47: {  	s29 =	simm.s32 $0x1EE00;
	s12 =	sadd.s32 s18, s22;
	[smem:$0x7FC] =	sst s25  }
0x48: {  	s18 =	sshrl.u32 s17, $0x3;
	s17 =	sadd.s32 $0x9C7C, s15;
	[smem:$0x7D9] =	sst s12  }
0x49: {  	s30 =	simm.s32 $0x50;
	s12 =	sadd.s32 s20, s22;
	[smem:$0x7F4] =	sst s17  }
0x4a: {  	s28 =	simm.s32 $0x0;
	s0 =	sadd.s32 s18, s22;
	[smem:$0x7DA] =	sst s12  }
0x4b: {  	s21 =	simm.s32 $0x1F280;
	s20 =	sshrl.u32 s5, $0x3;
	[smem:$0x7DF] =	sst s0  }
0x4c: {  	s13 =	simm.s32 $0x17480;
	s5 =	sadd.s32 $0x9C4A, s15;
	[smem:$0x7E1] =	sst s20  }
0x4d: {  	s1 =	simm.s32 $0x1F200;
	s18 =	sadd.s32 $0x46, s15;
	[smem:$0x7EA] =	sst s5  }
0x4e: {  	s19 =	simm.s32 $0x1F180;
	s12 =	sadd.s32 s24, s22;
	[smem:$0x7F5] =	sst s18  }
0x4f: {  	s11 =	simm.s32 $0x6;
	s24 =	sshrl.u32 s8, $0x3;
	[smem:$0x7DB] =	sst s12  }
0x50: {  	s9 =	simm.s32 $0xD;
	s0 =	sshrl.u32 @!p1 s6, $0x3;
	[smem:$0x7E4] =	sst s24  }
0x51: {  	s23 =	simm.s32 $0x7;
	s6 =	sadd.s32 $0x14, s15;
	[smem:$0x7E7] =	sst s0  }
0x52: {  	s25 =	simm.s32 $0x19C80;
	s8 =	sadd.s32 $0x1E, s15;
	[smem:$0x7EB] =	sst s6  }
0x53: {  	s2 =	simm.s32 $0x11;
	s20 =	sadd.s32 $0xA0000, s16;
	[smem:$0x7ED] =	sst s8  }
0x54: {  	s17 =	simm.s32 $0x10;
	s12 =	sadd.s32 s26, s22;
	[smem:$0x7F7] =	sst s20  }
0x55: {  	s5 =	simm.s32 $0x14C80;
	s26 =	sshrl.u32 s10, $0x3;
	[smem:$0x7DC] =	sst s12  }
0x56: {  	s10 =	sadd.s32 $0x28, s15;
	s24 =	sadd.s32 $0xF0000, s16;
	[smem:$0x7E6] =	sst s26  }
0x57: {  	s6 =	simm.s32 $0x1ED00;
	s20 =	simm.s32 $0x1EE80;
	[smem:$0x7EF] =	sst s10  }
0x58: {  	s0 =	simm.s32 $0xC;
	s12 =	sadd.s32 s14, s22;
	[smem:$0x7FB] =	sst s24  }
0x59: {  	s8 =	simm.s32 $0x5;
	s22 =	sshrl.u32 s7, $0x3;
	[smem:$0x7DD] =	sst s12  }
0x5a: {  	s7 =	sadd.s32 $0x9C54, s15;
	s14 =	sadd.s32 $0x3C, s15;
	[smem:$0x7E2] =	sst s22  }
0x5b: {  	s26 =	sadd.s32 $0x118000, s16;
	s10 =	simm.s32 $0x2;
	[smem:$0x7EC] =	sst s7  }
.Ltmp0:
0x5c: {  	s24 =	simm.s32 $0x3;
	[smem:$0x7F3] =	sst s14;
	(pc) =	sbr.rel .LBB2_1-.Ltmp0, $4  }
0x5d: {  	s12 =	sadd.s32 $0x32, s15;
	s22 =	sadd.s32 $0xC8000, s16;
	[smem:$0x7FD] =	sst s26  }
0x5e: {  	s16 =	simm.s32 $0x1EC80;
	s26 =	simm.s32 $0x1ED80;
	s15 =	simm.s32 $0x1C480  }
0x5f: {  	s7 =	simm.s32 $0x1;
	s14 =	simm.s32 $0x4;
	[smem:$0x7F1] =	sst s12  }
0x60: {  	v0 =	vimm.f32 $0.0e+00;
	[smem:$0x7F9] =	sst s22;
	s22 =	simm.s32 $0x1F080;
	s12 =	simm.s32 $0x8  }
.LBB2_6:
0x61: {  	_ =	swait.ge [sflag:s7], $0x2800  }
0x62: {  	[sflag:s7] =	ssyncset.done $0x0  }
0x63: {  	[sflag:s7] =	ssyncadd.s32 $0xFFFFD800  }
0x64: {  	s22 =	simm.s32 $0x1F080;
	s19 =	simm.s32 $0x14C80;
	s2 =	rddreg [dreg:$0x1]  }
0x65: {  	[spmem:s2] =	stream.indirect.scatter.add.f32 [tilespmem:s19], [sflag:$0x5], $0x80, s22, s30, $0xb8;
	[tilespmem:$0x1F480] =	vst v63  }
0x66: {  	_ =	swait.ge [sflag:s8], $0x2800  }
0x67: {  	[sflag:s8] =	ssyncset.done $0x0  }
0x68: {  	[sflag:s8] =	ssyncadd.s32 $0xFFFFD800  }
0x69: {  	_ =	swait.ge [sflag:s9], $0x50  }
0x6a: {  	[sflag:s9] =	ssyncset.done $0x0  }
0x6b: {  	[sflag:s9] =	ssyncadd.s32 $0xFFFFFFB0  }
0x6c: {  	_ =	swait.ge [sflag:s9], $0x50  }
0x6d: {  	[sflag:s9] =	ssyncset.done $0x0  }
0x6e: {  	s1 =	simm.s32 $0x1EE80;
	[sflag:s9] =	ssyncadd.s32 $0xFFFFFFB0  }
0x6f: {  	[tilespmem:s19], [sflag:$0x1] =	stream.indirect.gather [hbm4b:s4+s30], $0x80, s1, s30, $0xb8;
	[tilespmem:$0x1F480] =	vst v63  }
0x70: {  	_ =	swait.ge [sflag:s10], $0x2800  }
0x71: {  	[sflag:s10] =	ssyncset.done $0x0  }
0x72: {  	s31 =	simm.s32 $0x1F100;
	[sflag:s10] =	ssyncadd.s32 $0xFFFFD800  }
0x73: {  	[spmem:s2] =	stream.indirect.scatter.add.f32 [tilespmem:s13], [sflag:$0x6], $0x80, s31, s30, $0xb8;
	[tilespmem:$0x1F480] =	vst v63  }
0x74: {  	_ =	swait.ge [sflag:s24], $0x2800  }
0x75: {  	[sflag:s24] =	ssyncset.done $0x0  }
0x76: {  	s18 =	simm.s32 $0x1F180;
	[sflag:s24] =	ssyncadd.s32 $0xFFFFD800  }
0x77: {  	[spmem:s2] =	stream.indirect.scatter.add.f32 [tilespmem:s25], [sflag:$0x7], $0x80, s18, s30, $0xb8;
	[tilespmem:$0x1F480] =	vst v63  }
0x78: {  	_ =	swait.ge [sflag:s14], $0x2800  }
0x79: {  	[sflag:s14] =	ssyncset.done $0x0  }
0x7a: {  	s21 =	simm.s32 $0x1F200;
	[sflag:s14] =	ssyncadd.s32 $0xFFFFD800  }
0x7b: {  	[spmem:s2] =	stream.indirect.scatter.add.f32 [tilespmem:s15], [sflag:$0x8], $0x80, s21, s30, $0xb8;
	[tilespmem:$0x1F480] =	vst v63  }
0x7c: {  	_ =	swait.ge [sflag:s7], $0x2800  }
0x7d: {  	[sflag:s7] =	ssyncset.done $0x0  }
0x7e: {  	s21 =	simm.s32 $0x1F280;
	[sflag:s7] =	ssyncadd.s32 $0xFFFFD800  }
0x7f: {  	[spmem:s2] =	stream.indirect.scatter.add.f32 [tilespmem:s19], [sflag:$0x5], $0x80, s21, s30, $0xb8;
	[tilespmem:$0x1F480] =	vst v63  }
0x80: {  	_ =	swait.ge [sflag:s11], $0x2800  }
0x81: {  	[sflag:s11] =	ssyncset.done $0x0  }
0x82: {  	[sflag:s11] =	ssyncadd.s32 $0xFFFFD800  }
0x83: {  	_ =	swait.ge [sflag:s23], $0x2800  }
0x84: {  	[sflag:s23] =	ssyncset.done $0x0  }
0x85: {  	[sflag:s23] =	ssyncadd.s32 $0xFFFFD800  }
0x86: {  	_ =	swait.ge [sflag:s12], $0x2800  }
0x87: {  	[sflag:s12] =	ssyncset.done $0x0  }
0x88: {  	[sflag:s12] =	ssyncadd.s32 $0xFFFFD800  }
0x89: {  	_ =	swait.ge [sflag:s8], $0x2800  }
0x8a: {  	[sflag:s8] =	ssyncset.done $0x0  }
0x8b: {  	[sflag:s8] =	ssyncadd.s32 $0xFFFFD800  }
0x8c: {  	[bflag:$0x0] =	sbarrier.arrive $0xFFFF  }
0x8d: {  	s1 =	stileid.u32;
	s20 =	sld [smem:$0x7E0]  }
0x8e: {  	s18 =	sshll.u32 s1, $0x6  }
0x8f: {  	s18 =	sor.u32 $0x1C11, s18;
	s2 =	rddreg [dreg:$0x4]  }
0x90: {  	[hbm:s2], [sflag:s18] =	dma.local [spmem:s20], $0x500  }
0x91: {  	s20 =	sld [smem:$0x7E1];
	_ =	sdelay $0x1  }
0x92: {  	s19 =	rddreg [dreg:$0x5]  }
0x93: {  	[hbm:s19], [sflag:s18] =	dma.local [spmem:s20], $0x500  }
0x94: {  	s20 =	sld [smem:$0x7E2];
	_ =	sdelay $0x1  }
0x95: {  	s19 =	rddreg [dreg:$0x6]  }
0x96: {  	[hbm:s19], [sflag:s18] =	dma.local [spmem:s20], $0x500  }
0x97: {  	s20 =	sld [smem:$0x7E3];
	_ =	sdelay $0x1  }
0x98: {  	s19 =	rddreg [dreg:$0x7]  }
0x99: {  	[hbm:s19], [sflag:s18] =	dma.local [spmem:s20], $0x500  }
0x9a: {  	s20 =	sld [smem:$0x7E4];
	_ =	sdelay $0x1  }
0x9b: {  	s19 =	rddreg [dreg:$0x8]  }
0x9c: {  	[hbm:s19], [sflag:s18] =	dma.local [spmem:s20], $0x500  }
0x9d: {  	s20 =	sld [smem:$0x7E5];
	_ =	sdelay $0x1  }
0x9e: {  	s19 =	rddreg [dreg:$0x9]  }
0x9f: {  	[hbm:s19], [sflag:s18] =	dma.local [spmem:s20], $0x500  }
0xa0: {  	s20 =	sld [smem:$0x7E6];
	_ =	sdelay $0x1  }
0xa1: {  	s19 =	rddreg [dreg:$0xa]  }
0xa2: {  	[hbm:s19], [sflag:s18] =	dma.local [spmem:s20], $0x500  }
0xa3: {  	s20 =	sld [smem:$0x7E7];
	_ =	sdelay $0x1  }
0xa4: {  	s2 =	simm.s32 $0x11;
	s19 =	rddreg [dreg:$0xb]  }
0xa5: {  	[hbm:s19], [sflag:s18] =	dma.local @!p1 [spmem:s20], $0x500  }
0xa6: {  	_ =	swait.ge [sflag:s2], $0x500  }
0xa7: {  	[sflag:s2] =	ssyncset.done $0x0  }
0xa8: {  	[sflag:s2] =	ssyncadd.s32 $0xFFFFFB00  }
0xa9: {  	_ =	swait.ge [sflag:s2], $0x500  }
0xaa: {  	[sflag:s2] =	ssyncset.done $0x0  }
0xab: {  	[sflag:s2] =	ssyncadd.s32 $0xFFFFFB00  }
0xac: {  	_ =	swait.ge [sflag:s2], $0x500  }
0xad: {  	[sflag:s2] =	ssyncset.done $0x0  }
0xae: {  	[sflag:s2] =	ssyncadd.s32 $0xFFFFFB00  }
0xaf: {  	_ =	swait.ge [sflag:s2], $0x500  }
0xb0: {  	[sflag:s2] =	ssyncset.done $0x0  }
0xb1: {  	[sflag:s2] =	ssyncadd.s32 $0xFFFFFB00  }
0xb2: {  	_ =	swait.ge [sflag:s2], $0x500  }
0xb3: {  	[sflag:s2] =	ssyncset.done $0x0  }
0xb4: {  	[sflag:s2] =	ssyncadd.s32 $0xFFFFFB00  }
0xb5: {  	_ =	swait.ge [sflag:s2], $0x500  }
0xb6: {  	[sflag:s2] =	ssyncset.done $0x0  }
0xb7: {  	[sflag:s2] =	ssyncadd.s32 $0xFFFFFB00  }
0xb8: {  	_ =	swait.ge [sflag:s2], $0x500  }
0xb9: {  	[sflag:s2] =	ssyncset.done $0x0  }
0xba: {  	s18 =	simm.s32 @!p3 $0x11;
	[sflag:s2] =	ssyncadd.s32 $0xFFFFFB00  }
0xbb: {  	_ =	swait.ge @!p3 [sflag:s18], $0x500  }
0xbc: {  	s28 =	sld [smem:$0x7D8];
	_ =	sdelay $0x2  }
0xbd: {  	s19 =	rddreg [dreg:$0xd];
	s28 =	sadd.s32 $0x1, s28  }
0xbe: {  	p4 =	sne.s32 s28, s19  }
.Ltmp1:
0xbf: {  	_ = 	snop;
	(pc) =	sbr.rel @!p4 .LBB2_7-.Ltmp1, $3  }
0xc0: {  	_ =	sdelay $0x1  }
0xc1: {  	s5 =	simm.s32 $0x14C80;
	s1 =	simm.s32 $0x1F200;
	[sflag:s18] =	ssyncset.done @!p3 $0x0  }
0xc2: {  	s20 =	simm.s32 $0x1EE80;
	[sflag:s18] =	ssyncadd.s32 @!p3 $0xFFFFFB00;
	s19 =	simm.s32 $0x1F180  }
.LBB2_1:
0xc3: {  	[smem:$0x7D8] =	sst s28  }
0xc4: {  	s18 =	rddreg [dreg:$0xc]  }
0xc5: {  	s28 =	sld [smem:$0x7E8]  }
0xc6: {  	[tilespmem:s16], [sflag:$0x9] =	stream.linear.gather [hbm4b:s18+s3], $0x50, $0x38;
	[tilespmem:$0x1F480] =	vst v63  }
0xc7: {  	_ = 	snop  }
0xc8: {  	[tilespmem:s22], [sflag:$0x9] =	stream.linear.gather [hbm4b:s28+s3], $0x50, $0x38;
	[tilespmem:$0x1F480] =	vst v63  }
0xc9: {  	s28 =	sld [smem:$0x7E9];
	_ =	sdelay $0x2  }
0xca: {  	[tilespmem:s6], [sflag:$0xA] =	stream.linear.gather [hbm4b:s28+s3], $0x50, $0x38;
	[tilespmem:$0x1F480] =	vst v63  }
0xcb: {  	s28 =	sld [smem:$0x7EA];
	_ =	sdelay $0x2  }
0xcc: {  	[tilespmem:s31], [sflag:$0xA] =	stream.linear.gather [hbm4b:s28+s3], $0x50, $0x38;
	[tilespmem:$0x1F480] =	vst v63  }
0xcd: {  	s28 =	sld [smem:$0x7EB];
	_ =	sdelay $0x1  }
0xce: {  	s31 =	sld [smem:$0x7EC]  }
0xcf: {  	[tilespmem:s26], [sflag:$0xB] =	stream.linear.gather [hbm4b:s28+s3], $0x50, $0x38;
	[tilespmem:$0x1F480] =	vst v63  }
0xd0: {  	_ = 	snop  }
0xd1: {  	[tilespmem:s19], [sflag:$0xB] =	stream.linear.gather [hbm4b:s31+s3], $0x50, $0x38;
	[tilespmem:$0x1F480] =	vst v63  }
0xd2: {  	s19 =	sld [smem:$0x7ED];
	_ =	sdelay $0x1  }
0xd3: {  	s28 =	sld [smem:$0x7EE]  }
0xd4: {  	[tilespmem:s29], [sflag:$0xC] =	stream.linear.gather [hbm4b:s19+s3], $0x50, $0x38;
	[tilespmem:$0x1F480] =	vst v63  }
0xd5: {  	s31 =	sld [smem:$0x7EF]  }
0xd6: {  	[tilespmem:s1], [sflag:$0xC] =	stream.linear.gather [hbm4b:s28+s3], $0x50, $0x38;
	[tilespmem:$0x1F480] =	vst v63  }
0xd7: {  	s1 =	sld [smem:$0x7F0]  }
0xd8: {  	[tilespmem:s20], [sflag:$0xD] =	stream.linear.gather [hbm4b:s31+s3], $0x50, $0x38;
	[tilespmem:$0x1F480] =	vst v63  }
0xd9: {  	s19 =	sld [smem:$0x7F1]  }
0xda: {  	[tilespmem:s21], [sflag:$0xD] =	stream.linear.gather [hbm4b:s1+s3], $0x50, $0x38;
	[tilespmem:$0x1F480] =	vst v63  }
0xdb: {  	s28 =	sld [smem:$0x7F2];
	s21 =	simm.s32 $0x1EF00  }
0xdc: {  	[tilespmem:s21], [sflag:$0xE] =	stream.linear.gather [hbm4b:s19+s3], $0x50, $0x38;
	[tilespmem:$0x1F480] =	vst v63  }
0xdd: {  	s31 =	simm.s32 $0x1F300;
	s19 =	sld [smem:$0x7F3]  }
0xde: {  	[tilespmem:s31], [sflag:$0xE] =	stream.linear.gather [hbm4b:s28+s3], $0x50, $0x38;
	[tilespmem:$0x1F480] =	vst v63  }
0xdf: {  	s21 =	simm.s32 $0x1EF80;
	s28 =	sld [smem:$0x7F4]  }
0xe0: {  	[tilespmem:s21], [sflag:$0xF] =	stream.linear.gather [hbm4b:s19+s3], $0x50, $0x38;
	[tilespmem:$0x1F480] =	vst v63  }
0xe1: {  	s31 =	simm.s32 $0x1F380;
	s19 =	sld [smem:$0x7F5]  }
0xe2: {  	[tilespmem:s31], [sflag:$0xF] =	stream.linear.gather [hbm4b:s28+s3], $0x50, $0x38;
	[tilespmem:$0x1F480] =	vst v63  }
0xe3: {  	s21 =	simm.s32 $0x1F000;
	s28 =	sld [smem:$0x7F6]  }
0xe4: {  	[tilespmem:s21], [sflag:$0x10] =	stream.linear.gather [hbm4b:s19+s3], $0x50, $0x38;
	[tilespmem:$0x1F480] =	vst v63  }
0xe5: {  	s18 =	simm.s32 $0x0;
	s31 =	simm.s32 $0x1F400;
	s19 =	simm.s32 $0x200  }
0xe6: {  	[tilespmem:s31], [sflag:$0x10] =	stream.linear.gather [hbm4b:s28+s3], $0x50, $0x38;
	[tilespmem:$0x1F480] =	vst v63  }
.LBB2_2:
0xe7: {  	p4 =	sne.s32 s19, $0x4E00;
	[tilespmem:s18+$0x70] =	vst v0  }
0xe8: {  	[tilespmem:s18+$0x0] =	vst v0  }
0xe9: {  	[tilespmem:s18+$0x10] =	vst v0  }
.Ltmp2:
0xea: {  	[tilespmem:s18+$0x20] =	vst v0;
	(pc) =	sbr.rel @p4 .LBB2_2-.Ltmp2, $4  }
0xeb: {  	[tilespmem:s18+$0x30] =	vst v0  }
0xec: {  	[tilespmem:s18+$0x40] =	vst v0  }
0xed: {  	[tilespmem:s18+$0x50] =	vst v0  }
0xee: {  	[tilespmem:s18+$0x60] =	vst v0;
	s18 =	sshra.s32 s19, $0x2;
	s19 =	sadd.s32 $0x200, s19  }
0xef: {  	[tilespmem:s18+$0x70] =	vst v0  }
0xf0: {  	[tilespmem:s18+$0x0] =	vst v0  }
0xf1: {  	[tilespmem:s18+$0x10] =	vst v0  }
0xf2: {  	[tilespmem:s18+$0x20] =	vst v0  }
0xf3: {  	[tilespmem:s18+$0x30] =	vst v0  }
0xf4: {  	[tilespmem:s18+$0x40] =	vst v0  }
0xf5: {  	[tilespmem:s18+$0x50] =	vst v0  }
0xf6: {  	[tilespmem:s18+$0x60] =	vst v0;
	s1 =	simm.s32 $0x9  }
0xf7: {  	_ =	swait.ge [sflag:s1], $0x50  }
0xf8: {  	[sflag:s1] =	ssyncset.done $0x0  }
0xf9: {  	[sflag:s1] =	ssyncadd.s32 $0xFFFFFFB0  }
0xfa: {  	_ =	swait.ge [sflag:s1], $0x50  }
0xfb: {  	[sflag:s1] =	ssyncset.done $0x0  }
0xfc: {  	s21 =	simm.s32 $0xA;
	[sflag:s1] =	ssyncadd.s32 $0xFFFFFFB0  }
0xfd: {  	[tilespmem:s5], [sflag:$0x1] =	stream.indirect.gather [hbm4b:s4+s30], $0x80, s16, s30, $0xb8;
	[tilespmem:$0x1F480] =	vst v63  }
0xfe: {  	_ =	swait.ge [sflag:s21], $0x50  }
0xff: {  	[sflag:s21] =	ssyncset.done $0x0  }
0x100: {  	[sflag:s21] =	ssyncadd.s32 $0xFFFFFFB0  }
0x101: {  	_ =	swait.ge [sflag:s21], $0x50  }
0x102: {  	[sflag:s21] =	ssyncset.done $0x0  }
0x103: {  	s28 =	simm.s32 $0xB;
	[sflag:s21] =	ssyncadd.s32 $0xFFFFFFB0  }
0x104: {  	[tilespmem:s13], [sflag:$0x2] =	stream.indirect.gather [hbm4b:s4+s30], $0x80, s6, s30, $0xb8;
	[tilespmem:$0x1F480] =	vst v63  }
0x105: {  	_ =	swait.ge [sflag:s28], $0x50  }
0x106: {  	[sflag:s28] =	ssyncset.done $0x0  }
0x107: {  	[sflag:s28] =	ssyncadd.s32 $0xFFFFFFB0  }
0x108: {  	_ =	swait.ge [sflag:s28], $0x50  }
0x109: {  	[sflag:s28] =	ssyncset.done $0x0  }
0x10a: {  	[sflag:s28] =	ssyncadd.s32 $0xFFFFFFB0  }
0x10b: {  	[tilespmem:s25], [sflag:$0x3] =	stream.indirect.gather [hbm4b:s4+s30], $0x80, s26, s30, $0xb8;
	[tilespmem:$0x1F480] =	vst v63  }
0x10c: {  	_ =	swait.ge [sflag:s0], $0x50  }
0x10d: {  	[sflag:s0] =	ssyncset.done $0x0  }
0x10e: {  	[sflag:s0] =	ssyncadd.s32 $0xFFFFFFB0  }
0x10f: {  	_ =	swait.ge [sflag:s0], $0x50  }
0x110: {  	[sflag:s0] =	ssyncset.done $0x0  }
0x111: {  	s31 =	rddreg [dreg:$0xf];
	[sflag:s0] =	ssyncadd.s32 $0xFFFFFFB0  }
0x112: {  	[tilespmem:s15], [sflag:$0x4] =	stream.indirect.gather [hbm4b:s4+s30], $0x80, s29, s30, $0xb8;
	[tilespmem:$0x1F480] =	vst v63  }
0x113: {  	s29 =	rddreg [dreg:$0xe]  }
0x114: {  	[spmem:s29] =	stream.linear.scatter [tilespmem:s3], [sflag:$0x11], $0x1400, $0x38;
	[tilespmem:$0x1F480] =	vst v63  }
0x115: {  	s1 =	rddreg [dreg:$0x10]  }
0x116: {  	[spmem:s31] =	stream.linear.scatter [tilespmem:s3], [sflag:$0x11], $0x1400, $0x38;
	[tilespmem:$0x1F480] =	vst v63  }
0x117: {  	s5 =	rddreg [dreg:$0x11]  }
0x118: {  	[spmem:s1] =	stream.linear.scatter [tilespmem:s3], [sflag:$0x11], $0x1400, $0x38;
	[tilespmem:$0x1F480] =	vst v63  }
0x119: {  	s6 =	rddreg [dreg:$0x12]  }
0x11a: {  	[spmem:s5] =	stream.linear.scatter [tilespmem:s3], [sflag:$0x11], $0x1400, $0x38;
	[tilespmem:$0x1F480] =	vst v63  }
0x11b: {  	s13 =	rddreg [dreg:$0x13]  }
0x11c: {  	[spmem:s6] =	stream.linear.scatter [tilespmem:s3], [sflag:$0x11], $0x1400, $0x38;
	[tilespmem:$0x1F480] =	vst v63  }
0x11d: {  	s16 =	rddreg [dreg:$0x15]  }
0x11e: {  	[spmem:s13] =	stream.linear.scatter [tilespmem:s3], [sflag:$0x11], $0x1400, $0x38;
	[tilespmem:$0x1F480] =	vst v63  }
0x11f: {  	s15 =	rddreg [dreg:$0x14]  }
0x120: {  	[spmem:s15] =	stream.linear.scatter [tilespmem:s3], [sflag:$0x11], $0x1400, $0x38;
	[tilespmem:$0x1F480] =	vst v63  }
0x121: {  	s19 =	sld [smem:$0x7F7]  }
0x122: {  	[spmem:s16] =	stream.linear.scatter [tilespmem:s3], [sflag:$0x11], $0x1400, $0x38;
	[tilespmem:$0x1F480] =	vst v63  }
0x123: {  	s21 =	sld [smem:$0x7F8]  }
0x124: {  	[spmem:s19] =	stream.linear.scatter [tilespmem:s3], [sflag:$0x11], $0x1400, $0x38;
	[tilespmem:$0x1F480] =	vst v63  }
0x125: {  	s25 =	sld [smem:$0x7F9]  }
0x126: {  	[spmem:s21] =	stream.linear.scatter [tilespmem:s3], [sflag:$0x11], $0x1400, $0x38;
	[tilespmem:$0x1F480] =	vst v63  }
0x127: {  	s26 =	sld [smem:$0x7FA]  }
0x128: {  	[spmem:s25] =	stream.linear.scatter [tilespmem:s3], [sflag:$0x11], $0x1400, $0x38;
	[tilespmem:$0x1F480] =	vst v63  }
0x129: {  	s28 =	sld [smem:$0x7FB]  }
0x12a: {  	[spmem:s26] =	stream.linear.scatter [tilespmem:s3], [sflag:$0x11], $0x1400, $0x38;
	[tilespmem:$0x1F480] =	vst v63  }
0x12b: {  	s29 =	sld [smem:$0x7FC]  }
0x12c: {  	[spmem:s28] =	stream.linear.scatter [tilespmem:s3], [sflag:$0x11], $0x1400, $0x38;
	[tilespmem:$0x1F480] =	vst v63  }
0x12d: {  	s31 =	sld [smem:$0x7FD]  }
0x12e: {  	[spmem:s29] =	stream.linear.scatter [tilespmem:s3], [sflag:$0x11], $0x1400, $0x38;
	[tilespmem:$0x1F480] =	vst v63  }
0x12f: {  	_ = 	snop  }
0x130: {  	[spmem:s31] =	stream.linear.scatter [tilespmem:s3], [sflag:$0x11], $0x1400, $0x38;
	[tilespmem:$0x1F480] =	vst v63  }
0x131: {  	s18 =	simm.s32 @!p0 $0x0;
	s19 =	rddreg [dreg:$0x16]  }
0x132: {  	[spmem:s19] =	stream.linear.scatter @!p0 [tilespmem:s18], [sflag:$0x11], $0x1400, $0x38;
	[tilespmem:$0x1F480] =	vst v63  }
0x133: {  	_ =	swait.ge [sflag:s2], $0x1400  }
0x134: {  	[sflag:s2] =	ssyncset.done $0x0  }
0x135: {  	[sflag:s2] =	ssyncadd.s32 $0xFFFFEC00  }
0x136: {  	_ =	swait.ge [sflag:s2], $0x1400  }
0x137: {  	[sflag:s2] =	ssyncset.done $0x0  }
0x138: {  	[sflag:s2] =	ssyncadd.s32 $0xFFFFEC00  }
0x139: {  	_ =	swait.ge [sflag:s2], $0x1400  }
0x13a: {  	[sflag:s2] =	ssyncset.done $0x0  }
0x13b: {  	[sflag:s2] =	ssyncadd.s32 $0xFFFFEC00  }
0x13c: {  	_ =	swait.ge [sflag:s2], $0x1400  }
0x13d: {  	[sflag:s2] =	ssyncset.done $0x0  }
0x13e: {  	[sflag:s2] =	ssyncadd.s32 $0xFFFFEC00  }
0x13f: {  	_ =	swait.ge [sflag:s2], $0x1400  }
0x140: {  	[sflag:s2] =	ssyncset.done $0x0  }
0x141: {  	[sflag:s2] =	ssyncadd.s32 $0xFFFFEC00  }
0x142: {  	_ =	swait.ge [sflag:s2], $0x1400  }
0x143: {  	[sflag:s2] =	ssyncset.done $0x0  }
0x144: {  	[sflag:s2] =	ssyncadd.s32 $0xFFFFEC00  }
0x145: {  	_ =	swait.ge [sflag:s2], $0x1400  }
0x146: {  	[sflag:s2] =	ssyncset.done $0x0  }
0x147: {  	[sflag:s2] =	ssyncadd.s32 $0xFFFFEC00  }
0x148: {  	_ =	swait.ge [sflag:s2], $0x1400  }
0x149: {  	[sflag:s2] =	ssyncset.done $0x0  }
0x14a: {  	[sflag:s2] =	ssyncadd.s32 $0xFFFFEC00  }
0x14b: {  	_ =	swait.ge [sflag:s2], $0x1400  }
0x14c: {  	[sflag:s2] =	ssyncset.done $0x0  }
0x14d: {  	[sflag:s2] =	ssyncadd.s32 $0xFFFFEC00  }
0x14e: {  	_ =	swait.ge [sflag:s2], $0x1400  }
0x14f: {  	[sflag:s2] =	ssyncset.done $0x0  }
0x150: {  	[sflag:s2] =	ssyncadd.s32 $0xFFFFEC00  }
0x151: {  	_ =	swait.ge [sflag:s2], $0x1400  }
0x152: {  	[sflag:s2] =	ssyncset.done $0x0  }
0x153: {  	[sflag:s2] =	ssyncadd.s32 $0xFFFFEC00  }
0x154: {  	_ =	swait.ge [sflag:s2], $0x1400  }
0x155: {  	[sflag:s2] =	ssyncset.done $0x0  }
0x156: {  	[sflag:s2] =	ssyncadd.s32 $0xFFFFEC00  }
0x157: {  	_ =	swait.ge [sflag:s2], $0x1400  }
0x158: {  	[sflag:s2] =	ssyncset.done $0x0  }
0x159: {  	[sflag:s2] =	ssyncadd.s32 $0xFFFFEC00  }
0x15a: {  	_ =	swait.ge [sflag:s2], $0x1400  }
0x15b: {  	[sflag:s2] =	ssyncset.done $0x0  }
0x15c: {  	[sflag:s2] =	ssyncadd.s32 $0xFFFFEC00  }
0x15d: {  	_ =	swait.ge [sflag:s2], $0x1400  }
0x15e: {  	[sflag:s2] =	ssyncset.done $0x0  }
0x15f: {  	s18 =	simm.s32 @!p2 $0x11;
	[sflag:s2] =	ssyncadd.s32 $0xFFFFEC00  }
0x160: {  	_ =	swait.ge @!p2 [sflag:s18], $0x1400  }
0x161: {  	[sflag:s18] =	ssyncset.done @!p2 $0x0  }
0x162: {  	[sflag:s18] =	ssyncadd.s32 @!p2 $0xFFFFEC00  }
0x163: {  	s16 =	simm.s32 $0x1F000;
	[bflag:$0x0] =	sbarrier.arrive $0xFFFF  }
0x164: {  	s2 =	simm.s32 $0x1F400;
	s18 =	simm.s32 $0x0;
	s19 =	sld [smem:$0x7DE]  }
.LBB2_4:
0x165: {  	_ =	swait.ge [sflag:s7], $0x2800  }
0x166: {  	[sflag:s7] =	ssyncset.done $0x0  }
0x167: {  	[sflag:s7] =	ssyncadd.s32 $0xFFFFD800  }
0x168: {  	s13 =	simm.s32 $0x14C80;
	s5 =	rddreg [dreg:$0x1]  }
0x169: {  	[spmem:s5] =	stream.indirect.scatter.add.f32 [tilespmem:s13], [sflag:$0x5], $0x80, s22, s30, $0xb8;
	[tilespmem:$0x1F480] =	vst v63  }
0x16a: {  	_ =	swait.ge [sflag:s8], $0x2800  }
0x16b: {  	[sflag:s8] =	ssyncset.done $0x0  }
0x16c: {  	[sflag:s8] =	ssyncadd.s32 $0xFFFFD800  }
0x16d: {  	_ =	swait.ge [sflag:s9], $0x50  }
0x16e: {  	[sflag:s9] =	ssyncset.done $0x0  }
0x16f: {  	[sflag:s9] =	ssyncadd.s32 $0xFFFFFFB0  }
0x170: {  	_ =	swait.ge [sflag:s9], $0x50  }
0x171: {  	[sflag:s9] =	ssyncset.done $0x0;
	s21 =	rddreg [dreg:$0x3]  }
0x172: {  	s15 =	sshrl.u32 s19, $0x3;
	s25 =	sld [smem:$0x7DF];
	[sflag:s9] =	ssyncadd.s32 $0xFFFFFFB0  }
0x173: {  	[tilespmem:s13], [sflag:$0x1] =	stream.indirect.gather [hbm4b:s4+s30], $0x80, s20, s30, $0xb8;
	[tilespmem:$0x1F480] =	vst v63  }
0x174: {  	s20 =	sadd.s32 s21, s15;
	s21 =	simm.s32 $0x1EC80  }
0x175: {  	[tilespmem:s21], [sflag:$0x9] =	stream.linear.gather [hbm4b:s20+s3], $0x50, $0x38;
	[tilespmem:$0x1F480] =	vst v63  }
0x176: {  	s20 =	sadd.s32 s18, s25  }
0x177: {  	[tilespmem:s22], [sflag:$0x9] =	stream.linear.gather [hbm4b:s20+s3], $0x50, $0x38;
	[tilespmem:$0x1F480] =	vst v63  }
0x178: {  	_ =	swait.ge [sflag:s10], $0x2800  }
0x179: {  	[sflag:s10] =	ssyncset.done $0x0  }
0x17a: {  	s6 =	simm.s32 $0x1F100;
	s25 =	simm.s32 $0x17480;
	[sflag:s10] =	ssyncadd.s32 $0xFFFFD800  }
0x17b: {  	[spmem:s5] =	stream.indirect.scatter.add.f32 [tilespmem:s25], [sflag:$0x6], $0x80, s6, s30, $0xb8;
	[tilespmem:$0x1F480] =	vst v63  }
0x17c: {  	_ =	swait.ge [sflag:s11], $0x2800  }
0x17d: {  	[sflag:s11] =	ssyncset.done $0x0  }
0x17e: {  	s1 =	simm.s32 $0xE;
	[sflag:s11] =	ssyncadd.s32 $0xFFFFD800  }
0x17f: {  	_ =	swait.ge [sflag:s1], $0x50  }
0x180: {  	[sflag:s1] =	ssyncset.done $0x0  }
0x181: {  	[sflag:s1] =	ssyncadd.s32 $0xFFFFFFB0  }
0x182: {  	_ =	swait.ge [sflag:s1], $0x50  }
0x183: {  	[sflag:s1] =	ssyncset.done $0x0  }
0x184: {  	[sflag:s1] =	ssyncadd.s32 $0xFFFFFFB0;
	s1 =	sld [smem:$0x7DC]  }
0x185: {  	s28 =	simm.s32 $0x1EF00;
	s15 =	sld [smem:$0x7DD]  }
0x186: {  	[tilespmem:s25], [sflag:$0x2] =	stream.indirect.gather [hbm4b:s4+s30], $0x80, s28, s30, $0xb8;
	[tilespmem:$0x1F480] =	vst v63  }
0x187: {  	s22 =	simm.s32 $0x1ED00;
	s20 =	sadd.s32 s18, s1  }
0x188: {  	[tilespmem:s22], [sflag:$0xA] =	stream.linear.gather [hbm4b:s20+s3], $0x50, $0x38;
	[tilespmem:$0x1F480] =	vst v63  }
0x189: {  	s20 =	sadd.s32 s18, s15  }
0x18a: {  	[tilespmem:s6], [sflag:$0xA] =	stream.linear.gather [hbm4b:s20+s3], $0x50, $0x38;
	[tilespmem:$0x1F480] =	vst v63  }
0x18b: {  	_ =	swait.ge [sflag:s24], $0x2800  }
0x18c: {  	[sflag:s24] =	ssyncset.done $0x0  }
0x18d: {  	s15 =	simm.s32 $0x19C80;
	s6 =	simm.s32 $0x1F180;
	[sflag:s24] =	ssyncadd.s32 $0xFFFFD800  }
0x18e: {  	[spmem:s5] =	stream.indirect.scatter.add.f32 [tilespmem:s15], [sflag:$0x7], $0x80, s6, s30, $0xb8;
	[tilespmem:$0x1F480] =	vst v63  }
0x18f: {  	_ =	swait.ge [sflag:s23], $0x2800  }
0x190: {  	[sflag:s23] =	ssyncset.done $0x0  }
0x191: {  	s20 =	simm.s32 $0xF;
	[sflag:s23] =	ssyncadd.s32 $0xFFFFD800  }
0x192: {  	_ =	swait.ge [sflag:s20], $0x50  }
0x193: {  	[sflag:s20] =	ssyncset.done $0x0  }
0x194: {  	[sflag:s20] =	ssyncadd.s32 $0xFFFFFFB0  }
0x195: {  	_ =	swait.ge [sflag:s20], $0x50  }
0x196: {  	[sflag:s20] =	ssyncset.done $0x0  }
0x197: {  	s28 =	simm.s32 $0x1EF80;
	s1 =	sld [smem:$0x7DA];
	[sflag:s20] =	ssyncadd.s32 $0xFFFFFFB0  }
0x198: {  	[tilespmem:s15], [sflag:$0x3] =	stream.indirect.gather [hbm4b:s4+s30], $0x80, s28, s30, $0xb8;
	[tilespmem:$0x1F480] =	vst v63  }
0x199: {  	s28 =	sld [smem:$0x7DB]  }
0x19a: {  	s29 =	simm.s32 $0x1ED80;
	s20 =	sadd.s32 s18, s1  }
0x19b: {  	[tilespmem:s29], [sflag:$0xB] =	stream.linear.gather [hbm4b:s20+s3], $0x50, $0x38;
	[tilespmem:$0x1F480] =	vst v63  }
0x19c: {  	s20 =	sadd.s32 s18, s28  }
0x19d: {  	[tilespmem:s6], [sflag:$0xB] =	stream.linear.gather [hbm4b:s20+s3], $0x50, $0x38;
	[tilespmem:$0x1F480] =	vst v63  }
0x19e: {  	_ =	swait.ge [sflag:s14], $0x2800  }
0x19f: {  	[sflag:s14] =	ssyncset.done $0x0  }
0x1a0: {  	s28 =	simm.s32 $0x1C480;
	s6 =	simm.s32 $0x1F200;
	[sflag:s14] =	ssyncadd.s32 $0xFFFFD800  }
0x1a1: {  	[spmem:s5] =	stream.indirect.scatter.add.f32 [tilespmem:s28], [sflag:$0x8], $0x80, s6, s30, $0xb8;
	[tilespmem:$0x1F480] =	vst v63  }
0x1a2: {  	_ =	swait.ge [sflag:s12], $0x2800  }
0x1a3: {  	[sflag:s12] =	ssyncset.done $0x0  }
0x1a4: {  	[sflag:s12] =	ssyncadd.s32 $0xFFFFD800  }
0x1a5: {  	_ =	swait.ge [sflag:s17], $0x50  }
0x1a6: {  	[sflag:s17] =	ssyncset.done $0x0  }
0x1a7: {  	[sflag:s17] =	ssyncadd.s32 $0xFFFFFFB0  }
0x1a8: {  	_ =	swait.ge [sflag:s17], $0x50  }
0x1a9: {  	[sflag:s17] =	ssyncset.done $0x0  }
0x1aa: {  	s1 =	rddreg [dreg:$0x1f];
	[sflag:s17] =	ssyncadd.s32 $0xFFFFFFB0  }
0x1ab: {  	[tilespmem:s28], [sflag:$0x4] =	stream.indirect.gather [hbm4b:s4+s30], $0x80, s16, s30, $0xb8;
	[tilespmem:$0x1F480] =	vst v63  }
0x1ac: {  	s16 =	sld [smem:$0x7D9]  }
0x1ad: {  	s20 =	sadd.s32 s18, s1;
	s1 =	simm.s32 $0x1EE00  }
0x1ae: {  	[tilespmem:s1], [sflag:$0xC] =	stream.linear.gather [hbm4b:s20+s3], $0x50, $0x38;
	[tilespmem:$0x1F480] =	vst v63  }
0x1af: {  	s20 =	sadd.s32 s18, s16  }
0x1b0: {  	[tilespmem:s6], [sflag:$0xC] =	stream.linear.gather [hbm4b:s20+s3], $0x50, $0x38;
	[tilespmem:$0x1F480] =	vst v63  }
0x1b1: {  	_ =	swait.ge [sflag:s7], $0x2800  }
0x1b2: {  	[sflag:s7] =	ssyncset.done $0x0  }
0x1b3: {  	s6 =	simm.s32 $0x1F280;
	[sflag:s7] =	ssyncadd.s32 $0xFFFFD800  }
0x1b4: {  	[spmem:s5] =	stream.indirect.scatter.add.f32 [tilespmem:s13], [sflag:$0x5], $0x80, s6, s30, $0xb8;
	[tilespmem:$0x1F480] =	vst v63  }
0x1b5: {  	_ =	swait.ge [sflag:s8], $0x2800  }
0x1b6: {  	[sflag:s8] =	ssyncset.done $0x0  }
0x1b7: {  	s20 =	simm.s32 $0x9;
	[sflag:s8] =	ssyncadd.s32 $0xFFFFD800  }
0x1b8: {  	_ =	swait.ge [sflag:s20], $0x50  }
0x1b9: {  	[sflag:s20] =	ssyncset.done $0x0  }
0x1ba: {  	[sflag:s20] =	ssyncadd.s32 $0xFFFFFFB0  }
0x1bb: {  	_ =	swait.ge [sflag:s20], $0x50  }
0x1bc: {  	[sflag:s20] =	ssyncset.done $0x0  }
0x1bd: {  	[sflag:s20] =	ssyncadd.s32 $0xFFFFFFB0  }
0x1be: {  	[tilespmem:s13], [sflag:$0x1] =	stream.indirect.gather [hbm4b:s4+s30], $0x80, s21, s30, $0xb8;
	[tilespmem:$0x1F480] =	vst v63  }
0x1bf: {  	s21 =	rddreg [dreg:$0x1d]  }
0x1c0: {  	s26 =	simm.s32 $0x1EE80;
	s13 =	rddreg [dreg:$0x1e];
	s20 =	sadd.s32 s18, s21  }
0x1c1: {  	[tilespmem:s26], [sflag:$0xD] =	stream.linear.gather [hbm4b:s20+s3], $0x50, $0x38;
	[tilespmem:$0x1F480] =	vst v63  }
0x1c2: {  	s20 =	sadd.s32 s18, s13  }
0x1c3: {  	[tilespmem:s6], [sflag:$0xD] =	stream.linear.gather [hbm4b:s20+s3], $0x50, $0x38;
	[tilespmem:$0x1F480] =	vst v63  }
0x1c4: {  	_ =	swait.ge [sflag:s10], $0x2800  }
0x1c5: {  	[sflag:s10] =	ssyncset.done $0x0  }
0x1c6: {  	s20 =	simm.s32 $0x1F300;
	[sflag:s10] =	ssyncadd.s32 $0xFFFFD800  }
0x1c7: {  	[spmem:s5] =	stream.indirect.scatter.add.f32 [tilespmem:s25], [sflag:$0x6], $0x80, s20, s30, $0xb8;
	[tilespmem:$0x1F480] =	vst v63  }
0x1c8: {  	_ =	swait.ge [sflag:s11], $0x2800  }
0x1c9: {  	[sflag:s11] =	ssyncset.done $0x0  }
0x1ca: {  	s21 =	simm.s32 $0xA;
	[sflag:s11] =	ssyncadd.s32 $0xFFFFD800  }
0x1cb: {  	_ =	swait.ge [sflag:s21], $0x50  }
0x1cc: {  	[sflag:s21] =	ssyncset.done $0x0  }
0x1cd: {  	[sflag:s21] =	ssyncadd.s32 $0xFFFFFFB0  }
0x1ce: {  	_ =	swait.ge [sflag:s21], $0x50  }
0x1cf: {  	[sflag:s21] =	ssyncset.done $0x0  }
0x1d0: {  	p4 =	seq.s32 s18, $0x460;
	s20 =	rddreg [dreg:$0x17];
	[sflag:s21] =	ssyncadd.s32 $0xFFFFFFB0  }
0x1d1: {  	[tilespmem:s25], [sflag:$0x2] =	stream.indirect.gather [hbm4b:s4+s30], $0x80, s22, s30, $0xb8;
	[tilespmem:$0x1F480] =	vst v63  }
0x1d2: {  	s20 =	sadd.s32 @!p4 s18, s20;
	s21 =	simm.s32 @!p4 $0x0;
	s22 =	simm.s32 @!p4 $0x1EF00  }
0x1d3: {  	[tilespmem:s22], [sflag:$0xE] =	stream.linear.gather @!p4 [hbm4b:s20+s21], $0x50, $0x38;
	[tilespmem:$0x1F480] =	vst v63  }
0x1d4: {  	s20 =	rddreg [dreg:$0x18]  }
0x1d5: {  	s22 =	simm.s32 @!p4 $0x1F300;
	s20 =	sadd.s32 @!p4 s18, s20  }
0x1d6: {  	[tilespmem:s22], [sflag:$0xE] =	stream.linear.gather @!p4 [hbm4b:s20+s21], $0x50, $0x38;
	[tilespmem:$0x1F480] =	vst v63  }
0x1d7: {  	_ =	swait.ge [sflag:s24], $0x2800  }
0x1d8: {  	[sflag:s24] =	ssyncset.done $0x0  }
0x1d9: {  	s25 =	simm.s32 $0x1F380;
	[sflag:s24] =	ssyncadd.s32 $0xFFFFD800  }
0x1da: {  	[spmem:s5] =	stream.indirect.scatter.add.f32 [tilespmem:s15], [sflag:$0x7], $0x80, s25, s30, $0xb8;
	[tilespmem:$0x1F480] =	vst v63  }
0x1db: {  	_ =	swait.ge [sflag:s23], $0x2800  }
0x1dc: {  	[sflag:s23] =	ssyncset.done $0x0  }
0x1dd: {  	s26 =	simm.s32 $0xB;
	[sflag:s23] =	ssyncadd.s32 $0xFFFFD800  }
0x1de: {  	_ =	swait.ge [sflag:s26], $0x50  }
0x1df: {  	[sflag:s26] =	ssyncset.done $0x0  }
0x1e0: {  	[sflag:s26] =	ssyncadd.s32 $0xFFFFFFB0  }
0x1e1: {  	_ =	swait.ge [sflag:s26], $0x50  }
0x1e2: {  	[sflag:s26] =	ssyncset.done $0x0  }
0x1e3: {  	s20 =	rddreg [dreg:$0x19];
	[sflag:s26] =	ssyncadd.s32 $0xFFFFFFB0  }
0x1e4: {  	[tilespmem:s15], [sflag:$0x3] =	stream.indirect.gather [hbm4b:s4+s30], $0x80, s29, s30, $0xb8;
	[tilespmem:$0x1F480] =	vst v63  }
0x1e5: {  	s22 =	simm.s32 @!p4 $0x1EF80;
	s20 =	sadd.s32 @!p4 s18, s20  }
0x1e6: {  	[tilespmem:s22], [sflag:$0xF] =	stream.linear.gather @!p4 [hbm4b:s20+s21], $0x50, $0x38;
	[tilespmem:$0x1F480] =	vst v63  }
0x1e7: {  	s20 =	rddreg [dreg:$0x1a]  }
0x1e8: {  	s22 =	simm.s32 @!p4 $0x1F380;
	s20 =	sadd.s32 @!p4 s18, s20  }
0x1e9: {  	[tilespmem:s22], [sflag:$0xF] =	stream.linear.gather @!p4 [hbm4b:s20+s21], $0x50, $0x38;
	[tilespmem:$0x1F480] =	vst v63  }
0x1ea: {  	_ =	swait.ge [sflag:s14], $0x2800  }
0x1eb: {  	[sflag:s14] =	ssyncset.done $0x0  }
0x1ec: {  	[sflag:s14] =	ssyncadd.s32 $0xFFFFD800  }
0x1ed: {  	[spmem:s5] =	stream.indirect.scatter.add.f32 [tilespmem:s28], [sflag:$0x8], $0x80, s2, s30, $0xb8;
	[tilespmem:$0x1F480] =	vst v63  }
0x1ee: {  	_ =	swait.ge [sflag:s12], $0x2800  }
0x1ef: {  	[sflag:s12] =	ssyncset.done $0x0  }
0x1f0: {  	[sflag:s12] =	ssyncadd.s32 $0xFFFFD800  }
0x1f1: {  	_ =	swait.ge [sflag:s0], $0x50  }
0x1f2: {  	[sflag:s0] =	ssyncset.done $0x0  }
0x1f3: {  	s31 =	simm.s32 $0x1F000;
	[sflag:s0] =	ssyncadd.s32 $0xFFFFFFB0  }
.Ltmp3:
0x1f4: {  	s16 =	simm.s32 $0x1EC80;
	_ =	swait.ge [sflag:s0], $0x50;
	(pc) =	sbr.rel @p4 .LBB2_6-.Ltmp3, $4  }
0x1f5: {  	s13 =	simm.s32 $0x17480;
	s6 =	simm.s32 $0x1ED00;
	[sflag:s0] =	ssyncset.done $0x0  }
0x1f6: {  	s25 =	simm.s32 $0x19C80;
	s26 =	simm.s32 $0x1ED80;
	[sflag:s0] =	ssyncadd.s32 $0xFFFFFFB0  }
0x1f7: {  	[tilespmem:s28], [sflag:$0x4] =	stream.indirect.gather [hbm4b:s4+s30], $0x80, s1, s30, $0xb8;
	[tilespmem:$0x1F480] =	vst v63  }
0x1f8: {  	s29 =	simm.s32 $0x1EE00;
	s15 =	simm.s32 $0x1C480;
	s1 =	simm.s32 $0x1F400  }
0x1f9: {  	s20 =	rddreg [dreg:$0x1b]  }
0x1fa: {  	s20 =	sadd.s32 s18, s20  }
0x1fb: {  	[tilespmem:s31], [sflag:$0x10] =	stream.linear.gather [hbm4b:s20+s3], $0x50, $0x38;
	[tilespmem:$0x1F480] =	vst v63  }
.Ltmp4:
0x1fc: {  	_ = 	snop;
	(pc) =	sbr.rel .LBB2_4-.Ltmp4, $4  }
0x1fd: {  	s19 =	sadd.s32 $0x280, s19;
	s31 =	rddreg [dreg:$0x1c]  }
0x1fe: {  	s22 =	simm.s32 $0x1F080;
	s16 =	simm.s32 $0x1F000;
	s20 =	sadd.s32 s18, s31  }
0x1ff: {  	[tilespmem:s1], [sflag:$0x10] =	stream.linear.gather [hbm4b:s20+s3], $0x50, $0x38;
	[tilespmem:$0x1F480] =	vst v63  }
0x200: {  	s2 =	simm.s32 $0x1F400;
	s18 =	sadd.s32 $0x50, s18;
	s20 =	simm.s32 $0x1EE80  }
.LBB2_7:
0x201: {  	_ =	sfence.sel $0x180000  }
0x202: {  	[bflag:$0x0] =	sbarrier.arrive $0xFFFF  }
0x203: {  	_ =	strace $0x9000004D  }
0x204: {  	s0 =	stileid.u32;
	[bflag:$0x2] =	sbarrier.arrive $0xFFFF  }
0x205: {  	p0 =	sne.s32 s0, $0x0;
	s0 =	rddreg [dreg:$0x2]  }
0x206: {  	s0 =	sadd.s32 @!p0 $0x100000, s0  }
0x207: {  	[sflag:s0] =	ssyncadd.tile.s32 @!p0 $0x1;
	_ =	shalt  }
.Lfunc_end2:
_tile_overlayer_lowered:
.L_overlay_start_2:
0x208: {  	(tag) =	ssettag $0x2  }
0x209: {  	s0 =	rddreg [dreg:$0x0];
	s2 =	stileid.u32  }
0x20a: {  	s1 =	rddreg [dreg:$0x1];
	p0 =	sne.s32 s2, $0x0  }
0x20b: {  	s3 =	rddreg [dreg:$0x2];
	[bflag:$0x3] =	sbarrier.arrive $0xFFFF;
	s2 =	simm.s32 @!p0 $0x1C12  }
0x20c: {  	[timem:s3], [sflag:s2] =	dma.local @!p0 [hbm:s0], s1  }
0x20d: {  	s0 =	simm.s32 @!p0 $0x12  }
0x20e: {  	_ =	swait.ge @!p0 [sflag:s0], s1  }
0x20f: {  	s1 =	ssub.s32 @!p0 $0x0, s1;
	[sflag:s0] =	ssyncset.done @!p0 $0x0  }
0x210: {  	[sflag:s0] =	ssyncadd.s32 @!p0 s1  }
0x211: {  	[bflag:$0x3] =	sbarrier.arrive $0xFFFF  }
0x212: {  	_ =	shalt  }

// kernel: kernel.9.cloned.1.call-start
scs
__scs_entry_jumppad:
0x0: {  	(pc) =	sbr.rel $0x88, $3  }
0x1: {  	(tag) =	ssettag $0x0;
	lr =	simm.s32 $0x1  }
0x2: {  	[smem:$0x3F8B] =	sst lr;
	_ =	strace $0xD0000000  }
0x3: {  	_ = 	snop  }
0x4: {  	_ = 	snop  }
0x5: {  	_ = 	snop  }
0x6: {  	_ = 	snop  }
0x7: {  	_ = 	snop  }
__scs_overlays_trampoline_lowered:
0x8: {  	[smem:$0x3F9A] =	sst s0  }
0x9: {  	[smem:$0x3F9B] =	sst s1  }
0xa: {  	[smem:$0x3F9C] =	sst s2  }
0xb: {  	[smem:$0x3F9D] =	sst s3  }
0xc: {  	[smem:$0x3F9E] =	sst s4  }
0xd: {  	[smem:$0x3F9F] =	sst s5  }
0xe: {  	[smem:$0x3FA0] =	sst s6  }
0xf: {  	[smem:$0x3FA1] =	sst s7  }
0x10: {  	[smem:$0x3FA2] =	sst s8  }
0x11: {  	[smem:$0x3FA3] =	sst s9;
	s0 =	simm.s32 @!p0 $0x0  }
0x12: {  	s1 =	sld [smem:$0x3F89];
	s0 =	simm.s32 @p0 $0x1  }
0x13: {  	[smem:$0x3FA4] =	sst s0;
	s0 =	simm.s32 @!p1 $0x0  }
0x14: {  	s2 =	sld [smem:$0x3F88];
	s0 =	simm.s32 @p1 $0x1  }
0x15: {  	[smem:$0x3FA5] =	sst s0;
	s0 =	simm.s32 @!p2 $0x0  }
0x16: {  	s3 =	sld [smem:$0x3FDB];
	s0 =	simm.s32 @p2 $0x1  }
0x17: {  	s4 =	simm.s32 $0x1BF5;
	[smem:$0x3FA7] =	sst s0  }
0x18: {  	s0 =	sld [smem:$0x3F8A];
	_ =	swait.ge [sflag:s4], $0x0  }
0x19: {  	s7 =	sld [smem:$0x3F8B]  }
0x1a: {  	s8 =	sadd.s32 $0xFFFFE003, lr  }
0x1b: {  	s9 =	sadd.s32 $0xFFFFFEF7, lr;
	s5 =	simm.s32 $0xFFFFFFFF;
	p2 =	slt.u32 s8, $0xFFFFF086  }
0x1c: {  	p1 =	slt.u32 s9, $0xF7A;
	s5 =	simm.s32 @!p2 $0x0  }
0x1d: {  	s5 =	simm.s32 @p1 $0x1;
	p0 =	seq.s32 s7, s2  }
0x1e: {  	s7 =	smul.u32 @!p0 $0xF7A, s2;
	p2 =	seq.s32 @!p0 s5, $0x0  }
0x1f: {  	s9 =	smul.u32 $0xF7A, s1;
	s8 =	simm.s32 @!p0 $0x1BF5;
	p2 =	por !p2, p0  }
0x20: {  	[sflag:s8] =	ssyncset.s32 @!p0 $0xFFFFF086;
	s6 =	sadd.s32 @!p0 s3, s7;
	s7 =	simm.s32 @!p0 $0x108  }
0x21: {  	s3 =	sadd.s32 s3, s9;
	s6 =	sadd.s32 @!p0 $0x88, s6;
	s7 =	simm.s32 @p2 $0x1082  }
0x22: {  	[simem:s7], [sflag:s8] =	dma.local @!p0 [hbm:s6], $0xF7A  }
0x23: {  	s9 =	sor.u32 $0xD0000000, s2;
	s6 =	simm.s32 $0x108;
	_ =	swait.ge @!p0 [sflag:s8], $0x0  }
0x24: {  	s3 =	sadd.s32 $0x88, s3;
	s6 =	simm.s32 @!p1 $0x1082;
	[sflag:s4] =	ssyncset.s32 $0xFFFFF086  }
0x25: {  	[simem:s6], [sflag:s4] =	dma.local [hbm:s3], $0xF7A  }
0x26: {  	[smem:$0x3F8B] =	sst s1;
	(tag) =	ssettag s2;
	_ =	strace s9  }
0x27: {  	s1 =	sld [smem:$0x3F9B]  }
0x28: {  	s2 =	sld [smem:$0x3F9C]  }
0x29: {  	s4 =	sld [smem:$0x3F9E]  }
0x2a: {  	p0 =	seq.s32 s5, $0x0;
	s5 =	sld [smem:$0x3F9F]  }
0x2b: {  	s6 =	sld [smem:$0x3FA0]  }
0x2c: {  	s7 =	sld [smem:$0x3FA1]  }
0x2d: {  	s3 =	simm.s32 $0x108;
	s8 =	sld [smem:$0x3FA2]  }
0x2e: {  	s3 =	simm.s32 @!p0 $0x1082;
	s9 =	sld [smem:$0x3FA3]  }
0x2f: {  	lr =	sadd.s32 s0, s3;
	s0 =	sld [smem:$0x3F9A]  }
0x30: {  	s3 =	sld [smem:$0x3F9D]  }
0x31: {  	[smem:$0x3FA6] =	sst s10  }
0x32: {  	s10 =	sld [smem:$0x3FA4];
	_ =	sdelay $0x3  }
0x33: {  	p0 =	seq.s32 s10, $0x1;
	s10 =	sld [smem:$0x3FA6];
	_ =	sdelay $0x3  }
0x34: {  	[smem:$0x3FA6] =	sst s10  }
0x35: {  	s10 =	sld [smem:$0x3FA5];
	_ =	sdelay $0x3  }
0x36: {  	p1 =	seq.s32 s10, $0x1;
	s10 =	sld [smem:$0x3FA6];
	_ =	sdelay $0x3  }
0x37: {  	[smem:$0x3FA6] =	sst s10  }
0x38: {  	s10 =	sld [smem:$0x3FA7]  }
0x39: {  	_ = 	snop;
	(pc) =	sbr.ind lr, $3  }
0x3a: {  	_ = 	snop  }
0x3b: {  	_ = 	snop  }
0x3c: {  	p2 =	seq.s32 s10, $0x1;
	s10 =	sld [smem:$0x3FA6]  }
0x3d: {  	_ =	shalt  }
0x3e: {  	_ =	shalt  }
0x3f: {  	_ =	shalt  }
0x40: {  	_ =	shalt  }
0x41: {  	_ =	shalt  }
0x42: {  	_ =	shalt  }
0x43: {  	_ =	shalt  }
0x44: {  	_ =	shalt  }
0x45: {  	_ =	shalt  }
0x46: {  	_ =	shalt  }
0x47: {  	_ =	shalt  }
0x48: {  	_ =	shalt  }
0x49: {  	_ =	shalt  }
0x4a: {  	_ =	shalt  }
0x4b: {  	_ =	shalt  }
0x4c: {  	_ =	shalt  }
0x4d: {  	_ =	shalt  }
0x4e: {  	_ =	shalt  }
0x4f: {  	_ =	shalt  }
0x50: {  	_ =	shalt  }
0x51: {  	_ =	shalt  }
0x52: {  	_ =	shalt  }
0x53: {  	_ =	shalt  }
0x54: {  	_ =	shalt  }
0x55: {  	_ =	shalt  }
0x56: {  	_ =	shalt  }
0x57: {  	_ =	shalt  }
0x58: {  	_ =	shalt  }
0x59: {  	_ =	shalt  }
0x5a: {  	_ =	shalt  }
0x5b: {  	_ =	shalt  }
0x5c: {  	_ =	shalt  }
0x5d: {  	_ =	shalt  }
0x5e: {  	_ =	shalt  }
0x5f: {  	_ =	shalt  }
0x60: {  	_ =	shalt  }
0x61: {  	_ =	shalt  }
0x62: {  	_ =	shalt  }
0x63: {  	_ =	shalt  }
0x64: {  	_ =	shalt  }
0x65: {  	_ =	shalt  }
0x66: {  	_ =	shalt  }
0x67: {  	_ =	shalt  }
0x68: {  	_ =	shalt  }
0x69: {  	_ =	shalt  }
0x6a: {  	_ =	shalt  }
0x6b: {  	_ =	shalt  }
0x6c: {  	_ =	shalt  }
0x6d: {  	_ =	shalt  }
0x6e: {  	_ =	shalt  }
0x6f: {  	_ =	shalt  }
0x70: {  	_ =	shalt  }
0x71: {  	_ =	shalt  }
0x72: {  	_ =	shalt  }
0x73: {  	_ =	shalt  }
0x74: {  	_ =	shalt  }
0x75: {  	_ =	shalt  }
0x76: {  	_ =	shalt  }
0x77: {  	_ =	shalt  }
0x78: {  	_ =	shalt  }
0x79: {  	_ =	shalt  }
0x7a: {  	_ =	shalt  }
0x7b: {  	_ =	shalt  }
0x7c: {  	_ =	shalt  }
0x7d: {  	_ =	shalt  }
0x7e: {  	_ =	shalt  }
0x7f: {  	_ =	shalt  }
0x80: {  	_ =	shalt  }
0x81: {  	_ =	shalt  }
0x82: {  	_ =	shalt  }
0x83: {  	_ =	shalt  }
0x84: {  	_ =	shalt  }
0x85: {  	_ =	shalt  }
0x86: {  	_ =	shalt  }
0x87: {  	_ =	shalt  }
.Lfunc_end0:
.L_simem_size_0:
called_computation_lowered:
.L_overlay_start_0:
0x88: {  	s2 =	sld [smem:$0x3FD9]  }
0x89: {  	s3 =	sld [smem:$0x3FFE];
	_ =	sdelay $0x1  }
0x8a: {  	s1 =	srdreg.scid  }
0x8b: {  	s0 =	sand.u32 $0x1, s1  }
0x8c: {  	s17 =	sshll.u32 s0, $0xA;
	s2 =	sadd.s32 s3, s2  }
0x8d: {  	s2 =	sadd.s32 s2, s17  }
0x8e: {  	[smem:$0x3FB2] =	sst s2  }
0x8f: {  	_ = 	snop  }
0x90: {  	s2 =	sld [smem:$0x3FC9];
	(tm) =	ssettm $0x1  }
0x91: {  	s18 =	sld [smem:$0x3FFB];
	_ =	sdelay $0x3  }
0x92: {  	_ =	strace s18  }
0x93: {  	s3 =	sld [smem:$0x3FFC];
	_ =	sdelay $0x3  }
0x94: {  	_ =	strace s3  }
0x95: {  	s3 =	sld [smem:$0x3FFD];
	_ =	sdelay $0x3  }
0x96: {  	_ =	strace s3  }
0x97: {  	_ =	strace $0x8FFFFFFF  }
0x98: {  	s19 =	sld [smem:$0x3FDB];
	_ =	sdelay $0x1  }
0x99: {  	s4 =	simm.s32 $_scs_section_size  }
0x9a: {  	s5 =	simm.s32 $_size__tile_overlayer_lowered;
	s6 =	simm.s32 $_tile_overlayer_lowered  }
0x9b: {  	s22 =	simm.s32 $0x1BFF;
	s21 =	sshll.u32 s6, $0x1;
	s3 =	sadd.s32 s4, s19  }
0x9c: {  	s7 =	simm.s32 $0x0;
	s20 =	sshll.u32 s5, $0x1;
	s5 =	sadd.s32 s21, s3  }
0x9d: {  	[timem:s7], [sflag:s22] =	dma.local [hbm:s5], s20  }
0x9e: {  	_ =	swait.ge [sflag:s22], s20  }
0x9f: {  	s4 =	ssub.s32 $0x0, s20;
	[sflag:s22] =	ssyncset.done $0x0  }
0xa0: {  	[sflag:s22] =	ssyncadd.s32 s4;
	_ =	sdelay $0x1  }
0xa1: {  	s23 =	simm.s32 $0x1B8B  }
0xa2: {  	_ =	swait.ge [sflag:s23], $0x1  }
0xa3: {  	[sflag:s23] =	ssyncset.done $0x0  }
0xa4: {  	s25 =	simm.s32 $0x1B8E;
	s24 =	sld [smem:$0x3FFE];
	[sflag:s23] =	ssyncadd.s32 $0xFFFFFFFF  }
0xa5: {  	s26 =	simm.s32 $execute0_lowered;
	[smem:$0x3FD2] =	sst s25  }
0xa6: {  	s5 =	sshll.u32 s26, $0x1;
	_ =	strace $0x80000046;
	[dreg:$0x1] =	wrdreg $0xFFFFFFFF  }
0xa7: {  	s28 =	simm.s32 $_size_execute0_lowered;
	s3 =	sadd.s32 s3, s5;
	[dreg:$0x0] =	wrdreg $0x0  }
0xa8: {  	s5 =	sshll.u32 s28, $0x1;
	[dreg:$0x2] =	wrdreg s3  }
0xa9: {  	[dreg:$0x3] =	wrdreg s5  }
0xaa: {  	[dreg:$0x4] =	wrdreg $0xC0  }
0xab: {  	_ =	task [dreg:s7], $0x5FFFF  }
0xac: {  	[dreg:$0x1] =	wrdreg $0xFFFFFFFF  }
0xad: {  	[dreg:$0x0] =	wrdreg $0x60  }
0xae: {  	[dreg:$0x2] =	wrdreg s2  }
0xaf: {  	[dreg:$0x3] =	wrdreg s24  }
0xb0: {  	[dreg:$0x4] =	wrdreg $0x14000  }
0xb1: {  	[dreg:$0x5] =	wrdreg $0x9  }
0xb2: {  	_ =	task.clear_ibuf [dreg:s7], $0x6FFFF;
	_ =	strace $0x90000046  }
0xb3: {  	s29 =	simm.s32 $0x9;
	_ =	strace $0x80000048  }
0xb4: {  	_ =	swait.ge [sflag:s29], $0x1  }
0xb5: {  	[sflag:s29] =	ssyncadd.s32 $0xFFFFFFFF  }
0xb6: {  	_ =	strace $0x90000048  }
0xb7: {  	_ =	sfence  }
0xb8: {  	s30 =	sld [smem:$0x0];
	_ =	sdelay $0x2  }
0xb9: {  	s31 =	sshll.u32 s1, $0xD;
	s1 =	sshrl.u32 s1, $0x2  }
0xba: {  	s3 =	sand.u32 $0x4000, s31;
	s1 =	sadd.s32 s1, s30  }
0xbb: {  	s0 =	sor.u32 s3, s0;
	s1 =	sshll.u32 s1, $0x11  }
0xbc: {  	s0 =	sor.u32 s1, s0  }
0xbd: {  	s0 =	sadd.s32 $0x8F2B, s0  }
0xbe: {  	[sflag:s0] =	ssyncadd.remote.s32 $0x1  }
0xbf: {  	_ =	sfence.sel $0xFFFF  }
0xc0: {  	[dreg:$0x0] =	wrdreg $0xFFFFFFFF;
	(pc) =	sbr.abs _section_cstart, $3  }
0xc1: {  	[dreg:$0x1] =	wrdreg $0xFFFFFFFF  }
0xc2: {  	_ =	task.clear_ibuf [dreg:s7], $0x2FFFF;
	_ =	strace $0x9FFFFFFF  }
0xc3: {  	(tm) =	ssettm $0x7FFFFFFF  }
tec
execute0_lowered:
.L_overlay_start_1:
0x0: {  	(tag) =	ssettag $0x1  }
0x1: {  	s21 =	stileid.u32  }
0x2: {  	s1 =	srdreg.scid;
	s13 =	smul.u32 $0x500, s21  }
0x3: {  	s0 =	rddreg [dreg:$0x1];
	s11 =	sand.u32 $0x1, s1;
	s24 =	smul.u32 $0x4E20, s21  }
0x4: {  	s2 =	rddreg [dreg:$0x2];
	s5 =	sor.u32 $0x20, s21;
	s6 =	smul.u32 $0x27100, s11  }
0x5: {  	s4 =	simm.s32 $0x0;
	s7 =	sor.u32 $0x30, s21;
	s15 =	smul.u32 $0x500, s5  }
0x6: {  	s26 =	sshll.u32 s21, $0x1;
	s8 =	sor.u32 $0x40, s21;
	s16 =	smul.u32 $0x500, s7  }
0x7: {  	[smem:$0x7FF] =	sst s4;
	s9 =	sor.u32 $0x50, s21;
	s17 =	smul.u32 $0x500, s8  }
0x8: {  	s22 =	sadd.s32 $0x4400, s0;
	s1 =	sor.u32 s11, s26;
	s19 =	smul.u32 $0x500, s9  }
0x9: {  	_ =	strace $0x80000047;
	s3 =	ssub.s32 $0x2, s11;
	s11 =	smul.u32 $0x2710, s11  }
0xa: {  	[dreg:$0x4] =	wrdreg s22;
	s12 =	smul.u32 $0x2710, s1;
	s1 =	sor.u32 $0x10, s21  }
0xb: {  	s10 =	sshrl.u32 s3, $0x1;
	s14 =	smul.u32 $0x500, s1;
	s0 =	sadd.s32 s6, s0  }
0xc: {  	s18 =	ssub.s32 s3, s10;
	s10 =	sor.u32 $0x60, s21;
	s0 =	sadd.s32 $0x17E00, s0  }
0xd: {  	s6 =	sor.u32 $0x70, s21;
	s20 =	smul.u32 $0x500, s10;
	s13 =	sadd.s32 s0, s13  }
0xe: {  	s14 =	sadd.s32 s0, s14;
	s23 =	sadd.s32 s0, s16;
	s16 =	smul.u32 $0x5000, s21  }
0xf: {  	s25 =	sadd.s32 s0, s17;
	s26 =	sadd.s32 s0, s19;
	s17 =	smul.u32 $0x5000, s1  }
0x10: {  	s19 =	smax.u32 s18, $0x1;
	s18 =	smul.u32 $0xA000, s21;
	[dreg:$0x5] =	wrdreg s13  }
0x11: {  	s15 =	sadd.s32 s0, s15;
	[dreg:$0x6] =	wrdreg s14;
	s13 =	smul.u32 $0x500, s6  }
0x12: {  	[dreg:$0x7] =	wrdreg s15;
	s3 =	sadd.s32 s0, s20;
	s20 =	smul.u32 $0x5000, s5  }
0x13: {  	p2 =	sgt.u32 s21, $0x9;
	[dreg:$0x8] =	wrdreg s23;
	s23 =	smul.u32 $0x5000, s7  }
0x14: {  	p3 =	sgt.u32 s21, $0xC;
	[dreg:$0xa] =	wrdreg s26;
	s26 =	smul.u32 $0x5000, s9  }
0x15: {  	s12 =	sshrl.u32 s12, $0x3;
	[dreg:$0x9] =	wrdreg s25;
	s14 =	smul.u32 $0x5000, s6  }
0x16: {  	p1 =	sgt.u32 s6, $0x7C;
	[dreg:$0xe] =	wrdreg s19;
	s9 =	smul.u32 $0xA000, s9  }
0x17: {  	s15 =	sadd.s32 s22, s12;
	s6 =	smul.u32 $0xA000, s6;
	[dreg:$0xb] =	wrdreg s3  }
0x18: {  	[dreg:$0xd] =	wrdreg s15;
	s0 =	sadd.s32 s0, s13;
	s13 =	sshrl.u32 s16, $0x2  }
0x19: {  	s12 =	sshrl.u32 s20, $0x2;
	s25 =	sshrl.u32 s23, $0x2;
	s20 =	smul.u32 $0xA000, s1  }
0x1a: {  	[dreg:$0xc] =	wrdreg s0;
	s0 =	sadd.s32 s11, s24;
	s24 =	smul.u32 $0x5000, s8  }
0x1b: {  	s9 =	sshrl.u32 s9, $0x2;
	s16 =	sadd.s32 s13, s2;
	s13 =	smul.u32 $0x5000, s10  }
0x1c: {  	s6 =	sshrl.u32 s6, $0x2;
	s3 =	sadd.s32 s25, s2;
	s25 =	smul.u32 $0xA000, s5  }
0x1d: {  	s11 =	sshrl.u32 s17, $0x2;
	s12 =	sadd.s32 s12, s2;
	s8 =	smul.u32 $0xA000, s8  }
0x1e: {  	s17 =	sor.u32 $0xF0, s21;
	s10 =	smul.u32 $0xA000, s10;
	s9 =	sadd.s32 s9, s2  }
0x1f: {  	s6 =	sadd.s32 s6, s2;
	s11 =	sadd.s32 s11, s2;
	[dreg:$0x11] =	wrdreg s12  }
0x20: {  	[dreg:$0x12] =	wrdreg s3;
	s12 =	sshrl.u32 s26, $0x2;
	p0 =	sgt.u32 s17, $0xF9  }
0x21: {  	s26 =	sshrl.u32 s20, $0x2;
	s3 =	smul.u32 $0xA000, s7;
	[dreg:$0xf] =	wrdreg s16  }
0x22: {  	s20 =	sadd.s32 $0x4E660, s0;
	s21 =	sadd.s32 $0xB4000, s16;
	[dreg:$0x10] =	wrdreg s11  }
0x23: {  	s11 =	sshrl.u32 s24, $0x2;
	s24 =	sshrl.u32 s18, $0x2;
	s5 =	sadd.s32 s26, s2  }
0x24: {  	s8 =	sshrl.u32 s8, $0x2;
	s10 =	sshrl.u32 s10, $0x2;
	s18 =	sadd.s32 $0x460, s0  }
0x25: {  	s26 =	sadd.s32 $0x4E6B0, s0;
	[smem:$0x7F8] =	sst s21;
	s11 =	sadd.s32 s11, s2  }
0x26: {  	s1 =	sadd.s32 s24, s2;
	s8 =	sadd.s32 s8, s2;
	s10 =	sadd.s32 s10, s2  }
0x27: {  	s24 =	sadd.s32 $0x4B0, s0;
	[dreg:$0x13] =	wrdreg s11;
	s11 =	sadd.s32 s12, s2  }
0x28: {  	s12 =	sshrl.u32 s13, $0x2;
	s13 =	smul.u32 $0x5000, s17;
	[dreg:$0x14] =	wrdreg s11  }
0x29: {  	s12 =	sadd.s32 s12, s2;
	s11 =	sshrl.u32 s14, $0x2;
	s14 =	sadd.s32 $0x4E610, s0  }
0x2a: {  	[dreg:$0x15] =	wrdreg s12;
	s11 =	sadd.s32 s11, s2;
	s19 =	sshrl.u32 s13, $0x2  }
0x2b: {  	s12 =	sshrl.u32 s3, $0x2;
	s13 =	sadd.s32 $0x410, s0;
	s17 =	sshrl.u32 s14, $0x3  }
0x2c: {  	s3 =	sadd.s32 $0x3C0, s0;
	s14 =	sadd.s32 $0x4E5C0, s0;
	[dreg:$0x16] =	wrdreg s11  }
0x2d: {  	s23 =	sadd.s32 s19, s2;
	s11 =	sshrl.u32 s25, $0x2;
	s19 =	sshrl.u32 s18, $0x3  }
0x2e: {  	s25 =	sshrl.u32 s24, $0x3;
	s18 =	sadd.s32 $0x370, s0;
	s24 =	sadd.s32 $0x320, s0  }
0x2f: {  	[dreg:$0x17] =	wrdreg s23;
	s7 =	sadd.s32 s11, s2;
	s11 =	sadd.s32 s12, s2  }
0x30: {  	s12 =	sshrl.u32 s13, $0x3;
	s23 =	sshrl.u32 s20, $0x3;
	s2 =	sshrl.u32 s26, $0x3  }
0x31: {  	s13 =	sshrl.u32 s3, $0x3;
	s20 =	sadd.s32 $0x4E570, s0;
	s12 =	sadd.s32 s12, s22  }
0x32: {  	s26 =	sadd.s32 $0x4E520, s0;
	s3 =	sadd.s32 $0x2D0, s0;
	[dreg:$0x18] =	wrdreg s12  }
0x33: {  	s12 =	sadd.s32 s17, s22;
	s17 =	sshrl.u32 s14, $0x3;
	s14 =	sadd.s32 $0x4E4D0, s0  }
0x34: {  	[dreg:$0x19] =	wrdreg s12;
	s12 =	sadd.s32 s19, s22;
	s19 =	sshrl.u32 s18, $0x3  }
0x35: {  	s18 =	sadd.s32 $0x4E480, s0;
	s0 =	sadd.s32 $0x280, s0;
	[dreg:$0x1a] =	wrdreg s12  }
0x36: {  	s12 =	sadd.s32 s23, s22;
	[smem:$0x7DE] =	sst s0  }
0x37: {  	s23 =	sshrl.u32 s20, $0x3;
	s20 =	sshrl.u32 s1, $0x3;
	[dreg:$0x1b] =	wrdreg s12  }
0x38: {  	s1 =	sshrl.u32 s10, $0x3;
	[smem:$0x7E0] =	sst s20  }
0x39: {  	s10 =	sadd.s32 $0x28, s15;
	[smem:$0x7E6] =	sst s1  }
0x3a: {  	s12 =	sadd.s32 s25, s22;
	[smem:$0x7EF] =	sst s10  }
0x3b: {  	s25 =	sshrl.u32 s24, $0x3;
	s24 =	sshrl.u32 s11, $0x3;
	[dreg:$0x1c] =	wrdreg s12  }
0x3c: {  	s11 =	sadd.s32 $0x9C68, s15;
	[smem:$0x7E3] =	sst s24  }
0x3d: {  	s20 =	sadd.s32 $0xA0000, s16;
	[smem:$0x7F0] =	sst s11  }
0x3e: {  	s12 =	sadd.s32 s2, s22;
	[smem:$0x7F7] =	sst s20  }
0x3f: {  	s2 =	sshrl.u32 s26, $0x3;
	s26 =	sshrl.u32 s9, $0x3;
	[dreg:$0x1d] =	wrdreg s12  }
0x40: {  	s9 =	sadd.s32 $0x9C5E, s15;
	[smem:$0x7E5] =	sst s26  }
0x41: {  	s24 =	sadd.s32 $0xF0000, s16;
	[smem:$0x7EE] =	sst s9  }
0x42: {  	s12 =	sadd.s32 s13, s22;
	[smem:$0x7FB] =	sst s24  }
0x43: {  	s13 =	sshrl.u32 s3, $0x3;
	s3 =	sadd.s32 $0xA, s15;
	[dreg:$0x1e] =	wrdreg s12  }
0x44: {  	s28 =	simm.s32 $0x1F100;
	s26 =	sadd.s32 $0x118000, s16;
	[smem:$0x7E9] =	sst s3  }
0x45: {  	s29 =	simm.s32 $0x1EE00;
	s12 =	sadd.s32 s17, s22;
	[smem:$0x7FD] =	sst s26  }
0x46: {  	s17 =	sshrl.u32 s14, $0x3;
	s14 =	sadd.s32 $0x3C, s15;
	[dreg:$0x1f] =	wrdreg s12  }
0x47: {  	s30 =	simm.s32 $0x50;
	s12 =	sadd.s32 s19, s22;
	[smem:$0x7F3] =	sst s14  }
0x48: {  	s19 =	sshrl.u32 s18, $0x3;
	s18 =	sadd.s32 $0x46, s15;
	[smem:$0x7D8] =	sst s12  }
0x49: {  	s31 =	simm.s32 $0x1F000;
	s12 =	sadd.s32 s23, s22;
	[smem:$0x7F5] =	sst s18  }
0x4a: {  	s21 =	simm.s32 $0x1F280;
	s0 =	sadd.s32 s19, s22;
	[smem:$0x7D9] =	sst s12  }
0x4b: {  	s1 =	simm.s32 $0x1F200;
	s23 =	sshrl.u32 s7, $0x3;
	[smem:$0x7DF] =	sst s0  }
0x4c: {  	s10 =	simm.s32 $0x2;
	s7 =	sadd.s32 $0x9C54, s15;
	[smem:$0x7E2] =	sst s23  }
0x4d: {  	s20 =	simm.s32 $0x1EE80;
	s19 =	sadd.s32 $0x9C86, s15;
	[smem:$0x7EC] =	sst s7  }
0x4e: {  	s11 =	simm.s32 $0x6;
	s12 =	sadd.s32 s25, s22;
	[smem:$0x7F6] =	sst s19  }
0x4f: {  	s9 =	simm.s32 $0xD;
	s25 =	sshrl.u32 s8, $0x3;
	[smem:$0x7DA] =	sst s12  }
0x50: {  	s24 =	simm.s32 $0x3;
	s0 =	sshrl.u32 @!p1 s6, $0x3;
	[smem:$0x7E4] =	sst s25  }
0x51: {  	s26 =	simm.s32 $0x1ED80;
	s6 =	sadd.s32 $0x14, s15;
	[smem:$0x7E7] =	sst s0  }
0x52: {  	s3 =	simm.s32 $0x11;
	s8 =	sadd.s32 $0x1E, s15;
	[smem:$0x7EB] =	sst s6  }
0x53: {  	s14 =	simm.s32 $0x4;
	s23 =	sadd.s32 $0xDC000, s16;
	[smem:$0x7ED] =	sst s8  }
0x54: {  	s19 =	simm.s32 $0x1F180;
	s12 =	sadd.s32 s2, s22;
	[smem:$0x7FA] =	sst s23  }
0x55: {  	s7 =	simm.s32 $0x1;
	s2 =	sadd.s32 $0x9C40, s15;
	[smem:$0x7DB] =	sst s12  }
0x56: {  	s25 =	sadd.s32 $0x104000, s16;
	s6 =	simm.s32 $0x1ED00;
	[smem:$0x7E8] =	sst s2  }
0x57: {  	s0 =	simm.s32 $0xC;
	s12 =	sadd.s32 s13, s22;
	[smem:$0x7FC] =	sst s25  }
0x58: {  	s8 =	simm.s32 $0x5;
	s13 =	sadd.s32 $0x9C72, s15;
	[smem:$0x7DC] =	sst s12  }
0x59: {  	s23 =	simm.s32 $0x7;
	s12 =	sadd.s32 s17, s22;
	[smem:$0x7F2] =	sst s13  }
0x5a: {  	s2 =	simm.s32 $0x14C80;
	s22 =	sshrl.u32 s5, $0x3;
	[smem:$0x7DD] =	sst s12  }
0x5b: {  	s25 =	simm.s32 $0x19C80;
	s5 =	sadd.s32 $0x9C4A, s15;
	[smem:$0x7E1] =	sst s22  }
.Ltmp0:
0x5c: {  	s17 =	sadd.s32 $0x9C7C, s15;
	[smem:$0x7EA] =	sst s5;
	(pc) =	sbr.rel .LBB2_1-.Ltmp0, $4  }
0x5d: {  	s13 =	simm.s32 $0x17480;
	s12 =	sadd.s32 $0x32, s15;
	[smem:$0x7F4] =	sst s17  }
0x5e: {  	s22 =	sadd.s32 $0xC8000, s16;
	s16 =	simm.s32 $0x1EC80;
	s15 =	simm.s32 $0x1C480  }
0x5f: {  	s17 =	simm.s32 $0x10;
	s5 =	simm.s32 $0x0;
	[smem:$0x7F1] =	sst s12  }
0x60: {  	v0 =	vimm.f32 $0.0e+00;
	[smem:$0x7F9] =	sst s22;
	s22 =	simm.s32 $0x1F080;
	s12 =	simm.s32 $0x8  }
.LBB2_6:
0x61: {  	_ =	swait.ge [sflag:s7], $0x2800  }
0x62: {  	[sflag:s7] =	ssyncset.done $0x0  }
0x63: {  	[sflag:s7] =	ssyncadd.s32 $0xFFFFD800  }
0x64: {  	s22 =	simm.s32 $0x1F080;
	s5 =	simm.s32 $0x14C80;
	s3 =	rddreg [dreg:$0x2]  }
0x65: {  	[spmem:s3] =	stream.indirect.scatter.add.f32 [tilespmem:s5], [sflag:$0x5], $0x80, s22, s30, $0xb8;
	[tilespmem:$0x1F480] =	vst v63  }
0x66: {  	_ =	swait.ge [sflag:s8], $0x2800  }
0x67: {  	[sflag:s8] =	ssyncset.done $0x0  }
0x68: {  	[sflag:s8] =	ssyncadd.s32 $0xFFFFD800  }
0x69: {  	_ =	swait.ge [sflag:s9], $0x50  }
0x6a: {  	[sflag:s9] =	ssyncset.done $0x0  }
0x6b: {  	[sflag:s9] =	ssyncadd.s32 $0xFFFFFFB0  }
0x6c: {  	_ =	swait.ge [sflag:s9], $0x50  }
0x6d: {  	[sflag:s9] =	ssyncset.done $0x0  }
0x6e: {  	[sflag:s9] =	ssyncadd.s32 $0xFFFFFFB0  }
0x6f: {  	s1 =	simm.s32 $0x1EE80;
	s2 =	rddreg [dreg:$0x0]  }
0x70: {  	[tilespmem:s5], [sflag:$0x1] =	stream.indirect.gather [hbm4b:s2+s30], $0x80, s1, s30, $0xb8;
	[tilespmem:$0x1F480] =	vst v63  }
0x71: {  	_ =	swait.ge [sflag:s10], $0x2800  }
0x72: {  	[sflag:s10] =	ssyncset.done $0x0  }
0x73: {  	s28 =	simm.s32 $0x1F100;
	[sflag:s10] =	ssyncadd.s32 $0xFFFFD800  }
0x74: {  	[spmem:s3] =	stream.indirect.scatter.add.f32 [tilespmem:s13], [sflag:$0x6], $0x80, s28, s30, $0xb8;
	[tilespmem:$0x1F480] =	vst v63  }
0x75: {  	_ =	swait.ge [sflag:s24], $0x2800  }
0x76: {  	[sflag:s24] =	ssyncset.done $0x0  }
0x77: {  	s18 =	simm.s32 $0x1F180;
	[sflag:s24] =	ssyncadd.s32 $0xFFFFD800  }
0x78: {  	[spmem:s3] =	stream.indirect.scatter.add.f32 [tilespmem:s25], [sflag:$0x7], $0x80, s18, s30, $0xb8;
	[tilespmem:$0x1F480] =	vst v63  }
0x79: {  	_ =	swait.ge [sflag:s14], $0x2800  }
0x7a: {  	[sflag:s14] =	ssyncset.done $0x0  }
0x7b: {  	s2 =	simm.s32 $0x1F200;
	[sflag:s14] =	ssyncadd.s32 $0xFFFFD800  }
0x7c: {  	[spmem:s3] =	stream.indirect.scatter.add.f32 [tilespmem:s15], [sflag:$0x8], $0x80, s2, s30, $0xb8;
	[tilespmem:$0x1F480] =	vst v63  }
0x7d: {  	_ =	swait.ge [sflag:s7], $0x2800  }
0x7e: {  	[sflag:s7] =	ssyncset.done $0x0  }
0x7f: {  	s21 =	simm.s32 $0x1F280;
	[sflag:s7] =	ssyncadd.s32 $0xFFFFD800  }
0x80: {  	[spmem:s3] =	stream.indirect.scatter.add.f32 [tilespmem:s5], [sflag:$0x5], $0x80, s21, s30, $0xb8;
	[tilespmem:$0x1F480] =	vst v63  }
0x81: {  	_ =	swait.ge [sflag:s11], $0x2800  }
0x82: {  	[sflag:s11] =	ssyncset.done $0x0  }
0x83: {  	[sflag:s11] =	ssyncadd.s32 $0xFFFFD800  }
0x84: {  	_ =	swait.ge [sflag:s23], $0x2800  }
0x85: {  	[sflag:s23] =	ssyncset.done $0x0  }
0x86: {  	[sflag:s23] =	ssyncadd.s32 $0xFFFFD800  }
0x87: {  	_ =	swait.ge [sflag:s12], $0x2800  }
0x88: {  	[sflag:s12] =	ssyncset.done $0x0  }
0x89: {  	[sflag:s12] =	ssyncadd.s32 $0xFFFFD800  }
0x8a: {  	_ =	swait.ge [sflag:s8], $0x2800  }
0x8b: {  	[sflag:s8] =	ssyncset.done $0x0  }
0x8c: {  	[sflag:s8] =	ssyncadd.s32 $0xFFFFD800  }
0x8d: {  	[bflag:$0x0] =	sbarrier.arrive $0xFFFF  }
0x8e: {  	s5 =	stileid.u32;
	s20 =	sld [smem:$0x7E0]  }
0x8f: {  	s18 =	sshll.u32 s5, $0x6  }
0x90: {  	s18 =	sor.u32 $0x1C11, s18;
	s19 =	rddreg [dreg:$0x5]  }
0x91: {  	[hbm:s19], [sflag:s18] =	dma.local [spmem:s20], $0x500  }
0x92: {  	s20 =	sld [smem:$0x7E1];
	_ =	sdelay $0x1  }
0x93: {  	s19 =	rddreg [dreg:$0x6]  }
0x94: {  	[hbm:s19], [sflag:s18] =	dma.local [spmem:s20], $0x500  }
0x95: {  	s20 =	sld [smem:$0x7E2];
	_ =	sdelay $0x1  }
0x96: {  	s19 =	rddreg [dreg:$0x7]  }
0x97: {  	[hbm:s19], [sflag:s18] =	dma.local [spmem:s20], $0x500  }
0x98: {  	s20 =	sld [smem:$0x7E3];
	_ =	sdelay $0x1  }
0x99: {  	s19 =	rddreg [dreg:$0x8]  }
0x9a: {  	[hbm:s19], [sflag:s18] =	dma.local [spmem:s20], $0x500  }
0x9b: {  	s20 =	sld [smem:$0x7E4];
	_ =	sdelay $0x1  }
0x9c: {  	s19 =	rddreg [dreg:$0x9]  }
0x9d: {  	[hbm:s19], [sflag:s18] =	dma.local [spmem:s20], $0x500  }
0x9e: {  	s20 =	sld [smem:$0x7E5];
	_ =	sdelay $0x1  }
0x9f: {  	s19 =	rddreg [dreg:$0xa]  }
0xa0: {  	[hbm:s19], [sflag:s18] =	dma.local [spmem:s20], $0x500  }
0xa1: {  	s20 =	sld [smem:$0x7E6];
	_ =	sdelay $0x1  }
0xa2: {  	s19 =	rddreg [dreg:$0xb]  }
0xa3: {  	[hbm:s19], [sflag:s18] =	dma.local [spmem:s20], $0x500  }
0xa4: {  	s20 =	sld [smem:$0x7E7];
	_ =	sdelay $0x1  }
0xa5: {  	s3 =	simm.s32 $0x11;
	s19 =	rddreg [dreg:$0xc]  }
0xa6: {  	[hbm:s19], [sflag:s18] =	dma.local @!p1 [spmem:s20], $0x500  }
0xa7: {  	_ =	swait.ge [sflag:s3], $0x500  }
0xa8: {  	[sflag:s3] =	ssyncset.done $0x0  }
0xa9: {  	[sflag:s3] =	ssyncadd.s32 $0xFFFFFB00  }
0xaa: {  	_ =	swait.ge [sflag:s3], $0x500  }
0xab: {  	[sflag:s3] =	ssyncset.done $0x0  }
0xac: {  	[sflag:s3] =	ssyncadd.s32 $0xFFFFFB00  }
0xad: {  	_ =	swait.ge [sflag:s3], $0x500  }
0xae: {  	[sflag:s3] =	ssyncset.done $0x0  }
0xaf: {  	[sflag:s3] =	ssyncadd.s32 $0xFFFFFB00  }
0xb0: {  	_ =	swait.ge [sflag:s3], $0x500  }
0xb1: {  	[sflag:s3] =	ssyncset.done $0x0  }
0xb2: {  	[sflag:s3] =	ssyncadd.s32 $0xFFFFFB00  }
0xb3: {  	_ =	swait.ge [sflag:s3], $0x500  }
0xb4: {  	[sflag:s3] =	ssyncset.done $0x0  }
0xb5: {  	[sflag:s3] =	ssyncadd.s32 $0xFFFFFB00  }
0xb6: {  	_ =	swait.ge [sflag:s3], $0x500  }
0xb7: {  	[sflag:s3] =	ssyncset.done $0x0  }
0xb8: {  	[sflag:s3] =	ssyncadd.s32 $0xFFFFFB00  }
0xb9: {  	_ =	swait.ge [sflag:s3], $0x500  }
0xba: {  	[sflag:s3] =	ssyncset.done $0x0  }
0xbb: {  	s18 =	simm.s32 @!p3 $0x11;
	[sflag:s3] =	ssyncadd.s32 $0xFFFFFB00  }
0xbc: {  	_ =	swait.ge @!p3 [sflag:s18], $0x500  }
0xbd: {  	s19 =	sld [smem:$0x7D7];
	_ =	sdelay $0x2  }
0xbe: {  	s5 =	sadd.s32 $0x1, s19;
	s19 =	rddreg [dreg:$0xe]  }
0xbf: {  	p4 =	sne.s32 s5, s19  }
.Ltmp1:
0xc0: {  	_ = 	snop;
	(pc) =	sbr.rel @!p4 .LBB2_7-.Ltmp1, $3  }
0xc1: {  	_ =	sdelay $0x1  }
0xc2: {  	s1 =	simm.s32 $0x1F200;
	s2 =	simm.s32 $0x14C80;
	[sflag:s18] =	ssyncset.done @!p3 $0x0  }
0xc3: {  	s20 =	simm.s32 $0x1EE80;
	[sflag:s18] =	ssyncadd.s32 @!p3 $0xFFFFFB00;
	s19 =	simm.s32 $0x1F180  }
.LBB2_1:
0xc4: {  	[smem:$0x7D7] =	sst s5  }
0xc5: {  	s18 =	rddreg [dreg:$0xd]  }
0xc6: {  	s5 =	sld [smem:$0x7E8]  }
0xc7: {  	[tilespmem:s16], [sflag:$0x9] =	stream.linear.gather [hbm4b:s18+s4], $0x50, $0x38;
	[tilespmem:$0x1F480] =	vst v63  }
0xc8: {  	_ = 	snop  }
0xc9: {  	[tilespmem:s22], [sflag:$0x9] =	stream.linear.gather [hbm4b:s5+s4], $0x50, $0x38;
	[tilespmem:$0x1F480] =	vst v63  }
0xca: {  	s5 =	sld [smem:$0x7E9];
	_ =	sdelay $0x2  }
0xcb: {  	[tilespmem:s6], [sflag:$0xA] =	stream.linear.gather [hbm4b:s5+s4], $0x50, $0x38;
	[tilespmem:$0x1F480] =	vst v63  }
0xcc: {  	s5 =	sld [smem:$0x7EA];
	_ =	sdelay $0x2  }
0xcd: {  	[tilespmem:s28], [sflag:$0xA] =	stream.linear.gather [hbm4b:s5+s4], $0x50, $0x38;
	[tilespmem:$0x1F480] =	vst v63  }
0xce: {  	s5 =	sld [smem:$0x7EB];
	_ =	sdelay $0x1  }
0xcf: {  	s28 =	sld [smem:$0x7EC]  }
0xd0: {  	[tilespmem:s26], [sflag:$0xB] =	stream.linear.gather [hbm4b:s5+s4], $0x50, $0x38;
	[tilespmem:$0x1F480] =	vst v63  }
0xd1: {  	s5 =	sld [smem:$0x7ED]  }
0xd2: {  	[tilespmem:s19], [sflag:$0xB] =	stream.linear.gather [hbm4b:s28+s4], $0x50, $0x38;
	[tilespmem:$0x1F480] =	vst v63  }
0xd3: {  	s19 =	sld [smem:$0x7EE]  }
0xd4: {  	[tilespmem:s29], [sflag:$0xC] =	stream.linear.gather [hbm4b:s5+s4], $0x50, $0x38;
	[tilespmem:$0x1F480] =	vst v63  }
0xd5: {  	s28 =	sld [smem:$0x7EF]  }
0xd6: {  	[tilespmem:s1], [sflag:$0xC] =	stream.linear.gather [hbm4b:s19+s4], $0x50, $0x38;
	[tilespmem:$0x1F480] =	vst v63  }
0xd7: {  	s1 =	sld [smem:$0x7F0]  }
0xd8: {  	[tilespmem:s20], [sflag:$0xD] =	stream.linear.gather [hbm4b:s28+s4], $0x50, $0x38;
	[tilespmem:$0x1F480] =	vst v63  }
0xd9: {  	s5 =	sld [smem:$0x7F1]  }
0xda: {  	[tilespmem:s21], [sflag:$0xD] =	stream.linear.gather [hbm4b:s1+s4], $0x50, $0x38;
	[tilespmem:$0x1F480] =	vst v63  }
0xdb: {  	s19 =	simm.s32 $0x1EF00;
	s21 =	sld [smem:$0x7F2]  }
0xdc: {  	[tilespmem:s19], [sflag:$0xE] =	stream.linear.gather [hbm4b:s5+s4], $0x50, $0x38;
	[tilespmem:$0x1F480] =	vst v63  }
0xdd: {  	s28 =	simm.s32 $0x1F300;
	s5 =	sld [smem:$0x7F3]  }
0xde: {  	[tilespmem:s28], [sflag:$0xE] =	stream.linear.gather [hbm4b:s21+s4], $0x50, $0x38;
	[tilespmem:$0x1F480] =	vst v63  }
0xdf: {  	s19 =	simm.s32 $0x1EF80;
	s21 =	sld [smem:$0x7F4]  }
0xe0: {  	[tilespmem:s19], [sflag:$0xF] =	stream.linear.gather [hbm4b:s5+s4], $0x50, $0x38;
	[tilespmem:$0x1F480] =	vst v63  }
0xe1: {  	s28 =	simm.s32 $0x1F380;
	s5 =	sld [smem:$0x7F5]  }
0xe2: {  	[tilespmem:s28], [sflag:$0xF] =	stream.linear.gather [hbm4b:s21+s4], $0x50, $0x38;
	[tilespmem:$0x1F480] =	vst v63  }
0xe3: {  	s19 =	simm.s32 $0x1F000;
	s21 =	sld [smem:$0x7F6]  }
0xe4: {  	[tilespmem:s19], [sflag:$0x10] =	stream.linear.gather [hbm4b:s5+s4], $0x50, $0x38;
	[tilespmem:$0x1F480] =	vst v63  }
0xe5: {  	s18 =	simm.s32 $0x0;
	s28 =	simm.s32 $0x1F400;
	s19 =	simm.s32 $0x200  }
0xe6: {  	[tilespmem:s28], [sflag:$0x10] =	stream.linear.gather [hbm4b:s21+s4], $0x50, $0x38;
	[tilespmem:$0x1F480] =	vst v63  }
.LBB2_2:
0xe7: {  	p4 =	sne.s32 s19, $0x4E00;
	[tilespmem:s18+$0x70] =	vst v0  }
0xe8: {  	[tilespmem:s18+$0x0] =	vst v0  }
0xe9: {  	[tilespmem:s18+$0x10] =	vst v0  }
.Ltmp2:
0xea: {  	[tilespmem:s18+$0x20] =	vst v0;
	(pc) =	sbr.rel @p4 .LBB2_2-.Ltmp2, $4  }
0xeb: {  	[tilespmem:s18+$0x30] =	vst v0  }
0xec: {  	[tilespmem:s18+$0x40] =	vst v0  }
0xed: {  	[tilespmem:s18+$0x50] =	vst v0  }
0xee: {  	[tilespmem:s18+$0x60] =	vst v0;
	s18 =	sshra.s32 s19, $0x2;
	s19 =	sadd.s32 $0x200, s19  }
0xef: {  	[tilespmem:s18+$0x70] =	vst v0  }
0xf0: {  	[tilespmem:s18+$0x0] =	vst v0  }
0xf1: {  	[tilespmem:s18+$0x10] =	vst v0  }
0xf2: {  	[tilespmem:s18+$0x20] =	vst v0  }
0xf3: {  	[tilespmem:s18+$0x30] =	vst v0  }
0xf4: {  	[tilespmem:s18+$0x40] =	vst v0  }
0xf5: {  	[tilespmem:s18+$0x50] =	vst v0  }
0xf6: {  	[tilespmem:s18+$0x60] =	vst v0;
	s1 =	simm.s32 $0x9  }
0xf7: {  	_ =	swait.ge [sflag:s1], $0x50  }
0xf8: {  	[sflag:s1] =	ssyncset.done $0x0  }
0xf9: {  	[sflag:s1] =	ssyncadd.s32 $0xFFFFFFB0  }
0xfa: {  	_ =	swait.ge [sflag:s1], $0x50  }
0xfb: {  	[sflag:s1] =	ssyncset.done $0x0  }
0xfc: {  	[sflag:s1] =	ssyncadd.s32 $0xFFFFFFB0  }
0xfd: {  	s19 =	simm.s32 $0xA;
	s1 =	rddreg [dreg:$0x0]  }
0xfe: {  	[tilespmem:s2], [sflag:$0x1] =	stream.indirect.gather [hbm4b:s1+s30], $0x80, s16, s30, $0xb8;
	[tilespmem:$0x1F480] =	vst v63  }
0xff: {  	_ =	swait.ge [sflag:s19], $0x50  }
0x100: {  	[sflag:s19] =	ssyncset.done $0x0  }
0x101: {  	[sflag:s19] =	ssyncadd.s32 $0xFFFFFFB0  }
0x102: {  	_ =	swait.ge [sflag:s19], $0x50  }
0x103: {  	[sflag:s19] =	ssyncset.done $0x0  }
0x104: {  	s21 =	simm.s32 $0xB;
	[sflag:s19] =	ssyncadd.s32 $0xFFFFFFB0  }
0x105: {  	[tilespmem:s13], [sflag:$0x2] =	stream.indirect.gather [hbm4b:s1+s30], $0x80, s6, s30, $0xb8;
	[tilespmem:$0x1F480] =	vst v63  }
0x106: {  	_ =	swait.ge [sflag:s21], $0x50  }
0x107: {  	[sflag:s21] =	ssyncset.done $0x0  }
0x108: {  	[sflag:s21] =	ssyncadd.s32 $0xFFFFFFB0  }
0x109: {  	_ =	swait.ge [sflag:s21], $0x50  }
0x10a: {  	[sflag:s21] =	ssyncset.done $0x0  }
0x10b: {  	[sflag:s21] =	ssyncadd.s32 $0xFFFFFFB0  }
0x10c: {  	[tilespmem:s25], [sflag:$0x3] =	stream.indirect.gather [hbm4b:s1+s30], $0x80, s26, s30, $0xb8;
	[tilespmem:$0x1F480] =	vst v63  }
0x10d: {  	_ =	swait.ge [sflag:s0], $0x50  }
0x10e: {  	[sflag:s0] =	ssyncset.done $0x0  }
0x10f: {  	[sflag:s0] =	ssyncadd.s32 $0xFFFFFFB0  }
0x110: {  	_ =	swait.ge [sflag:s0], $0x50  }
0x111: {  	[sflag:s0] =	ssyncset.done $0x0  }
0x112: {  	s28 =	rddreg [dreg:$0xf];
	[sflag:s0] =	ssyncadd.s32 $0xFFFFFFB0  }
0x113: {  	[tilespmem:s15], [sflag:$0x4] =	stream.indirect.gather [hbm4b:s1+s30], $0x80, s29, s30, $0xb8;
	[tilespmem:$0x1F480] =	vst v63  }
0x114: {  	s2 =	rddreg [dreg:$0x12]  }
0x115: {  	[spmem:s28] =	stream.linear.scatter [tilespmem:s4], [sflag:$0x11], $0x1400, $0x38;
	[tilespmem:$0x1F480] =	vst v63  }
0x116: {  	s29 =	rddreg [dreg:$0x10]  }
0x117: {  	[spmem:s29] =	stream.linear.scatter [tilespmem:s4], [sflag:$0x11], $0x1400, $0x38;
	[tilespmem:$0x1F480] =	vst v63  }
0x118: {  	s1 =	rddreg [dreg:$0x11]  }
0x119: {  	[spmem:s1] =	stream.linear.scatter [tilespmem:s4], [sflag:$0x11], $0x1400, $0x38;
	[tilespmem:$0x1F480] =	vst v63  }
0x11a: {  	s5 =	rddreg [dreg:$0x13]  }
0x11b: {  	[spmem:s2] =	stream.linear.scatter [tilespmem:s4], [sflag:$0x11], $0x1400, $0x38;
	[tilespmem:$0x1F480] =	vst v63  }
0x11c: {  	s6 =	rddreg [dreg:$0x14]  }
0x11d: {  	[spmem:s5] =	stream.linear.scatter [tilespmem:s4], [sflag:$0x11], $0x1400, $0x38;
	[tilespmem:$0x1F480] =	vst v63  }
0x11e: {  	s13 =	rddreg [dreg:$0x15]  }
0x11f: {  	[spmem:s6] =	stream.linear.scatter [tilespmem:s4], [sflag:$0x11], $0x1400, $0x38;
	[tilespmem:$0x1F480] =	vst v63  }
0x120: {  	s16 =	sld [smem:$0x7F7]  }
0x121: {  	[spmem:s13] =	stream.linear.scatter [tilespmem:s4], [sflag:$0x11], $0x1400, $0x38;
	[tilespmem:$0x1F480] =	vst v63  }
0x122: {  	s15 =	rddreg [dreg:$0x16]  }
0x123: {  	[spmem:s15] =	stream.linear.scatter [tilespmem:s4], [sflag:$0x11], $0x1400, $0x38;
	[tilespmem:$0x1F480] =	vst v63  }
0x124: {  	s19 =	sld [smem:$0x7F8]  }
0x125: {  	[spmem:s16] =	stream.linear.scatter [tilespmem:s4], [sflag:$0x11], $0x1400, $0x38;
	[tilespmem:$0x1F480] =	vst v63  }
0x126: {  	s21 =	sld [smem:$0x7F9]  }
0x127: {  	[spmem:s19] =	stream.linear.scatter [tilespmem:s4], [sflag:$0x11], $0x1400, $0x38;
	[tilespmem:$0x1F480] =	vst v63  }
0x128: {  	s25 =	sld [smem:$0x7FA]  }
0x129: {  	[spmem:s21] =	stream.linear.scatter [tilespmem:s4], [sflag:$0x11], $0x1400, $0x38;
	[tilespmem:$0x1F480] =	vst v63  }
0x12a: {  	s26 =	sld [smem:$0x7FB]  }
0x12b: {  	[spmem:s25] =	stream.linear.scatter [tilespmem:s4], [sflag:$0x11], $0x1400, $0x38;
	[tilespmem:$0x1F480] =	vst v63  }
0x12c: {  	s28 =	sld [smem:$0x7FC]  }
0x12d: {  	[spmem:s26] =	stream.linear.scatter [tilespmem:s4], [sflag:$0x11], $0x1400, $0x38;
	[tilespmem:$0x1F480] =	vst v63  }
0x12e: {  	s29 =	sld [smem:$0x7FD]  }
0x12f: {  	[spmem:s28] =	stream.linear.scatter [tilespmem:s4], [sflag:$0x11], $0x1400, $0x38;
	[tilespmem:$0x1F480] =	vst v63  }
0x130: {  	_ = 	snop  }
0x131: {  	[spmem:s29] =	stream.linear.scatter [tilespmem:s4], [sflag:$0x11], $0x1400, $0x38;
	[tilespmem:$0x1F480] =	vst v63  }
0x132: {  	s18 =	simm.s32 @!p0 $0x0;
	s19 =	rddreg [dreg:$0x17]  }
0x133: {  	[spmem:s19] =	stream.linear.scatter @!p0 [tilespmem:s18], [sflag:$0x11], $0x1400, $0x38;
	[tilespmem:$0x1F480] =	vst v63  }
0x134: {  	_ =	swait.ge [sflag:s3], $0x1400  }
0x135: {  	[sflag:s3] =	ssyncset.done $0x0  }
0x136: {  	[sflag:s3] =	ssyncadd.s32 $0xFFFFEC00  }
0x137: {  	_ =	swait.ge [sflag:s3], $0x1400  }
0x138: {  	[sflag:s3] =	ssyncset.done $0x0  }
0x139: {  	[sflag:s3] =	ssyncadd.s32 $0xFFFFEC00  }
0x13a: {  	_ =	swait.ge [sflag:s3], $0x1400  }
0x13b: {  	[sflag:s3] =	ssyncset.done $0x0  }
0x13c: {  	[sflag:s3] =	ssyncadd.s32 $0xFFFFEC00  }
0x13d: {  	_ =	swait.ge [sflag:s3], $0x1400  }
0x13e: {  	[sflag:s3] =	ssyncset.done $0x0  }
0x13f: {  	[sflag:s3] =	ssyncadd.s32 $0xFFFFEC00  }
0x140: {  	_ =	swait.ge [sflag:s3], $0x1400  }
0x141: {  	[sflag:s3] =	ssyncset.done $0x0  }
0x142: {  	[sflag:s3] =	ssyncadd.s32 $0xFFFFEC00  }
0x143: {  	_ =	swait.ge [sflag:s3], $0x1400  }
0x144: {  	[sflag:s3] =	ssyncset.done $0x0  }
0x145: {  	[sflag:s3] =	ssyncadd.s32 $0xFFFFEC00  }
0x146: {  	_ =	swait.ge [sflag:s3], $0x1400  }
0x147: {  	[sflag:s3] =	ssyncset.done $0x0  }
0x148: {  	[sflag:s3] =	ssyncadd.s32 $0xFFFFEC00  }
0x149: {  	_ =	swait.ge [sflag:s3], $0x1400  }
0x14a: {  	[sflag:s3] =	ssyncset.done $0x0  }
0x14b: {  	[sflag:s3] =	ssyncadd.s32 $0xFFFFEC00  }
0x14c: {  	_ =	swait.ge [sflag:s3], $0x1400  }
0x14d: {  	[sflag:s3] =	ssyncset.done $0x0  }
0x14e: {  	[sflag:s3] =	ssyncadd.s32 $0xFFFFEC00  }
0x14f: {  	_ =	swait.ge [sflag:s3], $0x1400  }
0x150: {  	[sflag:s3] =	ssyncset.done $0x0  }
0x151: {  	[sflag:s3] =	ssyncadd.s32 $0xFFFFEC00  }
0x152: {  	_ =	swait.ge [sflag:s3], $0x1400  }
0x153: {  	[sflag:s3] =	ssyncset.done $0x0  }
0x154: {  	[sflag:s3] =	ssyncadd.s32 $0xFFFFEC00  }
0x155: {  	_ =	swait.ge [sflag:s3], $0x1400  }
0x156: {  	[sflag:s3] =	ssyncset.done $0x0  }
0x157: {  	[sflag:s3] =	ssyncadd.s32 $0xFFFFEC00  }
0x158: {  	_ =	swait.ge [sflag:s3], $0x1400  }
0x159: {  	[sflag:s3] =	ssyncset.done $0x0  }
0x15a: {  	[sflag:s3] =	ssyncadd.s32 $0xFFFFEC00  }
0x15b: {  	_ =	swait.ge [sflag:s3], $0x1400  }
0x15c: {  	[sflag:s3] =	ssyncset.done $0x0  }
0x15d: {  	[sflag:s3] =	ssyncadd.s32 $0xFFFFEC00  }
0x15e: {  	_ =	swait.ge [sflag:s3], $0x1400  }
0x15f: {  	[sflag:s3] =	ssyncset.done $0x0  }
0x160: {  	s18 =	simm.s32 @!p2 $0x11;
	[sflag:s3] =	ssyncadd.s32 $0xFFFFEC00  }
0x161: {  	_ =	swait.ge @!p2 [sflag:s18], $0x1400  }
0x162: {  	[sflag:s18] =	ssyncset.done @!p2 $0x0  }
0x163: {  	[sflag:s18] =	ssyncadd.s32 @!p2 $0xFFFFEC00  }
0x164: {  	s2 =	simm.s32 $0x1F400;
	[bflag:$0x0] =	sbarrier.arrive $0xFFFF  }
0x165: {  	s16 =	simm.s32 $0x1F000;
	s18 =	simm.s32 $0x0;
	s19 =	sld [smem:$0x7DE]  }
.LBB2_4:
0x166: {  	_ =	swait.ge [sflag:s7], $0x2800  }
0x167: {  	[sflag:s7] =	ssyncset.done $0x0  }
0x168: {  	[sflag:s7] =	ssyncadd.s32 $0xFFFFD800  }
0x169: {  	s13 =	simm.s32 $0x14C80;
	s5 =	rddreg [dreg:$0x2]  }
0x16a: {  	[spmem:s5] =	stream.indirect.scatter.add.f32 [tilespmem:s13], [sflag:$0x5], $0x80, s22, s30, $0xb8;
	[tilespmem:$0x1F480] =	vst v63  }
0x16b: {  	_ =	swait.ge [sflag:s8], $0x2800  }
0x16c: {  	[sflag:s8] =	ssyncset.done $0x0  }
0x16d: {  	[sflag:s8] =	ssyncadd.s32 $0xFFFFD800  }
0x16e: {  	_ =	swait.ge [sflag:s9], $0x50  }
0x16f: {  	[sflag:s9] =	ssyncset.done $0x0  }
0x170: {  	[sflag:s9] =	ssyncadd.s32 $0xFFFFFFB0  }
0x171: {  	_ =	swait.ge [sflag:s9], $0x50  }
0x172: {  	[sflag:s9] =	ssyncset.done $0x0;
	s21 =	rddreg [dreg:$0x4]  }
0x173: {  	s25 =	sld [smem:$0x7DF];
	[sflag:s9] =	ssyncadd.s32 $0xFFFFFFB0  }
0x174: {  	s15 =	sshrl.u32 s19, $0x3;
	s3 =	rddreg [dreg:$0x0]  }
0x175: {  	[tilespmem:s13], [sflag:$0x1] =	stream.indirect.gather [hbm4b:s3+s30], $0x80, s20, s30, $0xb8;
	[tilespmem:$0x1F480] =	vst v63  }
0x176: {  	s20 =	sadd.s32 s21, s15;
	s21 =	simm.s32 $0x1EC80  }
0x177: {  	[tilespmem:s21], [sflag:$0x9] =	stream.linear.gather [hbm4b:s20+s4], $0x50, $0x38;
	[tilespmem:$0x1F480] =	vst v63  }
0x178: {  	s20 =	sadd.s32 s18, s25  }
0x179: {  	[tilespmem:s22], [sflag:$0x9] =	stream.linear.gather [hbm4b:s20+s4], $0x50, $0x38;
	[tilespmem:$0x1F480] =	vst v63  }
0x17a: {  	_ =	swait.ge [sflag:s10], $0x2800  }
0x17b: {  	[sflag:s10] =	ssyncset.done $0x0  }
0x17c: {  	s6 =	simm.s32 $0x1F100;
	s25 =	simm.s32 $0x17480;
	[sflag:s10] =	ssyncadd.s32 $0xFFFFD800  }
0x17d: {  	[spmem:s5] =	stream.indirect.scatter.add.f32 [tilespmem:s25], [sflag:$0x6], $0x80, s6, s30, $0xb8;
	[tilespmem:$0x1F480] =	vst v63  }
0x17e: {  	_ =	swait.ge [sflag:s11], $0x2800  }
0x17f: {  	[sflag:s11] =	ssyncset.done $0x0  }
0x180: {  	s1 =	simm.s32 $0xE;
	[sflag:s11] =	ssyncadd.s32 $0xFFFFD800  }
0x181: {  	_ =	swait.ge [sflag:s1], $0x50  }
0x182: {  	[sflag:s1] =	ssyncset.done $0x0  }
0x183: {  	[sflag:s1] =	ssyncadd.s32 $0xFFFFFFB0  }
0x184: {  	_ =	swait.ge [sflag:s1], $0x50  }
0x185: {  	[sflag:s1] =	ssyncset.done $0x0  }
0x186: {  	[sflag:s1] =	ssyncadd.s32 $0xFFFFFFB0;
	s1 =	sld [smem:$0x7DC]  }
0x187: {  	s28 =	simm.s32 $0x1EF00;
	s15 =	sld [smem:$0x7DD]  }
0x188: {  	[tilespmem:s25], [sflag:$0x2] =	stream.indirect.gather [hbm4b:s3+s30], $0x80, s28, s30, $0xb8;
	[tilespmem:$0x1F480] =	vst v63  }
0x189: {  	s22 =	simm.s32 $0x1ED00;
	s20 =	sadd.s32 s18, s1  }
0x18a: {  	[tilespmem:s22], [sflag:$0xA] =	stream.linear.gather [hbm4b:s20+s4], $0x50, $0x38;
	[tilespmem:$0x1F480] =	vst v63  }
0x18b: {  	s20 =	sadd.s32 s18, s15  }
0x18c: {  	[tilespmem:s6], [sflag:$0xA] =	stream.linear.gather [hbm4b:s20+s4], $0x50, $0x38;
	[tilespmem:$0x1F480] =	vst v63  }
0x18d: {  	_ =	swait.ge [sflag:s24], $0x2800  }
0x18e: {  	[sflag:s24] =	ssyncset.done $0x0  }
0x18f: {  	s15 =	simm.s32 $0x19C80;
	s6 =	simm.s32 $0x1F180;
	[sflag:s24] =	ssyncadd.s32 $0xFFFFD800  }
0x190: {  	[spmem:s5] =	stream.indirect.scatter.add.f32 [tilespmem:s15], [sflag:$0x7], $0x80, s6, s30, $0xb8;
	[tilespmem:$0x1F480] =	vst v63  }
0x191: {  	_ =	swait.ge [sflag:s23], $0x2800  }
0x192: {  	[sflag:s23] =	ssyncset.done $0x0  }
0x193: {  	s20 =	simm.s32 $0xF;
	[sflag:s23] =	ssyncadd.s32 $0xFFFFD800  }
0x194: {  	_ =	swait.ge [sflag:s20], $0x50  }
0x195: {  	[sflag:s20] =	ssyncset.done $0x0  }
0x196: {  	[sflag:s20] =	ssyncadd.s32 $0xFFFFFFB0  }
0x197: {  	_ =	swait.ge [sflag:s20], $0x50  }
0x198: {  	[sflag:s20] =	ssyncset.done $0x0  }
0x199: {  	s28 =	simm.s32 $0x1EF80;
	s1 =	sld [smem:$0x7DA];
	[sflag:s20] =	ssyncadd.s32 $0xFFFFFFB0  }
0x19a: {  	[tilespmem:s15], [sflag:$0x3] =	stream.indirect.gather [hbm4b:s3+s30], $0x80, s28, s30, $0xb8;
	[tilespmem:$0x1F480] =	vst v63  }
0x19b: {  	s28 =	sld [smem:$0x7DB]  }
0x19c: {  	s29 =	simm.s32 $0x1ED80;
	s20 =	sadd.s32 s18, s1  }
0x19d: {  	[tilespmem:s29], [sflag:$0xB] =	stream.linear.gather [hbm4b:s20+s4], $0x50, $0x38;
	[tilespmem:$0x1F480] =	vst v63  }
0x19e: {  	s20 =	sadd.s32 s18, s28  }
0x19f: {  	[tilespmem:s6], [sflag:$0xB] =	stream.linear.gather [hbm4b:s20+s4], $0x50, $0x38;
	[tilespmem:$0x1F480] =	vst v63  }
0x1a0: {  	_ =	swait.ge [sflag:s14], $0x2800  }
0x1a1: {  	[sflag:s14] =	ssyncset.done $0x0  }
0x1a2: {  	s28 =	simm.s32 $0x1C480;
	s6 =	simm.s32 $0x1F200;
	[sflag:s14] =	ssyncadd.s32 $0xFFFFD800  }
0x1a3: {  	[spmem:s5] =	stream.indirect.scatter.add.f32 [tilespmem:s28], [sflag:$0x8], $0x80, s6, s30, $0xb8;
	[tilespmem:$0x1F480] =	vst v63  }
0x1a4: {  	_ =	swait.ge [sflag:s12], $0x2800  }
0x1a5: {  	[sflag:s12] =	ssyncset.done $0x0  }
0x1a6: {  	[sflag:s12] =	ssyncadd.s32 $0xFFFFD800  }
0x1a7: {  	_ =	swait.ge [sflag:s17], $0x50  }
0x1a8: {  	[sflag:s17] =	ssyncset.done $0x0  }
0x1a9: {  	[sflag:s17] =	ssyncadd.s32 $0xFFFFFFB0  }
0x1aa: {  	_ =	swait.ge [sflag:s17], $0x50  }
0x1ab: {  	[sflag:s17] =	ssyncset.done $0x0  }
0x1ac: {  	s1 =	sld [smem:$0x7D8];
	[sflag:s17] =	ssyncadd.s32 $0xFFFFFFB0  }
0x1ad: {  	[tilespmem:s28], [sflag:$0x4] =	stream.indirect.gather [hbm4b:s3+s30], $0x80, s16, s30, $0xb8;
	[tilespmem:$0x1F480] =	vst v63  }
0x1ae: {  	s16 =	sld [smem:$0x7D9]  }
0x1af: {  	s20 =	sadd.s32 s18, s1;
	s1 =	simm.s32 $0x1EE00  }
0x1b0: {  	[tilespmem:s1], [sflag:$0xC] =	stream.linear.gather [hbm4b:s20+s4], $0x50, $0x38;
	[tilespmem:$0x1F480] =	vst v63  }
0x1b1: {  	s20 =	sadd.s32 s18, s16  }
0x1b2: {  	[tilespmem:s6], [sflag:$0xC] =	stream.linear.gather [hbm4b:s20+s4], $0x50, $0x38;
	[tilespmem:$0x1F480] =	vst v63  }
0x1b3: {  	_ =	swait.ge [sflag:s7], $0x2800  }
0x1b4: {  	[sflag:s7] =	ssyncset.done $0x0  }
0x1b5: {  	s6 =	simm.s32 $0x1F280;
	[sflag:s7] =	ssyncadd.s32 $0xFFFFD800  }
0x1b6: {  	[spmem:s5] =	stream.indirect.scatter.add.f32 [tilespmem:s13], [sflag:$0x5], $0x80, s6, s30, $0xb8;
	[tilespmem:$0x1F480] =	vst v63  }
0x1b7: {  	_ =	swait.ge [sflag:s8], $0x2800  }
0x1b8: {  	[sflag:s8] =	ssyncset.done $0x0  }
0x1b9: {  	s20 =	simm.s32 $0x9;
	[sflag:s8] =	ssyncadd.s32 $0xFFFFD800  }
0x1ba: {  	_ =	swait.ge [sflag:s20], $0x50  }
0x1bb: {  	[sflag:s20] =	ssyncset.done $0x0  }
0x1bc: {  	[sflag:s20] =	ssyncadd.s32 $0xFFFFFFB0  }
0x1bd: {  	_ =	swait.ge [sflag:s20], $0x50  }
0x1be: {  	[sflag:s20] =	ssyncset.done $0x0  }
0x1bf: {  	[sflag:s20] =	ssyncadd.s32 $0xFFFFFFB0  }
0x1c0: {  	[tilespmem:s13], [sflag:$0x1] =	stream.indirect.gather [hbm4b:s3+s30], $0x80, s21, s30, $0xb8;
	[tilespmem:$0x1F480] =	vst v63  }
0x1c1: {  	s21 =	rddreg [dreg:$0x1e]  }
0x1c2: {  	s26 =	simm.s32 $0x1EE80;
	s13 =	rddreg [dreg:$0x1f];
	s20 =	sadd.s32 s18, s21  }
0x1c3: {  	[tilespmem:s26], [sflag:$0xD] =	stream.linear.gather [hbm4b:s20+s4], $0x50, $0x38;
	[tilespmem:$0x1F480] =	vst v63  }
0x1c4: {  	s20 =	sadd.s32 s18, s13  }
0x1c5: {  	[tilespmem:s6], [sflag:$0xD] =	stream.linear.gather [hbm4b:s20+s4], $0x50, $0x38;
	[tilespmem:$0x1F480] =	vst v63  }
0x1c6: {  	_ =	swait.ge [sflag:s10], $0x2800  }
0x1c7: {  	[sflag:s10] =	ssyncset.done $0x0  }
0x1c8: {  	s20 =	simm.s32 $0x1F300;
	[sflag:s10] =	ssyncadd.s32 $0xFFFFD800  }
0x1c9: {  	[spmem:s5] =	stream.indirect.scatter.add.f32 [tilespmem:s25], [sflag:$0x6], $0x80, s20, s30, $0xb8;
	[tilespmem:$0x1F480] =	vst v63  }
0x1ca: {  	_ =	swait.ge [sflag:s11], $0x2800  }
0x1cb: {  	[sflag:s11] =	ssyncset.done $0x0  }
0x1cc: {  	s21 =	simm.s32 $0xA;
	[sflag:s11] =	ssyncadd.s32 $0xFFFFD800  }
0x1cd: {  	_ =	swait.ge [sflag:s21], $0x50  }
0x1ce: {  	[sflag:s21] =	ssyncset.done $0x0  }
0x1cf: {  	[sflag:s21] =	ssyncadd.s32 $0xFFFFFFB0  }
0x1d0: {  	_ =	swait.ge [sflag:s21], $0x50  }
0x1d1: {  	[sflag:s21] =	ssyncset.done $0x0  }
0x1d2: {  	p4 =	seq.s32 s18, $0x460;
	s20 =	rddreg [dreg:$0x18];
	[sflag:s21] =	ssyncadd.s32 $0xFFFFFFB0  }
0x1d3: {  	[tilespmem:s25], [sflag:$0x2] =	stream.indirect.gather [hbm4b:s3+s30], $0x80, s22, s30, $0xb8;
	[tilespmem:$0x1F480] =	vst v63  }
0x1d4: {  	s20 =	sadd.s32 @!p4 s18, s20;
	s21 =	simm.s32 @!p4 $0x0;
	s22 =	simm.s32 @!p4 $0x1EF00  }
0x1d5: {  	[tilespmem:s22], [sflag:$0xE] =	stream.linear.gather @!p4 [hbm4b:s20+s21], $0x50, $0x38;
	[tilespmem:$0x1F480] =	vst v63  }
0x1d6: {  	s20 =	rddreg [dreg:$0x19]  }
0x1d7: {  	s22 =	simm.s32 @!p4 $0x1F300;
	s20 =	sadd.s32 @!p4 s18, s20  }
0x1d8: {  	[tilespmem:s22], [sflag:$0xE] =	stream.linear.gather @!p4 [hbm4b:s20+s21], $0x50, $0x38;
	[tilespmem:$0x1F480] =	vst v63  }
0x1d9: {  	_ =	swait.ge [sflag:s24], $0x2800  }
0x1da: {  	[sflag:s24] =	ssyncset.done $0x0  }
0x1db: {  	s25 =	simm.s32 $0x1F380;
	[sflag:s24] =	ssyncadd.s32 $0xFFFFD800  }
0x1dc: {  	[spmem:s5] =	stream.indirect.scatter.add.f32 [tilespmem:s15], [sflag:$0x7], $0x80, s25, s30, $0xb8;
	[tilespmem:$0x1F480] =	vst v63  }
0x1dd: {  	_ =	swait.ge [sflag:s23], $0x2800  }
0x1de: {  	[sflag:s23] =	ssyncset.done $0x0  }
0x1df: {  	s26 =	simm.s32 $0xB;
	[sflag:s23] =	ssyncadd.s32 $0xFFFFD800  }
0x1e0: {  	_ =	swait.ge [sflag:s26], $0x50  }
0x1e1: {  	[sflag:s26] =	ssyncset.done $0x0  }
0x1e2: {  	[sflag:s26] =	ssyncadd.s32 $0xFFFFFFB0  }
0x1e3: {  	_ =	swait.ge [sflag:s26], $0x50  }
0x1e4: {  	[sflag:s26] =	ssyncset.done $0x0  }
0x1e5: {  	s20 =	rddreg [dreg:$0x1a];
	[sflag:s26] =	ssyncadd.s32 $0xFFFFFFB0  }
0x1e6: {  	[tilespmem:s15], [sflag:$0x3] =	stream.indirect.gather [hbm4b:s3+s30], $0x80, s29, s30, $0xb8;
	[tilespmem:$0x1F480] =	vst v63  }
0x1e7: {  	s22 =	simm.s32 @!p4 $0x1EF80;
	s20 =	sadd.s32 @!p4 s18, s20  }
0x1e8: {  	[tilespmem:s22], [sflag:$0xF] =	stream.linear.gather @!p4 [hbm4b:s20+s21], $0x50, $0x38;
	[tilespmem:$0x1F480] =	vst v63  }
0x1e9: {  	s20 =	rddreg [dreg:$0x1b]  }
0x1ea: {  	s22 =	simm.s32 @!p4 $0x1F380;
	s20 =	sadd.s32 @!p4 s18, s20  }
0x1eb: {  	[tilespmem:s22], [sflag:$0xF] =	stream.linear.gather @!p4 [hbm4b:s20+s21], $0x50, $0x38;
	[tilespmem:$0x1F480] =	vst v63  }
0x1ec: {  	_ =	swait.ge [sflag:s14], $0x2800  }
0x1ed: {  	[sflag:s14] =	ssyncset.done $0x0  }
0x1ee: {  	[sflag:s14] =	ssyncadd.s32 $0xFFFFD800  }
0x1ef: {  	[spmem:s5] =	stream.indirect.scatter.add.f32 [tilespmem:s28], [sflag:$0x8], $0x80, s2, s30, $0xb8;
	[tilespmem:$0x1F480] =	vst v63  }
0x1f0: {  	_ =	swait.ge [sflag:s12], $0x2800  }
0x1f1: {  	[sflag:s12] =	ssyncset.done $0x0  }
0x1f2: {  	[sflag:s12] =	ssyncadd.s32 $0xFFFFD800  }
0x1f3: {  	_ =	swait.ge [sflag:s0], $0x50  }
0x1f4: {  	[sflag:s0] =	ssyncset.done $0x0  }
0x1f5: {  	[sflag:s0] =	ssyncadd.s32 $0xFFFFFFB0  }
.Ltmp3:
0x1f6: {  	s16 =	simm.s32 $0x1EC80;
	_ =	swait.ge [sflag:s0], $0x50;
	(pc) =	sbr.rel @p4 .LBB2_6-.Ltmp3, $4  }
0x1f7: {  	s13 =	simm.s32 $0x17480;
	s6 =	simm.s32 $0x1ED00;
	[sflag:s0] =	ssyncset.done $0x0  }
0x1f8: {  	s25 =	simm.s32 $0x19C80;
	s26 =	simm.s32 $0x1ED80;
	[sflag:s0] =	ssyncadd.s32 $0xFFFFFFB0  }
0x1f9: {  	[tilespmem:s28], [sflag:$0x4] =	stream.indirect.gather [hbm4b:s3+s30], $0x80, s1, s30, $0xb8;
	[tilespmem:$0x1F480] =	vst v63  }
0x1fa: {  	s29 =	simm.s32 $0x1EE00;
	s15 =	simm.s32 $0x1C480;
	s1 =	simm.s32 $0x1F400  }
0x1fb: {  	s20 =	rddreg [dreg:$0x1c]  }
0x1fc: {  	s29 =	rddreg [dreg:$0x1d]  }
.Ltmp4:
0x1fd: {  	s19 =	sadd.s32 $0x280, s19;
	s20 =	sadd.s32 s18, s20;
	(pc) =	sbr.rel .LBB2_4-.Ltmp4, $4  }
0x1fe: {  	[tilespmem:s31], [sflag:$0x10] =	stream.linear.gather [hbm4b:s20+s4], $0x50, $0x38;
	[tilespmem:$0x1F480] =	vst v63  }
0x1ff: {  	s22 =	simm.s32 $0x1F080;
	s16 =	simm.s32 $0x1F000;
	s20 =	sadd.s32 s18, s29  }
0x200: {  	[tilespmem:s1], [sflag:$0x10] =	stream.linear.gather [hbm4b:s20+s4], $0x50, $0x38;
	[tilespmem:$0x1F480] =	vst v63  }
0x201: {  	s2 =	simm.s32 $0x1F400;
	s18 =	sadd.s32 $0x50, s18;
	s20 =	simm.s32 $0x1EE80  }
.LBB2_7:
0x202: {  	_ =	sfence.sel $0x180000  }
0x203: {  	[bflag:$0x0] =	sbarrier.arrive $0xFFFF  }
0x204: {  	_ =	strace $0x90000047  }
0x205: {  	s0 =	stileid.u32;
	[bflag:$0x2] =	sbarrier.arrive $0xFFFF  }
0x206: {  	p0 =	sne.s32 s0, $0x0;
	s0 =	rddreg [dreg:$0x3]  }
0x207: {  	s0 =	sadd.s32 @!p0 $0x100000, s0  }
0x208: {  	[sflag:s0] =	ssyncadd.tile.s32 @!p0 $0x1;
	_ =	shalt  }
.Lfunc_end2:
_tile_overlayer_lowered:
.L_overlay_start_2:
0x209: {  	(tag) =	ssettag $0x2  }
0x20a: {  	s0 =	rddreg [dreg:$0x0];
	s2 =	stileid.u32  }
0x20b: {  	s1 =	rddreg [dreg:$0x1];
	p0 =	sne.s32 s2, $0x0  }
0x20c: {  	s3 =	rddreg [dreg:$0x2];
	[bflag:$0x3] =	sbarrier.arrive $0xFFFF;
	s2 =	simm.s32 @!p0 $0x1C12  }
0x20d: {  	[timem:s3], [sflag:s2] =	dma.local @!p0 [hbm:s0], s1  }
0x20e: {  	s0 =	simm.s32 @!p0 $0x12  }
0x20f: {  	_ =	swait.ge @!p0 [sflag:s0], s1  }
0x210: {  	s1 =	ssub.s32 @!p0 $0x0, s1;
	[sflag:s0] =	ssyncset.done @!p0 $0x0  }
0x211: {  	[sflag:s0] =	ssyncadd.s32 @!p0 s1  }
0x212: {  	[bflag:$0x3] =	sbarrier.arrive $0xFFFF  }
0x213: {  	_ =	shalt  }

</sc_bundles>
